<compile_context>
chip_gen: v7x
topology: tpu7x:2x2x1
jax: 0.10.2.dev20260603
libtpu: 0.0.44.dev20260713+nightly
codegen_flags: <defaults>
</compile_context>

<pallas_src>
import functools

import jax
import jax.numpy as jnp
from jax import lax
from jax.experimental import pallas as pl
from jax.experimental.pallas import tpu as pltpu
from jax.experimental.pallas import tpu_sc as plsc

N_NODES = 100000
N_EDGES = 6400000

NC = 2
NS = 16
NW = NC * NS

NPAD = 100352
SLC = NPAD // NS
SSL = NPAD // NW
SUB = 896

CH = 2048
NCH = 98
PT = CH * NCH
EPAD = PT * NW

f32 = jnp.float32
i32 = jnp.int32


def _zero_fill(ref, nwords):
    z16 = jnp.zeros((16,), f32)

    def body(i, _):
        ref[pl.ds(i * 16, 16)] = z16
        return 0

    lax.fori_loop(0, nwords // 16, body, 0)


def _edge_pass(src_hbm, dst_hbm, table_v, vals, srcs, dsts, acc_sh,
               sem_src, sem_dst, sem_vs, wid, with_deg=None):
    ebase0 = wid * PT

    def issue_src(cidx, par):
        c = jnp.minimum(cidx, NCH - 1)
        pltpu.async_copy(src_hbm.at[pl.ds(ebase0 + c * CH, CH)], srcs[par],
                         sem_src[par])

    def issue_dst(cidx, slot):
        c = jnp.minimum(cidx, NCH - 1)
        pltpu.async_copy(dst_hbm.at[pl.ds(ebase0 + c * CH, CH)], dsts[slot],
                         sem_dst[slot])

    def wait_src(par):
        pltpu.make_async_copy(src_hbm.at[pl.ds(0, CH)], srcs[par],
                              sem_src[par]).wait()

    def wait_dst(slot):
        pltpu.make_async_copy(dst_hbm.at[pl.ds(0, CH)], dsts[slot],
                              sem_dst[slot]).wait()

    def gather(par):
        @plsc.parallel_loop(0, CH // 16, unroll=8)
        def _(i):
            s16 = srcs[par][pl.ds(i * 16, 16)]
            vals[par][pl.ds(i * 16, 16)] = plsc.load_gather(table_v, [s16])

    def fire(par, slot):
        pltpu.async_copy(vals[par], acc_sh.at[dsts[slot]], sem_vs[par],
                         add=True)
        if with_deg is not None:
            ones_v, deg_sh, sem_ds = with_deg
            pltpu.async_copy(ones_v, deg_sh.at[dsts[slot]], sem_ds[par],
                             add=True)

    def drain(par, slot):
        pltpu.make_async_copy(vals[par], acc_sh.at[dsts[slot]],
                              sem_vs[par]).wait()
        if with_deg is not None:
            ones_v, deg_sh, sem_ds = with_deg
            pltpu.make_async_copy(ones_v, deg_sh.at[dsts[slot]],
                                  sem_ds[par]).wait()

    issue_src(0, 0)
    issue_dst(0, 0)
    issue_src(1, 1)
    issue_dst(1, 1)
    for cg in (0, 1):
        par, slot = cg % 2, cg % 4
        wait_src(par)
        wait_dst(slot)
        issue_dst(cg + 2, (cg + 2) % 4)
        gather(par)
        issue_src(cg + 2, par)
        fire(par, slot)

    def body(g4, _):
        cg0 = 2 + g4 * 4
        for b in range(4):
            cg = cg0 + b
            par = b % 2
            slot = (2 + b) % 4
            wait_src(par)
            wait_dst(slot)
            drain(par, slot)
            issue_dst(cg + 2, b % 4)
            gather(par)
            issue_src(cg + 2, par)
            fire(par, slot)
        return 0

    lax.fori_loop(0, (NCH - 2) // 4, body, 0)

    drain(0, (NCH - 2) % 4)
    drain(1, (NCH - 1) % 4)
    wait_src(0)
    wait_src(1)
    wait_dst(NCH % 4)
    wait_dst((NCH + 1) % 4)


@functools.lru_cache(maxsize=1)
def _kernels():
    mesh = plsc.VectorSubcoreMesh(core_axis_name="c", subcore_axis_name="s",
                                  num_cores=NC, num_subcores=NS)
    cparams = pltpu.CompilerParams(needs_layout_passes=False,
                                   use_tc_tiling_on_sc=False)

    @functools.partial(
        pl.kernel,
        out_type=(jax.ShapeDtypeStruct((NC, NPAD), f32),
                  jax.ShapeDtypeStruct((NC, NPAD), f32)),
        mesh=mesh,
        compiler_params=cparams,
        scratch_types=[
            pltpu.VMEM((N_NODES,), f32),
            pltpu.VMEM((CH,), i32),
            pltpu.VMEM((CH,), i32),
            pltpu.VMEM((CH,), i32),
            pltpu.VMEM((CH,), i32),
            pltpu.VMEM((CH,), i32),
            pltpu.VMEM((CH,), i32),
            pltpu.VMEM((CH,), f32),
            pltpu.VMEM((CH,), f32),
            pltpu.VMEM((CH,), f32),
            pltpu.VMEM_SHARED((NPAD,), f32),
            pltpu.VMEM_SHARED((NPAD,), f32),
        ] + [pltpu.SemaphoreType.DMA] * 10,
    )
    def _pass1(x_hbm, src_hbm, dst_hbm, sum_out, deg_out,
               x_v, s0, s1b, d0, d1, d2, d3, v0, v1, ones_v, acc_sh, deg_sh,
               ss0, ss1, sd0, sd1, sd2, sd3, sv0, sv1, sg0, sg1):
        cid = lax.axis_index("c")
        sid = lax.axis_index("s")
        wid = cid * NS + sid

        _zero_fill(v0, CH)
        one16 = jnp.ones((16,), f32)

        def ofill(i, _):
            ones_v[pl.ds(i * 16, 16)] = one16
            return 0

        lax.fori_loop(0, CH // 16, ofill, 0)

        z_src = v0.at[pl.ds(0, SLC // 4)]
        for q in range(4):
            off = pl.ds(sid * SLC + q * (SLC // 4), SLC // 4)
            pltpu.sync_copy(z_src, acc_sh.at[off])
            pltpu.sync_copy(z_src, deg_sh.at[off])
        pltpu.sync_copy(x_hbm.at[pl.ds(0, N_NODES)], x_v)
        plsc.subcore_barrier()

        _edge_pass(src_hbm, dst_hbm, x_v, [v0, v1], [s0, s1b],
                   [d0, d1, d2, d3], acc_sh,
                   [ss0, ss1], [sd0, sd1, sd2, sd3], [sv0, sv1], wid,
                   with_deg=(ones_v, deg_sh, [sg0, sg1]))

        plsc.subcore_barrier()
        sl = pl.ds(sid * SLC, SLC)
        pltpu.sync_copy(acc_sh.at[sl], sum_out.at[cid, sl])
        pltpu.sync_copy(deg_sh.at[sl], deg_out.at[cid, sl])

    @functools.partial(
        pl.kernel,
        out_type=(jax.ShapeDtypeStruct((NPAD,), f32),
                  jax.ShapeDtypeStruct((NC, NPAD), f32)),
        mesh=mesh,
        compiler_params=cparams,
        scratch_types=[
            pltpu.VMEM((N_NODES,), f32),
            pltpu.VMEM((CH,), i32),
            pltpu.VMEM((CH,), i32),
            pltpu.VMEM((CH,), i32),
            pltpu.VMEM((CH,), i32),
            pltpu.VMEM((CH,), i32),
            pltpu.VMEM((CH,), i32),
            pltpu.VMEM((CH,), f32),
            pltpu.VMEM((CH,), f32),
            pltpu.VMEM_SHARED((NPAD,), f32),
            pltpu.VMEM_SHARED((NPAD,), f32),
        ] + [pltpu.SemaphoreType.DMA] * 8,
    )
    def _pass2(sum_hbm, deg_hbm, src_hbm, dst_hbm, s1_out, sum2_out,
               s1_v, s0, s1b, d0, d1, d2, d3, v0, v1, acc_sh, s1_sh,
               ss0, ss1, sd0, sd1, sd2, sd3, sv0, sv1):
        cid = lax.axis_index("c")
        sid = lax.axis_index("s")
        wid = cid * NS + sid

        one16 = jnp.ones((16,), f32)

        for u in range(SLC // SUB):
            nb = sid * SLC + u * SUB
            pltpu.sync_copy(sum_hbm.at[0, pl.ds(nb, SUB)],
                            v0.at[pl.ds(0, SUB)])
            pltpu.sync_copy(sum_hbm.at[1, pl.ds(nb, SUB)],
                            v0.at[pl.ds(SUB, SUB)])
            pltpu.sync_copy(deg_hbm.at[0, pl.ds(nb, SUB)],
                            v1.at[pl.ds(0, SUB)])
            pltpu.sync_copy(deg_hbm.at[1, pl.ds(nb, SUB)],
                            v1.at[pl.ds(SUB, SUB)])

            def inner(i, _):
                o = pl.ds(i * 16, 16)
                o2 = pl.ds(SUB + i * 16, 16)
                s = v0[o] + v0[o2]
                dg = jnp.maximum(v1[o] + v1[o2], one16)
                v0[o] = s / dg
                return 0

            lax.fori_loop(0, SUB // 16, inner, 0)
            pltpu.sync_copy(v0.at[pl.ds(0, SUB)], s1_sh.at[pl.ds(nb, SUB)])

        sl = pl.ds(sid * SLC, SLC)

        @pl.when(cid == 0)
        def _():
            pltpu.sync_copy(s1_sh.at[sl], s1_out.at[sl])

        _zero_fill(v0, CH)
        for q in range(4):
            off = pl.ds(sid * SLC + q * (SLC // 4), SLC // 4)
            pltpu.sync_copy(v0.at[pl.ds(0, SLC // 4)], acc_sh.at[off])
        plsc.subcore_barrier()
        pltpu.sync_copy(s1_sh.at[pl.ds(0, N_NODES)], s1_v)

        _edge_pass(src_hbm, dst_hbm, s1_v, [v0, v1], [s0, s1b],
                   [d0, d1, d2, d3], acc_sh,
                   [ss0, ss1], [sd0, sd1, sd2, sd3], [sv0, sv1], wid,
                   with_deg=None)

        plsc.subcore_barrier()
        pltpu.sync_copy(acc_sh.at[sl], sum2_out.at[cid, sl])

    @functools.partial(
        pl.kernel,
        out_type=jax.ShapeDtypeStruct((NPAD,), f32),
        mesh=mesh,
        compiler_params=cparams,
        scratch_types=[
            pltpu.VMEM((SSL,), f32),
            pltpu.VMEM((SSL,), f32),
            pltpu.VMEM((SSL,), f32),
            pltpu.VMEM((SSL,), f32),
            pltpu.VMEM((SSL,), f32),
            pltpu.VMEM((SSL,), f32),
            pltpu.VMEM((SSL,), f32),
            pltpu.VMEM((4, 16), f32),
        ],
    )
    def _final(x_hbm, s1_hbm, sum2_hbm, deg_hbm, coef_hbm, out_hbm,
               xb, s1b, p0, p1, d0, d1, ob, coef_v):
        cid = lax.axis_index("c")
        sid = lax.axis_index("s")
        wid = cid * NS + sid
        base = wid * SSL

        pltpu.sync_copy(coef_hbm, coef_v)
        pltpu.sync_copy(x_hbm.at[pl.ds(base, SSL)], xb)
        pltpu.sync_copy(s1_hbm.at[pl.ds(base, SSL)], s1b)
        pltpu.sync_copy(sum2_hbm.at[0, pl.ds(base, SSL)], p0)
        pltpu.sync_copy(sum2_hbm.at[1, pl.ds(base, SSL)], p1)
        pltpu.sync_copy(deg_hbm.at[0, pl.ds(base, SSL)], d0)
        pltpu.sync_copy(deg_hbm.at[1, pl.ds(base, SSL)], d1)

        a16 = coef_v[0, :]
        b16 = coef_v[1, :]
        c16 = coef_v[2, :]
        d16 = coef_v[3, :]
        one16 = jnp.ones((16,), f32)

        def body(i, _):
            o = pl.ds(i * 16, 16)
            s2 = (p0[o] + p1[o]) / jnp.maximum(d0[o] + d1[o], one16)
            ob[o] = a16 * s2 + b16 * s1b[o] + c16 * xb[o] + d16
            return 0

        lax.fori_loop(0, SSL // 16, body, 0)
        pltpu.sync_copy(ob, out_hbm.at[pl.ds(base, SSL)])

    return _pass1, _pass2, _final


def kernel(x, edge_index, Wl1, bl1, Wr1, Wl2, bl2, Wr2):
    pass1, pass2, final = _kernels()

    xf = x[:, 0].astype(f32)
    x_pad = jnp.zeros((NPAD,), f32).at[:N_NODES].set(xf)

    src = edge_index[0].astype(i32)
    dst = edge_index[1].astype(i32)
    pad_e = EPAD - N_EDGES
    src_p = jnp.concatenate([src, jnp.zeros((pad_e,), i32)])
    dst_p = jnp.concatenate([dst, jnp.full((pad_e,), N_NODES, i32)])

    wl1 = Wl1[:, 0]
    wr1 = Wr1[:, 0]
    wl2 = Wl2[0, :]
    wr2 = Wr2[0, :]
    a = jnp.dot(wl1, wl2)
    b = jnp.dot(wr1, wl2) + jnp.dot(wl1, wr2)
    c = jnp.dot(wr1, wr2)
    d = jnp.dot(bl1, wl2 + wr2) + bl2[0]
    coef = jnp.stack([a, b, c, d]).astype(f32)[:, None] * jnp.ones((1, 16), f32)

    sum1, deg = pass1(x_pad, src_p, dst_p)
    s1, sum2 = pass2(sum1, deg, src_p, dst_p)
    out = final(x_pad, s1, sum2, deg, coef)
    return out[:N_NODES][:, None]

# --- scband reference (transcript-rebuilt; emitter-appended) ---
"""Pipeline reference for scband-net-63866163691604 (READ-ONLY COPY).

The authoritative reference and input builder live on the scoring server;
editing this copy changes nothing except your own understanding.
"""

import jax, jax.numpy as jnp
import numpy as np

N_NODES = 100000
N_EDGES = 6400000


def _sage_conv(x, edge_index, Wl, bl, Wr, num_nodes):
    # PyG SAGEConv with mean aggregation:
    #   out = lin_l(mean_{j in N(i)} x_j) + lin_r(x_i)
    src = edge_index[0]
    dst = edge_index[1]
    msg = jnp.take(x, src, axis=0)                      # gather  [E, d]
    agg_sum = jax.ops.segment_sum(msg, dst, num_segments=num_nodes)
    deg = jax.ops.segment_sum(jnp.ones((src.shape[0], 1), dtype=x.dtype), dst, num_segments=num_nodes)
    agg = agg_sum / jnp.maximum(deg, 1.0)               # mean aggregation
    return agg @ Wl.T + bl + x @ Wr.T


def setup_inputs(seed: int = 0) -> dict:
    key = jax.random.key(seed)
    k1, k2, k3, k4, k5, k6, k7, k8 = jax.random.split(key, 8)
    x = jax.random.normal(k1, (N_NODES, 1), dtype=jnp.float32)
    edge_index = jax.random.randint(k2, (2, N_EDGES), 0, N_NODES, dtype=jnp.int64)
    # conv1: SAGEConv(1, 4) -> lin_l: Linear(1,4,bias=True), lin_r: Linear(1,4,bias=False)
    Wl1 = jax.random.normal(k3, (4, 1), dtype=jnp.float32) * (1.0 / np.sqrt(1.0))
    bl1 = jnp.zeros((4,), dtype=jnp.float32)
    Wr1 = jax.random.normal(k4, (4, 1), dtype=jnp.float32) * (1.0 / np.sqrt(1.0))
    # conv2: SAGEConv(4, 1)
    Wl2 = jax.random.normal(k5, (1, 4), dtype=jnp.float32) * (1.0 / np.sqrt(4.0))
    bl2 = jnp.zeros((1,), dtype=jnp.float32)
    Wr2 = jax.random.normal(k6, (1, 4), dtype=jnp.float32) * (1.0 / np.sqrt(4.0))
    return {"x": x, "edge_index": edge_index, "Wl1": Wl1, "bl1": bl1, "Wr1": Wr1,
            "Wl2": Wl2, "bl2": bl2, "Wr2": Wr2}


def reference(x, edge_index, Wl1, bl1, Wr1, Wl2, bl2, Wr2):
    h = _sage_conv(x, edge_index, Wl1, bl1, Wr1, N_NODES)   # conv1(x, ei)
    h = h.astype(jnp.float32)                               # x.float()
    out = _sage_conv(h, edge_index, Wl2, bl2, Wr2, N_NODES) # conv2(x, ei)
    return out

if __name__ == "__main__":
    import jax
    _d = setup_inputs()
    print(jax.jit(kernel)(*tuple(_d.values())))

</pallas_src>

<mosaic_0001>
#map = affine_map<(d0, d1) -> (0)>
#map1 = affine_map<(d0, d1) -> (0, 0)>
module attributes {stable_mosaic.version = 14 : i64} {
  func.func @_pass1(%arg0: i32, %arg1: i32, %arg2: memref<100352xf32, #tpu.memory_space<hbm>>, %arg3: memref<6422528xi32, #tpu.memory_space<hbm>>, %arg4: memref<6422528xi32, #tpu.memory_space<hbm>>, %arg5: memref<2x100352xf32, #tpu.memory_space<hbm>>, %arg6: memref<2x100352xf32, #tpu.memory_space<hbm>>, %arg7: memref<100000xf32, #tpu.memory_space<vmem>>, %arg8: memref<2048xi32, #tpu.memory_space<vmem>>, %arg9: memref<2048xi32, #tpu.memory_space<vmem>>, %arg10: memref<2048xi32, #tpu.memory_space<vmem>>, %arg11: memref<2048xi32, #tpu.memory_space<vmem>>, %arg12: memref<2048xi32, #tpu.memory_space<vmem>>, %arg13: memref<2048xi32, #tpu.memory_space<vmem>>, %arg14: memref<2048xf32, #tpu.memory_space<vmem>>, %arg15: memref<2048xf32, #tpu.memory_space<vmem>>, %arg16: memref<2048xf32, #tpu.memory_space<vmem>>, %arg17: memref<100352xf32, #tpu.memory_space<vmem_shared>>, %arg18: memref<100352xf32, #tpu.memory_space<vmem_shared>>, %arg19: memref<!tpu.dma_semaphore, #tpu.memory_space<semaphore_mem>>, %arg20: memref<!tpu.dma_semaphore, #tpu.memory_space<semaphore_mem>>, %arg21: memref<!tpu.dma_semaphore, #tpu.memory_space<semaphore_mem>>, %arg22: memref<!tpu.dma_semaphore, #tpu.memory_space<semaphore_mem>>, %arg23: memref<!tpu.dma_semaphore, #tpu.memory_space<semaphore_mem>>, %arg24: memref<!tpu.dma_semaphore, #tpu.memory_space<semaphore_mem>>, %arg25: memref<!tpu.dma_semaphore, #tpu.memory_space<semaphore_mem>>, %arg26: memref<!tpu.dma_semaphore, #tpu.memory_space<semaphore_mem>>, %arg27: memref<!tpu.dma_semaphore, #tpu.memory_space<semaphore_mem>>, %arg28: memref<!tpu.dma_semaphore, #tpu.memory_space<semaphore_mem>>) attributes {dimension_semantics = [#tpu.dimension_semantics<core_parallel>, #tpu.dimension_semantics<subcore_parallel>], iteration_bounds = array<i64: 2, 16>, scalar_prefetch = 0 : i64, scratch_operands = 22 : i64, tpu.core_type = #tpu.core_type<sc_vector_subcore>, window_params = [{transform_indices = #map}, {transform_indices = #map}, {transform_indices = #map}, {transform_indices = #map1}, {transform_indices = #map1}]} {
    %mul3A = arith.constant 16 : i32
    %mul3A_0 = arith.muli %arg0, %mul3A : i32
    %add3A = arith.addi %mul3A_0, %arg1 : i32
    %broadcast_in_dim3A = arith.constant 0.000000e+00 : f32
    %broadcast_in_dim3A_1 = vector.broadcast %broadcast_in_dim3A : f32 to vector<16xf32>
    %scan3A = arith.constant 0 : i32
    %scan3A_2 = arith.constant 0 : i32
    %scan3A_3 = arith.constant 128 : i32
    %scan3A_4 = arith.addi %scan3A_2, %scan3A_3 : i32
    %scan3A_5 = arith.constant 1 : i32
    %scan3A_6 = scf.for %scan3A_159 = %scan3A_2 to %scan3A_4 step %scan3A_5 iter_args(%scan3A_160 = %scan3A) -> (i32)  : i32 {
      %mul3A_161 = arith.constant 16 : i32
      %mul3A_162 = arith.muli %scan3A_159, %mul3A_161 : i32
      %swap3A = arith.index_cast %mul3A_162 : i32 to index
      %swap3A_163 = tpu.vector_load %arg14[%swap3A] {strides = array<i32>} : memref<2048xf32, #tpu.memory_space<vmem>>, vector<16xf32>,
      tpu.vector_store %arg14[%swap3A], %broadcast_in_dim3A_1 {strides = array<i32>} : memref<2048xf32, #tpu.memory_space<vmem>>, vector<16xf32>,
      %scan3A_164 = arith.constant 0 : i32
      scf.yield %scan3A_164 : i32
    }
    %scan3A_7 = arith.constant 128 : i32
    %broadcast_in_dim3A_8 = arith.constant 1.000000e+00 : f32
    %broadcast_in_dim3A_9 = vector.broadcast %broadcast_in_dim3A_8 : f32 to vector<16xf32>
    %scan3A_10 = arith.constant 0 : i32
    %scan3A_11 = arith.constant 0 : i32
    %scan3A_12 = arith.constant 128 : i32
    %scan3A_13 = arith.addi %scan3A_11, %scan3A_12 : i32
    %scan3A_14 = arith.constant 1 : i32
    %scan3A_15 = scf.for %scan3A_159 = %scan3A_11 to %scan3A_13 step %scan3A_14 iter_args(%scan3A_160 = %scan3A_10) -> (i32)  : i32 {
      %mul3A_161 = arith.constant 16 : i32
      %mul3A_162 = arith.muli %scan3A_159, %mul3A_161 : i32
      %swap3A = arith.index_cast %mul3A_162 : i32 to index
      %swap3A_163 = tpu.vector_load %arg16[%swap3A] {strides = array<i32>} : memref<2048xf32, #tpu.memory_space<vmem>>, vector<16xf32>,
      tpu.vector_store %arg16[%swap3A], %broadcast_in_dim3A_9 {strides = array<i32>} : memref<2048xf32, #tpu.memory_space<vmem>>, vector<16xf32>,
      %scan3A_164 = arith.constant 0 : i32
      scf.yield %scan3A_164 : i32
    }
    %scan3A_16 = arith.constant 128 : i32
    %mul3A_17 = arith.constant 6272 : i32
    %mul3A_18 = arith.muli %arg1, %mul3A_17 : i32
    %add3A_19 = arith.constant 0 : i32
    %add3A_20 = arith.addi %mul3A_18, %add3A_19 : i32
    "tpu.region"() ({
      %run_scoped3A = tpu.sem_alloc : memref<!tpu.dma_semaphore, #tpu.memory_space<semaphore_mem>>
      %dma_start3A_159 = arith.constant 0 : i32
      %dma_start3A_160 = tpu.memref_slice %arg14[%dma_start3A_159] : memref<2048xf32, #tpu.memory_space<vmem>> -> memref<1568xf32, #tpu.memory_space<vmem>>
      %dma_start3A_161 = tpu.memref_slice %arg17[%add3A_20] : memref<100352xf32, #tpu.memory_space<vmem_shared>> -> memref<1568xf32, #tpu.memory_space<vmem_shared>>
      %dma_start3A_162 = tpu.memref_slice %arg17[%add3A_20] : memref<100352xf32, #tpu.memory_space<vmem_shared>> -> memref<1568xf32, #tpu.memory_space<vmem_shared>>
      %dma_start3A_163 = arith.constant 0 : i32
      %dma_start3A_164 = tpu.memref_slice %arg14[%dma_start3A_163] : memref<2048xf32, #tpu.memory_space<vmem>> -> memref<1568xf32, #tpu.memory_space<vmem>>
      tpu.enqueue_dma source(%dma_start3A_164 : memref<1568xf32, #tpu.memory_space<vmem>>) target(%dma_start3A_162 : memref<1568xf32, #tpu.memory_space<vmem_shared>>) target_semaphore(%run_scoped3A : memref<!tpu.dma_semaphore, #tpu.memory_space<semaphore_mem>>)
      %dma_wait3A_165 = arith.constant 0 : i32
      %dma_wait3A_166 = tpu.memref_slice %arg14[%dma_wait3A_165] : memref<2048xf32, #tpu.memory_space<vmem>> -> memref<1568xf32, #tpu.memory_space<vmem>>
      %dma_wait3A_167 = tpu.memref_slice %arg17[%add3A_20] : memref<100352xf32, #tpu.memory_space<vmem_shared>> -> memref<1568xf32, #tpu.memory_space<vmem_shared>>
      %dma_wait3A_168 = tpu.memref_slice %arg17[%add3A_20] : memref<100352xf32, #tpu.memory_space<vmem_shared>> -> memref<1568xf32, #tpu.memory_space<vmem_shared>>
      %dma_wait3A_169 = arith.constant 0 : i32
      %dma_wait3A_170 = tpu.memref_slice %arg14[%dma_wait3A_169] : memref<2048xf32, #tpu.memory_space<vmem>> -> memref<1568xf32, #tpu.memory_space<vmem>>
      tpu.wait_dma2 semaphore(%run_scoped3A : memref<!tpu.dma_semaphore, #tpu.memory_space<semaphore_mem>>) src(%dma_wait3A_170 : memref<1568xf32, #tpu.memory_space<vmem>>) dst(%dma_wait3A_168 : memref<1568xf32, #tpu.memory_space<vmem_shared>>)
      tpu.yield
    }) : () -> ()
    "tpu.region"() ({
      %run_scoped3A = tpu.sem_alloc : memref<!tpu.dma_semaphore, #tpu.memory_space<semaphore_mem>>
      %dma_start3A_159 = arith.constant 0 : i32
      %dma_start3A_160 = tpu.memref_slice %arg14[%dma_start3A_159] : memref<2048xf32, #tpu.memory_space<vmem>> -> memref<1568xf32, #tpu.memory_space<vmem>>
      %dma_start3A_161 = tpu.memref_slice %arg18[%add3A_20] : memref<100352xf32, #tpu.memory_space<vmem_shared>> -> memref<1568xf32, #tpu.memory_space<vmem_shared>>
      %dma_start3A_162 = tpu.memref_slice %arg18[%add3A_20] : memref<100352xf32, #tpu.memory_space<vmem_shared>> -> memref<1568xf32, #tpu.memory_space<vmem_shared>>
      %dma_start3A_163 = arith.constant 0 : i32
      %dma_start3A_164 = tpu.memref_slice %arg14[%dma_start3A_163] : memref<2048xf32, #tpu.memory_space<vmem>> -> memref<1568xf32, #tpu.memory_space<vmem>>
      tpu.enqueue_dma source(%dma_start3A_164 : memref<1568xf32, #tpu.memory_space<vmem>>) target(%dma_start3A_162 : memref<1568xf32, #tpu.memory_space<vmem_shared>>) target_semaphore(%run_scoped3A : memref<!tpu.dma_semaphore, #tpu.memory_space<semaphore_mem>>)
      %dma_wait3A_165 = arith.constant 0 : i32
      %dma_wait3A_166 = tpu.memref_slice %arg14[%dma_wait3A_165] : memref<2048xf32, #tpu.memory_space<vmem>> -> memref<1568xf32, #tpu.memory_space<vmem>>
      %dma_wait3A_167 = tpu.memref_slice %arg18[%add3A_20] : memref<100352xf32, #tpu.memory_space<vmem_shared>> -> memref<1568xf32, #tpu.memory_space<vmem_shared>>
      %dma_wait3A_168 = tpu.memref_slice %arg18[%add3A_20] : memref<100352xf32, #tpu.memory_space<vmem_shared>> -> memref<1568xf32, #tpu.memory_space<vmem_shared>>
      %dma_wait3A_169 = arith.constant 0 : i32
      %dma_wait3A_170 = tpu.memref_slice %arg14[%dma_wait3A_169] : memref<2048xf32, #tpu.memory_space<vmem>> -> memref<1568xf32, #tpu.memory_space<vmem>>
      tpu.wait_dma2 semaphore(%run_scoped3A : memref<!tpu.dma_semaphore, #tpu.memory_space<semaphore_mem>>) src(%dma_wait3A_170 : memref<1568xf32, #tpu.memory_space<vmem>>) dst(%dma_wait3A_168 : memref<1568xf32, #tpu.memory_space<vmem_shared>>)
      tpu.yield
    }) : () -> ()
    %mul3A_21 = arith.constant 6272 : i32
    %mul3A_22 = arith.muli %arg1, %mul3A_21 : i32
    %add3A_23 = arith.constant 1568 : i32
    %add3A_24 = arith.addi %mul3A_22, %add3A_23 : i32
    "tpu.region"() ({
      %run_scoped3A = tpu.sem_alloc : memref<!tpu.dma_semaphore, #tpu.memory_space<semaphore_mem>>
      %dma_start3A_159 = arith.constant 0 : i32
      %dma_start3A_160 = tpu.memref_slice %arg14[%dma_start3A_159] : memref<2048xf32, #tpu.memory_space<vmem>> -> memref<1568xf32, #tpu.memory_space<vmem>>
      %dma_start3A_161 = tpu.memref_slice %arg17[%add3A_24] : memref<100352xf32, #tpu.memory_space<vmem_shared>> -> memref<1568xf32, #tpu.memory_space<vmem_shared>>
      %dma_start3A_162 = tpu.memref_slice %arg17[%add3A_24] : memref<100352xf32, #tpu.memory_space<vmem_shared>> -> memref<1568xf32, #tpu.memory_space<vmem_shared>>
      %dma_start3A_163 = arith.constant 0 : i32
      %dma_start3A_164 = tpu.memref_slice %arg14[%dma_start3A_163] : memref<2048xf32, #tpu.memory_space<vmem>> -> memref<1568xf32, #tpu.memory_space<vmem>>
      tpu.enqueue_dma source(%dma_start3A_164 : memref<1568xf32, #tpu.memory_space<vmem>>) target(%dma_start3A_162 : memref<1568xf32, #tpu.memory_space<vmem_shared>>) target_semaphore(%run_scoped3A : memref<!tpu.dma_semaphore, #tpu.memory_space<semaphore_mem>>)
      %dma_wait3A_165 = arith.constant 0 : i32
      %dma_wait3A_166 = tpu.memref_slice %arg14[%dma_wait3A_165] : memref<2048xf32, #tpu.memory_space<vmem>> -> memref<1568xf32, #tpu.memory_space<vmem>>
      %dma_wait3A_167 = tpu.memref_slice %arg17[%add3A_24] : memref<100352xf32, #tpu.memory_space<vmem_shared>> -> memref<1568xf32, #tpu.memory_space<vmem_shared>>
      %dma_wait3A_168 = tpu.memref_slice %arg17[%add3A_24] : memref<100352xf32, #tpu.memory_space<vmem_shared>> -> memref<1568xf32, #tpu.memory_space<vmem_shared>>
      %dma_wait3A_169 = arith.constant 0 : i32
      %dma_wait3A_170 = tpu.memref_slice %arg14[%dma_wait3A_169] : memref<2048xf32, #tpu.memory_space<vmem>> -> memref<1568xf32, #tpu.memory_space<vmem>>
      tpu.wait_dma2 semaphore(%run_scoped3A : memref<!tpu.dma_semaphore, #tpu.memory_space<semaphore_mem>>) src(%dma_wait3A_170 : memref<1568xf32, #tpu.memory_space<vmem>>) dst(%dma_wait3A_168 : memref<1568xf32, #tpu.memory_space<vmem_shared>>)
      tpu.yield
    }) : () -> ()
    "tpu.region"() ({
      %run_scoped3A = tpu.sem_alloc : memref<!tpu.dma_semaphore, #tpu.memory_space<semaphore_mem>>
      %dma_start3A_159 = arith.constant 0 : i32
      %dma_start3A_160 = tpu.memref_slice %arg14[%dma_start3A_159] : memref<2048xf32, #tpu.memory_space<vmem>> -> memref<1568xf32, #tpu.memory_space<vmem>>
      %dma_start3A_161 = tpu.memref_slice %arg18[%add3A_24] : memref<100352xf32, #tpu.memory_space<vmem_shared>> -> memref<1568xf32, #tpu.memory_space<vmem_shared>>
      %dma_start3A_162 = tpu.memref_slice %arg18[%add3A_24] : memref<100352xf32, #tpu.memory_space<vmem_shared>> -> memref<1568xf32, #tpu.memory_space<vmem_shared>>
      %dma_start3A_163 = arith.constant 0 : i32
      %dma_start3A_164 = tpu.memref_slice %arg14[%dma_start3A_163] : memref<2048xf32, #tpu.memory_space<vmem>> -> memref<1568xf32, #tpu.memory_space<vmem>>
      tpu.enqueue_dma source(%dma_start3A_164 : memref<1568xf32, #tpu.memory_space<vmem>>) target(%dma_start3A_162 : memref<1568xf32, #tpu.memory_space<vmem_shared>>) target_semaphore(%run_scoped3A : memref<!tpu.dma_semaphore, #tpu.memory_space<semaphore_mem>>)
      %dma_wait3A_165 = arith.constant 0 : i32
      %dma_wait3A_166 = tpu.memref_slice %arg14[%dma_wait3A_165] : memref<2048xf32, #tpu.memory_space<vmem>> -> memref<1568xf32, #tpu.memory_space<vmem>>
      %dma_wait3A_167 = tpu.memref_slice %arg18[%add3A_24] : memref<100352xf32, #tpu.memory_space<vmem_shared>> -> memref<1568xf32, #tpu.memory_space<vmem_shared>>
      %dma_wait3A_168 = tpu.memref_slice %arg18[%add3A_24] : memref<100352xf32, #tpu.memory_space<vmem_shared>> -> memref<1568xf32, #tpu.memory_space<vmem_shared>>
      %dma_wait3A_169 = arith.constant 0 : i32
      %dma_wait3A_170 = tpu.memref_slice %arg14[%dma_wait3A_169] : memref<2048xf32, #tpu.memory_space<vmem>> -> memref<1568xf32, #tpu.memory_space<vmem>>
      tpu.wait_dma2 semaphore(%run_scoped3A : memref<!tpu.dma_semaphore, #tpu.memory_space<semaphore_mem>>) src(%dma_wait3A_170 : memref<1568xf32, #tpu.memory_space<vmem>>) dst(%dma_wait3A_168 : memref<1568xf32, #tpu.memory_space<vmem_shared>>)
      tpu.yield
    }) : () -> ()
    %mul3A_25 = arith.constant 6272 : i32
    %mul3A_26 = arith.muli %arg1, %mul3A_25 : i32
    %add3A_27 = arith.constant 3136 : i32
    %add3A_28 = arith.addi %mul3A_26, %add3A_27 : i32
    "tpu.region"() ({
      %run_scoped3A = tpu.sem_alloc : memref<!tpu.dma_semaphore, #tpu.memory_space<semaphore_mem>>
      %dma_start3A_159 = arith.constant 0 : i32
      %dma_start3A_160 = tpu.memref_slice %arg14[%dma_start3A_159] : memref<2048xf32, #tpu.memory_space<vmem>> -> memref<1568xf32, #tpu.memory_space<vmem>>
      %dma_start3A_161 = tpu.memref_slice %arg17[%add3A_28] : memref<100352xf32, #tpu.memory_space<vmem_shared>> -> memref<1568xf32, #tpu.memory_space<vmem_shared>>
      %dma_start3A_162 = tpu.memref_slice %arg17[%add3A_28] : memref<100352xf32, #tpu.memory_space<vmem_shared>> -> memref<1568xf32, #tpu.memory_space<vmem_shared>>
      %dma_start3A_163 = arith.constant 0 : i32
      %dma_start3A_164 = tpu.memref_slice %arg14[%dma_start3A_163] : memref<2048xf32, #tpu.memory_space<vmem>> -> memref<1568xf32, #tpu.memory_space<vmem>>
      tpu.enqueue_dma source(%dma_start3A_164 : memref<1568xf32, #tpu.memory_space<vmem>>) target(%dma_start3A_162 : memref<1568xf32, #tpu.memory_space<vmem_shared>>) target_semaphore(%run_scoped3A : memref<!tpu.dma_semaphore, #tpu.memory_space<semaphore_mem>>)
      %dma_wait3A_165 = arith.constant 0 : i32
      %dma_wait3A_166 = tpu.memref_slice %arg14[%dma_wait3A_165] : memref<2048xf32, #tpu.memory_space<vmem>> -> memref<1568xf32, #tpu.memory_space<vmem>>
      %dma_wait3A_167 = tpu.memref_slice %arg17[%add3A_28] : memref<100352xf32, #tpu.memory_space<vmem_shared>> -> memref<1568xf32, #tpu.memory_space<vmem_shared>>
      %dma_wait3A_168 = tpu.memref_slice %arg17[%add3A_28] : memref<100352xf32, #tpu.memory_space<vmem_shared>> -> memref<1568xf32, #tpu.memory_space<vmem_shared>>
      %dma_wait3A_169 = arith.constant 0 : i32
      %dma_wait3A_170 = tpu.memref_slice %arg14[%dma_wait3A_169] : memref<2048xf32, #tpu.memory_space<vmem>> -> memref<1568xf32, #tpu.memory_space<vmem>>
      tpu.wait_dma2 semaphore(%run_scoped3A : memref<!tpu.dma_semaphore, #tpu.memory_space<semaphore_mem>>) src(%dma_wait3A_170 : memref<1568xf32, #tpu.memory_space<vmem>>) dst(%dma_wait3A_168 : memref<1568xf32, #tpu.memory_space<vmem_shared>>)
      tpu.yield
    }) : () -> ()
    "tpu.region"() ({
      %run_scoped3A = tpu.sem_alloc : memref<!tpu.dma_semaphore, #tpu.memory_space<semaphore_mem>>
      %dma_start3A_159 = arith.constant 0 : i32
      %dma_start3A_160 = tpu.memref_slice %arg14[%dma_start3A_159] : memref<2048xf32, #tpu.memory_space<vmem>> -> memref<1568xf32, #tpu.memory_space<vmem>>
      %dma_start3A_161 = tpu.memref_slice %arg18[%add3A_28] : memref<100352xf32, #tpu.memory_space<vmem_shared>> -> memref<1568xf32, #tpu.memory_space<vmem_shared>>
      %dma_start3A_162 = tpu.memref_slice %arg18[%add3A_28] : memref<100352xf32, #tpu.memory_space<vmem_shared>> -> memref<1568xf32, #tpu.memory_space<vmem_shared>>
      %dma_start3A_163 = arith.constant 0 : i32
      %dma_start3A_164 = tpu.memref_slice %arg14[%dma_start3A_163] : memref<2048xf32, #tpu.memory_space<vmem>> -> memref<1568xf32, #tpu.memory_space<vmem>>
      tpu.enqueue_dma source(%dma_start3A_164 : memref<1568xf32, #tpu.memory_space<vmem>>) target(%dma_start3A_162 : memref<1568xf32, #tpu.memory_space<vmem_shared>>) target_semaphore(%run_scoped3A : memref<!tpu.dma_semaphore, #tpu.memory_space<semaphore_mem>>)
      %dma_wait3A_165 = arith.constant 0 : i32
      %dma_wait3A_166 = tpu.memref_slice %arg14[%dma_wait3A_165] : memref<2048xf32, #tpu.memory_space<vmem>> -> memref<1568xf32, #tpu.memory_space<vmem>>
      %dma_wait3A_167 = tpu.memref_slice %arg18[%add3A_28] : memref<100352xf32, #tpu.memory_space<vmem_shared>> -> memref<1568xf32, #tpu.memory_space<vmem_shared>>
      %dma_wait3A_168 = tpu.memref_slice %arg18[%add3A_28] : memref<100352xf32, #tpu.memory_space<vmem_shared>> -> memref<1568xf32, #tpu.memory_space<vmem_shared>>
      %dma_wait3A_169 = arith.constant 0 : i32
      %dma_wait3A_170 = tpu.memref_slice %arg14[%dma_wait3A_169] : memref<2048xf32, #tpu.memory_space<vmem>> -> memref<1568xf32, #tpu.memory_space<vmem>>
      tpu.wait_dma2 semaphore(%run_scoped3A : memref<!tpu.dma_semaphore, #tpu.memory_space<semaphore_mem>>) src(%dma_wait3A_170 : memref<1568xf32, #tpu.memory_space<vmem>>) dst(%dma_wait3A_168 : memref<1568xf32, #tpu.memory_space<vmem_shared>>)
      tpu.yield
    }) : () -> ()
    %mul3A_29 = arith.constant 6272 : i32
    %mul3A_30 = arith.muli %arg1, %mul3A_29 : i32
    %add3A_31 = arith.constant 4704 : i32
    %add3A_32 = arith.addi %mul3A_30, %add3A_31 : i32
    "tpu.region"() ({
      %run_scoped3A = tpu.sem_alloc : memref<!tpu.dma_semaphore, #tpu.memory_space<semaphore_mem>>
      %dma_start3A_159 = arith.constant 0 : i32
      %dma_start3A_160 = tpu.memref_slice %arg14[%dma_start3A_159] : memref<2048xf32, #tpu.memory_space<vmem>> -> memref<1568xf32, #tpu.memory_space<vmem>>
      %dma_start3A_161 = tpu.memref_slice %arg17[%add3A_32] : memref<100352xf32, #tpu.memory_space<vmem_shared>> -> memref<1568xf32, #tpu.memory_space<vmem_shared>>
      %dma_start3A_162 = tpu.memref_slice %arg17[%add3A_32] : memref<100352xf32, #tpu.memory_space<vmem_shared>> -> memref<1568xf32, #tpu.memory_space<vmem_shared>>
      %dma_start3A_163 = arith.constant 0 : i32
      %dma_start3A_164 = tpu.memref_slice %arg14[%dma_start3A_163] : memref<2048xf32, #tpu.memory_space<vmem>> -> memref<1568xf32, #tpu.memory_space<vmem>>
      tpu.enqueue_dma source(%dma_start3A_164 : memref<1568xf32, #tpu.memory_space<vmem>>) target(%dma_start3A_162 : memref<1568xf32, #tpu.memory_space<vmem_shared>>) target_semaphore(%run_scoped3A : memref<!tpu.dma_semaphore, #tpu.memory_space<semaphore_mem>>)
      %dma_wait3A_165 = arith.constant 0 : i32
      %dma_wait3A_166 = tpu.memref_slice %arg14[%dma_wait3A_165] : memref<2048xf32, #tpu.memory_space<vmem>> -> memref<1568xf32, #tpu.memory_space<vmem>>
      %dma_wait3A_167 = tpu.memref_slice %arg17[%add3A_32] : memref<100352xf32, #tpu.memory_space<vmem_shared>> -> memref<1568xf32, #tpu.memory_space<vmem_shared>>
      %dma_wait3A_168 = tpu.memref_slice %arg17[%add3A_32] : memref<100352xf32, #tpu.memory_space<vmem_shared>> -> memref<1568xf32, #tpu.memory_space<vmem_shared>>
      %dma_wait3A_169 = arith.constant 0 : i32
      %dma_wait3A_170 = tpu.memref_slice %arg14[%dma_wait3A_169] : memref<2048xf32, #tpu.memory_space<vmem>> -> memref<1568xf32, #tpu.memory_space<vmem>>
      tpu.wait_dma2 semaphore(%run_scoped3A : memref<!tpu.dma_semaphore, #tpu.memory_space<semaphore_mem>>) src(%dma_wait3A_170 : memref<1568xf32, #tpu.memory_space<vmem>>) dst(%dma_wait3A_168 : memref<1568xf32, #tpu.memory_space<vmem_shared>>)
      tpu.yield
    }) : () -> ()
    "tpu.region"() ({
      %run_scoped3A = tpu.sem_alloc : memref<!tpu.dma_semaphore, #tpu.memory_space<semaphore_mem>>
      %dma_start3A_159 = arith.constant 0 : i32
      %dma_start3A_160 = tpu.memref_slice %arg14[%dma_start3A_159] : memref<2048xf32, #tpu.memory_space<vmem>> -> memref<1568xf32, #tpu.memory_space<vmem>>
      %dma_start3A_161 = tpu.memref_slice %arg18[%add3A_32] : memref<100352xf32, #tpu.memory_space<vmem_shared>> -> memref<1568xf32, #tpu.memory_space<vmem_shared>>
      %dma_start3A_162 = tpu.memref_slice %arg18[%add3A_32] : memref<100352xf32, #tpu.memory_space<vmem_shared>> -> memref<1568xf32, #tpu.memory_space<vmem_shared>>
      %dma_start3A_163 = arith.constant 0 : i32
      %dma_start3A_164 = tpu.memref_slice %arg14[%dma_start3A_163] : memref<2048xf32, #tpu.memory_space<vmem>> -> memref<1568xf32, #tpu.memory_space<vmem>>
      tpu.enqueue_dma source(%dma_start3A_164 : memref<1568xf32, #tpu.memory_space<vmem>>) target(%dma_start3A_162 : memref<1568xf32, #tpu.memory_space<vmem_shared>>) target_semaphore(%run_scoped3A : memref<!tpu.dma_semaphore, #tpu.memory_space<semaphore_mem>>)
      %dma_wait3A_165 = arith.constant 0 : i32
      %dma_wait3A_166 = tpu.memref_slice %arg14[%dma_wait3A_165] : memref<2048xf32, #tpu.memory_space<vmem>> -> memref<1568xf32, #tpu.memory_space<vmem>>
      %dma_wait3A_167 = tpu.memref_slice %arg18[%add3A_32] : memref<100352xf32, #tpu.memory_space<vmem_shared>> -> memref<1568xf32, #tpu.memory_space<vmem_shared>>
      %dma_wait3A_168 = tpu.memref_slice %arg18[%add3A_32] : memref<100352xf32, #tpu.memory_space<vmem_shared>> -> memref<1568xf32, #tpu.memory_space<vmem_shared>>
      %dma_wait3A_169 = arith.constant 0 : i32
      %dma_wait3A_170 = tpu.memref_slice %arg14[%dma_wait3A_169] : memref<2048xf32, #tpu.memory_space<vmem>> -> memref<1568xf32, #tpu.memory_space<vmem>>
      tpu.wait_dma2 semaphore(%run_scoped3A : memref<!tpu.dma_semaphore, #tpu.memory_space<semaphore_mem>>) src(%dma_wait3A_170 : memref<1568xf32, #tpu.memory_space<vmem>>) dst(%dma_wait3A_168 : memref<1568xf32, #tpu.memory_space<vmem_shared>>)
      tpu.yield
    }) : () -> ()
    "tpu.region"() ({
      %run_scoped3A = tpu.sem_alloc : memref<!tpu.dma_semaphore, #tpu.memory_space<semaphore_mem>>
      %dma_start3A_159 = arith.constant 0 : i32
      %dma_start3A_160 = tpu.memref_slice %arg2[%dma_start3A_159] : memref<100352xf32, #tpu.memory_space<hbm>> -> memref<100000xf32, #tpu.memory_space<hbm>>
      %dma_start3A_161 = arith.constant 0 : i32
      %dma_start3A_162 = tpu.memref_slice %arg2[%dma_start3A_161] : memref<100352xf32, #tpu.memory_space<hbm>> -> memref<100000xf32, #tpu.memory_space<hbm>>
      tpu.enqueue_dma source(%dma_start3A_162 : memref<100000xf32, #tpu.memory_space<hbm>>) target(%arg7 : memref<100000xf32, #tpu.memory_space<vmem>>) target_semaphore(%run_scoped3A : memref<!tpu.dma_semaphore, #tpu.memory_space<semaphore_mem>>)
      %dma_wait3A_163 = arith.constant 0 : i32
      %dma_wait3A_164 = tpu.memref_slice %arg2[%dma_wait3A_163] : memref<100352xf32, #tpu.memory_space<hbm>> -> memref<100000xf32, #tpu.memory_space<hbm>>
      %dma_wait3A_165 = arith.constant 0 : i32
      %dma_wait3A_166 = tpu.memref_slice %arg2[%dma_wait3A_165] : memref<100352xf32, #tpu.memory_space<hbm>> -> memref<100000xf32, #tpu.memory_space<hbm>>
      tpu.wait_dma2 semaphore(%run_scoped3A : memref<!tpu.dma_semaphore, #tpu.memory_space<semaphore_mem>>) src(%dma_wait3A_166 : memref<100000xf32, #tpu.memory_space<hbm>>) dst(%arg7 : memref<100000xf32, #tpu.memory_space<vmem>>)
      tpu.yield
    }) : () -> ()
    %barrier3A = arith.constant 0 : index
    tpu.barrier barrier_id(%barrier3A)
    %mul3A_33 = arith.constant 200704 : i32
    %mul3A_34 = arith.muli %add3A, %mul3A_33 : i32
    %min3A = arith.constant 0 : i32
    %min3A_35 = arith.constant 97 : i32
    %min3A_36 = arith.minsi %min3A, %min3A_35 : i32
    %mul3A_37 = arith.constant 2048 : i32
    %mul3A_38 = arith.muli %min3A_36, %mul3A_37 : i32
    %add3A_39 = arith.addi %mul3A_34, %mul3A_38 : i32
    %dma_start3A = tpu.memref_slice %arg3[%add3A_39] : memref<6422528xi32, #tpu.memory_space<hbm>> -> memref<2048xi32, #tpu.memory_space<hbm>>
    %dma_start3A_40 = tpu.memref_slice %arg3[%add3A_39] : memref<6422528xi32, #tpu.memory_space<hbm>> -> memref<2048xi32, #tpu.memory_space<hbm>>
    tpu.enqueue_dma source(%dma_start3A_40 : memref<2048xi32, #tpu.memory_space<hbm>>) target(%arg8 : memref<2048xi32, #tpu.memory_space<vmem>>) target_semaphore(%arg19 : memref<!tpu.dma_semaphore, #tpu.memory_space<semaphore_mem>>)
    %min3A_41 = arith.constant 0 : i32
    %min3A_42 = arith.constant 97 : i32
    %min3A_43 = arith.minsi %min3A_41, %min3A_42 : i32
    %mul3A_44 = arith.constant 2048 : i32
    %mul3A_45 = arith.muli %min3A_43, %mul3A_44 : i32
    %add3A_46 = arith.addi %mul3A_34, %mul3A_45 : i32
    %dma_start3A_47 = tpu.memref_slice %arg4[%add3A_46] : memref<6422528xi32, #tpu.memory_space<hbm>> -> memref<2048xi32, #tpu.memory_space<hbm>>
    %dma_start3A_48 = tpu.memref_slice %arg4[%add3A_46] : memref<6422528xi32, #tpu.memory_space<hbm>> -> memref<2048xi32, #tpu.memory_space<hbm>>
    tpu.enqueue_dma source(%dma_start3A_48 : memref<2048xi32, #tpu.memory_space<hbm>>) target(%arg10 : memref<2048xi32, #tpu.memory_space<vmem>>) target_semaphore(%arg21 : memref<!tpu.dma_semaphore, #tpu.memory_space<semaphore_mem>>)
    %min3A_49 = arith.constant 1 : i32
    %min3A_50 = arith.constant 97 : i32
    %min3A_51 = arith.minsi %min3A_49, %min3A_50 : i32
    %mul3A_52 = arith.constant 2048 : i32
    %mul3A_53 = arith.muli %min3A_51, %mul3A_52 : i32
    %add3A_54 = arith.addi %mul3A_34, %mul3A_53 : i32
    %dma_start3A_55 = tpu.memref_slice %arg3[%add3A_54] : memref<6422528xi32, #tpu.memory_space<hbm>> -> memref<2048xi32, #tpu.memory_space<hbm>>
    %dma_start3A_56 = tpu.memref_slice %arg3[%add3A_54] : memref<6422528xi32, #tpu.memory_space<hbm>> -> memref<2048xi32, #tpu.memory_space<hbm>>
    tpu.enqueue_dma source(%dma_start3A_56 : memref<2048xi32, #tpu.memory_space<hbm>>) target(%arg9 : memref<2048xi32, #tpu.memory_space<vmem>>) target_semaphore(%arg20 : memref<!tpu.dma_semaphore, #tpu.memory_space<semaphore_mem>>)
    %min3A_57 = arith.constant 1 : i32
    %min3A_58 = arith.constant 97 : i32
    %min3A_59 = arith.minsi %min3A_57, %min3A_58 : i32
    %mul3A_60 = arith.constant 2048 : i32
    %mul3A_61 = arith.muli %min3A_59, %mul3A_60 : i32
    %add3A_62 = arith.addi %mul3A_34, %mul3A_61 : i32
    %dma_start3A_63 = tpu.memref_slice %arg4[%add3A_62] : memref<6422528xi32, #tpu.memory_space<hbm>> -> memref<2048xi32, #tpu.memory_space<hbm>>
    %dma_start3A_64 = tpu.memref_slice %arg4[%add3A_62] : memref<6422528xi32, #tpu.memory_space<hbm>> -> memref<2048xi32, #tpu.memory_space<hbm>>
    tpu.enqueue_dma source(%dma_start3A_64 : memref<2048xi32, #tpu.memory_space<hbm>>) target(%arg11 : memref<2048xi32, #tpu.memory_space<vmem>>) target_semaphore(%arg22 : memref<!tpu.dma_semaphore, #tpu.memory_space<semaphore_mem>>)
    %dma_wait3A = arith.constant 0 : i32
    %dma_wait3A_65 = tpu.memref_slice %arg3[%dma_wait3A] : memref<6422528xi32, #tpu.memory_space<hbm>> -> memref<2048xi32, #tpu.memory_space<hbm>>
    %dma_wait3A_66 = arith.constant 0 : i32
    %dma_wait3A_67 = tpu.memref_slice %arg3[%dma_wait3A_66] : memref<6422528xi32, #tpu.memory_space<hbm>> -> memref<2048xi32, #tpu.memory_space<hbm>>
    tpu.wait_dma2 semaphore(%arg19 : memref<!tpu.dma_semaphore, #tpu.memory_space<semaphore_mem>>) src(%dma_wait3A_67 : memref<2048xi32, #tpu.memory_space<hbm>>) dst(%arg8 : memref<2048xi32, #tpu.memory_space<vmem>>)
    %dma_wait3A_68 = arith.constant 0 : i32
    %dma_wait3A_69 = tpu.memref_slice %arg4[%dma_wait3A_68] : memref<6422528xi32, #tpu.memory_space<hbm>> -> memref<2048xi32, #tpu.memory_space<hbm>>
    %dma_wait3A_70 = arith.constant 0 : i32
    %dma_wait3A_71 = tpu.memref_slice %arg4[%dma_wait3A_70] : memref<6422528xi32, #tpu.memory_space<hbm>> -> memref<2048xi32, #tpu.memory_space<hbm>>
    tpu.wait_dma2 semaphore(%arg21 : memref<!tpu.dma_semaphore, #tpu.memory_space<semaphore_mem>>) src(%dma_wait3A_71 : memref<2048xi32, #tpu.memory_space<hbm>>) dst(%arg10 : memref<2048xi32, #tpu.memory_space<vmem>>)
    %min3A_72 = arith.constant 2 : i32
    %min3A_73 = arith.constant 97 : i32
    %min3A_74 = arith.minsi %min3A_72, %min3A_73 : i32
    %mul3A_75 = arith.constant 2048 : i32
    %mul3A_76 = arith.muli %min3A_74, %mul3A_75 : i32
    %add3A_77 = arith.addi %mul3A_34, %mul3A_76 : i32
    %dma_start3A_78 = tpu.memref_slice %arg4[%add3A_77] : memref<6422528xi32, #tpu.memory_space<hbm>> -> memref<2048xi32, #tpu.memory_space<hbm>>
    %dma_start3A_79 = tpu.memref_slice %arg4[%add3A_77] : memref<6422528xi32, #tpu.memory_space<hbm>> -> memref<2048xi32, #tpu.memory_space<hbm>>
    tpu.enqueue_dma source(%dma_start3A_79 : memref<2048xi32, #tpu.memory_space<hbm>>) target(%arg12 : memref<2048xi32, #tpu.memory_space<vmem>>) target_semaphore(%arg23 : memref<!tpu.dma_semaphore, #tpu.memory_space<semaphore_mem>>)
    %parallel_loop3A = arith.constant 0 : i32
    %parallel_loop3A_80 = arith.constant 128 : i32
    %parallel_loop3A_81 = arith.constant 1 : i32
    scf.for %parallel_loop3A_159 = %parallel_loop3A to %parallel_loop3A_80 step %parallel_loop3A_81  : i32 {
      %parallel_loop3A_160 = arith.constant 16 : i32
      %parallel_loop3A_161 = arith.muli %parallel_loop3A_159, %parallel_loop3A_160 : i32
      %parallel_loop3A_162 = arith.index_cast %parallel_loop3A_161 : i32 to index
      %parallel_loop3A_163 = tpu.vector_load %arg8[%parallel_loop3A_162] {strides = array<i32>} : memref<2048xi32, #tpu.memory_space<vmem>>, vector<16xi32>,
      %parallel_loop3A_164 = tpu.vector_load_idx %arg7[%parallel_loop3A_163] : memref<100000xf32, #tpu.memory_space<vmem>>[vector<16xi32>], vector<16xf32>,
      %parallel_loop3A_165 = arith.constant 16 : i32
      %parallel_loop3A_166 = arith.muli %parallel_loop3A_159, %parallel_loop3A_165 : i32
      %parallel_loop3A_167 = arith.index_cast %parallel_loop3A_166 : i32 to index
      %parallel_loop3A_168 = tpu.vector_load %arg14[%parallel_loop3A_167] {strides = array<i32>} : memref<2048xf32, #tpu.memory_space<vmem>>, vector<16xf32>,
      tpu.vector_store %arg14[%parallel_loop3A_167], %parallel_loop3A_164 {strides = array<i32>} : memref<2048xf32, #tpu.memory_space<vmem>>, vector<16xf32>,
    } {sc.loop_unroll_factor = 8 : i64, sc.parallel_access}
    %min3A_82 = arith.constant 2 : i32
    %min3A_83 = arith.constant 97 : i32
    %min3A_84 = arith.minsi %min3A_82, %min3A_83 : i32
    %mul3A_85 = arith.constant 2048 : i32
    %mul3A_86 = arith.muli %min3A_84, %mul3A_85 : i32
    %add3A_87 = arith.addi %mul3A_34, %mul3A_86 : i32
    %dma_start3A_88 = tpu.memref_slice %arg3[%add3A_87] : memref<6422528xi32, #tpu.memory_space<hbm>> -> memref<2048xi32, #tpu.memory_space<hbm>>
    %dma_start3A_89 = tpu.memref_slice %arg3[%add3A_87] : memref<6422528xi32, #tpu.memory_space<hbm>> -> memref<2048xi32, #tpu.memory_space<hbm>>
    tpu.enqueue_dma source(%dma_start3A_89 : memref<2048xi32, #tpu.memory_space<hbm>>) target(%arg8 : memref<2048xi32, #tpu.memory_space<vmem>>) target_semaphore(%arg19 : memref<!tpu.dma_semaphore, #tpu.memory_space<semaphore_mem>>)
    %dma_start3A_90 = arith.constant 0 : i32
    %dma_start3A_91 = tpu.memref_slice %arg17[%dma_start3A_90] : memref<100352xf32, #tpu.memory_space<vmem_shared>> -> memref<100352xf32, #tpu.memory_space<vmem_shared>>
    tpu.enqueue_indirect_dma source(%arg14 : memref<2048xf32, #tpu.memory_space<vmem>>) target(%dma_start3A_91 : memref<100352xf32, #tpu.memory_space<vmem_shared>>) offsets(%arg10 : memref<2048xi32, #tpu.memory_space<vmem>>) semaphore(%arg25 : memref<!tpu.dma_semaphore, #tpu.memory_space<semaphore_mem>>) {add = true}
    %dma_start3A_92 = arith.constant 0 : i32
    %dma_start3A_93 = tpu.memref_slice %arg18[%dma_start3A_92] : memref<100352xf32, #tpu.memory_space<vmem_shared>> -> memref<100352xf32, #tpu.memory_space<vmem_shared>>
    tpu.enqueue_indirect_dma source(%arg16 : memref<2048xf32, #tpu.memory_space<vmem>>) target(%dma_start3A_93 : memref<100352xf32, #tpu.memory_space<vmem_shared>>) offsets(%arg10 : memref<2048xi32, #tpu.memory_space<vmem>>) semaphore(%arg27 : memref<!tpu.dma_semaphore, #tpu.memory_space<semaphore_mem>>) {add = true}
    %dma_wait3A_94 = arith.constant 0 : i32
    %dma_wait3A_95 = tpu.memref_slice %arg3[%dma_wait3A_94] : memref<6422528xi32, #tpu.memory_space<hbm>> -> memref<2048xi32, #tpu.memory_space<hbm>>
    %dma_wait3A_96 = arith.constant 0 : i32
    %dma_wait3A_97 = tpu.memref_slice %arg3[%dma_wait3A_96] : memref<6422528xi32, #tpu.memory_space<hbm>> -> memref<2048xi32, #tpu.memory_space<hbm>>
    tpu.wait_dma2 semaphore(%arg20 : memref<!tpu.dma_semaphore, #tpu.memory_space<semaphore_mem>>) src(%dma_wait3A_97 : memref<2048xi32, #tpu.memory_space<hbm>>) dst(%arg9 : memref<2048xi32, #tpu.memory_space<vmem>>)
    %dma_wait3A_98 = arith.constant 0 : i32
    %dma_wait3A_99 = tpu.memref_slice %arg4[%dma_wait3A_98] : memref<6422528xi32, #tpu.memory_space<hbm>> -> memref<2048xi32, #tpu.memory_space<hbm>>
    %dma_wait3A_100 = arith.constant 0 : i32
    %dma_wait3A_101 = tpu.memref_slice %arg4[%dma_wait3A_100] : memref<6422528xi32, #tpu.memory_space<hbm>> -> memref<2048xi32, #tpu.memory_space<hbm>>
    tpu.wait_dma2 semaphore(%arg22 : memref<!tpu.dma_semaphore, #tpu.memory_space<semaphore_mem>>) src(%dma_wait3A_101 : memref<2048xi32, #tpu.memory_space<hbm>>) dst(%arg11 : memref<2048xi32, #tpu.memory_space<vmem>>)
    %min3A_102 = arith.constant 3 : i32
    %min3A_103 = arith.constant 97 : i32
    %min3A_104 = arith.minsi %min3A_102, %min3A_103 : i32
    %mul3A_105 = arith.constant 2048 : i32
    %mul3A_106 = arith.muli %min3A_104, %mul3A_105 : i32
    %add3A_107 = arith.addi %mul3A_34, %mul3A_106 : i32
    %dma_start3A_108 = tpu.memref_slice %arg4[%add3A_107] : memref<6422528xi32, #tpu.memory_space<hbm>> -> memref<2048xi32, #tpu.memory_space<hbm>>
    %dma_start3A_109 = tpu.memref_slice %arg4[%add3A_107] : memref<6422528xi32, #tpu.memory_space<hbm>> -> memref<2048xi32, #tpu.memory_space<hbm>>
    tpu.enqueue_dma source(%dma_start3A_109 : memref<2048xi32, #tpu.memory_space<hbm>>) target(%arg13 : memref<2048xi32, #tpu.memory_space<vmem>>) target_semaphore(%arg24 : memref<!tpu.dma_semaphore, #tpu.memory_space<semaphore_mem>>)
    %parallel_loop3A_110 = arith.constant 0 : i32
    %parallel_loop3A_111 = arith.constant 128 : i32
    %parallel_loop3A_112 = arith.constant 1 : i32
    scf.for %parallel_loop3A_159 = %parallel_loop3A_110 to %parallel_loop3A_111 step %parallel_loop3A_112  : i32 {
      %parallel_loop3A_160 = arith.constant 16 : i32
      %parallel_loop3A_161 = arith.muli %parallel_loop3A_159, %parallel_loop3A_160 : i32
      %parallel_loop3A_162 = arith.index_cast %parallel_loop3A_161 : i32 to index
      %parallel_loop3A_163 = tpu.vector_load %arg9[%parallel_loop3A_162] {strides = array<i32>} : memref<2048xi32, #tpu.memory_space<vmem>>, vector<16xi32>,
      %parallel_loop3A_164 = tpu.vector_load_idx %arg7[%parallel_loop3A_163] : memref<100000xf32, #tpu.memory_space<vmem>>[vector<16xi32>], vector<16xf32>,
      %parallel_loop3A_165 = arith.constant 16 : i32
      %parallel_loop3A_166 = arith.muli %parallel_loop3A_159, %parallel_loop3A_165 : i32
      %parallel_loop3A_167 = arith.index_cast %parallel_loop3A_166 : i32 to index
      %parallel_loop3A_168 = tpu.vector_load %arg15[%parallel_loop3A_167] {strides = array<i32>} : memref<2048xf32, #tpu.memory_space<vmem>>, vector<16xf32>,
      tpu.vector_store %arg15[%parallel_loop3A_167], %parallel_loop3A_164 {strides = array<i32>} : memref<2048xf32, #tpu.memory_space<vmem>>, vector<16xf32>,
    } {sc.loop_unroll_factor = 8 : i64, sc.parallel_access}
    %min3A_113 = arith.constant 3 : i32
    %min3A_114 = arith.constant 97 : i32
    %min3A_115 = arith.minsi %min3A_113, %min3A_114 : i32
    %mul3A_116 = arith.constant 2048 : i32
    %mul3A_117 = arith.muli %min3A_115, %mul3A_116 : i32
    %add3A_118 = arith.addi %mul3A_34, %mul3A_117 : i32
    %dma_start3A_119 = tpu.memref_slice %arg3[%add3A_118] : memref<6422528xi32, #tpu.memory_space<hbm>> -> memref<2048xi32, #tpu.memory_space<hbm>>
    %dma_start3A_120 = tpu.memref_slice %arg3[%add3A_118] : memref<6422528xi32, #tpu.memory_space<hbm>> -> memref<2048xi32, #tpu.memory_space<hbm>>
    tpu.enqueue_dma source(%dma_start3A_120 : memref<2048xi32, #tpu.memory_space<hbm>>) target(%arg9 : memref<2048xi32, #tpu.memory_space<vmem>>) target_semaphore(%arg20 : memref<!tpu.dma_semaphore, #tpu.memory_space<semaphore_mem>>)
    %dma_start3A_121 = arith.constant 0 : i32
    %dma_start3A_122 = tpu.memref_slice %arg17[%dma_start3A_121] : memref<100352xf32, #tpu.memory_space<vmem_shared>> -> memref<100352xf32, #tpu.memory_space<vmem_shared>>
    tpu.enqueue_indirect_dma source(%arg15 : memref<2048xf32, #tpu.memory_space<vmem>>) target(%dma_start3A_122 : memref<100352xf32, #tpu.memory_space<vmem_shared>>) offsets(%arg11 : memref<2048xi32, #tpu.memory_space<vmem>>) semaphore(%arg26 : memref<!tpu.dma_semaphore, #tpu.memory_space<semaphore_mem>>) {add = true}
    %dma_start3A_123 = arith.constant 0 : i32
    %dma_start3A_124 = tpu.memref_slice %arg18[%dma_start3A_123] : memref<100352xf32, #tpu.memory_space<vmem_shared>> -> memref<100352xf32, #tpu.memory_space<vmem_shared>>
    tpu.enqueue_indirect_dma source(%arg16 : memref<2048xf32, #tpu.memory_space<vmem>>) target(%dma_start3A_124 : memref<100352xf32, #tpu.memory_space<vmem_shared>>) offsets(%arg11 : memref<2048xi32, #tpu.memory_space<vmem>>) semaphore(%arg28 : memref<!tpu.dma_semaphore, #tpu.memory_space<semaphore_mem>>) {add = true}
    %scan3A_125 = arith.constant 0 : i32
    %scan3A_126 = arith.constant 0 : i32
    %scan3A_127 = arith.constant 24 : i32
    %scan3A_128 = arith.addi %scan3A_126, %scan3A_127 : i32
    %scan3A_129 = arith.constant 1 : i32
    %scan3A_130 = scf.for %scan3A_159 = %scan3A_126 to %scan3A_128 step %scan3A_129 iter_args(%scan3A_160 = %scan3A_125) -> (i32)  : i32 {
      %mul3A_161 = arith.constant 4 : i32
      %mul3A_162 = arith.muli %scan3A_159, %mul3A_161 : i32
      %add3A_163 = arith.constant 2 : i32
      %add3A_164 = arith.addi %add3A_163, %mul3A_162 : i32
      %add3A_165 = arith.constant 0 : i32
      %add3A_166 = arith.addi %add3A_164, %add3A_165 : i32
      %dma_wait3A_167 = arith.constant 0 : i32
      %dma_wait3A_168 = tpu.memref_slice %arg3[%dma_wait3A_167] : memref<6422528xi32, #tpu.memory_space<hbm>> -> memref<2048xi32, #tpu.memory_space<hbm>>
      %dma_wait3A_169 = arith.constant 0 : i32
      %dma_wait3A_170 = tpu.memref_slice %arg3[%dma_wait3A_169] : memref<6422528xi32, #tpu.memory_space<hbm>> -> memref<2048xi32, #tpu.memory_space<hbm>>
      tpu.wait_dma2 semaphore(%arg19 : memref<!tpu.dma_semaphore, #tpu.memory_space<semaphore_mem>>) src(%dma_wait3A_170 : memref<2048xi32, #tpu.memory_space<hbm>>) dst(%arg8 : memref<2048xi32, #tpu.memory_space<vmem>>)
      %dma_wait3A_171 = arith.constant 0 : i32
      %dma_wait3A_172 = tpu.memref_slice %arg4[%dma_wait3A_171] : memref<6422528xi32, #tpu.memory_space<hbm>> -> memref<2048xi32, #tpu.memory_space<hbm>>
      %dma_wait3A_173 = arith.constant 0 : i32
      %dma_wait3A_174 = tpu.memref_slice %arg4[%dma_wait3A_173] : memref<6422528xi32, #tpu.memory_space<hbm>> -> memref<2048xi32, #tpu.memory_space<hbm>>
      tpu.wait_dma2 semaphore(%arg23 : memref<!tpu.dma_semaphore, #tpu.memory_space<semaphore_mem>>) src(%dma_wait3A_174 : memref<2048xi32, #tpu.memory_space<hbm>>) dst(%arg12 : memref<2048xi32, #tpu.memory_space<vmem>>)
      %dma_wait3A_175 = arith.constant 0 : i32
      %dma_wait3A_176 = tpu.memref_slice %arg17[%dma_wait3A_175] : memref<100352xf32, #tpu.memory_space<vmem_shared>> -> memref<100352xf32, #tpu.memory_space<vmem_shared>>
      tpu.wait_indirect_dma semaphore(%arg25 : memref<!tpu.dma_semaphore, #tpu.memory_space<semaphore_mem>>) src(%arg14 : memref<2048xf32, #tpu.memory_space<vmem>>) dst(%dma_wait3A_176 : memref<100352xf32, #tpu.memory_space<vmem_shared>>)
      %dma_wait3A_177 = arith.constant 0 : i32
      %dma_wait3A_178 = tpu.memref_slice %arg18[%dma_wait3A_177] : memref<100352xf32, #tpu.memory_space<vmem_shared>> -> memref<100352xf32, #tpu.memory_space<vmem_shared>>
      tpu.wait_indirect_dma semaphore(%arg27 : memref<!tpu.dma_semaphore, #tpu.memory_space<semaphore_mem>>) src(%arg16 : memref<2048xf32, #tpu.memory_space<vmem>>) dst(%dma_wait3A_178 : memref<100352xf32, #tpu.memory_space<vmem_shared>>)
      %add3A_179 = arith.constant 2 : i32
      %add3A_180 = arith.addi %add3A_166, %add3A_179 : i32
      %min3A_181 = arith.constant 97 : i32
      %min3A_182 = arith.minsi %add3A_180, %min3A_181 : i32
      %mul3A_183 = arith.constant 2048 : i32
      %mul3A_184 = arith.muli %min3A_182, %mul3A_183 : i32
      %add3A_185 = arith.addi %mul3A_34, %mul3A_184 : i32
      %dma_start3A_186 = tpu.memref_slice %arg4[%add3A_185] : memref<6422528xi32, #tpu.memory_space<hbm>> -> memref<2048xi32, #tpu.memory_space<hbm>>
      %dma_start3A_187 = tpu.memref_slice %arg4[%add3A_185] : memref<6422528xi32, #tpu.memory_space<hbm>> -> memref<2048xi32, #tpu.memory_space<hbm>>
      tpu.enqueue_dma source(%dma_start3A_187 : memref<2048xi32, #tpu.memory_space<hbm>>) target(%arg10 : memref<2048xi32, #tpu.memory_space<vmem>>) target_semaphore(%arg21 : memref<!tpu.dma_semaphore, #tpu.memory_space<semaphore_mem>>)
      %parallel_loop3A_188 = arith.constant 0 : i32
      %parallel_loop3A_189 = arith.constant 128 : i32
      %parallel_loop3A_190 = arith.constant 1 : i32
      scf.for %parallel_loop3A_322 = %parallel_loop3A_188 to %parallel_loop3A_189 step %parallel_loop3A_190  : i32 {
        %parallel_loop3A_323 = arith.constant 16 : i32
        %parallel_loop3A_324 = arith.muli %parallel_loop3A_322, %parallel_loop3A_323 : i32
        %parallel_loop3A_325 = arith.index_cast %parallel_loop3A_324 : i32 to index
        %parallel_loop3A_326 = tpu.vector_load %arg8[%parallel_loop3A_325] {strides = array<i32>} : memref<2048xi32, #tpu.memory_space<vmem>>, vector<16xi32>,
        %parallel_loop3A_327 = tpu.vector_load_idx %arg7[%parallel_loop3A_326] : memref<100000xf32, #tpu.memory_space<vmem>>[vector<16xi32>], vector<16xf32>,
        %parallel_loop3A_328 = arith.constant 16 : i32
        %parallel_loop3A_329 = arith.muli %parallel_loop3A_322, %parallel_loop3A_328 : i32
        %parallel_loop3A_330 = arith.index_cast %parallel_loop3A_329 : i32 to index
        %parallel_loop3A_331 = tpu.vector_load %arg14[%parallel_loop3A_330] {strides = array<i32>} : memref<2048xf32, #tpu.memory_space<vmem>>, vector<16xf32>,
        tpu.vector_store %arg14[%parallel_loop3A_330], %parallel_loop3A_327 {strides = array<i32>} : memref<2048xf32, #tpu.memory_space<vmem>>, vector<16xf32>,
      } {sc.loop_unroll_factor = 8 : i64, sc.parallel_access}
      %add3A_191 = arith.constant 2 : i32
      %add3A_192 = arith.addi %add3A_166, %add3A_191 : i32
      %min3A_193 = arith.constant 97 : i32
      %min3A_194 = arith.minsi %add3A_192, %min3A_193 : i32
      %mul3A_195 = arith.constant 2048 : i32
      %mul3A_196 = arith.muli %min3A_194, %mul3A_195 : i32
      %add3A_197 = arith.addi %mul3A_34, %mul3A_196 : i32
      %dma_start3A_198 = tpu.memref_slice %arg3[%add3A_197] : memref<6422528xi32, #tpu.memory_space<hbm>> -> memref<2048xi32, #tpu.memory_space<hbm>>
      %dma_start3A_199 = tpu.memref_slice %arg3[%add3A_197] : memref<6422528xi32, #tpu.memory_space<hbm>> -> memref<2048xi32, #tpu.memory_space<hbm>>
      tpu.enqueue_dma source(%dma_start3A_199 : memref<2048xi32, #tpu.memory_space<hbm>>) target(%arg8 : memref<2048xi32, #tpu.memory_space<vmem>>) target_semaphore(%arg19 : memref<!tpu.dma_semaphore, #tpu.memory_space<semaphore_mem>>)
      %dma_start3A_200 = arith.constant 0 : i32
      %dma_start3A_201 = tpu.memref_slice %arg17[%dma_start3A_200] : memref<100352xf32, #tpu.memory_space<vmem_shared>> -> memref<100352xf32, #tpu.memory_space<vmem_shared>>
      tpu.enqueue_indirect_dma source(%arg14 : memref<2048xf32, #tpu.memory_space<vmem>>) target(%dma_start3A_201 : memref<100352xf32, #tpu.memory_space<vmem_shared>>) offsets(%arg12 : memref<2048xi32, #tpu.memory_space<vmem>>) semaphore(%arg25 : memref<!tpu.dma_semaphore, #tpu.memory_space<semaphore_mem>>) {add = true}
      %dma_start3A_202 = arith.constant 0 : i32
      %dma_start3A_203 = tpu.memref_slice %arg18[%dma_start3A_202] : memref<100352xf32, #tpu.memory_space<vmem_shared>> -> memref<100352xf32, #tpu.memory_space<vmem_shared>>
      tpu.enqueue_indirect_dma source(%arg16 : memref<2048xf32, #tpu.memory_space<vmem>>) target(%dma_start3A_203 : memref<100352xf32, #tpu.memory_space<vmem_shared>>) offsets(%arg12 : memref<2048xi32, #tpu.memory_space<vmem>>) semaphore(%arg27 : memref<!tpu.dma_semaphore, #tpu.memory_space<semaphore_mem>>) {add = true}
      %add3A_204 = arith.constant 1 : i32
      %add3A_205 = arith.addi %add3A_164, %add3A_204 : i32
      %dma_wait3A_206 = arith.constant 0 : i32
      %dma_wait3A_207 = tpu.memref_slice %arg3[%dma_wait3A_206] : memref<6422528xi32, #tpu.memory_space<hbm>> -> memref<2048xi32, #tpu.memory_space<hbm>>
      %dma_wait3A_208 = arith.constant 0 : i32
      %dma_wait3A_209 = tpu.memref_slice %arg3[%dma_wait3A_208] : memref<6422528xi32, #tpu.memory_space<hbm>> -> memref<2048xi32, #tpu.memory_space<hbm>>
      tpu.wait_dma2 semaphore(%arg20 : memref<!tpu.dma_semaphore, #tpu.memory_space<semaphore_mem>>) src(%dma_wait3A_209 : memref<2048xi32, #tpu.memory_space<hbm>>) dst(%arg9 : memref<2048xi32, #tpu.memory_space<vmem>>)
      %dma_wait3A_210 = arith.constant 0 : i32
      %dma_wait3A_211 = tpu.memref_slice %arg4[%dma_wait3A_210] : memref<6422528xi32, #tpu.memory_space<hbm>> -> memref<2048xi32, #tpu.memory_space<hbm>>
      %dma_wait3A_212 = arith.constant 0 : i32
      %dma_wait3A_213 = tpu.memref_slice %arg4[%dma_wait3A_212] : memref<6422528xi32, #tpu.memory_space<hbm>> -> memref<2048xi32, #tpu.memory_space<hbm>>
      tpu.wait_dma2 semaphore(%arg24 : memref<!tpu.dma_semaphore, #tpu.memory_space<semaphore_mem>>) src(%dma_wait3A_213 : memref<2048xi32, #tpu.memory_space<hbm>>) dst(%arg13 : memref<2048xi32, #tpu.memory_space<vmem>>)
      %dma_wait3A_214 = arith.constant 0 : i32
      %dma_wait3A_215 = tpu.memref_slice %arg17[%dma_wait3A_214] : memref<100352xf32, #tpu.memory_space<vmem_shared>> -> memref<100352xf32, #tpu.memory_space<vmem_shared>>
      tpu.wait_indirect_dma semaphore(%arg26 : memref<!tpu.dma_semaphore, #tpu.memory_space<semaphore_mem>>) src(%arg15 : memref<2048xf32, #tpu.memory_space<vmem>>) dst(%dma_wait3A_215 : memref<100352xf32, #tpu.memory_space<vmem_shared>>)
      %dma_wait3A_216 = arith.constant 0 : i32
      %dma_wait3A_217 = tpu.memref_slice %arg18[%dma_wait3A_216] : memref<100352xf32, #tpu.memory_space<vmem_shared>> -> memref<100352xf32, #tpu.memory_space<vmem_shared>>
      tpu.wait_indirect_dma semaphore(%arg28 : memref<!tpu.dma_semaphore, #tpu.memory_space<semaphore_mem>>) src(%arg16 : memref<2048xf32, #tpu.memory_space<vmem>>) dst(%dma_wait3A_217 : memref<100352xf32, #tpu.memory_space<vmem_shared>>)
      %add3A_218 = arith.constant 2 : i32
      %add3A_219 = arith.addi %add3A_205, %add3A_218 : i32
      %min3A_220 = arith.constant 97 : i32
      %min3A_221 = arith.minsi %add3A_219, %min3A_220 : i32
      %mul3A_222 = arith.constant 2048 : i32
      %mul3A_223 = arith.muli %min3A_221, %mul3A_222 : i32
      %add3A_224 = arith.addi %mul3A_34, %mul3A_223 : i32
      %dma_start3A_225 = tpu.memref_slice %arg4[%add3A_224] : memref<6422528xi32, #tpu.memory_space<hbm>> -> memref<2048xi32, #tpu.memory_space<hbm>>
      %dma_start3A_226 = tpu.memref_slice %arg4[%add3A_224] : memref<6422528xi32, #tpu.memory_space<hbm>> -> memref<2048xi32, #tpu.memory_space<hbm>>
      tpu.enqueue_dma source(%dma_start3A_226 : memref<2048xi32, #tpu.memory_space<hbm>>) target(%arg11 : memref<2048xi32, #tpu.memory_space<vmem>>) target_semaphore(%arg22 : memref<!tpu.dma_semaphore, #tpu.memory_space<semaphore_mem>>)
      %parallel_loop3A_227 = arith.constant 0 : i32
      %parallel_loop3A_228 = arith.constant 128 : i32
      %parallel_loop3A_229 = arith.constant 1 : i32
      scf.for %parallel_loop3A_322 = %parallel_loop3A_227 to %parallel_loop3A_228 step %parallel_loop3A_229  : i32 {
        %parallel_loop3A_323 = arith.constant 16 : i32
        %parallel_loop3A_324 = arith.muli %parallel_loop3A_322, %parallel_loop3A_323 : i32
        %parallel_loop3A_325 = arith.index_cast %parallel_loop3A_324 : i32 to index
        %parallel_loop3A_326 = tpu.vector_load %arg9[%parallel_loop3A_325] {strides = array<i32>} : memref<2048xi32, #tpu.memory_space<vmem>>, vector<16xi32>,
        %parallel_loop3A_327 = tpu.vector_load_idx %arg7[%parallel_loop3A_326] : memref<100000xf32, #tpu.memory_space<vmem>>[vector<16xi32>], vector<16xf32>,
        %parallel_loop3A_328 = arith.constant 16 : i32
        %parallel_loop3A_329 = arith.muli %parallel_loop3A_322, %parallel_loop3A_328 : i32
        %parallel_loop3A_330 = arith.index_cast %parallel_loop3A_329 : i32 to index
        %parallel_loop3A_331 = tpu.vector_load %arg15[%parallel_loop3A_330] {strides = array<i32>} : memref<2048xf32, #tpu.memory_space<vmem>>, vector<16xf32>,
        tpu.vector_store %arg15[%parallel_loop3A_330], %parallel_loop3A_327 {strides = array<i32>} : memref<2048xf32, #tpu.memory_space<vmem>>, vector<16xf32>,
      } {sc.loop_unroll_factor = 8 : i64, sc.parallel_access}
      %add3A_230 = arith.constant 2 : i32
      %add3A_231 = arith.addi %add3A_205, %add3A_230 : i32
      %min3A_232 = arith.constant 97 : i32
      %min3A_233 = arith.minsi %add3A_231, %min3A_232 : i32
      %mul3A_234 = arith.constant 2048 : i32
      %mul3A_235 = arith.muli %min3A_233, %mul3A_234 : i32
      %add3A_236 = arith.addi %mul3A_34, %mul3A_235 : i32
      %dma_start3A_237 = tpu.memref_slice %arg3[%add3A_236] : memref<6422528xi32, #tpu.memory_space<hbm>> -> memref<2048xi32, #tpu.memory_space<hbm>>
      %dma_start3A_238 = tpu.memref_slice %arg3[%add3A_236] : memref<6422528xi32, #tpu.memory_space<hbm>> -> memref<2048xi32, #tpu.memory_space<hbm>>
      tpu.enqueue_dma source(%dma_start3A_238 : memref<2048xi32, #tpu.memory_space<hbm>>) target(%arg9 : memref<2048xi32, #tpu.memory_space<vmem>>) target_semaphore(%arg20 : memref<!tpu.dma_semaphore, #tpu.memory_space<semaphore_mem>>)
      %dma_start3A_239 = arith.constant 0 : i32
      %dma_start3A_240 = tpu.memref_slice %arg17[%dma_start3A_239] : memref<100352xf32, #tpu.memory_space<vmem_shared>> -> memref<100352xf32, #tpu.memory_space<vmem_shared>>
      tpu.enqueue_indirect_dma source(%arg15 : memref<2048xf32, #tpu.memory_space<vmem>>) target(%dma_start3A_240 : memref<100352xf32, #tpu.memory_space<vmem_shared>>) offsets(%arg13 : memref<2048xi32, #tpu.memory_space<vmem>>) semaphore(%arg26 : memref<!tpu.dma_semaphore, #tpu.memory_space<semaphore_mem>>) {add = true}
      %dma_start3A_241 = arith.constant 0 : i32
      %dma_start3A_242 = tpu.memref_slice %arg18[%dma_start3A_241] : memref<100352xf32, #tpu.memory_space<vmem_shared>> -> memref<100352xf32, #tpu.memory_space<vmem_shared>>
      tpu.enqueue_indirect_dma source(%arg16 : memref<2048xf32, #tpu.memory_space<vmem>>) target(%dma_start3A_242 : memref<100352xf32, #tpu.memory_space<vmem_shared>>) offsets(%arg13 : memref<2048xi32, #tpu.memory_space<vmem>>) semaphore(%arg28 : memref<!tpu.dma_semaphore, #tpu.memory_space<semaphore_mem>>) {add = true}
      %add3A_243 = arith.constant 2 : i32
      %add3A_244 = arith.addi %add3A_164, %add3A_243 : i32
      %dma_wait3A_245 = arith.constant 0 : i32
      %dma_wait3A_246 = tpu.memref_slice %arg3[%dma_wait3A_245] : memref<6422528xi32, #tpu.memory_space<hbm>> -> memref<2048xi32, #tpu.memory_space<hbm>>
      %dma_wait3A_247 = arith.constant 0 : i32
      %dma_wait3A_248 = tpu.memref_slice %arg3[%dma_wait3A_247] : memref<6422528xi32, #tpu.memory_space<hbm>> -> memref<2048xi32, #tpu.memory_space<hbm>>
      tpu.wait_dma2 semaphore(%arg19 : memref<!tpu.dma_semaphore, #tpu.memory_space<semaphore_mem>>) src(%dma_wait3A_248 : memref<2048xi32, #tpu.memory_space<hbm>>) dst(%arg8 : memref<2048xi32, #tpu.memory_space<vmem>>)
      %dma_wait3A_249 = arith.constant 0 : i32
      %dma_wait3A_250 = tpu.memref_slice %arg4[%dma_wait3A_249] : memref<6422528xi32, #tpu.memory_space<hbm>> -> memref<2048xi32, #tpu.memory_space<hbm>>
      %dma_wait3A_251 = arith.constant 0 : i32
      %dma_wait3A_252 = tpu.memref_slice %arg4[%dma_wait3A_251] : memref<6422528xi32, #tpu.memory_space<hbm>> -> memref<2048xi32, #tpu.memory_space<hbm>>
      tpu.wait_dma2 semaphore(%arg21 : memref<!tpu.dma_semaphore, #tpu.memory_space<semaphore_mem>>) src(%dma_wait3A_252 : memref<2048xi32, #tpu.memory_space<hbm>>) dst(%arg10 : memref<2048xi32, #tpu.memory_space<vmem>>)
      %dma_wait3A_253 = arith.constant 0 : i32
      %dma_wait3A_254 = tpu.memref_slice %arg17[%dma_wait3A_253] : memref<100352xf32, #tpu.memory_space<vmem_shared>> -> memref<100352xf32, #tpu.memory_space<vmem_shared>>
      tpu.wait_indirect_dma semaphore(%arg25 : memref<!tpu.dma_semaphore, #tpu.memory_space<semaphore_mem>>) src(%arg14 : memref<2048xf32, #tpu.memory_space<vmem>>) dst(%dma_wait3A_254 : memref<100352xf32, #tpu.memory_space<vmem_shared>>)
      %dma_wait3A_255 = arith.constant 0 : i32
      %dma_wait3A_256 = tpu.memref_slice %arg18[%dma_wait3A_255] : memref<100352xf32, #tpu.memory_space<vmem_shared>> -> memref<100352xf32, #tpu.memory_space<vmem_shared>>
      tpu.wait_indirect_dma semaphore(%arg27 : memref<!tpu.dma_semaphore, #tpu.memory_space<semaphore_mem>>) src(%arg16 : memref<2048xf32, #tpu.memory_space<vmem>>) dst(%dma_wait3A_256 : memref<100352xf32, #tpu.memory_space<vmem_shared>>)
      %add3A_257 = arith.constant 2 : i32
      %add3A_258 = arith.addi %add3A_244, %add3A_257 : i32
      %min3A_259 = arith.constant 97 : i32
      %min3A_260 = arith.minsi %add3A_258, %min3A_259 : i32
      %mul3A_261 = arith.constant 2048 : i32
      %mul3A_262 = arith.muli %min3A_260, %mul3A_261 : i32
      %add3A_263 = arith.addi %mul3A_34, %mul3A_262 : i32
      %dma_start3A_264 = tpu.memref_slice %arg4[%add3A_263] : memref<6422528xi32, #tpu.memory_space<hbm>> -> memref<2048xi32, #tpu.memory_space<hbm>>
      %dma_start3A_265 = tpu.memref_slice %arg4[%add3A_263] : memref<6422528xi32, #tpu.memory_space<hbm>> -> memref<2048xi32, #tpu.memory_space<hbm>>
      tpu.enqueue_dma source(%dma_start3A_265 : memref<2048xi32, #tpu.memory_space<hbm>>) target(%arg12 : memref<2048xi32, #tpu.memory_space<vmem>>) target_semaphore(%arg23 : memref<!tpu.dma_semaphore, #tpu.memory_space<semaphore_mem>>)
      %parallel_loop3A_266 = arith.constant 0 : i32
      %parallel_loop3A_267 = arith.constant 128 : i32
      %parallel_loop3A_268 = arith.constant 1 : i32
      scf.for %parallel_loop3A_322 = %parallel_loop3A_266 to %parallel_loop3A_267 step %parallel_loop3A_268  : i32 {
        %parallel_loop3A_323 = arith.constant 16 : i32
        %parallel_loop3A_324 = arith.muli %parallel_loop3A_322, %parallel_loop3A_323 : i32
        %parallel_loop3A_325 = arith.index_cast %parallel_loop3A_324 : i32 to index
        %parallel_loop3A_326 = tpu.vector_load %arg8[%parallel_loop3A_325] {strides = array<i32>} : memref<2048xi32, #tpu.memory_space<vmem>>, vector<16xi32>,
        %parallel_loop3A_327 = tpu.vector_load_idx %arg7[%parallel_loop3A_326] : memref<100000xf32, #tpu.memory_space<vmem>>[vector<16xi32>], vector<16xf32>,
        %parallel_loop3A_328 = arith.constant 16 : i32
        %parallel_loop3A_329 = arith.muli %parallel_loop3A_322, %parallel_loop3A_328 : i32
        %parallel_loop3A_330 = arith.index_cast %parallel_loop3A_329 : i32 to index
        %parallel_loop3A_331 = tpu.vector_load %arg14[%parallel_loop3A_330] {strides = array<i32>} : memref<2048xf32, #tpu.memory_space<vmem>>, vector<16xf32>,
        tpu.vector_store %arg14[%parallel_loop3A_330], %parallel_loop3A_327 {strides = array<i32>} : memref<2048xf32, #tpu.memory_space<vmem>>, vector<16xf32>,
      } {sc.loop_unroll_factor = 8 : i64, sc.parallel_access}
      %add3A_269 = arith.constant 2 : i32
      %add3A_270 = arith.addi %add3A_244, %add3A_269 : i32
      %min3A_271 = arith.constant 97 : i32
      %min3A_272 = arith.minsi %add3A_270, %min3A_271 : i32
      %mul3A_273 = arith.constant 2048 : i32
      %mul3A_274 = arith.muli %min3A_272, %mul3A_273 : i32
      %add3A_275 = arith.addi %mul3A_34, %mul3A_274 : i32
      %dma_start3A_276 = tpu.memref_slice %arg3[%add3A_275] : memref<6422528xi32, #tpu.memory_space<hbm>> -> memref<2048xi32, #tpu.memory_space<hbm>>
      %dma_start3A_277 = tpu.memref_slice %arg3[%add3A_275] : memref<6422528xi32, #tpu.memory_space<hbm>> -> memref<2048xi32, #tpu.memory_space<hbm>>
      tpu.enqueue_dma source(%dma_start3A_277 : memref<2048xi32, #tpu.memory_space<hbm>>) target(%arg8 : memref<2048xi32, #tpu.memory_space<vmem>>) target_semaphore(%arg19 : memref<!tpu.dma_semaphore, #tpu.memory_space<semaphore_mem>>)
      %dma_start3A_278 = arith.constant 0 : i32
      %dma_start3A_279 = tpu.memref_slice %arg17[%dma_start3A_278] : memref<100352xf32, #tpu.memory_space<vmem_shared>> -> memref<100352xf32, #tpu.memory_space<vmem_shared>>
      tpu.enqueue_indirect_dma source(%arg14 : memref<2048xf32, #tpu.memory_space<vmem>>) target(%dma_start3A_279 : memref<100352xf32, #tpu.memory_space<vmem_shared>>) offsets(%arg10 : memref<2048xi32, #tpu.memory_space<vmem>>) semaphore(%arg25 : memref<!tpu.dma_semaphore, #tpu.memory_space<semaphore_mem>>) {add = true}
      %dma_start3A_280 = arith.constant 0 : i32
      %dma_start3A_281 = tpu.memref_slice %arg18[%dma_start3A_280] : memref<100352xf32, #tpu.memory_space<vmem_shared>> -> memref<100352xf32, #tpu.memory_space<vmem_shared>>
      tpu.enqueue_indirect_dma source(%arg16 : memref<2048xf32, #tpu.memory_space<vmem>>) target(%dma_start3A_281 : memref<100352xf32, #tpu.memory_space<vmem_shared>>) offsets(%arg10 : memref<2048xi32, #tpu.memory_space<vmem>>) semaphore(%arg27 : memref<!tpu.dma_semaphore, #tpu.memory_space<semaphore_mem>>) {add = true}
      %add3A_282 = arith.constant 3 : i32
      %add3A_283 = arith.addi %add3A_164, %add3A_282 : i32
      %dma_wait3A_284 = arith.constant 0 : i32
      %dma_wait3A_285 = tpu.memref_slice %arg3[%dma_wait3A_284] : memref<6422528xi32, #tpu.memory_space<hbm>> -> memref<2048xi32, #tpu.memory_space<hbm>>
      %dma_wait3A_286 = arith.constant 0 : i32
      %dma_wait3A_287 = tpu.memref_slice %arg3[%dma_wait3A_286] : memref<6422528xi32, #tpu.memory_space<hbm>> -> memref<2048xi32, #tpu.memory_space<hbm>>
      tpu.wait_dma2 semaphore(%arg20 : memref<!tpu.dma_semaphore, #tpu.memory_space<semaphore_mem>>) src(%dma_wait3A_287 : memref<2048xi32, #tpu.memory_space<hbm>>) dst(%arg9 : memref<2048xi32, #tpu.memory_space<vmem>>)
      %dma_wait3A_288 = arith.constant 0 : i32
      %dma_wait3A_289 = tpu.memref_slice %arg4[%dma_wait3A_288] : memref<6422528xi32, #tpu.memory_space<hbm>> -> memref<2048xi32, #tpu.memory_space<hbm>>
      %dma_wait3A_290 = arith.constant 0 : i32
      %dma_wait3A_291 = tpu.memref_slice %arg4[%dma_wait3A_290] : memref<6422528xi32, #tpu.memory_space<hbm>> -> memref<2048xi32, #tpu.memory_space<hbm>>
      tpu.wait_dma2 semaphore(%arg22 : memref<!tpu.dma_semaphore, #tpu.memory_space<semaphore_mem>>) src(%dma_wait3A_291 : memref<2048xi32, #tpu.memory_space<hbm>>) dst(%arg11 : memref<2048xi32, #tpu.memory_space<vmem>>)
      %dma_wait3A_292 = arith.constant 0 : i32
      %dma_wait3A_293 = tpu.memref_slice %arg17[%dma_wait3A_292] : memref<100352xf32, #tpu.memory_space<vmem_shared>> -> memref<100352xf32, #tpu.memory_space<vmem_shared>>
      tpu.wait_indirect_dma semaphore(%arg26 : memref<!tpu.dma_semaphore, #tpu.memory_space<semaphore_mem>>) src(%arg15 : memref<2048xf32, #tpu.memory_space<vmem>>) dst(%dma_wait3A_293 : memref<100352xf32, #tpu.memory_space<vmem_shared>>)
      %dma_wait3A_294 = arith.constant 0 : i32
      %dma_wait3A_295 = tpu.memref_slice %arg18[%dma_wait3A_294] : memref<100352xf32, #tpu.memory_space<vmem_shared>> -> memref<100352xf32, #tpu.memory_space<vmem_shared>>
      tpu.wait_indirect_dma semaphore(%arg28 : memref<!tpu.dma_semaphore, #tpu.memory_space<semaphore_mem>>) src(%arg16 : memref<2048xf32, #tpu.memory_space<vmem>>) dst(%dma_wait3A_295 : memref<100352xf32, #tpu.memory_space<vmem_shared>>)
      %add3A_296 = arith.constant 2 : i32
      %add3A_297 = arith.addi %add3A_283, %add3A_296 : i32
      %min3A_298 = arith.constant 97 : i32
      %min3A_299 = arith.minsi %add3A_297, %min3A_298 : i32
      %mul3A_300 = arith.constant 2048 : i32
      %mul3A_301 = arith.muli %min3A_299, %mul3A_300 : i32
      %add3A_302 = arith.addi %mul3A_34, %mul3A_301 : i32
      %dma_start3A_303 = tpu.memref_slice %arg4[%add3A_302] : memref<6422528xi32, #tpu.memory_space<hbm>> -> memref<2048xi32, #tpu.memory_space<hbm>>
      %dma_start3A_304 = tpu.memref_slice %arg4[%add3A_302] : memref<6422528xi32, #tpu.memory_space<hbm>> -> memref<2048xi32, #tpu.memory_space<hbm>>
      tpu.enqueue_dma source(%dma_start3A_304 : memref<2048xi32, #tpu.memory_space<hbm>>) target(%arg13 : memref<2048xi32, #tpu.memory_space<vmem>>) target_semaphore(%arg24 : memref<!tpu.dma_semaphore, #tpu.memory_space<semaphore_mem>>)
      %parallel_loop3A_305 = arith.constant 0 : i32
      %parallel_loop3A_306 = arith.constant 128 : i32
      %parallel_loop3A_307 = arith.constant 1 : i32
      scf.for %parallel_loop3A_322 = %parallel_loop3A_305 to %parallel_loop3A_306 step %parallel_loop3A_307  : i32 {
        %parallel_loop3A_323 = arith.constant 16 : i32
        %parallel_loop3A_324 = arith.muli %parallel_loop3A_322, %parallel_loop3A_323 : i32
        %parallel_loop3A_325 = arith.index_cast %parallel_loop3A_324 : i32 to index
        %parallel_loop3A_326 = tpu.vector_load %arg9[%parallel_loop3A_325] {strides = array<i32>} : memref<2048xi32, #tpu.memory_space<vmem>>, vector<16xi32>,
        %parallel_loop3A_327 = tpu.vector_load_idx %arg7[%parallel_loop3A_326] : memref<100000xf32, #tpu.memory_space<vmem>>[vector<16xi32>], vector<16xf32>,
        %parallel_loop3A_328 = arith.constant 16 : i32
        %parallel_loop3A_329 = arith.muli %parallel_loop3A_322, %parallel_loop3A_328 : i32
        %parallel_loop3A_330 = arith.index_cast %parallel_loop3A_329 : i32 to index
        %parallel_loop3A_331 = tpu.vector_load %arg15[%parallel_loop3A_330] {strides = array<i32>} : memref<2048xf32, #tpu.memory_space<vmem>>, vector<16xf32>,
        tpu.vector_store %arg15[%parallel_loop3A_330], %parallel_loop3A_327 {strides = array<i32>} : memref<2048xf32, #tpu.memory_space<vmem>>, vector<16xf32>,
      } {sc.loop_unroll_factor = 8 : i64, sc.parallel_access}
      %add3A_308 = arith.constant 2 : i32
      %add3A_309 = arith.addi %add3A_283, %add3A_308 : i32
      %min3A_310 = arith.constant 97 : i32
      %min3A_311 = arith.minsi %add3A_309, %min3A_310 : i32
      %mul3A_312 = arith.constant 2048 : i32
      %mul3A_313 = arith.muli %min3A_311, %mul3A_312 : i32
      %add3A_314 = arith.addi %mul3A_34, %mul3A_313 : i32
      %dma_start3A_315 = tpu.memref_slice %arg3[%add3A_314] : memref<6422528xi32, #tpu.memory_space<hbm>> -> memref<2048xi32, #tpu.memory_space<hbm>>
      %dma_start3A_316 = tpu.memref_slice %arg3[%add3A_314] : memref<6422528xi32, #tpu.memory_space<hbm>> -> memref<2048xi32, #tpu.memory_space<hbm>>
      tpu.enqueue_dma source(%dma_start3A_316 : memref<2048xi32, #tpu.memory_space<hbm>>) target(%arg9 : memref<2048xi32, #tpu.memory_space<vmem>>) target_semaphore(%arg20 : memref<!tpu.dma_semaphore, #tpu.memory_space<semaphore_mem>>)
      %dma_start3A_317 = arith.constant 0 : i32
      %dma_start3A_318 = tpu.memref_slice %arg17[%dma_start3A_317] : memref<100352xf32, #tpu.memory_space<vmem_shared>> -> memref<100352xf32, #tpu.memory_space<vmem_shared>>
      tpu.enqueue_indirect_dma source(%arg15 : memref<2048xf32, #tpu.memory_space<vmem>>) target(%dma_start3A_318 : memref<100352xf32, #tpu.memory_space<vmem_shared>>) offsets(%arg11 : memref<2048xi32, #tpu.memory_space<vmem>>) semaphore(%arg26 : memref<!tpu.dma_semaphore, #tpu.memory_space<semaphore_mem>>) {add = true}
      %dma_start3A_319 = arith.constant 0 : i32
      %dma_start3A_320 = tpu.memref_slice %arg18[%dma_start3A_319] : memref<100352xf32, #tpu.memory_space<vmem_shared>> -> memref<100352xf32, #tpu.memory_space<vmem_shared>>
      tpu.enqueue_indirect_dma source(%arg16 : memref<2048xf32, #tpu.memory_space<vmem>>) target(%dma_start3A_320 : memref<100352xf32, #tpu.memory_space<vmem_shared>>) offsets(%arg11 : memref<2048xi32, #tpu.memory_space<vmem>>) semaphore(%arg28 : memref<!tpu.dma_semaphore, #tpu.memory_space<semaphore_mem>>) {add = true}
      %scan3A_321 = arith.constant 0 : i32
      scf.yield %scan3A_321 : i32
    }
    %scan3A_131 = arith.constant 24 : i32
    %dma_wait3A_132 = arith.constant 0 : i32
    %dma_wait3A_133 = tpu.memref_slice %arg17[%dma_wait3A_132] : memref<100352xf32, #tpu.memory_space<vmem_shared>> -> memref<100352xf32, #tpu.memory_space<vmem_shared>>
    tpu.wait_indirect_dma semaphore(%arg25 : memref<!tpu.dma_semaphore, #tpu.memory_space<semaphore_mem>>) src(%arg14 : memref<2048xf32, #tpu.memory_space<vmem>>) dst(%dma_wait3A_133 : memref<100352xf32, #tpu.memory_space<vmem_shared>>)
    %dma_wait3A_134 = arith.constant 0 : i32
    %dma_wait3A_135 = tpu.memref_slice %arg18[%dma_wait3A_134] : memref<100352xf32, #tpu.memory_space<vmem_shared>> -> memref<100352xf32, #tpu.memory_space<vmem_shared>>
    tpu.wait_indirect_dma semaphore(%arg27 : memref<!tpu.dma_semaphore, #tpu.memory_space<semaphore_mem>>) src(%arg16 : memref<2048xf32, #tpu.memory_space<vmem>>) dst(%dma_wait3A_135 : memref<100352xf32, #tpu.memory_space<vmem_shared>>)
    %dma_wait3A_136 = arith.constant 0 : i32
    %dma_wait3A_137 = tpu.memref_slice %arg17[%dma_wait3A_136] : memref<100352xf32, #tpu.memory_space<vmem_shared>> -> memref<100352xf32, #tpu.memory_space<vmem_shared>>
    tpu.wait_indirect_dma semaphore(%arg26 : memref<!tpu.dma_semaphore, #tpu.memory_space<semaphore_mem>>) src(%arg15 : memref<2048xf32, #tpu.memory_space<vmem>>) dst(%dma_wait3A_137 : memref<100352xf32, #tpu.memory_space<vmem_shared>>)
    %dma_wait3A_138 = arith.constant 0 : i32
    %dma_wait3A_139 = tpu.memref_slice %arg18[%dma_wait3A_138] : memref<100352xf32, #tpu.memory_space<vmem_shared>> -> memref<100352xf32, #tpu.memory_space<vmem_shared>>
    tpu.wait_indirect_dma semaphore(%arg28 : memref<!tpu.dma_semaphore, #tpu.memory_space<semaphore_mem>>) src(%arg16 : memref<2048xf32, #tpu.memory_space<vmem>>) dst(%dma_wait3A_139 : memref<100352xf32, #tpu.memory_space<vmem_shared>>)
    %dma_wait3A_140 = arith.constant 0 : i32
    %dma_wait3A_141 = tpu.memref_slice %arg3[%dma_wait3A_140] : memref<6422528xi32, #tpu.memory_space<hbm>> -> memref<2048xi32, #tpu.memory_space<hbm>>
    %dma_wait3A_142 = arith.constant 0 : i32
    %dma_wait3A_143 = tpu.memref_slice %arg3[%dma_wait3A_142] : memref<6422528xi32, #tpu.memory_space<hbm>> -> memref<2048xi32, #tpu.memory_space<hbm>>
    tpu.wait_dma2 semaphore(%arg19 : memref<!tpu.dma_semaphore, #tpu.memory_space<semaphore_mem>>) src(%dma_wait3A_143 : memref<2048xi32, #tpu.memory_space<hbm>>) dst(%arg8 : memref<2048xi32, #tpu.memory_space<vmem>>)
    %dma_wait3A_144 = arith.constant 0 : i32
    %dma_wait3A_145 = tpu.memref_slice %arg3[%dma_wait3A_144] : memref<6422528xi32, #tpu.memory_space<hbm>> -> memref<2048xi32, #tpu.memory_space<hbm>>
    %dma_wait3A_146 = arith.constant 0 : i32
    %dma_wait3A_147 = tpu.memref_slice %arg3[%dma_wait3A_146] : memref<6422528xi32, #tpu.memory_space<hbm>> -> memref<2048xi32, #tpu.memory_space<hbm>>
    tpu.wait_dma2 semaphore(%arg20 : memref<!tpu.dma_semaphore, #tpu.memory_space<semaphore_mem>>) src(%dma_wait3A_147 : memref<2048xi32, #tpu.memory_space<hbm>>) dst(%arg9 : memref<2048xi32, #tpu.memory_space<vmem>>)
    %dma_wait3A_148 = arith.constant 0 : i32
    %dma_wait3A_149 = tpu.memref_slice %arg4[%dma_wait3A_148] : memref<6422528xi32, #tpu.memory_space<hbm>> -> memref<2048xi32, #tpu.memory_space<hbm>>
    %dma_wait3A_150 = arith.constant 0 : i32
    %dma_wait3A_151 = tpu.memref_slice %arg4[%dma_wait3A_150] : memref<6422528xi32, #tpu.memory_space<hbm>> -> memref<2048xi32, #tpu.memory_space<hbm>>
    tpu.wait_dma2 semaphore(%arg23 : memref<!tpu.dma_semaphore, #tpu.memory_space<semaphore_mem>>) src(%dma_wait3A_151 : memref<2048xi32, #tpu.memory_space<hbm>>) dst(%arg12 : memref<2048xi32, #tpu.memory_space<vmem>>)
    %dma_wait3A_152 = arith.constant 0 : i32
    %dma_wait3A_153 = tpu.memref_slice %arg4[%dma_wait3A_152] : memref<6422528xi32, #tpu.memory_space<hbm>> -> memref<2048xi32, #tpu.memory_space<hbm>>
    %dma_wait3A_154 = arith.constant 0 : i32
    %dma_wait3A_155 = tpu.memref_slice %arg4[%dma_wait3A_154] : memref<6422528xi32, #tpu.memory_space<hbm>> -> memref<2048xi32, #tpu.memory_space<hbm>>
    tpu.wait_dma2 semaphore(%arg24 : memref<!tpu.dma_semaphore, #tpu.memory_space<semaphore_mem>>) src(%dma_wait3A_155 : memref<2048xi32, #tpu.memory_space<hbm>>) dst(%arg13 : memref<2048xi32, #tpu.memory_space<vmem>>)
    %barrier3A_156 = arith.constant 0 : index
    tpu.barrier barrier_id(%barrier3A_156)
    %mul3A_157 = arith.constant 6272 : i32
    %mul3A_158 = arith.muli %arg1, %mul3A_157 : i32
    "tpu.region"() ({
      %run_scoped3A = tpu.sem_alloc : memref<!tpu.dma_semaphore, #tpu.memory_space<semaphore_mem>>
      %dma_start3A_159 = tpu.memref_slice %arg5[%arg0, %mul3A_158] : memref<2x100352xf32, #tpu.memory_space<hbm>> -> memref<1x6272xf32, #tpu.memory_space<hbm>>
      %dma_start3A_160 = tpu.memref_squeeze %dma_start3A_159 : memref<1x6272xf32, #tpu.memory_space<hbm>> -> memref<6272xf32, #tpu.memory_space<hbm>>
      %dma_start3A_161 = tpu.memref_slice %arg17[%mul3A_158] : memref<100352xf32, #tpu.memory_space<vmem_shared>> -> memref<6272xf32, #tpu.memory_space<vmem_shared>>
      tpu.enqueue_dma source(%dma_start3A_161 : memref<6272xf32, #tpu.memory_space<vmem_shared>>) target(%dma_start3A_160 : memref<6272xf32, #tpu.memory_space<hbm>>) target_semaphore(%run_scoped3A : memref<!tpu.dma_semaphore, #tpu.memory_space<semaphore_mem>>)
      %dma_wait3A_162 = tpu.memref_slice %arg5[%arg0, %mul3A_158] : memref<2x100352xf32, #tpu.memory_space<hbm>> -> memref<1x6272xf32, #tpu.memory_space<hbm>>
      %dma_wait3A_163 = tpu.memref_squeeze %dma_wait3A_162 : memref<1x6272xf32, #tpu.memory_space<hbm>> -> memref<6272xf32, #tpu.memory_space<hbm>>
      %dma_wait3A_164 = tpu.memref_slice %arg17[%mul3A_158] : memref<100352xf32, #tpu.memory_space<vmem_shared>> -> memref<6272xf32, #tpu.memory_space<vmem_shared>>
      tpu.wait_dma2 semaphore(%run_scoped3A : memref<!tpu.dma_semaphore, #tpu.memory_space<semaphore_mem>>) src(%dma_wait3A_164 : memref<6272xf32, #tpu.memory_space<vmem_shared>>) dst(%dma_wait3A_163 : memref<6272xf32, #tpu.memory_space<hbm>>)
      tpu.yield
    }) : () -> ()
    "tpu.region"() ({
      %run_scoped3A = tpu.sem_alloc : memref<!tpu.dma_semaphore, #tpu.memory_space<semaphore_mem>>
      %dma_start3A_159 = tpu.memref_slice %arg6[%arg0, %mul3A_158] : memref<2x100352xf32, #tpu.memory_space<hbm>> -> memref<1x6272xf32, #tpu.memory_space<hbm>>
      %dma_start3A_160 = tpu.memref_squeeze %dma_start3A_159 : memref<1x6272xf32, #tpu.memory_space<hbm>> -> memref<6272xf32, #tpu.memory_space<hbm>>
      %dma_start3A_161 = tpu.memref_slice %arg18[%mul3A_158] : memref<100352xf32, #tpu.memory_space<vmem_shared>> -> memref<6272xf32, #tpu.memory_space<vmem_shared>>
      tpu.enqueue_dma source(%dma_start3A_161 : memref<6272xf32, #tpu.memory_space<vmem_shared>>) target(%dma_start3A_160 : memref<6272xf32, #tpu.memory_space<hbm>>) target_semaphore(%run_scoped3A : memref<!tpu.dma_semaphore, #tpu.memory_space<semaphore_mem>>)
      %dma_wait3A_162 = tpu.memref_slice %arg6[%arg0, %mul3A_158] : memref<2x100352xf32, #tpu.memory_space<hbm>> -> memref<1x6272xf32, #tpu.memory_space<hbm>>
      %dma_wait3A_163 = tpu.memref_squeeze %dma_wait3A_162 : memref<1x6272xf32, #tpu.memory_space<hbm>> -> memref<6272xf32, #tpu.memory_space<hbm>>
      %dma_wait3A_164 = tpu.memref_slice %arg18[%mul3A_158] : memref<100352xf32, #tpu.memory_space<vmem_shared>> -> memref<6272xf32, #tpu.memory_space<vmem_shared>>
      tpu.wait_dma2 semaphore(%run_scoped3A : memref<!tpu.dma_semaphore, #tpu.memory_space<semaphore_mem>>) src(%dma_wait3A_164 : memref<6272xf32, #tpu.memory_space<vmem_shared>>) dst(%dma_wait3A_163 : memref<6272xf32, #tpu.memory_space<hbm>>)
      tpu.yield
    }) : () -> ()
    return
  }
}

#map = affine_map<(d0, d1) -> (0)>
#map1 = affine_map<(d0, d1) -> (0, 0)>
module attributes {stable_mosaic.version = 14 : i64} {
  func.func @_final(%arg0: i32, %arg1: i32, %arg2: memref<100352xf32, #tpu.memory_space<hbm>>, %arg3: memref<100352xf32, #tpu.memory_space<hbm>>, %arg4: memref<2x100352xf32, #tpu.memory_space<hbm>>, %arg5: memref<2x100352xf32, #tpu.memory_space<hbm>>, %arg6: memref<4x16xf32, #tpu.memory_space<hbm>>, %arg7: memref<100352xf32, #tpu.memory_space<hbm>>, %arg8: memref<3136xf32, #tpu.memory_space<vmem>>, %arg9: memref<3136xf32, #tpu.memory_space<vmem>>, %arg10: memref<3136xf32, #tpu.memory_space<vmem>>, %arg11: memref<3136xf32, #tpu.memory_space<vmem>>, %arg12: memref<3136xf32, #tpu.memory_space<vmem>>, %arg13: memref<3136xf32, #tpu.memory_space<vmem>>, %arg14: memref<3136xf32, #tpu.memory_space<vmem>>, %arg15: memref<4x16xf32, #tpu.memory_space<vmem>>) attributes {dimension_semantics = [#tpu.dimension_semantics<core_parallel>, #tpu.dimension_semantics<subcore_parallel>], iteration_bounds = array<i64: 2, 16>, scalar_prefetch = 0 : i64, scratch_operands = 8 : i64, tpu.core_type = #tpu.core_type<sc_vector_subcore>, window_params = [{transform_indices = #map}, {transform_indices = #map}, {transform_indices = #map1}, {transform_indices = #map1}, {transform_indices = #map1}, {transform_indices = #map}]} {
    %mul3A = arith.constant 16 : i32
    %mul3A_0 = arith.muli %arg0, %mul3A : i32
    %add3A = arith.addi %mul3A_0, %arg1 : i32
    %mul3A_1 = arith.constant 3136 : i32
    %mul3A_2 = arith.muli %add3A, %mul3A_1 : i32
    "tpu.region"() ({
      %run_scoped3A_28 = tpu.sem_alloc : memref<!tpu.dma_semaphore, #tpu.memory_space<semaphore_mem>>
      tpu.enqueue_dma source(%arg6 : memref<4x16xf32, #tpu.memory_space<hbm>>) target(%arg15 : memref<4x16xf32, #tpu.memory_space<vmem>>) target_semaphore(%run_scoped3A_28 : memref<!tpu.dma_semaphore, #tpu.memory_space<semaphore_mem>>)
      tpu.wait_dma2 semaphore(%run_scoped3A_28 : memref<!tpu.dma_semaphore, #tpu.memory_space<semaphore_mem>>) src(%arg6 : memref<4x16xf32, #tpu.memory_space<hbm>>) dst(%arg15 : memref<4x16xf32, #tpu.memory_space<vmem>>)
      tpu.yield
    }) : () -> ()
    "tpu.region"() ({
      %run_scoped3A_28 = tpu.sem_alloc : memref<!tpu.dma_semaphore, #tpu.memory_space<semaphore_mem>>
      %dma_start3A = tpu.memref_slice %arg2[%mul3A_2] : memref<100352xf32, #tpu.memory_space<hbm>> -> memref<3136xf32, #tpu.memory_space<hbm>>
      %dma_start3A_29 = tpu.memref_slice %arg2[%mul3A_2] : memref<100352xf32, #tpu.memory_space<hbm>> -> memref<3136xf32, #tpu.memory_space<hbm>>
      tpu.enqueue_dma source(%dma_start3A_29 : memref<3136xf32, #tpu.memory_space<hbm>>) target(%arg8 : memref<3136xf32, #tpu.memory_space<vmem>>) target_semaphore(%run_scoped3A_28 : memref<!tpu.dma_semaphore, #tpu.memory_space<semaphore_mem>>)
      %dma_wait3A = tpu.memref_slice %arg2[%mul3A_2] : memref<100352xf32, #tpu.memory_space<hbm>> -> memref<3136xf32, #tpu.memory_space<hbm>>
      %dma_wait3A_30 = tpu.memref_slice %arg2[%mul3A_2] : memref<100352xf32, #tpu.memory_space<hbm>> -> memref<3136xf32, #tpu.memory_space<hbm>>
      tpu.wait_dma2 semaphore(%run_scoped3A_28 : memref<!tpu.dma_semaphore, #tpu.memory_space<semaphore_mem>>) src(%dma_wait3A_30 : memref<3136xf32, #tpu.memory_space<hbm>>) dst(%arg8 : memref<3136xf32, #tpu.memory_space<vmem>>)
      tpu.yield
    }) : () -> ()
    "tpu.region"() ({
      %run_scoped3A_28 = tpu.sem_alloc : memref<!tpu.dma_semaphore, #tpu.memory_space<semaphore_mem>>
      %dma_start3A = tpu.memref_slice %arg3[%mul3A_2] : memref<100352xf32, #tpu.memory_space<hbm>> -> memref<3136xf32, #tpu.memory_space<hbm>>
      %dma_start3A_29 = tpu.memref_slice %arg3[%mul3A_2] : memref<100352xf32, #tpu.memory_space<hbm>> -> memref<3136xf32, #tpu.memory_space<hbm>>
      tpu.enqueue_dma source(%dma_start3A_29 : memref<3136xf32, #tpu.memory_space<hbm>>) target(%arg9 : memref<3136xf32, #tpu.memory_space<vmem>>) target_semaphore(%run_scoped3A_28 : memref<!tpu.dma_semaphore, #tpu.memory_space<semaphore_mem>>)
      %dma_wait3A = tpu.memref_slice %arg3[%mul3A_2] : memref<100352xf32, #tpu.memory_space<hbm>> -> memref<3136xf32, #tpu.memory_space<hbm>>
      %dma_wait3A_30 = tpu.memref_slice %arg3[%mul3A_2] : memref<100352xf32, #tpu.memory_space<hbm>> -> memref<3136xf32, #tpu.memory_space<hbm>>
      tpu.wait_dma2 semaphore(%run_scoped3A_28 : memref<!tpu.dma_semaphore, #tpu.memory_space<semaphore_mem>>) src(%dma_wait3A_30 : memref<3136xf32, #tpu.memory_space<hbm>>) dst(%arg9 : memref<3136xf32, #tpu.memory_space<vmem>>)
      tpu.yield
    }) : () -> ()
    %run_scoped3A = arith.constant 0 : i32
    "tpu.region"() ({
      %run_scoped3A_28 = tpu.sem_alloc : memref<!tpu.dma_semaphore, #tpu.memory_space<semaphore_mem>>
      %dma_start3A = tpu.memref_slice %arg4[%run_scoped3A, %mul3A_2] : memref<2x100352xf32, #tpu.memory_space<hbm>> -> memref<1x3136xf32, #tpu.memory_space<hbm>>
      %dma_start3A_29 = tpu.memref_squeeze %dma_start3A : memref<1x3136xf32, #tpu.memory_space<hbm>> -> memref<3136xf32, #tpu.memory_space<hbm>>
      %dma_start3A_30 = tpu.memref_slice %arg4[%run_scoped3A, %mul3A_2] : memref<2x100352xf32, #tpu.memory_space<hbm>> -> memref<1x3136xf32, #tpu.memory_space<hbm>>
      %dma_start3A_31 = tpu.memref_squeeze %dma_start3A_30 : memref<1x3136xf32, #tpu.memory_space<hbm>> -> memref<3136xf32, #tpu.memory_space<hbm>>
      tpu.enqueue_dma source(%dma_start3A_31 : memref<3136xf32, #tpu.memory_space<hbm>>) target(%arg10 : memref<3136xf32, #tpu.memory_space<vmem>>) target_semaphore(%run_scoped3A_28 : memref<!tpu.dma_semaphore, #tpu.memory_space<semaphore_mem>>)
      %dma_wait3A = tpu.memref_slice %arg4[%run_scoped3A, %mul3A_2] : memref<2x100352xf32, #tpu.memory_space<hbm>> -> memref<1x3136xf32, #tpu.memory_space<hbm>>
      %dma_wait3A_32 = tpu.memref_squeeze %dma_wait3A : memref<1x3136xf32, #tpu.memory_space<hbm>> -> memref<3136xf32, #tpu.memory_space<hbm>>
      %dma_wait3A_33 = tpu.memref_slice %arg4[%run_scoped3A, %mul3A_2] : memref<2x100352xf32, #tpu.memory_space<hbm>> -> memref<1x3136xf32, #tpu.memory_space<hbm>>
      %dma_wait3A_34 = tpu.memref_squeeze %dma_wait3A_33 : memref<1x3136xf32, #tpu.memory_space<hbm>> -> memref<3136xf32, #tpu.memory_space<hbm>>
      tpu.wait_dma2 semaphore(%run_scoped3A_28 : memref<!tpu.dma_semaphore, #tpu.memory_space<semaphore_mem>>) src(%dma_wait3A_34 : memref<3136xf32, #tpu.memory_space<hbm>>) dst(%arg10 : memref<3136xf32, #tpu.memory_space<vmem>>)
      tpu.yield
    }) : () -> ()
    %run_scoped3A_3 = arith.constant 1 : i32
    "tpu.region"() ({
      %run_scoped3A_28 = tpu.sem_alloc : memref<!tpu.dma_semaphore, #tpu.memory_space<semaphore_mem>>
      %dma_start3A = tpu.memref_slice %arg4[%run_scoped3A_3, %mul3A_2] : memref<2x100352xf32, #tpu.memory_space<hbm>> -> memref<1x3136xf32, #tpu.memory_space<hbm>>
      %dma_start3A_29 = tpu.memref_squeeze %dma_start3A : memref<1x3136xf32, #tpu.memory_space<hbm>> -> memref<3136xf32, #tpu.memory_space<hbm>>
      %dma_start3A_30 = tpu.memref_slice %arg4[%run_scoped3A_3, %mul3A_2] : memref<2x100352xf32, #tpu.memory_space<hbm>> -> memref<1x3136xf32, #tpu.memory_space<hbm>>
      %dma_start3A_31 = tpu.memref_squeeze %dma_start3A_30 : memref<1x3136xf32, #tpu.memory_space<hbm>> -> memref<3136xf32, #tpu.memory_space<hbm>>
      tpu.enqueue_dma source(%dma_start3A_31 : memref<3136xf32, #tpu.memory_space<hbm>>) target(%arg11 : memref<3136xf32, #tpu.memory_space<vmem>>) target_semaphore(%run_scoped3A_28 : memref<!tpu.dma_semaphore, #tpu.memory_space<semaphore_mem>>)
      %dma_wait3A = tpu.memref_slice %arg4[%run_scoped3A_3, %mul3A_2] : memref<2x100352xf32, #tpu.memory_space<hbm>> -> memref<1x3136xf32, #tpu.memory_space<hbm>>
      %dma_wait3A_32 = tpu.memref_squeeze %dma_wait3A : memref<1x3136xf32, #tpu.memory_space<hbm>> -> memref<3136xf32, #tpu.memory_space<hbm>>
      %dma_wait3A_33 = tpu.memref_slice %arg4[%run_scoped3A_3, %mul3A_2] : memref<2x100352xf32, #tpu.memory_space<hbm>> -> memref<1x3136xf32, #tpu.memory_space<hbm>>
      %dma_wait3A_34 = tpu.memref_squeeze %dma_wait3A_33 : memref<1x3136xf32, #tpu.memory_space<hbm>> -> memref<3136xf32, #tpu.memory_space<hbm>>
      tpu.wait_dma2 semaphore(%run_scoped3A_28 : memref<!tpu.dma_semaphore, #tpu.memory_space<semaphore_mem>>) src(%dma_wait3A_34 : memref<3136xf32, #tpu.memory_space<hbm>>) dst(%arg11 : memref<3136xf32, #tpu.memory_space<vmem>>)
      tpu.yield
    }) : () -> ()
    %run_scoped3A_4 = arith.constant 0 : i32
    "tpu.region"() ({
      %run_scoped3A_28 = tpu.sem_alloc : memref<!tpu.dma_semaphore, #tpu.memory_space<semaphore_mem>>
      %dma_start3A = tpu.memref_slice %arg5[%run_scoped3A_4, %mul3A_2] : memref<2x100352xf32, #tpu.memory_space<hbm>> -> memref<1x3136xf32, #tpu.memory_space<hbm>>
      %dma_start3A_29 = tpu.memref_squeeze %dma_start3A : memref<1x3136xf32, #tpu.memory_space<hbm>> -> memref<3136xf32, #tpu.memory_space<hbm>>
      %dma_start3A_30 = tpu.memref_slice %arg5[%run_scoped3A_4, %mul3A_2] : memref<2x100352xf32, #tpu.memory_space<hbm>> -> memref<1x3136xf32, #tpu.memory_space<hbm>>
      %dma_start3A_31 = tpu.memref_squeeze %dma_start3A_30 : memref<1x3136xf32, #tpu.memory_space<hbm>> -> memref<3136xf32, #tpu.memory_space<hbm>>
      tpu.enqueue_dma source(%dma_start3A_31 : memref<3136xf32, #tpu.memory_space<hbm>>) target(%arg12 : memref<3136xf32, #tpu.memory_space<vmem>>) target_semaphore(%run_scoped3A_28 : memref<!tpu.dma_semaphore, #tpu.memory_space<semaphore_mem>>)
      %dma_wait3A = tpu.memref_slice %arg5[%run_scoped3A_4, %mul3A_2] : memref<2x100352xf32, #tpu.memory_space<hbm>> -> memref<1x3136xf32, #tpu.memory_space<hbm>>
      %dma_wait3A_32 = tpu.memref_squeeze %dma_wait3A : memref<1x3136xf32, #tpu.memory_space<hbm>> -> memref<3136xf32, #tpu.memory_space<hbm>>
      %dma_wait3A_33 = tpu.memref_slice %arg5[%run_scoped3A_4, %mul3A_2] : memref<2x100352xf32, #tpu.memory_space<hbm>> -> memref<1x3136xf32, #tpu.memory_space<hbm>>
      %dma_wait3A_34 = tpu.memref_squeeze %dma_wait3A_33 : memref<1x3136xf32, #tpu.memory_space<hbm>> -> memref<3136xf32, #tpu.memory_space<hbm>>
      tpu.wait_dma2 semaphore(%run_scoped3A_28 : memref<!tpu.dma_semaphore, #tpu.memory_space<semaphore_mem>>) src(%dma_wait3A_34 : memref<3136xf32, #tpu.memory_space<hbm>>) dst(%arg12 : memref<3136xf32, #tpu.memory_space<vmem>>)
      tpu.yield
    }) : () -> ()
    %run_scoped3A_5 = arith.constant 1 : i32
    "tpu.region"() ({
      %run_scoped3A_28 = tpu.sem_alloc : memref<!tpu.dma_semaphore, #tpu.memory_space<semaphore_mem>>
      %dma_start3A = tpu.memref_slice %arg5[%run_scoped3A_5, %mul3A_2] : memref<2x100352xf32, #tpu.memory_space<hbm>> -> memref<1x3136xf32, #tpu.memory_space<hbm>>
      %dma_start3A_29 = tpu.memref_squeeze %dma_start3A : memref<1x3136xf32, #tpu.memory_space<hbm>> -> memref<3136xf32, #tpu.memory_space<hbm>>
      %dma_start3A_30 = tpu.memref_slice %arg5[%run_scoped3A_5, %mul3A_2] : memref<2x100352xf32, #tpu.memory_space<hbm>> -> memref<1x3136xf32, #tpu.memory_space<hbm>>
      %dma_start3A_31 = tpu.memref_squeeze %dma_start3A_30 : memref<1x3136xf32, #tpu.memory_space<hbm>> -> memref<3136xf32, #tpu.memory_space<hbm>>
      tpu.enqueue_dma source(%dma_start3A_31 : memref<3136xf32, #tpu.memory_space<hbm>>) target(%arg13 : memref<3136xf32, #tpu.memory_space<vmem>>) target_semaphore(%run_scoped3A_28 : memref<!tpu.dma_semaphore, #tpu.memory_space<semaphore_mem>>)
      %dma_wait3A = tpu.memref_slice %arg5[%run_scoped3A_5, %mul3A_2] : memref<2x100352xf32, #tpu.memory_space<hbm>> -> memref<1x3136xf32, #tpu.memory_space<hbm>>
      %dma_wait3A_32 = tpu.memref_squeeze %dma_wait3A : memref<1x3136xf32, #tpu.memory_space<hbm>> -> memref<3136xf32, #tpu.memory_space<hbm>>
      %dma_wait3A_33 = tpu.memref_slice %arg5[%run_scoped3A_5, %mul3A_2] : memref<2x100352xf32, #tpu.memory_space<hbm>> -> memref<1x3136xf32, #tpu.memory_space<hbm>>
      %dma_wait3A_34 = tpu.memref_squeeze %dma_wait3A_33 : memref<1x3136xf32, #tpu.memory_space<hbm>> -> memref<3136xf32, #tpu.memory_space<hbm>>
      tpu.wait_dma2 semaphore(%run_scoped3A_28 : memref<!tpu.dma_semaphore, #tpu.memory_space<semaphore_mem>>) src(%dma_wait3A_34 : memref<3136xf32, #tpu.memory_space<hbm>>) dst(%arg13 : memref<3136xf32, #tpu.memory_space<vmem>>)
      tpu.yield
    }) : () -> ()
    %get3A = arith.constant 0 : i32
    %get3A_6 = arith.index_cast %get3A : i32 to index
    %get3A_7 = arith.constant 0 : index
    %get3A_8 = tpu.vector_load %arg15[%get3A_6, %get3A_7] {strides = array<i32>} : memref<4x16xf32, #tpu.memory_space<vmem>>, vector<16xf32>,
    %get3A_9 = arith.constant 1 : i32
    %get3A_10 = arith.index_cast %get3A_9 : i32 to index
    %get3A_11 = arith.constant 0 : index
    %get3A_12 = tpu.vector_load %arg15[%get3A_10, %get3A_11] {strides = array<i32>} : memref<4x16xf32, #tpu.memory_space<vmem>>, vector<16xf32>,
    %get3A_13 = arith.constant 2 : i32
    %get3A_14 = arith.index_cast %get3A_13 : i32 to index
    %get3A_15 = arith.constant 0 : index
    %get3A_16 = tpu.vector_load %arg15[%get3A_14, %get3A_15] {strides = array<i32>} : memref<4x16xf32, #tpu.memory_space<vmem>>, vector<16xf32>,
    %get3A_17 = arith.constant 3 : i32
    %get3A_18 = arith.index_cast %get3A_17 : i32 to index
    %get3A_19 = arith.constant 0 : index
    %get3A_20 = tpu.vector_load %arg15[%get3A_18, %get3A_19] {strides = array<i32>} : memref<4x16xf32, #tpu.memory_space<vmem>>, vector<16xf32>,
    %broadcast_in_dim3A = arith.constant 1.000000e+00 : f32
    %broadcast_in_dim3A_21 = vector.broadcast %broadcast_in_dim3A : f32 to vector<16xf32>
    %scan3A = arith.constant 0 : i32
    %scan3A_22 = arith.constant 0 : i32
    %scan3A_23 = arith.constant 196 : i32
    %scan3A_24 = arith.addi %scan3A_22, %scan3A_23 : i32
    %scan3A_25 = arith.constant 1 : i32
    %scan3A_26 = scf.for %scan3A_28 = %scan3A_22 to %scan3A_24 step %scan3A_25 iter_args(%scan3A_29 = %scan3A) -> (i32)  : i32 {
      %mul3A_30 = arith.constant 16 : i32
      %mul3A_31 = arith.muli %scan3A_28, %mul3A_30 : i32
      %get3A_32 = arith.index_cast %mul3A_31 : i32 to index
      %get3A_33 = tpu.vector_load %arg10[%get3A_32] {strides = array<i32>} : memref<3136xf32, #tpu.memory_space<vmem>>, vector<16xf32>,
      %get3A_34 = arith.index_cast %mul3A_31 : i32 to index
      %get3A_35 = tpu.vector_load %arg11[%get3A_34] {strides = array<i32>} : memref<3136xf32, #tpu.memory_space<vmem>>, vector<16xf32>,
      %add3A_36 = arith.addf %get3A_33, %get3A_35 : vector<16xf32>
      %get3A_37 = arith.index_cast %mul3A_31 : i32 to index
      %get3A_38 = tpu.vector_load %arg12[%get3A_37] {strides = array<i32>} : memref<3136xf32, #tpu.memory_space<vmem>>, vector<16xf32>,
      %get3A_39 = arith.index_cast %mul3A_31 : i32 to index
      %get3A_40 = tpu.vector_load %arg13[%get3A_39] {strides = array<i32>} : memref<3136xf32, #tpu.memory_space<vmem>>, vector<16xf32>,
      %add3A_41 = arith.addf %get3A_38, %get3A_40 : vector<16xf32>
      %max3A = arith.maximumf %add3A_41, %broadcast_in_dim3A_21 : vector<16xf32>
      %div3A = arith.divf %add3A_36, %max3A : vector<16xf32>
      %mul3A_42 = arith.mulf %get3A_8, %div3A : vector<16xf32>
      %get3A_43 = arith.index_cast %mul3A_31 : i32 to index
      %get3A_44 = tpu.vector_load %arg9[%get3A_43] {strides = array<i32>} : memref<3136xf32, #tpu.memory_space<vmem>>, vector<16xf32>,
      %mul3A_45 = arith.mulf %get3A_12, %get3A_44 : vector<16xf32>
      %add3A_46 = arith.addf %mul3A_42, %mul3A_45 : vector<16xf32>
      %get3A_47 = arith.index_cast %mul3A_31 : i32 to index
      %get3A_48 = tpu.vector_load %arg8[%get3A_47] {strides = array<i32>} : memref<3136xf32, #tpu.memory_space<vmem>>, vector<16xf32>,
      %mul3A_49 = arith.mulf %get3A_16, %get3A_48 : vector<16xf32>
      %add3A_50 = arith.addf %add3A_46, %mul3A_49 : vector<16xf32>
      %add3A_51 = arith.addf %add3A_50, %get3A_20 : vector<16xf32>
      %swap3A = arith.index_cast %mul3A_31 : i32 to index
      %swap3A_52 = tpu.vector_load %arg14[%swap3A] {strides = array<i32>} : memref<3136xf32, #tpu.memory_space<vmem>>, vector<16xf32>,
      tpu.vector_store %arg14[%swap3A], %add3A_51 {strides = array<i32>} : memref<3136xf32, #tpu.memory_space<vmem>>, vector<16xf32>,
      %scan3A_53 = arith.constant 0 : i32
      scf.yield %scan3A_53 : i32
    }
    %scan3A_27 = arith.constant 196 : i32
    "tpu.region"() ({
      %run_scoped3A_28 = tpu.sem_alloc : memref<!tpu.dma_semaphore, #tpu.memory_space<semaphore_mem>>
      %dma_start3A = tpu.memref_slice %arg7[%mul3A_2] : memref<100352xf32, #tpu.memory_space<hbm>> -> memref<3136xf32, #tpu.memory_space<hbm>>
      %dma_start3A_29 = tpu.memref_slice %arg7[%mul3A_2] : memref<100352xf32, #tpu.memory_space<hbm>> -> memref<3136xf32, #tpu.memory_space<hbm>>
      tpu.enqueue_dma source(%arg14 : memref<3136xf32, #tpu.memory_space<vmem>>) target(%dma_start3A_29 : memref<3136xf32, #tpu.memory_space<hbm>>) target_semaphore(%run_scoped3A_28 : memref<!tpu.dma_semaphore, #tpu.memory_space<semaphore_mem>>)
      %dma_wait3A = tpu.memref_slice %arg7[%mul3A_2] : memref<100352xf32, #tpu.memory_space<hbm>> -> memref<3136xf32, #tpu.memory_space<hbm>>
      %dma_wait3A_30 = tpu.memref_slice %arg7[%mul3A_2] : memref<100352xf32, #tpu.memory_space<hbm>> -> memref<3136xf32, #tpu.memory_space<hbm>>
      tpu.wait_dma2 semaphore(%run_scoped3A_28 : memref<!tpu.dma_semaphore, #tpu.memory_space<semaphore_mem>>) src(%arg14 : memref<3136xf32, #tpu.memory_space<vmem>>) dst(%dma_wait3A_30 : memref<3136xf32, #tpu.memory_space<hbm>>)
      tpu.yield
    }) : () -> ()
    return
  }
}

#map = affine_map<(d0, d1) -> (0, 0)>
#map1 = affine_map<(d0, d1) -> (0)>
module attributes {stable_mosaic.version = 14 : i64} {
  func.func @_pass2(%arg0: i32, %arg1: i32, %arg2: memref<2x100352xf32, #tpu.memory_space<hbm>>, %arg3: memref<2x100352xf32, #tpu.memory_space<hbm>>, %arg4: memref<6422528xi32, #tpu.memory_space<hbm>>, %arg5: memref<6422528xi32, #tpu.memory_space<hbm>>, %arg6: memref<100352xf32, #tpu.memory_space<hbm>>, %arg7: memref<2x100352xf32, #tpu.memory_space<hbm>>, %arg8: memref<100000xf32, #tpu.memory_space<vmem>>, %arg9: memref<2048xi32, #tpu.memory_space<vmem>>, %arg10: memref<2048xi32, #tpu.memory_space<vmem>>, %arg11: memref<2048xi32, #tpu.memory_space<vmem>>, %arg12: memref<2048xi32, #tpu.memory_space<vmem>>, %arg13: memref<2048xi32, #tpu.memory_space<vmem>>, %arg14: memref<2048xi32, #tpu.memory_space<vmem>>, %arg15: memref<2048xf32, #tpu.memory_space<vmem>>, %arg16: memref<2048xf32, #tpu.memory_space<vmem>>, %arg17: memref<100352xf32, #tpu.memory_space<vmem_shared>>, %arg18: memref<100352xf32, #tpu.memory_space<vmem_shared>>, %arg19: memref<!tpu.dma_semaphore, #tpu.memory_space<semaphore_mem>>, %arg20: memref<!tpu.dma_semaphore, #tpu.memory_space<semaphore_mem>>, %arg21: memref<!tpu.dma_semaphore, #tpu.memory_space<semaphore_mem>>, %arg22: memref<!tpu.dma_semaphore, #tpu.memory_space<semaphore_mem>>, %arg23: memref<!tpu.dma_semaphore, #tpu.memory_space<semaphore_mem>>, %arg24: memref<!tpu.dma_semaphore, #tpu.memory_space<semaphore_mem>>, %arg25: memref<!tpu.dma_semaphore, #tpu.memory_space<semaphore_mem>>, %arg26: memref<!tpu.dma_semaphore, #tpu.memory_space<semaphore_mem>>) attributes {dimension_semantics = [#tpu.dimension_semantics<core_parallel>, #tpu.dimension_semantics<subcore_parallel>], iteration_bounds = array<i64: 2, 16>, scalar_prefetch = 0 : i64, scratch_operands = 19 : i64, tpu.core_type = #tpu.core_type<sc_vector_subcore>, window_params = [{transform_indices = #map}, {transform_indices = #map}, {transform_indices = #map1}, {transform_indices = #map1}, {transform_indices = #map1}, {transform_indices = #map}]} {
    %mul3A = arith.constant 16 : i32
    %mul3A_0 = arith.muli %arg0, %mul3A : i32
    %add3A = arith.addi %mul3A_0, %arg1 : i32
    %broadcast_in_dim3A = arith.constant 1.000000e+00 : f32
    %broadcast_in_dim3A_1 = vector.broadcast %broadcast_in_dim3A : f32 to vector<16xf32>
    %mul3A_2 = arith.constant 6272 : i32
    %mul3A_3 = arith.muli %arg1, %mul3A_2 : i32
    %add3A_4 = arith.constant 0 : i32
    %add3A_5 = arith.addi %mul3A_3, %add3A_4 : i32
    %run_scoped3A = arith.constant 0 : i32
    "tpu.region"() ({
      %run_scoped3A_250 = tpu.sem_alloc : memref<!tpu.dma_semaphore, #tpu.memory_space<semaphore_mem>>
      %dma_start3A_251 = arith.constant 0 : i32
      %dma_start3A_252 = tpu.memref_slice %arg15[%dma_start3A_251] : memref<2048xf32, #tpu.memory_space<vmem>> -> memref<896xf32, #tpu.memory_space<vmem>>
      %dma_start3A_253 = tpu.memref_slice %arg2[%run_scoped3A, %add3A_5] : memref<2x100352xf32, #tpu.memory_space<hbm>> -> memref<1x896xf32, #tpu.memory_space<hbm>>
      %dma_start3A_254 = tpu.memref_squeeze %dma_start3A_253 : memref<1x896xf32, #tpu.memory_space<hbm>> -> memref<896xf32, #tpu.memory_space<hbm>>
      %dma_start3A_255 = arith.constant 0 : i32
      %dma_start3A_256 = tpu.memref_slice %arg15[%dma_start3A_255] : memref<2048xf32, #tpu.memory_space<vmem>> -> memref<896xf32, #tpu.memory_space<vmem>>
      %dma_start3A_257 = tpu.memref_slice %arg2[%run_scoped3A, %add3A_5] : memref<2x100352xf32, #tpu.memory_space<hbm>> -> memref<1x896xf32, #tpu.memory_space<hbm>>
      %dma_start3A_258 = tpu.memref_squeeze %dma_start3A_257 : memref<1x896xf32, #tpu.memory_space<hbm>> -> memref<896xf32, #tpu.memory_space<hbm>>
      tpu.enqueue_dma source(%dma_start3A_258 : memref<896xf32, #tpu.memory_space<hbm>>) target(%dma_start3A_256 : memref<896xf32, #tpu.memory_space<vmem>>) target_semaphore(%run_scoped3A_250 : memref<!tpu.dma_semaphore, #tpu.memory_space<semaphore_mem>>)
      %dma_wait3A_259 = arith.constant 0 : i32
      %dma_wait3A_260 = tpu.memref_slice %arg15[%dma_wait3A_259] : memref<2048xf32, #tpu.memory_space<vmem>> -> memref<896xf32, #tpu.memory_space<vmem>>
      %dma_wait3A_261 = tpu.memref_slice %arg2[%run_scoped3A, %add3A_5] : memref<2x100352xf32, #tpu.memory_space<hbm>> -> memref<1x896xf32, #tpu.memory_space<hbm>>
      %dma_wait3A_262 = tpu.memref_squeeze %dma_wait3A_261 : memref<1x896xf32, #tpu.memory_space<hbm>> -> memref<896xf32, #tpu.memory_space<hbm>>
      %dma_wait3A_263 = arith.constant 0 : i32
      %dma_wait3A_264 = tpu.memref_slice %arg15[%dma_wait3A_263] : memref<2048xf32, #tpu.memory_space<vmem>> -> memref<896xf32, #tpu.memory_space<vmem>>
      %dma_wait3A_265 = tpu.memref_slice %arg2[%run_scoped3A, %add3A_5] : memref<2x100352xf32, #tpu.memory_space<hbm>> -> memref<1x896xf32, #tpu.memory_space<hbm>>
      %dma_wait3A_266 = tpu.memref_squeeze %dma_wait3A_265 : memref<1x896xf32, #tpu.memory_space<hbm>> -> memref<896xf32, #tpu.memory_space<hbm>>
      tpu.wait_dma2 semaphore(%run_scoped3A_250 : memref<!tpu.dma_semaphore, #tpu.memory_space<semaphore_mem>>) src(%dma_wait3A_266 : memref<896xf32, #tpu.memory_space<hbm>>) dst(%dma_wait3A_264 : memref<896xf32, #tpu.memory_space<vmem>>)
      tpu.yield
    }) : () -> ()
    %run_scoped3A_6 = arith.constant 1 : i32
    "tpu.region"() ({
      %run_scoped3A_250 = tpu.sem_alloc : memref<!tpu.dma_semaphore, #tpu.memory_space<semaphore_mem>>
      %dma_start3A_251 = arith.constant 896 : i32
      %dma_start3A_252 = tpu.memref_slice %arg15[%dma_start3A_251] : memref<2048xf32, #tpu.memory_space<vmem>> -> memref<896xf32, #tpu.memory_space<vmem>>
      %dma_start3A_253 = tpu.memref_slice %arg2[%run_scoped3A_6, %add3A_5] : memref<2x100352xf32, #tpu.memory_space<hbm>> -> memref<1x896xf32, #tpu.memory_space<hbm>>
      %dma_start3A_254 = tpu.memref_squeeze %dma_start3A_253 : memref<1x896xf32, #tpu.memory_space<hbm>> -> memref<896xf32, #tpu.memory_space<hbm>>
      %dma_start3A_255 = arith.constant 896 : i32
      %dma_start3A_256 = tpu.memref_slice %arg15[%dma_start3A_255] : memref<2048xf32, #tpu.memory_space<vmem>> -> memref<896xf32, #tpu.memory_space<vmem>>
      %dma_start3A_257 = tpu.memref_slice %arg2[%run_scoped3A_6, %add3A_5] : memref<2x100352xf32, #tpu.memory_space<hbm>> -> memref<1x896xf32, #tpu.memory_space<hbm>>
      %dma_start3A_258 = tpu.memref_squeeze %dma_start3A_257 : memref<1x896xf32, #tpu.memory_space<hbm>> -> memref<896xf32, #tpu.memory_space<hbm>>
      tpu.enqueue_dma source(%dma_start3A_258 : memref<896xf32, #tpu.memory_space<hbm>>) target(%dma_start3A_256 : memref<896xf32, #tpu.memory_space<vmem>>) target_semaphore(%run_scoped3A_250 : memref<!tpu.dma_semaphore, #tpu.memory_space<semaphore_mem>>)
      %dma_wait3A_259 = arith.constant 896 : i32
      %dma_wait3A_260 = tpu.memref_slice %arg15[%dma_wait3A_259] : memref<2048xf32, #tpu.memory_space<vmem>> -> memref<896xf32, #tpu.memory_space<vmem>>
      %dma_wait3A_261 = tpu.memref_slice %arg2[%run_scoped3A_6, %add3A_5] : memref<2x100352xf32, #tpu.memory_space<hbm>> -> memref<1x896xf32, #tpu.memory_space<hbm>>
      %dma_wait3A_262 = tpu.memref_squeeze %dma_wait3A_261 : memref<1x896xf32, #tpu.memory_space<hbm>> -> memref<896xf32, #tpu.memory_space<hbm>>
      %dma_wait3A_263 = arith.constant 896 : i32
      %dma_wait3A_264 = tpu.memref_slice %arg15[%dma_wait3A_263] : memref<2048xf32, #tpu.memory_space<vmem>> -> memref<896xf32, #tpu.memory_space<vmem>>
      %dma_wait3A_265 = tpu.memref_slice %arg2[%run_scoped3A_6, %add3A_5] : memref<2x100352xf32, #tpu.memory_space<hbm>> -> memref<1x896xf32, #tpu.memory_space<hbm>>
      %dma_wait3A_266 = tpu.memref_squeeze %dma_wait3A_265 : memref<1x896xf32, #tpu.memory_space<hbm>> -> memref<896xf32, #tpu.memory_space<hbm>>
      tpu.wait_dma2 semaphore(%run_scoped3A_250 : memref<!tpu.dma_semaphore, #tpu.memory_space<semaphore_mem>>) src(%dma_wait3A_266 : memref<896xf32, #tpu.memory_space<hbm>>) dst(%dma_wait3A_264 : memref<896xf32, #tpu.memory_space<vmem>>)
      tpu.yield
    }) : () -> ()
    %run_scoped3A_7 = arith.constant 0 : i32
    "tpu.region"() ({
      %run_scoped3A_250 = tpu.sem_alloc : memref<!tpu.dma_semaphore, #tpu.memory_space<semaphore_mem>>
      %dma_start3A_251 = arith.constant 0 : i32
      %dma_start3A_252 = tpu.memref_slice %arg16[%dma_start3A_251] : memref<2048xf32, #tpu.memory_space<vmem>> -> memref<896xf32, #tpu.memory_space<vmem>>
      %dma_start3A_253 = tpu.memref_slice %arg3[%run_scoped3A_7, %add3A_5] : memref<2x100352xf32, #tpu.memory_space<hbm>> -> memref<1x896xf32, #tpu.memory_space<hbm>>
      %dma_start3A_254 = tpu.memref_squeeze %dma_start3A_253 : memref<1x896xf32, #tpu.memory_space<hbm>> -> memref<896xf32, #tpu.memory_space<hbm>>
      %dma_start3A_255 = arith.constant 0 : i32
      %dma_start3A_256 = tpu.memref_slice %arg16[%dma_start3A_255] : memref<2048xf32, #tpu.memory_space<vmem>> -> memref<896xf32, #tpu.memory_space<vmem>>
      %dma_start3A_257 = tpu.memref_slice %arg3[%run_scoped3A_7, %add3A_5] : memref<2x100352xf32, #tpu.memory_space<hbm>> -> memref<1x896xf32, #tpu.memory_space<hbm>>
      %dma_start3A_258 = tpu.memref_squeeze %dma_start3A_257 : memref<1x896xf32, #tpu.memory_space<hbm>> -> memref<896xf32, #tpu.memory_space<hbm>>
      tpu.enqueue_dma source(%dma_start3A_258 : memref<896xf32, #tpu.memory_space<hbm>>) target(%dma_start3A_256 : memref<896xf32, #tpu.memory_space<vmem>>) target_semaphore(%run_scoped3A_250 : memref<!tpu.dma_semaphore, #tpu.memory_space<semaphore_mem>>)
      %dma_wait3A_259 = arith.constant 0 : i32
      %dma_wait3A_260 = tpu.memref_slice %arg16[%dma_wait3A_259] : memref<2048xf32, #tpu.memory_space<vmem>> -> memref<896xf32, #tpu.memory_space<vmem>>
      %dma_wait3A_261 = tpu.memref_slice %arg3[%run_scoped3A_7, %add3A_5] : memref<2x100352xf32, #tpu.memory_space<hbm>> -> memref<1x896xf32, #tpu.memory_space<hbm>>
      %dma_wait3A_262 = tpu.memref_squeeze %dma_wait3A_261 : memref<1x896xf32, #tpu.memory_space<hbm>> -> memref<896xf32, #tpu.memory_space<hbm>>
      %dma_wait3A_263 = arith.constant 0 : i32
      %dma_wait3A_264 = tpu.memref_slice %arg16[%dma_wait3A_263] : memref<2048xf32, #tpu.memory_space<vmem>> -> memref<896xf32, #tpu.memory_space<vmem>>
      %dma_wait3A_265 = tpu.memref_slice %arg3[%run_scoped3A_7, %add3A_5] : memref<2x100352xf32, #tpu.memory_space<hbm>> -> memref<1x896xf32, #tpu.memory_space<hbm>>
      %dma_wait3A_266 = tpu.memref_squeeze %dma_wait3A_265 : memref<1x896xf32, #tpu.memory_space<hbm>> -> memref<896xf32, #tpu.memory_space<hbm>>
      tpu.wait_dma2 semaphore(%run_scoped3A_250 : memref<!tpu.dma_semaphore, #tpu.memory_space<semaphore_mem>>) src(%dma_wait3A_266 : memref<896xf32, #tpu.memory_space<hbm>>) dst(%dma_wait3A_264 : memref<896xf32, #tpu.memory_space<vmem>>)
      tpu.yield
    }) : () -> ()
    %run_scoped3A_8 = arith.constant 1 : i32
    "tpu.region"() ({
      %run_scoped3A_250 = tpu.sem_alloc : memref<!tpu.dma_semaphore, #tpu.memory_space<semaphore_mem>>
      %dma_start3A_251 = arith.constant 896 : i32
      %dma_start3A_252 = tpu.memref_slice %arg16[%dma_start3A_251] : memref<2048xf32, #tpu.memory_space<vmem>> -> memref<896xf32, #tpu.memory_space<vmem>>
      %dma_start3A_253 = tpu.memref_slice %arg3[%run_scoped3A_8, %add3A_5] : memref<2x100352xf32, #tpu.memory_space<hbm>> -> memref<1x896xf32, #tpu.memory_space<hbm>>
      %dma_start3A_254 = tpu.memref_squeeze %dma_start3A_253 : memref<1x896xf32, #tpu.memory_space<hbm>> -> memref<896xf32, #tpu.memory_space<hbm>>
      %dma_start3A_255 = arith.constant 896 : i32
      %dma_start3A_256 = tpu.memref_slice %arg16[%dma_start3A_255] : memref<2048xf32, #tpu.memory_space<vmem>> -> memref<896xf32, #tpu.memory_space<vmem>>
      %dma_start3A_257 = tpu.memref_slice %arg3[%run_scoped3A_8, %add3A_5] : memref<2x100352xf32, #tpu.memory_space<hbm>> -> memref<1x896xf32, #tpu.memory_space<hbm>>
      %dma_start3A_258 = tpu.memref_squeeze %dma_start3A_257 : memref<1x896xf32, #tpu.memory_space<hbm>> -> memref<896xf32, #tpu.memory_space<hbm>>
      tpu.enqueue_dma source(%dma_start3A_258 : memref<896xf32, #tpu.memory_space<hbm>>) target(%dma_start3A_256 : memref<896xf32, #tpu.memory_space<vmem>>) target_semaphore(%run_scoped3A_250 : memref<!tpu.dma_semaphore, #tpu.memory_space<semaphore_mem>>)
      %dma_wait3A_259 = arith.constant 896 : i32
      %dma_wait3A_260 = tpu.memref_slice %arg16[%dma_wait3A_259] : memref<2048xf32, #tpu.memory_space<vmem>> -> memref<896xf32, #tpu.memory_space<vmem>>
      %dma_wait3A_261 = tpu.memref_slice %arg3[%run_scoped3A_8, %add3A_5] : memref<2x100352xf32, #tpu.memory_space<hbm>> -> memref<1x896xf32, #tpu.memory_space<hbm>>
      %dma_wait3A_262 = tpu.memref_squeeze %dma_wait3A_261 : memref<1x896xf32, #tpu.memory_space<hbm>> -> memref<896xf32, #tpu.memory_space<hbm>>
      %dma_wait3A_263 = arith.constant 896 : i32
      %dma_wait3A_264 = tpu.memref_slice %arg16[%dma_wait3A_263] : memref<2048xf32, #tpu.memory_space<vmem>> -> memref<896xf32, #tpu.memory_space<vmem>>
      %dma_wait3A_265 = tpu.memref_slice %arg3[%run_scoped3A_8, %add3A_5] : memref<2x100352xf32, #tpu.memory_space<hbm>> -> memref<1x896xf32, #tpu.memory_space<hbm>>
      %dma_wait3A_266 = tpu.memref_squeeze %dma_wait3A_265 : memref<1x896xf32, #tpu.memory_space<hbm>> -> memref<896xf32, #tpu.memory_space<hbm>>
      tpu.wait_dma2 semaphore(%run_scoped3A_250 : memref<!tpu.dma_semaphore, #tpu.memory_space<semaphore_mem>>) src(%dma_wait3A_266 : memref<896xf32, #tpu.memory_space<hbm>>) dst(%dma_wait3A_264 : memref<896xf32, #tpu.memory_space<vmem>>)
      tpu.yield
    }) : () -> ()
    %scan3A = arith.constant 0 : i32
    %scan3A_9 = arith.constant 0 : i32
    %scan3A_10 = arith.constant 56 : i32
    %scan3A_11 = arith.addi %scan3A_9, %scan3A_10 : i32
    %scan3A_12 = arith.constant 1 : i32
    %scan3A_13 = scf.for %scan3A_250 = %scan3A_9 to %scan3A_11 step %scan3A_12 iter_args(%scan3A_251 = %scan3A) -> (i32)  : i32 {
      %mul3A_252 = arith.constant 16 : i32
      %mul3A_253 = arith.muli %scan3A_250, %mul3A_252 : i32
      %mul3A_254 = arith.constant 16 : i32
      %mul3A_255 = arith.muli %scan3A_250, %mul3A_254 : i32
      %add3A_256 = arith.constant 896 : i32
      %add3A_257 = arith.addi %add3A_256, %mul3A_255 : i32
      %get3A = arith.index_cast %mul3A_253 : i32 to index
      %get3A_258 = tpu.vector_load %arg15[%get3A] {strides = array<i32>} : memref<2048xf32, #tpu.memory_space<vmem>>, vector<16xf32>,
      %get3A_259 = arith.index_cast %add3A_257 : i32 to index
      %get3A_260 = tpu.vector_load %arg15[%get3A_259] {strides = array<i32>} : memref<2048xf32, #tpu.memory_space<vmem>>, vector<16xf32>,
      %add3A_261 = arith.addf %get3A_258, %get3A_260 : vector<16xf32>
      %get3A_262 = arith.index_cast %mul3A_253 : i32 to index
      %get3A_263 = tpu.vector_load %arg16[%get3A_262] {strides = array<i32>} : memref<2048xf32, #tpu.memory_space<vmem>>, vector<16xf32>,
      %get3A_264 = arith.index_cast %add3A_257 : i32 to index
      %get3A_265 = tpu.vector_load %arg16[%get3A_264] {strides = array<i32>} : memref<2048xf32, #tpu.memory_space<vmem>>, vector<16xf32>,
      %add3A_266 = arith.addf %get3A_263, %get3A_265 : vector<16xf32>
      %max3A = arith.maximumf %add3A_266, %broadcast_in_dim3A_1 : vector<16xf32>
      %div3A = arith.divf %add3A_261, %max3A : vector<16xf32>
      %swap3A = arith.index_cast %mul3A_253 : i32 to index
      %swap3A_267 = tpu.vector_load %arg15[%swap3A] {strides = array<i32>} : memref<2048xf32, #tpu.memory_space<vmem>>, vector<16xf32>,
      tpu.vector_store %arg15[%swap3A], %div3A {strides = array<i32>} : memref<2048xf32, #tpu.memory_space<vmem>>, vector<16xf32>,
      %scan3A_268 = arith.constant 0 : i32
      scf.yield %scan3A_268 : i32
    }
    %scan3A_14 = arith.constant 56 : i32
    "tpu.region"() ({
      %run_scoped3A_250 = tpu.sem_alloc : memref<!tpu.dma_semaphore, #tpu.memory_space<semaphore_mem>>
      %dma_start3A_251 = arith.constant 0 : i32
      %dma_start3A_252 = tpu.memref_slice %arg15[%dma_start3A_251] : memref<2048xf32, #tpu.memory_space<vmem>> -> memref<896xf32, #tpu.memory_space<vmem>>
      %dma_start3A_253 = tpu.memref_slice %arg18[%add3A_5] : memref<100352xf32, #tpu.memory_space<vmem_shared>> -> memref<896xf32, #tpu.memory_space<vmem_shared>>
      %dma_start3A_254 = tpu.memref_slice %arg18[%add3A_5] : memref<100352xf32, #tpu.memory_space<vmem_shared>> -> memref<896xf32, #tpu.memory_space<vmem_shared>>
      %dma_start3A_255 = arith.constant 0 : i32
      %dma_start3A_256 = tpu.memref_slice %arg15[%dma_start3A_255] : memref<2048xf32, #tpu.memory_space<vmem>> -> memref<896xf32, #tpu.memory_space<vmem>>
      tpu.enqueue_dma source(%dma_start3A_256 : memref<896xf32, #tpu.memory_space<vmem>>) target(%dma_start3A_254 : memref<896xf32, #tpu.memory_space<vmem_shared>>) target_semaphore(%run_scoped3A_250 : memref<!tpu.dma_semaphore, #tpu.memory_space<semaphore_mem>>)
      %dma_wait3A_257 = arith.constant 0 : i32
      %dma_wait3A_258 = tpu.memref_slice %arg15[%dma_wait3A_257] : memref<2048xf32, #tpu.memory_space<vmem>> -> memref<896xf32, #tpu.memory_space<vmem>>
      %dma_wait3A_259 = tpu.memref_slice %arg18[%add3A_5] : memref<100352xf32, #tpu.memory_space<vmem_shared>> -> memref<896xf32, #tpu.memory_space<vmem_shared>>
      %dma_wait3A_260 = tpu.memref_slice %arg18[%add3A_5] : memref<100352xf32, #tpu.memory_space<vmem_shared>> -> memref<896xf32, #tpu.memory_space<vmem_shared>>
      %dma_wait3A_261 = arith.constant 0 : i32
      %dma_wait3A_262 = tpu.memref_slice %arg15[%dma_wait3A_261] : memref<2048xf32, #tpu.memory_space<vmem>> -> memref<896xf32, #tpu.memory_space<vmem>>
      tpu.wait_dma2 semaphore(%run_scoped3A_250 : memref<!tpu.dma_semaphore, #tpu.memory_space<semaphore_mem>>) src(%dma_wait3A_262 : memref<896xf32, #tpu.memory_space<vmem>>) dst(%dma_wait3A_260 : memref<896xf32, #tpu.memory_space<vmem_shared>>)
      tpu.yield
    }) : () -> ()
    %mul3A_15 = arith.constant 6272 : i32
    %mul3A_16 = arith.muli %arg1, %mul3A_15 : i32
    %add3A_17 = arith.constant 896 : i32
    %add3A_18 = arith.addi %mul3A_16, %add3A_17 : i32
    %run_scoped3A_19 = arith.constant 0 : i32
    "tpu.region"() ({
      %run_scoped3A_250 = tpu.sem_alloc : memref<!tpu.dma_semaphore, #tpu.memory_space<semaphore_mem>>
      %dma_start3A_251 = arith.constant 0 : i32
      %dma_start3A_252 = tpu.memref_slice %arg15[%dma_start3A_251] : memref<2048xf32, #tpu.memory_space<vmem>> -> memref<896xf32, #tpu.memory_space<vmem>>
      %dma_start3A_253 = tpu.memref_slice %arg2[%run_scoped3A_19, %add3A_18] : memref<2x100352xf32, #tpu.memory_space<hbm>> -> memref<1x896xf32, #tpu.memory_space<hbm>>
      %dma_start3A_254 = tpu.memref_squeeze %dma_start3A_253 : memref<1x896xf32, #tpu.memory_space<hbm>> -> memref<896xf32, #tpu.memory_space<hbm>>
      %dma_start3A_255 = arith.constant 0 : i32
      %dma_start3A_256 = tpu.memref_slice %arg15[%dma_start3A_255] : memref<2048xf32, #tpu.memory_space<vmem>> -> memref<896xf32, #tpu.memory_space<vmem>>
      %dma_start3A_257 = tpu.memref_slice %arg2[%run_scoped3A_19, %add3A_18] : memref<2x100352xf32, #tpu.memory_space<hbm>> -> memref<1x896xf32, #tpu.memory_space<hbm>>
      %dma_start3A_258 = tpu.memref_squeeze %dma_start3A_257 : memref<1x896xf32, #tpu.memory_space<hbm>> -> memref<896xf32, #tpu.memory_space<hbm>>
      tpu.enqueue_dma source(%dma_start3A_258 : memref<896xf32, #tpu.memory_space<hbm>>) target(%dma_start3A_256 : memref<896xf32, #tpu.memory_space<vmem>>) target_semaphore(%run_scoped3A_250 : memref<!tpu.dma_semaphore, #tpu.memory_space<semaphore_mem>>)
      %dma_wait3A_259 = arith.constant 0 : i32
      %dma_wait3A_260 = tpu.memref_slice %arg15[%dma_wait3A_259] : memref<2048xf32, #tpu.memory_space<vmem>> -> memref<896xf32, #tpu.memory_space<vmem>>
      %dma_wait3A_261 = tpu.memref_slice %arg2[%run_scoped3A_19, %add3A_18] : memref<2x100352xf32, #tpu.memory_space<hbm>> -> memref<1x896xf32, #tpu.memory_space<hbm>>
      %dma_wait3A_262 = tpu.memref_squeeze %dma_wait3A_261 : memref<1x896xf32, #tpu.memory_space<hbm>> -> memref<896xf32, #tpu.memory_space<hbm>>
      %dma_wait3A_263 = arith.constant 0 : i32
      %dma_wait3A_264 = tpu.memref_slice %arg15[%dma_wait3A_263] : memref<2048xf32, #tpu.memory_space<vmem>> -> memref<896xf32, #tpu.memory_space<vmem>>
      %dma_wait3A_265 = tpu.memref_slice %arg2[%run_scoped3A_19, %add3A_18] : memref<2x100352xf32, #tpu.memory_space<hbm>> -> memref<1x896xf32, #tpu.memory_space<hbm>>
      %dma_wait3A_266 = tpu.memref_squeeze %dma_wait3A_265 : memref<1x896xf32, #tpu.memory_space<hbm>> -> memref<896xf32, #tpu.memory_space<hbm>>
      tpu.wait_dma2 semaphore(%run_scoped3A_250 : memref<!tpu.dma_semaphore, #tpu.memory_space<semaphore_mem>>) src(%dma_wait3A_266 : memref<896xf32, #tpu.memory_space<hbm>>) dst(%dma_wait3A_264 : memref<896xf32, #tpu.memory_space<vmem>>)
      tpu.yield
    }) : () -> ()
    %run_scoped3A_20 = arith.constant 1 : i32
    "tpu.region"() ({
      %run_scoped3A_250 = tpu.sem_alloc : memref<!tpu.dma_semaphore, #tpu.memory_space<semaphore_mem>>
      %dma_start3A_251 = arith.constant 896 : i32
      %dma_start3A_252 = tpu.memref_slice %arg15[%dma_start3A_251] : memref<2048xf32, #tpu.memory_space<vmem>> -> memref<896xf32, #tpu.memory_space<vmem>>
      %dma_start3A_253 = tpu.memref_slice %arg2[%run_scoped3A_20, %add3A_18] : memref<2x100352xf32, #tpu.memory_space<hbm>> -> memref<1x896xf32, #tpu.memory_space<hbm>>
      %dma_start3A_254 = tpu.memref_squeeze %dma_start3A_253 : memref<1x896xf32, #tpu.memory_space<hbm>> -> memref<896xf32, #tpu.memory_space<hbm>>
      %dma_start3A_255 = arith.constant 896 : i32
      %dma_start3A_256 = tpu.memref_slice %arg15[%dma_start3A_255] : memref<2048xf32, #tpu.memory_space<vmem>> -> memref<896xf32, #tpu.memory_space<vmem>>
      %dma_start3A_257 = tpu.memref_slice %arg2[%run_scoped3A_20, %add3A_18] : memref<2x100352xf32, #tpu.memory_space<hbm>> -> memref<1x896xf32, #tpu.memory_space<hbm>>
      %dma_start3A_258 = tpu.memref_squeeze %dma_start3A_257 : memref<1x896xf32, #tpu.memory_space<hbm>> -> memref<896xf32, #tpu.memory_space<hbm>>
      tpu.enqueue_dma source(%dma_start3A_258 : memref<896xf32, #tpu.memory_space<hbm>>) target(%dma_start3A_256 : memref<896xf32, #tpu.memory_space<vmem>>) target_semaphore(%run_scoped3A_250 : memref<!tpu.dma_semaphore, #tpu.memory_space<semaphore_mem>>)
      %dma_wait3A_259 = arith.constant 896 : i32
      %dma_wait3A_260 = tpu.memref_slice %arg15[%dma_wait3A_259] : memref<2048xf32, #tpu.memory_space<vmem>> -> memref<896xf32, #tpu.memory_space<vmem>>
      %dma_wait3A_261 = tpu.memref_slice %arg2[%run_scoped3A_20, %add3A_18] : memref<2x100352xf32, #tpu.memory_space<hbm>> -> memref<1x896xf32, #tpu.memory_space<hbm>>
      %dma_wait3A_262 = tpu.memref_squeeze %dma_wait3A_261 : memref<1x896xf32, #tpu.memory_space<hbm>> -> memref<896xf32, #tpu.memory_space<hbm>>
      %dma_wait3A_263 = arith.constant 896 : i32
      %dma_wait3A_264 = tpu.memref_slice %arg15[%dma_wait3A_263] : memref<2048xf32, #tpu.memory_space<vmem>> -> memref<896xf32, #tpu.memory_space<vmem>>
      %dma_wait3A_265 = tpu.memref_slice %arg2[%run_scoped3A_20, %add3A_18] : memref<2x100352xf32, #tpu.memory_space<hbm>> -> memref<1x896xf32, #tpu.memory_space<hbm>>
      %dma_wait3A_266 = tpu.memref_squeeze %dma_wait3A_265 : memref<1x896xf32, #tpu.memory_space<hbm>> -> memref<896xf32, #tpu.memory_space<hbm>>
      tpu.wait_dma2 semaphore(%run_scoped3A_250 : memref<!tpu.dma_semaphore, #tpu.memory_space<semaphore_mem>>) src(%dma_wait3A_266 : memref<896xf32, #tpu.memory_space<hbm>>) dst(%dma_wait3A_264 : memref<896xf32, #tpu.memory_space<vmem>>)
      tpu.yield
    }) : () -> ()
    %run_scoped3A_21 = arith.constant 0 : i32
    "tpu.region"() ({
      %run_scoped3A_250 = tpu.sem_alloc : memref<!tpu.dma_semaphore, #tpu.memory_space<semaphore_mem>>
      %dma_start3A_251 = arith.constant 0 : i32
      %dma_start3A_252 = tpu.memref_slice %arg16[%dma_start3A_251] : memref<2048xf32, #tpu.memory_space<vmem>> -> memref<896xf32, #tpu.memory_space<vmem>>
      %dma_start3A_253 = tpu.memref_slice %arg3[%run_scoped3A_21, %add3A_18] : memref<2x100352xf32, #tpu.memory_space<hbm>> -> memref<1x896xf32, #tpu.memory_space<hbm>>
      %dma_start3A_254 = tpu.memref_squeeze %dma_start3A_253 : memref<1x896xf32, #tpu.memory_space<hbm>> -> memref<896xf32, #tpu.memory_space<hbm>>
      %dma_start3A_255 = arith.constant 0 : i32
      %dma_start3A_256 = tpu.memref_slice %arg16[%dma_start3A_255] : memref<2048xf32, #tpu.memory_space<vmem>> -> memref<896xf32, #tpu.memory_space<vmem>>
      %dma_start3A_257 = tpu.memref_slice %arg3[%run_scoped3A_21, %add3A_18] : memref<2x100352xf32, #tpu.memory_space<hbm>> -> memref<1x896xf32, #tpu.memory_space<hbm>>
      %dma_start3A_258 = tpu.memref_squeeze %dma_start3A_257 : memref<1x896xf32, #tpu.memory_space<hbm>> -> memref<896xf32, #tpu.memory_space<hbm>>
      tpu.enqueue_dma source(%dma_start3A_258 : memref<896xf32, #tpu.memory_space<hbm>>) target(%dma_start3A_256 : memref<896xf32, #tpu.memory_space<vmem>>) target_semaphore(%run_scoped3A_250 : memref<!tpu.dma_semaphore, #tpu.memory_space<semaphore_mem>>)
      %dma_wait3A_259 = arith.constant 0 : i32
      %dma_wait3A_260 = tpu.memref_slice %arg16[%dma_wait3A_259] : memref<2048xf32, #tpu.memory_space<vmem>> -> memref<896xf32, #tpu.memory_space<vmem>>
      %dma_wait3A_261 = tpu.memref_slice %arg3[%run_scoped3A_21, %add3A_18] : memref<2x100352xf32, #tpu.memory_space<hbm>> -> memref<1x896xf32, #tpu.memory_space<hbm>>
      %dma_wait3A_262 = tpu.memref_squeeze %dma_wait3A_261 : memref<1x896xf32, #tpu.memory_space<hbm>> -> memref<896xf32, #tpu.memory_space<hbm>>
      %dma_wait3A_263 = arith.constant 0 : i32
      %dma_wait3A_264 = tpu.memref_slice %arg16[%dma_wait3A_263] : memref<2048xf32, #tpu.memory_space<vmem>> -> memref<896xf32, #tpu.memory_space<vmem>>
      %dma_wait3A_265 = tpu.memref_slice %arg3[%run_scoped3A_21, %add3A_18] : memref<2x100352xf32, #tpu.memory_space<hbm>> -> memref<1x896xf32, #tpu.memory_space<hbm>>
      %dma_wait3A_266 = tpu.memref_squeeze %dma_wait3A_265 : memref<1x896xf32, #tpu.memory_space<hbm>> -> memref<896xf32, #tpu.memory_space<hbm>>
      tpu.wait_dma2 semaphore(%run_scoped3A_250 : memref<!tpu.dma_semaphore, #tpu.memory_space<semaphore_mem>>) src(%dma_wait3A_266 : memref<896xf32, #tpu.memory_space<hbm>>) dst(%dma_wait3A_264 : memref<896xf32, #tpu.memory_space<vmem>>)
      tpu.yield
    }) : () -> ()
    %run_scoped3A_22 = arith.constant 1 : i32
    "tpu.region"() ({
      %run_scoped3A_250 = tpu.sem_alloc : memref<!tpu.dma_semaphore, #tpu.memory_space<semaphore_mem>>
      %dma_start3A_251 = arith.constant 896 : i32
      %dma_start3A_252 = tpu.memref_slice %arg16[%dma_start3A_251] : memref<2048xf32, #tpu.memory_space<vmem>> -> memref<896xf32, #tpu.memory_space<vmem>>
      %dma_start3A_253 = tpu.memref_slice %arg3[%run_scoped3A_22, %add3A_18] : memref<2x100352xf32, #tpu.memory_space<hbm>> -> memref<1x896xf32, #tpu.memory_space<hbm>>
      %dma_start3A_254 = tpu.memref_squeeze %dma_start3A_253 : memref<1x896xf32, #tpu.memory_space<hbm>> -> memref<896xf32, #tpu.memory_space<hbm>>
      %dma_start3A_255 = arith.constant 896 : i32
      %dma_start3A_256 = tpu.memref_slice %arg16[%dma_start3A_255] : memref<2048xf32, #tpu.memory_space<vmem>> -> memref<896xf32, #tpu.memory_space<vmem>>
      %dma_start3A_257 = tpu.memref_slice %arg3[%run_scoped3A_22, %add3A_18] : memref<2x100352xf32, #tpu.memory_space<hbm>> -> memref<1x896xf32, #tpu.memory_space<hbm>>
      %dma_start3A_258 = tpu.memref_squeeze %dma_start3A_257 : memref<1x896xf32, #tpu.memory_space<hbm>> -> memref<896xf32, #tpu.memory_space<hbm>>
      tpu.enqueue_dma source(%dma_start3A_258 : memref<896xf32, #tpu.memory_space<hbm>>) target(%dma_start3A_256 : memref<896xf32, #tpu.memory_space<vmem>>) target_semaphore(%run_scoped3A_250 : memref<!tpu.dma_semaphore, #tpu.memory_space<semaphore_mem>>)
      %dma_wait3A_259 = arith.constant 896 : i32
      %dma_wait3A_260 = tpu.memref_slice %arg16[%dma_wait3A_259] : memref<2048xf32, #tpu.memory_space<vmem>> -> memref<896xf32, #tpu.memory_space<vmem>>
      %dma_wait3A_261 = tpu.memref_slice %arg3[%run_scoped3A_22, %add3A_18] : memref<2x100352xf32, #tpu.memory_space<hbm>> -> memref<1x896xf32, #tpu.memory_space<hbm>>
      %dma_wait3A_262 = tpu.memref_squeeze %dma_wait3A_261 : memref<1x896xf32, #tpu.memory_space<hbm>> -> memref<896xf32, #tpu.memory_space<hbm>>
      %dma_wait3A_263 = arith.constant 896 : i32
      %dma_wait3A_264 = tpu.memref_slice %arg16[%dma_wait3A_263] : memref<2048xf32, #tpu.memory_space<vmem>> -> memref<896xf32, #tpu.memory_space<vmem>>
      %dma_wait3A_265 = tpu.memref_slice %arg3[%run_scoped3A_22, %add3A_18] : memref<2x100352xf32, #tpu.memory_space<hbm>> -> memref<1x896xf32, #tpu.memory_space<hbm>>
      %dma_wait3A_266 = tpu.memref_squeeze %dma_wait3A_265 : memref<1x896xf32, #tpu.memory_space<hbm>> -> memref<896xf32, #tpu.memory_space<hbm>>
      tpu.wait_dma2 semaphore(%run_scoped3A_250 : memref<!tpu.dma_semaphore, #tpu.memory_space<semaphore_mem>>) src(%dma_wait3A_266 : memref<896xf32, #tpu.memory_space<hbm>>) dst(%dma_wait3A_264 : memref<896xf32, #tpu.memory_space<vmem>>)
      tpu.yield
    }) : () -> ()
    %scan3A_23 = arith.constant 0 : i32
    %scan3A_24 = arith.constant 0 : i32
    %scan3A_25 = arith.constant 56 : i32
    %scan3A_26 = arith.addi %scan3A_24, %scan3A_25 : i32
    %scan3A_27 = arith.constant 1 : i32
    %scan3A_28 = scf.for %scan3A_250 = %scan3A_24 to %scan3A_26 step %scan3A_27 iter_args(%scan3A_251 = %scan3A_23) -> (i32)  : i32 {
      %mul3A_252 = arith.constant 16 : i32
      %mul3A_253 = arith.muli %scan3A_250, %mul3A_252 : i32
      %mul3A_254 = arith.constant 16 : i32
      %mul3A_255 = arith.muli %scan3A_250, %mul3A_254 : i32
      %add3A_256 = arith.constant 896 : i32
      %add3A_257 = arith.addi %add3A_256, %mul3A_255 : i32
      %get3A = arith.index_cast %mul3A_253 : i32 to index
      %get3A_258 = tpu.vector_load %arg15[%get3A] {strides = array<i32>} : memref<2048xf32, #tpu.memory_space<vmem>>, vector<16xf32>,
      %get3A_259 = arith.index_cast %add3A_257 : i32 to index
      %get3A_260 = tpu.vector_load %arg15[%get3A_259] {strides = array<i32>} : memref<2048xf32, #tpu.memory_space<vmem>>, vector<16xf32>,
      %add3A_261 = arith.addf %get3A_258, %get3A_260 : vector<16xf32>
      %get3A_262 = arith.index_cast %mul3A_253 : i32 to index
      %get3A_263 = tpu.vector_load %arg16[%get3A_262] {strides = array<i32>} : memref<2048xf32, #tpu.memory_space<vmem>>, vector<16xf32>,
      %get3A_264 = arith.index_cast %add3A_257 : i32 to index
      %get3A_265 = tpu.vector_load %arg16[%get3A_264] {strides = array<i32>} : memref<2048xf32, #tpu.memory_space<vmem>>, vector<16xf32>,
      %add3A_266 = arith.addf %get3A_263, %get3A_265 : vector<16xf32>
      %max3A = arith.maximumf %add3A_266, %broadcast_in_dim3A_1 : vector<16xf32>
      %div3A = arith.divf %add3A_261, %max3A : vector<16xf32>
      %swap3A = arith.index_cast %mul3A_253 : i32 to index
      %swap3A_267 = tpu.vector_load %arg15[%swap3A] {strides = array<i32>} : memref<2048xf32, #tpu.memory_space<vmem>>, vector<16xf32>,
      tpu.vector_store %arg15[%swap3A], %div3A {strides = array<i32>} : memref<2048xf32, #tpu.memory_space<vmem>>, vector<16xf32>,
      %scan3A_268 = arith.constant 0 : i32
      scf.yield %scan3A_268 : i32
    }
    %scan3A_29 = arith.constant 56 : i32
    "tpu.region"() ({
      %run_scoped3A_250 = tpu.sem_alloc : memref<!tpu.dma_semaphore, #tpu.memory_space<semaphore_mem>>
      %dma_start3A_251 = arith.constant 0 : i32
      %dma_start3A_252 = tpu.memref_slice %arg15[%dma_start3A_251] : memref<2048xf32, #tpu.memory_space<vmem>> -> memref<896xf32, #tpu.memory_space<vmem>>
      %dma_start3A_253 = tpu.memref_slice %arg18[%add3A_18] : memref<100352xf32, #tpu.memory_space<vmem_shared>> -> memref<896xf32, #tpu.memory_space<vmem_shared>>
      %dma_start3A_254 = tpu.memref_slice %arg18[%add3A_18] : memref<100352xf32, #tpu.memory_space<vmem_shared>> -> memref<896xf32, #tpu.memory_space<vmem_shared>>
      %dma_start3A_255 = arith.constant 0 : i32
      %dma_start3A_256 = tpu.memref_slice %arg15[%dma_start3A_255] : memref<2048xf32, #tpu.memory_space<vmem>> -> memref<896xf32, #tpu.memory_space<vmem>>
      tpu.enqueue_dma source(%dma_start3A_256 : memref<896xf32, #tpu.memory_space<vmem>>) target(%dma_start3A_254 : memref<896xf32, #tpu.memory_space<vmem_shared>>) target_semaphore(%run_scoped3A_250 : memref<!tpu.dma_semaphore, #tpu.memory_space<semaphore_mem>>)
      %dma_wait3A_257 = arith.constant 0 : i32
      %dma_wait3A_258 = tpu.memref_slice %arg15[%dma_wait3A_257] : memref<2048xf32, #tpu.memory_space<vmem>> -> memref<896xf32, #tpu.memory_space<vmem>>
      %dma_wait3A_259 = tpu.memref_slice %arg18[%add3A_18] : memref<100352xf32, #tpu.memory_space<vmem_shared>> -> memref<896xf32, #tpu.memory_space<vmem_shared>>
      %dma_wait3A_260 = tpu.memref_slice %arg18[%add3A_18] : memref<100352xf32, #tpu.memory_space<vmem_shared>> -> memref<896xf32, #tpu.memory_space<vmem_shared>>
      %dma_wait3A_261 = arith.constant 0 : i32
      %dma_wait3A_262 = tpu.memref_slice %arg15[%dma_wait3A_261] : memref<2048xf32, #tpu.memory_space<vmem>> -> memref<896xf32, #tpu.memory_space<vmem>>
      tpu.wait_dma2 semaphore(%run_scoped3A_250 : memref<!tpu.dma_semaphore, #tpu.memory_space<semaphore_mem>>) src(%dma_wait3A_262 : memref<896xf32, #tpu.memory_space<vmem>>) dst(%dma_wait3A_260 : memref<896xf32, #tpu.memory_space<vmem_shared>>)
      tpu.yield
    }) : () -> ()
    %mul3A_30 = arith.constant 6272 : i32
    %mul3A_31 = arith.muli %arg1, %mul3A_30 : i32
    %add3A_32 = arith.constant 1792 : i32
    %add3A_33 = arith.addi %mul3A_31, %add3A_32 : i32
    %run_scoped3A_34 = arith.constant 0 : i32
    "tpu.region"() ({
      %run_scoped3A_250 = tpu.sem_alloc : memref<!tpu.dma_semaphore, #tpu.memory_space<semaphore_mem>>
      %dma_start3A_251 = arith.constant 0 : i32
      %dma_start3A_252 = tpu.memref_slice %arg15[%dma_start3A_251] : memref<2048xf32, #tpu.memory_space<vmem>> -> memref<896xf32, #tpu.memory_space<vmem>>
      %dma_start3A_253 = tpu.memref_slice %arg2[%run_scoped3A_34, %add3A_33] : memref<2x100352xf32, #tpu.memory_space<hbm>> -> memref<1x896xf32, #tpu.memory_space<hbm>>
      %dma_start3A_254 = tpu.memref_squeeze %dma_start3A_253 : memref<1x896xf32, #tpu.memory_space<hbm>> -> memref<896xf32, #tpu.memory_space<hbm>>
      %dma_start3A_255 = arith.constant 0 : i32
      %dma_start3A_256 = tpu.memref_slice %arg15[%dma_start3A_255] : memref<2048xf32, #tpu.memory_space<vmem>> -> memref<896xf32, #tpu.memory_space<vmem>>
      %dma_start3A_257 = tpu.memref_slice %arg2[%run_scoped3A_34, %add3A_33] : memref<2x100352xf32, #tpu.memory_space<hbm>> -> memref<1x896xf32, #tpu.memory_space<hbm>>
      %dma_start3A_258 = tpu.memref_squeeze %dma_start3A_257 : memref<1x896xf32, #tpu.memory_space<hbm>> -> memref<896xf32, #tpu.memory_space<hbm>>
      tpu.enqueue_dma source(%dma_start3A_258 : memref<896xf32, #tpu.memory_space<hbm>>) target(%dma_start3A_256 : memref<896xf32, #tpu.memory_space<vmem>>) target_semaphore(%run_scoped3A_250 : memref<!tpu.dma_semaphore, #tpu.memory_space<semaphore_mem>>)
      %dma_wait3A_259 = arith.constant 0 : i32
      %dma_wait3A_260 = tpu.memref_slice %arg15[%dma_wait3A_259] : memref<2048xf32, #tpu.memory_space<vmem>> -> memref<896xf32, #tpu.memory_space<vmem>>
      %dma_wait3A_261 = tpu.memref_slice %arg2[%run_scoped3A_34, %add3A_33] : memref<2x100352xf32, #tpu.memory_space<hbm>> -> memref<1x896xf32, #tpu.memory_space<hbm>>
      %dma_wait3A_262 = tpu.memref_squeeze %dma_wait3A_261 : memref<1x896xf32, #tpu.memory_space<hbm>> -> memref<896xf32, #tpu.memory_space<hbm>>
      %dma_wait3A_263 = arith.constant 0 : i32
      %dma_wait3A_264 = tpu.memref_slice %arg15[%dma_wait3A_263] : memref<2048xf32, #tpu.memory_space<vmem>> -> memref<896xf32, #tpu.memory_space<vmem>>
      %dma_wait3A_265 = tpu.memref_slice %arg2[%run_scoped3A_34, %add3A_33] : memref<2x100352xf32, #tpu.memory_space<hbm>> -> memref<1x896xf32, #tpu.memory_space<hbm>>
      %dma_wait3A_266 = tpu.memref_squeeze %dma_wait3A_265 : memref<1x896xf32, #tpu.memory_space<hbm>> -> memref<896xf32, #tpu.memory_space<hbm>>
      tpu.wait_dma2 semaphore(%run_scoped3A_250 : memref<!tpu.dma_semaphore, #tpu.memory_space<semaphore_mem>>) src(%dma_wait3A_266 : memref<896xf32, #tpu.memory_space<hbm>>) dst(%dma_wait3A_264 : memref<896xf32, #tpu.memory_space<vmem>>)
      tpu.yield
    }) : () -> ()
    %run_scoped3A_35 = arith.constant 1 : i32
    "tpu.region"() ({
      %run_scoped3A_250 = tpu.sem_alloc : memref<!tpu.dma_semaphore, #tpu.memory_space<semaphore_mem>>
      %dma_start3A_251 = arith.constant 896 : i32
      %dma_start3A_252 = tpu.memref_slice %arg15[%dma_start3A_251] : memref<2048xf32, #tpu.memory_space<vmem>> -> memref<896xf32, #tpu.memory_space<vmem>>
      %dma_start3A_253 = tpu.memref_slice %arg2[%run_scoped3A_35, %add3A_33] : memref<2x100352xf32, #tpu.memory_space<hbm>> -> memref<1x896xf32, #tpu.memory_space<hbm>>
      %dma_start3A_254 = tpu.memref_squeeze %dma_start3A_253 : memref<1x896xf32, #tpu.memory_space<hbm>> -> memref<896xf32, #tpu.memory_space<hbm>>
      %dma_start3A_255 = arith.constant 896 : i32
      %dma_start3A_256 = tpu.memref_slice %arg15[%dma_start3A_255] : memref<2048xf32, #tpu.memory_space<vmem>> -> memref<896xf32, #tpu.memory_space<vmem>>
      %dma_start3A_257 = tpu.memref_slice %arg2[%run_scoped3A_35, %add3A_33] : memref<2x100352xf32, #tpu.memory_space<hbm>> -> memref<1x896xf32, #tpu.memory_space<hbm>>
      %dma_start3A_258 = tpu.memref_squeeze %dma_start3A_257 : memref<1x896xf32, #tpu.memory_space<hbm>> -> memref<896xf32, #tpu.memory_space<hbm>>
      tpu.enqueue_dma source(%dma_start3A_258 : memref<896xf32, #tpu.memory_space<hbm>>) target(%dma_start3A_256 : memref<896xf32, #tpu.memory_space<vmem>>) target_semaphore(%run_scoped3A_250 : memref<!tpu.dma_semaphore, #tpu.memory_space<semaphore_mem>>)
      %dma_wait3A_259 = arith.constant 896 : i32
      %dma_wait3A_260 = tpu.memref_slice %arg15[%dma_wait3A_259] : memref<2048xf32, #tpu.memory_space<vmem>> -> memref<896xf32, #tpu.memory_space<vmem>>
      %dma_wait3A_261 = tpu.memref_slice %arg2[%run_scoped3A_35, %add3A_33] : memref<2x100352xf32, #tpu.memory_space<hbm>> -> memref<1x896xf32, #tpu.memory_space<hbm>>
      %dma_wait3A_262 = tpu.memref_squeeze %dma_wait3A_261 : memref<1x896xf32, #tpu.memory_space<hbm>> -> memref<896xf32, #tpu.memory_space<hbm>>
      %dma_wait3A_263 = arith.constant 896 : i32
      %dma_wait3A_264 = tpu.memref_slice %arg15[%dma_wait3A_263] : memref<2048xf32, #tpu.memory_space<vmem>> -> memref<896xf32, #tpu.memory_space<vmem>>
      %dma_wait3A_265 = tpu.memref_slice %arg2[%run_scoped3A_35, %add3A_33] : memref<2x100352xf32, #tpu.memory_space<hbm>> -> memref<1x896xf32, #tpu.memory_space<hbm>>
      %dma_wait3A_266 = tpu.memref_squeeze %dma_wait3A_265 : memref<1x896xf32, #tpu.memory_space<hbm>> -> memref<896xf32, #tpu.memory_space<hbm>>
      tpu.wait_dma2 semaphore(%run_scoped3A_250 : memref<!tpu.dma_semaphore, #tpu.memory_space<semaphore_mem>>) src(%dma_wait3A_266 : memref<896xf32, #tpu.memory_space<hbm>>) dst(%dma_wait3A_264 : memref<896xf32, #tpu.memory_space<vmem>>)
      tpu.yield
    }) : () -> ()
    %run_scoped3A_36 = arith.constant 0 : i32
    "tpu.region"() ({
      %run_scoped3A_250 = tpu.sem_alloc : memref<!tpu.dma_semaphore, #tpu.memory_space<semaphore_mem>>
      %dma_start3A_251 = arith.constant 0 : i32
      %dma_start3A_252 = tpu.memref_slice %arg16[%dma_start3A_251] : memref<2048xf32, #tpu.memory_space<vmem>> -> memref<896xf32, #tpu.memory_space<vmem>>
      %dma_start3A_253 = tpu.memref_slice %arg3[%run_scoped3A_36, %add3A_33] : memref<2x100352xf32, #tpu.memory_space<hbm>> -> memref<1x896xf32, #tpu.memory_space<hbm>>
      %dma_start3A_254 = tpu.memref_squeeze %dma_start3A_253 : memref<1x896xf32, #tpu.memory_space<hbm>> -> memref<896xf32, #tpu.memory_space<hbm>>
      %dma_start3A_255 = arith.constant 0 : i32
      %dma_start3A_256 = tpu.memref_slice %arg16[%dma_start3A_255] : memref<2048xf32, #tpu.memory_space<vmem>> -> memref<896xf32, #tpu.memory_space<vmem>>
      %dma_start3A_257 = tpu.memref_slice %arg3[%run_scoped3A_36, %add3A_33] : memref<2x100352xf32, #tpu.memory_space<hbm>> -> memref<1x896xf32, #tpu.memory_space<hbm>>
      %dma_start3A_258 = tpu.memref_squeeze %dma_start3A_257 : memref<1x896xf32, #tpu.memory_space<hbm>> -> memref<896xf32, #tpu.memory_space<hbm>>
      tpu.enqueue_dma source(%dma_start3A_258 : memref<896xf32, #tpu.memory_space<hbm>>) target(%dma_start3A_256 : memref<896xf32, #tpu.memory_space<vmem>>) target_semaphore(%run_scoped3A_250 : memref<!tpu.dma_semaphore, #tpu.memory_space<semaphore_mem>>)
      %dma_wait3A_259 = arith.constant 0 : i32
      %dma_wait3A_260 = tpu.memref_slice %arg16[%dma_wait3A_259] : memref<2048xf32, #tpu.memory_space<vmem>> -> memref<896xf32, #tpu.memory_space<vmem>>
      %dma_wait3A_261 = tpu.memref_slice %arg3[%run_scoped3A_36, %add3A_33] : memref<2x100352xf32, #tpu.memory_space<hbm>> -> memref<1x896xf32, #tpu.memory_space<hbm>>
      %dma_wait3A_262 = tpu.memref_squeeze %dma_wait3A_261 : memref<1x896xf32, #tpu.memory_space<hbm>> -> memref<896xf32, #tpu.memory_space<hbm>>
      %dma_wait3A_263 = arith.constant 0 : i32
      %dma_wait3A_264 = tpu.memref_slice %arg16[%dma_wait3A_263] : memref<2048xf32, #tpu.memory_space<vmem>> -> memref<896xf32, #tpu.memory_space<vmem>>
      %dma_wait3A_265 = tpu.memref_slice %arg3[%run_scoped3A_36, %add3A_33] : memref<2x100352xf32, #tpu.memory_space<hbm>> -> memref<1x896xf32, #tpu.memory_space<hbm>>
      %dma_wait3A_266 = tpu.memref_squeeze %dma_wait3A_265 : memref<1x896xf32, #tpu.memory_space<hbm>> -> memref<896xf32, #tpu.memory_space<hbm>>
      tpu.wait_dma2 semaphore(%run_scoped3A_250 : memref<!tpu.dma_semaphore, #tpu.memory_space<semaphore_mem>>) src(%dma_wait3A_266 : memref<896xf32, #tpu.memory_space<hbm>>) dst(%dma_wait3A_264 : memref<896xf32, #tpu.memory_space<vmem>>)
      tpu.yield
    }) : () -> ()
    %run_scoped3A_37 = arith.constant 1 : i32
    "tpu.region"() ({
      %run_scoped3A_250 = tpu.sem_alloc : memref<!tpu.dma_semaphore, #tpu.memory_space<semaphore_mem>>
      %dma_start3A_251 = arith.constant 896 : i32
      %dma_start3A_252 = tpu.memref_slice %arg16[%dma_start3A_251] : memref<2048xf32, #tpu.memory_space<vmem>> -> memref<896xf32, #tpu.memory_space<vmem>>
      %dma_start3A_253 = tpu.memref_slice %arg3[%run_scoped3A_37, %add3A_33] : memref<2x100352xf32, #tpu.memory_space<hbm>> -> memref<1x896xf32, #tpu.memory_space<hbm>>
      %dma_start3A_254 = tpu.memref_squeeze %dma_start3A_253 : memref<1x896xf32, #tpu.memory_space<hbm>> -> memref<896xf32, #tpu.memory_space<hbm>>
      %dma_start3A_255 = arith.constant 896 : i32
      %dma_start3A_256 = tpu.memref_slice %arg16[%dma_start3A_255] : memref<2048xf32, #tpu.memory_space<vmem>> -> memref<896xf32, #tpu.memory_space<vmem>>
      %dma_start3A_257 = tpu.memref_slice %arg3[%run_scoped3A_37, %add3A_33] : memref<2x100352xf32, #tpu.memory_space<hbm>> -> memref<1x896xf32, #tpu.memory_space<hbm>>
      %dma_start3A_258 = tpu.memref_squeeze %dma_start3A_257 : memref<1x896xf32, #tpu.memory_space<hbm>> -> memref<896xf32, #tpu.memory_space<hbm>>
      tpu.enqueue_dma source(%dma_start3A_258 : memref<896xf32, #tpu.memory_space<hbm>>) target(%dma_start3A_256 : memref<896xf32, #tpu.memory_space<vmem>>) target_semaphore(%run_scoped3A_250 : memref<!tpu.dma_semaphore, #tpu.memory_space<semaphore_mem>>)
      %dma_wait3A_259 = arith.constant 896 : i32
      %dma_wait3A_260 = tpu.memref_slice %arg16[%dma_wait3A_259] : memref<2048xf32, #tpu.memory_space<vmem>> -> memref<896xf32, #tpu.memory_space<vmem>>
      %dma_wait3A_261 = tpu.memref_slice %arg3[%run_scoped3A_37, %add3A_33] : memref<2x100352xf32, #tpu.memory_space<hbm>> -> memref<1x896xf32, #tpu.memory_space<hbm>>
      %dma_wait3A_262 = tpu.memref_squeeze %dma_wait3A_261 : memref<1x896xf32, #tpu.memory_space<hbm>> -> memref<896xf32, #tpu.memory_space<hbm>>
      %dma_wait3A_263 = arith.constant 896 : i32
      %dma_wait3A_264 = tpu.memref_slice %arg16[%dma_wait3A_263] : memref<2048xf32, #tpu.memory_space<vmem>> -> memref<896xf32, #tpu.memory_space<vmem>>
      %dma_wait3A_265 = tpu.memref_slice %arg3[%run_scoped3A_37, %add3A_33] : memref<2x100352xf32, #tpu.memory_space<hbm>> -> memref<1x896xf32, #tpu.memory_space<hbm>>
      %dma_wait3A_266 = tpu.memref_squeeze %dma_wait3A_265 : memref<1x896xf32, #tpu.memory_space<hbm>> -> memref<896xf32, #tpu.memory_space<hbm>>
      tpu.wait_dma2 semaphore(%run_scoped3A_250 : memref<!tpu.dma_semaphore, #tpu.memory_space<semaphore_mem>>) src(%dma_wait3A_266 : memref<896xf32, #tpu.memory_space<hbm>>) dst(%dma_wait3A_264 : memref<896xf32, #tpu.memory_space<vmem>>)
      tpu.yield
    }) : () -> ()
    %scan3A_38 = arith.constant 0 : i32
    %scan3A_39 = arith.constant 0 : i32
    %scan3A_40 = arith.constant 56 : i32
    %scan3A_41 = arith.addi %scan3A_39, %scan3A_40 : i32
    %scan3A_42 = arith.constant 1 : i32
    %scan3A_43 = scf.for %scan3A_250 = %scan3A_39 to %scan3A_41 step %scan3A_42 iter_args(%scan3A_251 = %scan3A_38) -> (i32)  : i32 {
      %mul3A_252 = arith.constant 16 : i32
      %mul3A_253 = arith.muli %scan3A_250, %mul3A_252 : i32
      %mul3A_254 = arith.constant 16 : i32
      %mul3A_255 = arith.muli %scan3A_250, %mul3A_254 : i32
      %add3A_256 = arith.constant 896 : i32
      %add3A_257 = arith.addi %add3A_256, %mul3A_255 : i32
      %get3A = arith.index_cast %mul3A_253 : i32 to index
      %get3A_258 = tpu.vector_load %arg15[%get3A] {strides = array<i32>} : memref<2048xf32, #tpu.memory_space<vmem>>, vector<16xf32>,
      %get3A_259 = arith.index_cast %add3A_257 : i32 to index
      %get3A_260 = tpu.vector_load %arg15[%get3A_259] {strides = array<i32>} : memref<2048xf32, #tpu.memory_space<vmem>>, vector<16xf32>,
      %add3A_261 = arith.addf %get3A_258, %get3A_260 : vector<16xf32>
      %get3A_262 = arith.index_cast %mul3A_253 : i32 to index
      %get3A_263 = tpu.vector_load %arg16[%get3A_262] {strides = array<i32>} : memref<2048xf32, #tpu.memory_space<vmem>>, vector<16xf32>,
      %get3A_264 = arith.index_cast %add3A_257 : i32 to index
      %get3A_265 = tpu.vector_load %arg16[%get3A_264] {strides = array<i32>} : memref<2048xf32, #tpu.memory_space<vmem>>, vector<16xf32>,
      %add3A_266 = arith.addf %get3A_263, %get3A_265 : vector<16xf32>
      %max3A = arith.maximumf %add3A_266, %broadcast_in_dim3A_1 : vector<16xf32>
      %div3A = arith.divf %add3A_261, %max3A : vector<16xf32>
      %swap3A = arith.index_cast %mul3A_253 : i32 to index
      %swap3A_267 = tpu.vector_load %arg15[%swap3A] {strides = array<i32>} : memref<2048xf32, #tpu.memory_space<vmem>>, vector<16xf32>,
      tpu.vector_store %arg15[%swap3A], %div3A {strides = array<i32>} : memref<2048xf32, #tpu.memory_space<vmem>>, vector<16xf32>,
      %scan3A_268 = arith.constant 0 : i32
      scf.yield %scan3A_268 : i32
    }
    %scan3A_44 = arith.constant 56 : i32
    "tpu.region"() ({
      %run_scoped3A_250 = tpu.sem_alloc : memref<!tpu.dma_semaphore, #tpu.memory_space<semaphore_mem>>
      %dma_start3A_251 = arith.constant 0 : i32
      %dma_start3A_252 = tpu.memref_slice %arg15[%dma_start3A_251] : memref<2048xf32, #tpu.memory_space<vmem>> -> memref<896xf32, #tpu.memory_space<vmem>>
      %dma_start3A_253 = tpu.memref_slice %arg18[%add3A_33] : memref<100352xf32, #tpu.memory_space<vmem_shared>> -> memref<896xf32, #tpu.memory_space<vmem_shared>>
      %dma_start3A_254 = tpu.memref_slice %arg18[%add3A_33] : memref<100352xf32, #tpu.memory_space<vmem_shared>> -> memref<896xf32, #tpu.memory_space<vmem_shared>>
      %dma_start3A_255 = arith.constant 0 : i32
      %dma_start3A_256 = tpu.memref_slice %arg15[%dma_start3A_255] : memref<2048xf32, #tpu.memory_space<vmem>> -> memref<896xf32, #tpu.memory_space<vmem>>
      tpu.enqueue_dma source(%dma_start3A_256 : memref<896xf32, #tpu.memory_space<vmem>>) target(%dma_start3A_254 : memref<896xf32, #tpu.memory_space<vmem_shared>>) target_semaphore(%run_scoped3A_250 : memref<!tpu.dma_semaphore, #tpu.memory_space<semaphore_mem>>)
      %dma_wait3A_257 = arith.constant 0 : i32
      %dma_wait3A_258 = tpu.memref_slice %arg15[%dma_wait3A_257] : memref<2048xf32, #tpu.memory_space<vmem>> -> memref<896xf32, #tpu.memory_space<vmem>>
      %dma_wait3A_259 = tpu.memref_slice %arg18[%add3A_33] : memref<100352xf32, #tpu.memory_space<vmem_shared>> -> memref<896xf32, #tpu.memory_space<vmem_shared>>
      %dma_wait3A_260 = tpu.memref_slice %arg18[%add3A_33] : memref<100352xf32, #tpu.memory_space<vmem_shared>> -> memref<896xf32, #tpu.memory_space<vmem_shared>>
      %dma_wait3A_261 = arith.constant 0 : i32
      %dma_wait3A_262 = tpu.memref_slice %arg15[%dma_wait3A_261] : memref<2048xf32, #tpu.memory_space<vmem>> -> memref<896xf32, #tpu.memory_space<vmem>>
      tpu.wait_dma2 semaphore(%run_scoped3A_250 : memref<!tpu.dma_semaphore, #tpu.memory_space<semaphore_mem>>) src(%dma_wait3A_262 : memref<896xf32, #tpu.memory_space<vmem>>) dst(%dma_wait3A_260 : memref<896xf32, #tpu.memory_space<vmem_shared>>)
      tpu.yield
    }) : () -> ()
    %mul3A_45 = arith.constant 6272 : i32
    %mul3A_46 = arith.muli %arg1, %mul3A_45 : i32
    %add3A_47 = arith.constant 2688 : i32
    %add3A_48 = arith.addi %mul3A_46, %add3A_47 : i32
    %run_scoped3A_49 = arith.constant 0 : i32
    "tpu.region"() ({
      %run_scoped3A_250 = tpu.sem_alloc : memref<!tpu.dma_semaphore, #tpu.memory_space<semaphore_mem>>
      %dma_start3A_251 = arith.constant 0 : i32
      %dma_start3A_252 = tpu.memref_slice %arg15[%dma_start3A_251] : memref<2048xf32, #tpu.memory_space<vmem>> -> memref<896xf32, #tpu.memory_space<vmem>>
      %dma_start3A_253 = tpu.memref_slice %arg2[%run_scoped3A_49, %add3A_48] : memref<2x100352xf32, #tpu.memory_space<hbm>> -> memref<1x896xf32, #tpu.memory_space<hbm>>
      %dma_start3A_254 = tpu.memref_squeeze %dma_start3A_253 : memref<1x896xf32, #tpu.memory_space<hbm>> -> memref<896xf32, #tpu.memory_space<hbm>>
      %dma_start3A_255 = arith.constant 0 : i32
      %dma_start3A_256 = tpu.memref_slice %arg15[%dma_start3A_255] : memref<2048xf32, #tpu.memory_space<vmem>> -> memref<896xf32, #tpu.memory_space<vmem>>
      %dma_start3A_257 = tpu.memref_slice %arg2[%run_scoped3A_49, %add3A_48] : memref<2x100352xf32, #tpu.memory_space<hbm>> -> memref<1x896xf32, #tpu.memory_space<hbm>>
      %dma_start3A_258 = tpu.memref_squeeze %dma_start3A_257 : memref<1x896xf32, #tpu.memory_space<hbm>> -> memref<896xf32, #tpu.memory_space<hbm>>
      tpu.enqueue_dma source(%dma_start3A_258 : memref<896xf32, #tpu.memory_space<hbm>>) target(%dma_start3A_256 : memref<896xf32, #tpu.memory_space<vmem>>) target_semaphore(%run_scoped3A_250 : memref<!tpu.dma_semaphore, #tpu.memory_space<semaphore_mem>>)
      %dma_wait3A_259 = arith.constant 0 : i32
      %dma_wait3A_260 = tpu.memref_slice %arg15[%dma_wait3A_259] : memref<2048xf32, #tpu.memory_space<vmem>> -> memref<896xf32, #tpu.memory_space<vmem>>
      %dma_wait3A_261 = tpu.memref_slice %arg2[%run_scoped3A_49, %add3A_48] : memref<2x100352xf32, #tpu.memory_space<hbm>> -> memref<1x896xf32, #tpu.memory_space<hbm>>
      %dma_wait3A_262 = tpu.memref_squeeze %dma_wait3A_261 : memref<1x896xf32, #tpu.memory_space<hbm>> -> memref<896xf32, #tpu.memory_space<hbm>>
      %dma_wait3A_263 = arith.constant 0 : i32
      %dma_wait3A_264 = tpu.memref_slice %arg15[%dma_wait3A_263] : memref<2048xf32, #tpu.memory_space<vmem>> -> memref<896xf32, #tpu.memory_space<vmem>>
      %dma_wait3A_265 = tpu.memref_slice %arg2[%run_scoped3A_49, %add3A_48] : memref<2x100352xf32, #tpu.memory_space<hbm>> -> memref<1x896xf32, #tpu.memory_space<hbm>>
      %dma_wait3A_266 = tpu.memref_squeeze %dma_wait3A_265 : memref<1x896xf32, #tpu.memory_space<hbm>> -> memref<896xf32, #tpu.memory_space<hbm>>
      tpu.wait_dma2 semaphore(%run_scoped3A_250 : memref<!tpu.dma_semaphore, #tpu.memory_space<semaphore_mem>>) src(%dma_wait3A_266 : memref<896xf32, #tpu.memory_space<hbm>>) dst(%dma_wait3A_264 : memref<896xf32, #tpu.memory_space<vmem>>)
      tpu.yield
    }) : () -> ()
    %run_scoped3A_50 = arith.constant 1 : i32
    "tpu.region"() ({
      %run_scoped3A_250 = tpu.sem_alloc : memref<!tpu.dma_semaphore, #tpu.memory_space<semaphore_mem>>
      %dma_start3A_251 = arith.constant 896 : i32
      %dma_start3A_252 = tpu.memref_slice %arg15[%dma_start3A_251] : memref<2048xf32, #tpu.memory_space<vmem>> -> memref<896xf32, #tpu.memory_space<vmem>>
      %dma_start3A_253 = tpu.memref_slice %arg2[%run_scoped3A_50, %add3A_48] : memref<2x100352xf32, #tpu.memory_space<hbm>> -> memref<1x896xf32, #tpu.memory_space<hbm>>
      %dma_start3A_254 = tpu.memref_squeeze %dma_start3A_253 : memref<1x896xf32, #tpu.memory_space<hbm>> -> memref<896xf32, #tpu.memory_space<hbm>>
      %dma_start3A_255 = arith.constant 896 : i32
      %dma_start3A_256 = tpu.memref_slice %arg15[%dma_start3A_255] : memref<2048xf32, #tpu.memory_space<vmem>> -> memref<896xf32, #tpu.memory_space<vmem>>
      %dma_start3A_257 = tpu.memref_slice %arg2[%run_scoped3A_50, %add3A_48] : memref<2x100352xf32, #tpu.memory_space<hbm>> -> memref<1x896xf32, #tpu.memory_space<hbm>>
      %dma_start3A_258 = tpu.memref_squeeze %dma_start3A_257 : memref<1x896xf32, #tpu.memory_space<hbm>> -> memref<896xf32, #tpu.memory_space<hbm>>
      tpu.enqueue_dma source(%dma_start3A_258 : memref<896xf32, #tpu.memory_space<hbm>>) target(%dma_start3A_256 : memref<896xf32, #tpu.memory_space<vmem>>) target_semaphore(%run_scoped3A_250 : memref<!tpu.dma_semaphore, #tpu.memory_space<semaphore_mem>>)
      %dma_wait3A_259 = arith.constant 896 : i32
      %dma_wait3A_260 = tpu.memref_slice %arg15[%dma_wait3A_259] : memref<2048xf32, #tpu.memory_space<vmem>> -> memref<896xf32, #tpu.memory_space<vmem>>
      %dma_wait3A_261 = tpu.memref_slice %arg2[%run_scoped3A_50, %add3A_48] : memref<2x100352xf32, #tpu.memory_space<hbm>> -> memref<1x896xf32, #tpu.memory_space<hbm>>
      %dma_wait3A_262 = tpu.memref_squeeze %dma_wait3A_261 : memref<1x896xf32, #tpu.memory_space<hbm>> -> memref<896xf32, #tpu.memory_space<hbm>>
      %dma_wait3A_263 = arith.constant 896 : i32
      %dma_wait3A_264 = tpu.memref_slice %arg15[%dma_wait3A_263] : memref<2048xf32, #tpu.memory_space<vmem>> -> memref<896xf32, #tpu.memory_space<vmem>>
      %dma_wait3A_265 = tpu.memref_slice %arg2[%run_scoped3A_50, %add3A_48] : memref<2x100352xf32, #tpu.memory_space<hbm>> -> memref<1x896xf32, #tpu.memory_space<hbm>>
      %dma_wait3A_266 = tpu.memref_squeeze %dma_wait3A_265 : memref<1x896xf32, #tpu.memory_space<hbm>> -> memref<896xf32, #tpu.memory_space<hbm>>
      tpu.wait_dma2 semaphore(%run_scoped3A_250 : memref<!tpu.dma_semaphore, #tpu.memory_space<semaphore_mem>>) src(%dma_wait3A_266 : memref<896xf32, #tpu.memory_space<hbm>>) dst(%dma_wait3A_264 : memref<896xf32, #tpu.memory_space<vmem>>)
      tpu.yield
    }) : () -> ()
    %run_scoped3A_51 = arith.constant 0 : i32
    "tpu.region"() ({
      %run_scoped3A_250 = tpu.sem_alloc : memref<!tpu.dma_semaphore, #tpu.memory_space<semaphore_mem>>
      %dma_start3A_251 = arith.constant 0 : i32
      %dma_start3A_252 = tpu.memref_slice %arg16[%dma_start3A_251] : memref<2048xf32, #tpu.memory_space<vmem>> -> memref<896xf32, #tpu.memory_space<vmem>>
      %dma_start3A_253 = tpu.memref_slice %arg3[%run_scoped3A_51, %add3A_48] : memref<2x100352xf32, #tpu.memory_space<hbm>> -> memref<1x896xf32, #tpu.memory_space<hbm>>
      %dma_start3A_254 = tpu.memref_squeeze %dma_start3A_253 : memref<1x896xf32, #tpu.memory_space<hbm>> -> memref<896xf32, #tpu.memory_space<hbm>>
      %dma_start3A_255 = arith.constant 0 : i32
      %dma_start3A_256 = tpu.memref_slice %arg16[%dma_start3A_255] : memref<2048xf32, #tpu.memory_space<vmem>> -> memref<896xf32, #tpu.memory_space<vmem>>
      %dma_start3A_257 = tpu.memref_slice %arg3[%run_scoped3A_51, %add3A_48] : memref<2x100352xf32, #tpu.memory_space<hbm>> -> memref<1x896xf32, #tpu.memory_space<hbm>>
      %dma_start3A_258 = tpu.memref_squeeze %dma_start3A_257 : memref<1x896xf32, #tpu.memory_space<hbm>> -> memref<896xf32, #tpu.memory_space<hbm>>
      tpu.enqueue_dma source(%dma_start3A_258 : memref<896xf32, #tpu.memory_space<hbm>>) target(%dma_start3A_256 : memref<896xf32, #tpu.memory_space<vmem>>) target_semaphore(%run_scoped3A_250 : memref<!tpu.dma_semaphore, #tpu.memory_space<semaphore_mem>>)
      %dma_wait3A_259 = arith.constant 0 : i32
      %dma_wait3A_260 = tpu.memref_slice %arg16[%dma_wait3A_259] : memref<2048xf32, #tpu.memory_space<vmem>> -> memref<896xf32, #tpu.memory_space<vmem>>
      %dma_wait3A_261 = tpu.memref_slice %arg3[%run_scoped3A_51, %add3A_48] : memref<2x100352xf32, #tpu.memory_space<hbm>> -> memref<1x896xf32, #tpu.memory_space<hbm>>
      %dma_wait3A_262 = tpu.memref_squeeze %dma_wait3A_261 : memref<1x896xf32, #tpu.memory_space<hbm>> -> memref<896xf32, #tpu.memory_space<hbm>>
      %dma_wait3A_263 = arith.constant 0 : i32
      %dma_wait3A_264 = tpu.memref_slice %arg16[%dma_wait3A_263] : memref<2048xf32, #tpu.memory_space<vmem>> -> memref<896xf32, #tpu.memory_space<vmem>>
      %dma_wait3A_265 = tpu.memref_slice %arg3[%run_scoped3A_51, %add3A_48] : memref<2x100352xf32, #tpu.memory_space<hbm>> -> memref<1x896xf32, #tpu.memory_space<hbm>>
      %dma_wait3A_266 = tpu.memref_squeeze %dma_wait3A_265 : memref<1x896xf32, #tpu.memory_space<hbm>> -> memref<896xf32, #tpu.memory_space<hbm>>
      tpu.wait_dma2 semaphore(%run_scoped3A_250 : memref<!tpu.dma_semaphore, #tpu.memory_space<semaphore_mem>>) src(%dma_wait3A_266 : memref<896xf32, #tpu.memory_space<hbm>>) dst(%dma_wait3A_264 : memref<896xf32, #tpu.memory_space<vmem>>)
      tpu.yield
    }) : () -> ()
    %run_scoped3A_52 = arith.constant 1 : i32
    "tpu.region"() ({
      %run_scoped3A_250 = tpu.sem_alloc : memref<!tpu.dma_semaphore, #tpu.memory_space<semaphore_mem>>
      %dma_start3A_251 = arith.constant 896 : i32
      %dma_start3A_252 = tpu.memref_slice %arg16[%dma_start3A_251] : memref<2048xf32, #tpu.memory_space<vmem>> -> memref<896xf32, #tpu.memory_space<vmem>>
      %dma_start3A_253 = tpu.memref_slice %arg3[%run_scoped3A_52, %add3A_48] : memref<2x100352xf32, #tpu.memory_space<hbm>> -> memref<1x896xf32, #tpu.memory_space<hbm>>
      %dma_start3A_254 = tpu.memref_squeeze %dma_start3A_253 : memref<1x896xf32, #tpu.memory_space<hbm>> -> memref<896xf32, #tpu.memory_space<hbm>>
      %dma_start3A_255 = arith.constant 896 : i32
      %dma_start3A_256 = tpu.memref_slice %arg16[%dma_start3A_255] : memref<2048xf32, #tpu.memory_space<vmem>> -> memref<896xf32, #tpu.memory_space<vmem>>
      %dma_start3A_257 = tpu.memref_slice %arg3[%run_scoped3A_52, %add3A_48] : memref<2x100352xf32, #tpu.memory_space<hbm>> -> memref<1x896xf32, #tpu.memory_space<hbm>>
      %dma_start3A_258 = tpu.memref_squeeze %dma_start3A_257 : memref<1x896xf32, #tpu.memory_space<hbm>> -> memref<896xf32, #tpu.memory_space<hbm>>
      tpu.enqueue_dma source(%dma_start3A_258 : memref<896xf32, #tpu.memory_space<hbm>>) target(%dma_start3A_256 : memref<896xf32, #tpu.memory_space<vmem>>) target_semaphore(%run_scoped3A_250 : memref<!tpu.dma_semaphore, #tpu.memory_space<semaphore_mem>>)
      %dma_wait3A_259 = arith.constant 896 : i32
      %dma_wait3A_260 = tpu.memref_slice %arg16[%dma_wait3A_259] : memref<2048xf32, #tpu.memory_space<vmem>> -> memref<896xf32, #tpu.memory_space<vmem>>
      %dma_wait3A_261 = tpu.memref_slice %arg3[%run_scoped3A_52, %add3A_48] : memref<2x100352xf32, #tpu.memory_space<hbm>> -> memref<1x896xf32, #tpu.memory_space<hbm>>
      %dma_wait3A_262 = tpu.memref_squeeze %dma_wait3A_261 : memref<1x896xf32, #tpu.memory_space<hbm>> -> memref<896xf32, #tpu.memory_space<hbm>>
      %dma_wait3A_263 = arith.constant 896 : i32
      %dma_wait3A_264 = tpu.memref_slice %arg16[%dma_wait3A_263] : memref<2048xf32, #tpu.memory_space<vmem>> -> memref<896xf32, #tpu.memory_space<vmem>>
      %dma_wait3A_265 = tpu.memref_slice %arg3[%run_scoped3A_52, %add3A_48] : memref<2x100352xf32, #tpu.memory_space<hbm>> -> memref<1x896xf32, #tpu.memory_space<hbm>>
      %dma_wait3A_266 = tpu.memref_squeeze %dma_wait3A_265 : memref<1x896xf32, #tpu.memory_space<hbm>> -> memref<896xf32, #tpu.memory_space<hbm>>
      tpu.wait_dma2 semaphore(%run_scoped3A_250 : memref<!tpu.dma_semaphore, #tpu.memory_space<semaphore_mem>>) src(%dma_wait3A_266 : memref<896xf32, #tpu.memory_space<hbm>>) dst(%dma_wait3A_264 : memref<896xf32, #tpu.memory_space<vmem>>)
      tpu.yield
    }) : () -> ()
    %scan3A_53 = arith.constant 0 : i32
    %scan3A_54 = arith.constant 0 : i32
    %scan3A_55 = arith.constant 56 : i32
    %scan3A_56 = arith.addi %scan3A_54, %scan3A_55 : i32
    %scan3A_57 = arith.constant 1 : i32
    %scan3A_58 = scf.for %scan3A_250 = %scan3A_54 to %scan3A_56 step %scan3A_57 iter_args(%scan3A_251 = %scan3A_53) -> (i32)  : i32 {
      %mul3A_252 = arith.constant 16 : i32
      %mul3A_253 = arith.muli %scan3A_250, %mul3A_252 : i32
      %mul3A_254 = arith.constant 16 : i32
      %mul3A_255 = arith.muli %scan3A_250, %mul3A_254 : i32
      %add3A_256 = arith.constant 896 : i32
      %add3A_257 = arith.addi %add3A_256, %mul3A_255 : i32
      %get3A = arith.index_cast %mul3A_253 : i32 to index
      %get3A_258 = tpu.vector_load %arg15[%get3A] {strides = array<i32>} : memref<2048xf32, #tpu.memory_space<vmem>>, vector<16xf32>,
      %get3A_259 = arith.index_cast %add3A_257 : i32 to index
      %get3A_260 = tpu.vector_load %arg15[%get3A_259] {strides = array<i32>} : memref<2048xf32, #tpu.memory_space<vmem>>, vector<16xf32>,
      %add3A_261 = arith.addf %get3A_258, %get3A_260 : vector<16xf32>
      %get3A_262 = arith.index_cast %mul3A_253 : i32 to index
      %get3A_263 = tpu.vector_load %arg16[%get3A_262] {strides = array<i32>} : memref<2048xf32, #tpu.memory_space<vmem>>, vector<16xf32>,
      %get3A_264 = arith.index_cast %add3A_257 : i32 to index
      %get3A_265 = tpu.vector_load %arg16[%get3A_264] {strides = array<i32>} : memref<2048xf32, #tpu.memory_space<vmem>>, vector<16xf32>,
      %add3A_266 = arith.addf %get3A_263, %get3A_265 : vector<16xf32>
      %max3A = arith.maximumf %add3A_266, %broadcast_in_dim3A_1 : vector<16xf32>
      %div3A = arith.divf %add3A_261, %max3A : vector<16xf32>
      %swap3A = arith.index_cast %mul3A_253 : i32 to index
      %swap3A_267 = tpu.vector_load %arg15[%swap3A] {strides = array<i32>} : memref<2048xf32, #tpu.memory_space<vmem>>, vector<16xf32>,
      tpu.vector_store %arg15[%swap3A], %div3A {strides = array<i32>} : memref<2048xf32, #tpu.memory_space<vmem>>, vector<16xf32>,
      %scan3A_268 = arith.constant 0 : i32
      scf.yield %scan3A_268 : i32
    }
    %scan3A_59 = arith.constant 56 : i32
    "tpu.region"() ({
      %run_scoped3A_250 = tpu.sem_alloc : memref<!tpu.dma_semaphore, #tpu.memory_space<semaphore_mem>>
      %dma_start3A_251 = arith.constant 0 : i32
      %dma_start3A_252 = tpu.memref_slice %arg15[%dma_start3A_251] : memref<2048xf32, #tpu.memory_space<vmem>> -> memref<896xf32, #tpu.memory_space<vmem>>
      %dma_start3A_253 = tpu.memref_slice %arg18[%add3A_48] : memref<100352xf32, #tpu.memory_space<vmem_shared>> -> memref<896xf32, #tpu.memory_space<vmem_shared>>
      %dma_start3A_254 = tpu.memref_slice %arg18[%add3A_48] : memref<100352xf32, #tpu.memory_space<vmem_shared>> -> memref<896xf32, #tpu.memory_space<vmem_shared>>
      %dma_start3A_255 = arith.constant 0 : i32
      %dma_start3A_256 = tpu.memref_slice %arg15[%dma_start3A_255] : memref<2048xf32, #tpu.memory_space<vmem>> -> memref<896xf32, #tpu.memory_space<vmem>>
      tpu.enqueue_dma source(%dma_start3A_256 : memref<896xf32, #tpu.memory_space<vmem>>) target(%dma_start3A_254 : memref<896xf32, #tpu.memory_space<vmem_shared>>) target_semaphore(%run_scoped3A_250 : memref<!tpu.dma_semaphore, #tpu.memory_space<semaphore_mem>>)
      %dma_wait3A_257 = arith.constant 0 : i32
      %dma_wait3A_258 = tpu.memref_slice %arg15[%dma_wait3A_257] : memref<2048xf32, #tpu.memory_space<vmem>> -> memref<896xf32, #tpu.memory_space<vmem>>
      %dma_wait3A_259 = tpu.memref_slice %arg18[%add3A_48] : memref<100352xf32, #tpu.memory_space<vmem_shared>> -> memref<896xf32, #tpu.memory_space<vmem_shared>>
      %dma_wait3A_260 = tpu.memref_slice %arg18[%add3A_48] : memref<100352xf32, #tpu.memory_space<vmem_shared>> -> memref<896xf32, #tpu.memory_space<vmem_shared>>
      %dma_wait3A_261 = arith.constant 0 : i32
      %dma_wait3A_262 = tpu.memref_slice %arg15[%dma_wait3A_261] : memref<2048xf32, #tpu.memory_space<vmem>> -> memref<896xf32, #tpu.memory_space<vmem>>
      tpu.wait_dma2 semaphore(%run_scoped3A_250 : memref<!tpu.dma_semaphore, #tpu.memory_space<semaphore_mem>>) src(%dma_wait3A_262 : memref<896xf32, #tpu.memory_space<vmem>>) dst(%dma_wait3A_260 : memref<896xf32, #tpu.memory_space<vmem_shared>>)
      tpu.yield
    }) : () -> ()
    %mul3A_60 = arith.constant 6272 : i32
    %mul3A_61 = arith.muli %arg1, %mul3A_60 : i32
    %add3A_62 = arith.constant 3584 : i32
    %add3A_63 = arith.addi %mul3A_61, %add3A_62 : i32
    %run_scoped3A_64 = arith.constant 0 : i32
    "tpu.region"() ({
      %run_scoped3A_250 = tpu.sem_alloc : memref<!tpu.dma_semaphore, #tpu.memory_space<semaphore_mem>>
      %dma_start3A_251 = arith.constant 0 : i32
      %dma_start3A_252 = tpu.memref_slice %arg15[%dma_start3A_251] : memref<2048xf32, #tpu.memory_space<vmem>> -> memref<896xf32, #tpu.memory_space<vmem>>
      %dma_start3A_253 = tpu.memref_slice %arg2[%run_scoped3A_64, %add3A_63] : memref<2x100352xf32, #tpu.memory_space<hbm>> -> memref<1x896xf32, #tpu.memory_space<hbm>>
      %dma_start3A_254 = tpu.memref_squeeze %dma_start3A_253 : memref<1x896xf32, #tpu.memory_space<hbm>> -> memref<896xf32, #tpu.memory_space<hbm>>
      %dma_start3A_255 = arith.constant 0 : i32
      %dma_start3A_256 = tpu.memref_slice %arg15[%dma_start3A_255] : memref<2048xf32, #tpu.memory_space<vmem>> -> memref<896xf32, #tpu.memory_space<vmem>>
      %dma_start3A_257 = tpu.memref_slice %arg2[%run_scoped3A_64, %add3A_63] : memref<2x100352xf32, #tpu.memory_space<hbm>> -> memref<1x896xf32, #tpu.memory_space<hbm>>
      %dma_start3A_258 = tpu.memref_squeeze %dma_start3A_257 : memref<1x896xf32, #tpu.memory_space<hbm>> -> memref<896xf32, #tpu.memory_space<hbm>>
      tpu.enqueue_dma source(%dma_start3A_258 : memref<896xf32, #tpu.memory_space<hbm>>) target(%dma_start3A_256 : memref<896xf32, #tpu.memory_space<vmem>>) target_semaphore(%run_scoped3A_250 : memref<!tpu.dma_semaphore, #tpu.memory_space<semaphore_mem>>)
      %dma_wait3A_259 = arith.constant 0 : i32
      %dma_wait3A_260 = tpu.memref_slice %arg15[%dma_wait3A_259] : memref<2048xf32, #tpu.memory_space<vmem>> -> memref<896xf32, #tpu.memory_space<vmem>>
      %dma_wait3A_261 = tpu.memref_slice %arg2[%run_scoped3A_64, %add3A_63] : memref<2x100352xf32, #tpu.memory_space<hbm>> -> memref<1x896xf32, #tpu.memory_space<hbm>>
      %dma_wait3A_262 = tpu.memref_squeeze %dma_wait3A_261 : memref<1x896xf32, #tpu.memory_space<hbm>> -> memref<896xf32, #tpu.memory_space<hbm>>
      %dma_wait3A_263 = arith.constant 0 : i32
      %dma_wait3A_264 = tpu.memref_slice %arg15[%dma_wait3A_263] : memref<2048xf32, #tpu.memory_space<vmem>> -> memref<896xf32, #tpu.memory_space<vmem>>
      %dma_wait3A_265 = tpu.memref_slice %arg2[%run_scoped3A_64, %add3A_63] : memref<2x100352xf32, #tpu.memory_space<hbm>> -> memref<1x896xf32, #tpu.memory_space<hbm>>
      %dma_wait3A_266 = tpu.memref_squeeze %dma_wait3A_265 : memref<1x896xf32, #tpu.memory_space<hbm>> -> memref<896xf32, #tpu.memory_space<hbm>>
      tpu.wait_dma2 semaphore(%run_scoped3A_250 : memref<!tpu.dma_semaphore, #tpu.memory_space<semaphore_mem>>) src(%dma_wait3A_266 : memref<896xf32, #tpu.memory_space<hbm>>) dst(%dma_wait3A_264 : memref<896xf32, #tpu.memory_space<vmem>>)
      tpu.yield
    }) : () -> ()
    %run_scoped3A_65 = arith.constant 1 : i32
    "tpu.region"() ({
      %run_scoped3A_250 = tpu.sem_alloc : memref<!tpu.dma_semaphore, #tpu.memory_space<semaphore_mem>>
      %dma_start3A_251 = arith.constant 896 : i32
      %dma_start3A_252 = tpu.memref_slice %arg15[%dma_start3A_251] : memref<2048xf32, #tpu.memory_space<vmem>> -> memref<896xf32, #tpu.memory_space<vmem>>
      %dma_start3A_253 = tpu.memref_slice %arg2[%run_scoped3A_65, %add3A_63] : memref<2x100352xf32, #tpu.memory_space<hbm>> -> memref<1x896xf32, #tpu.memory_space<hbm>>
      %dma_start3A_254 = tpu.memref_squeeze %dma_start3A_253 : memref<1x896xf32, #tpu.memory_space<hbm>> -> memref<896xf32, #tpu.memory_space<hbm>>
      %dma_start3A_255 = arith.constant 896 : i32
      %dma_start3A_256 = tpu.memref_slice %arg15[%dma_start3A_255] : memref<2048xf32, #tpu.memory_space<vmem>> -> memref<896xf32, #tpu.memory_space<vmem>>
      %dma_start3A_257 = tpu.memref_slice %arg2[%run_scoped3A_65, %add3A_63] : memref<2x100352xf32, #tpu.memory_space<hbm>> -> memref<1x896xf32, #tpu.memory_space<hbm>>
      %dma_start3A_258 = tpu.memref_squeeze %dma_start3A_257 : memref<1x896xf32, #tpu.memory_space<hbm>> -> memref<896xf32, #tpu.memory_space<hbm>>
      tpu.enqueue_dma source(%dma_start3A_258 : memref<896xf32, #tpu.memory_space<hbm>>) target(%dma_start3A_256 : memref<896xf32, #tpu.memory_space<vmem>>) target_semaphore(%run_scoped3A_250 : memref<!tpu.dma_semaphore, #tpu.memory_space<semaphore_mem>>)
      %dma_wait3A_259 = arith.constant 896 : i32
      %dma_wait3A_260 = tpu.memref_slice %arg15[%dma_wait3A_259] : memref<2048xf32, #tpu.memory_space<vmem>> -> memref<896xf32, #tpu.memory_space<vmem>>
      %dma_wait3A_261 = tpu.memref_slice %arg2[%run_scoped3A_65, %add3A_63] : memref<2x100352xf32, #tpu.memory_space<hbm>> -> memref<1x896xf32, #tpu.memory_space<hbm>>
      %dma_wait3A_262 = tpu.memref_squeeze %dma_wait3A_261 : memref<1x896xf32, #tpu.memory_space<hbm>> -> memref<896xf32, #tpu.memory_space<hbm>>
      %dma_wait3A_263 = arith.constant 896 : i32
      %dma_wait3A_264 = tpu.memref_slice %arg15[%dma_wait3A_263] : memref<2048xf32, #tpu.memory_space<vmem>> -> memref<896xf32, #tpu.memory_space<vmem>>
      %dma_wait3A_265 = tpu.memref_slice %arg2[%run_scoped3A_65, %add3A_63] : memref<2x100352xf32, #tpu.memory_space<hbm>> -> memref<1x896xf32, #tpu.memory_space<hbm>>
      %dma_wait3A_266 = tpu.memref_squeeze %dma_wait3A_265 : memref<1x896xf32, #tpu.memory_space<hbm>> -> memref<896xf32, #tpu.memory_space<hbm>>
      tpu.wait_dma2 semaphore(%run_scoped3A_250 : memref<!tpu.dma_semaphore, #tpu.memory_space<semaphore_mem>>) src(%dma_wait3A_266 : memref<896xf32, #tpu.memory_space<hbm>>) dst(%dma_wait3A_264 : memref<896xf32, #tpu.memory_space<vmem>>)
      tpu.yield
    }) : () -> ()
    %run_scoped3A_66 = arith.constant 0 : i32
    "tpu.region"() ({
      %run_scoped3A_250 = tpu.sem_alloc : memref<!tpu.dma_semaphore, #tpu.memory_space<semaphore_mem>>
      %dma_start3A_251 = arith.constant 0 : i32
      %dma_start3A_252 = tpu.memref_slice %arg16[%dma_start3A_251] : memref<2048xf32, #tpu.memory_space<vmem>> -> memref<896xf32, #tpu.memory_space<vmem>>
      %dma_start3A_253 = tpu.memref_slice %arg3[%run_scoped3A_66, %add3A_63] : memref<2x100352xf32, #tpu.memory_space<hbm>> -> memref<1x896xf32, #tpu.memory_space<hbm>>
      %dma_start3A_254 = tpu.memref_squeeze %dma_start3A_253 : memref<1x896xf32, #tpu.memory_space<hbm>> -> memref<896xf32, #tpu.memory_space<hbm>>
      %dma_start3A_255 = arith.constant 0 : i32
      %dma_start3A_256 = tpu.memref_slice %arg16[%dma_start3A_255] : memref<2048xf32, #tpu.memory_space<vmem>> -> memref<896xf32, #tpu.memory_space<vmem>>
      %dma_start3A_257 = tpu.memref_slice %arg3[%run_scoped3A_66, %add3A_63] : memref<2x100352xf32, #tpu.memory_space<hbm>> -> memref<1x896xf32, #tpu.memory_space<hbm>>
      %dma_start3A_258 = tpu.memref_squeeze %dma_start3A_257 : memref<1x896xf32, #tpu.memory_space<hbm>> -> memref<896xf32, #tpu.memory_space<hbm>>
      tpu.enqueue_dma source(%dma_start3A_258 : memref<896xf32, #tpu.memory_space<hbm>>) target(%dma_start3A_256 : memref<896xf32, #tpu.memory_space<vmem>>) target_semaphore(%run_scoped3A_250 : memref<!tpu.dma_semaphore, #tpu.memory_space<semaphore_mem>>)
      %dma_wait3A_259 = arith.constant 0 : i32
      %dma_wait3A_260 = tpu.memref_slice %arg16[%dma_wait3A_259] : memref<2048xf32, #tpu.memory_space<vmem>> -> memref<896xf32, #tpu.memory_space<vmem>>
      %dma_wait3A_261 = tpu.memref_slice %arg3[%run_scoped3A_66, %add3A_63] : memref<2x100352xf32, #tpu.memory_space<hbm>> -> memref<1x896xf32, #tpu.memory_space<hbm>>
      %dma_wait3A_262 = tpu.memref_squeeze %dma_wait3A_261 : memref<1x896xf32, #tpu.memory_space<hbm>> -> memref<896xf32, #tpu.memory_space<hbm>>
      %dma_wait3A_263 = arith.constant 0 : i32
      %dma_wait3A_264 = tpu.memref_slice %arg16[%dma_wait3A_263] : memref<2048xf32, #tpu.memory_space<vmem>> -> memref<896xf32, #tpu.memory_space<vmem>>
      %dma_wait3A_265 = tpu.memref_slice %arg3[%run_scoped3A_66, %add3A_63] : memref<2x100352xf32, #tpu.memory_space<hbm>> -> memref<1x896xf32, #tpu.memory_space<hbm>>
      %dma_wait3A_266 = tpu.memref_squeeze %dma_wait3A_265 : memref<1x896xf32, #tpu.memory_space<hbm>> -> memref<896xf32, #tpu.memory_space<hbm>>
      tpu.wait_dma2 semaphore(%run_scoped3A_250 : memref<!tpu.dma_semaphore, #tpu.memory_space<semaphore_mem>>) src(%dma_wait3A_266 : memref<896xf32, #tpu.memory_space<hbm>>) dst(%dma_wait3A_264 : memref<896xf32, #tpu.memory_space<vmem>>)
      tpu.yield
    }) : () -> ()
    %run_scoped3A_67 = arith.constant 1 : i32
    "tpu.region"() ({
      %run_scoped3A_250 = tpu.sem_alloc : memref<!tpu.dma_semaphore, #tpu.memory_space<semaphore_mem>>
      %dma_start3A_251 = arith.constant 896 : i32
      %dma_start3A_252 = tpu.memref_slice %arg16[%dma_start3A_251] : memref<2048xf32, #tpu.memory_space<vmem>> -> memref<896xf32, #tpu.memory_space<vmem>>
      %dma_start3A_253 = tpu.memref_slice %arg3[%run_scoped3A_67, %add3A_63] : memref<2x100352xf32, #tpu.memory_space<hbm>> -> memref<1x896xf32, #tpu.memory_space<hbm>>
      %dma_start3A_254 = tpu.memref_squeeze %dma_start3A_253 : memref<1x896xf32, #tpu.memory_space<hbm>> -> memref<896xf32, #tpu.memory_space<hbm>>
      %dma_start3A_255 = arith.constant 896 : i32
      %dma_start3A_256 = tpu.memref_slice %arg16[%dma_start3A_255] : memref<2048xf32, #tpu.memory_space<vmem>> -> memref<896xf32, #tpu.memory_space<vmem>>
      %dma_start3A_257 = tpu.memref_slice %arg3[%run_scoped3A_67, %add3A_63] : memref<2x100352xf32, #tpu.memory_space<hbm>> -> memref<1x896xf32, #tpu.memory_space<hbm>>
      %dma_start3A_258 = tpu.memref_squeeze %dma_start3A_257 : memref<1x896xf32, #tpu.memory_space<hbm>> -> memref<896xf32, #tpu.memory_space<hbm>>
      tpu.enqueue_dma source(%dma_start3A_258 : memref<896xf32, #tpu.memory_space<hbm>>) target(%dma_start3A_256 : memref<896xf32, #tpu.memory_space<vmem>>) target_semaphore(%run_scoped3A_250 : memref<!tpu.dma_semaphore, #tpu.memory_space<semaphore_mem>>)
      %dma_wait3A_259 = arith.constant 896 : i32
      %dma_wait3A_260 = tpu.memref_slice %arg16[%dma_wait3A_259] : memref<2048xf32, #tpu.memory_space<vmem>> -> memref<896xf32, #tpu.memory_space<vmem>>
      %dma_wait3A_261 = tpu.memref_slice %arg3[%run_scoped3A_67, %add3A_63] : memref<2x100352xf32, #tpu.memory_space<hbm>> -> memref<1x896xf32, #tpu.memory_space<hbm>>
      %dma_wait3A_262 = tpu.memref_squeeze %dma_wait3A_261 : memref<1x896xf32, #tpu.memory_space<hbm>> -> memref<896xf32, #tpu.memory_space<hbm>>
      %dma_wait3A_263 = arith.constant 896 : i32
      %dma_wait3A_264 = tpu.memref_slice %arg16[%dma_wait3A_263] : memref<2048xf32, #tpu.memory_space<vmem>> -> memref<896xf32, #tpu.memory_space<vmem>>
      %dma_wait3A_265 = tpu.memref_slice %arg3[%run_scoped3A_67, %add3A_63] : memref<2x100352xf32, #tpu.memory_space<hbm>> -> memref<1x896xf32, #tpu.memory_space<hbm>>
      %dma_wait3A_266 = tpu.memref_squeeze %dma_wait3A_265 : memref<1x896xf32, #tpu.memory_space<hbm>> -> memref<896xf32, #tpu.memory_space<hbm>>
      tpu.wait_dma2 semaphore(%run_scoped3A_250 : memref<!tpu.dma_semaphore, #tpu.memory_space<semaphore_mem>>) src(%dma_wait3A_266 : memref<896xf32, #tpu.memory_space<hbm>>) dst(%dma_wait3A_264 : memref<896xf32, #tpu.memory_space<vmem>>)
      tpu.yield
    }) : () -> ()
    %scan3A_68 = arith.constant 0 : i32
    %scan3A_69 = arith.constant 0 : i32
    %scan3A_70 = arith.constant 56 : i32
    %scan3A_71 = arith.addi %scan3A_69, %scan3A_70 : i32
    %scan3A_72 = arith.constant 1 : i32
    %scan3A_73 = scf.for %scan3A_250 = %scan3A_69 to %scan3A_71 step %scan3A_72 iter_args(%scan3A_251 = %scan3A_68) -> (i32)  : i32 {
      %mul3A_252 = arith.constant 16 : i32
      %mul3A_253 = arith.muli %scan3A_250, %mul3A_252 : i32
      %mul3A_254 = arith.constant 16 : i32
      %mul3A_255 = arith.muli %scan3A_250, %mul3A_254 : i32
      %add3A_256 = arith.constant 896 : i32
      %add3A_257 = arith.addi %add3A_256, %mul3A_255 : i32
      %get3A = arith.index_cast %mul3A_253 : i32 to index
      %get3A_258 = tpu.vector_load %arg15[%get3A] {strides = array<i32>} : memref<2048xf32, #tpu.memory_space<vmem>>, vector<16xf32>,
      %get3A_259 = arith.index_cast %add3A_257 : i32 to index
      %get3A_260 = tpu.vector_load %arg15[%get3A_259] {strides = array<i32>} : memref<2048xf32, #tpu.memory_space<vmem>>, vector<16xf32>,
      %add3A_261 = arith.addf %get3A_258, %get3A_260 : vector<16xf32>
      %get3A_262 = arith.index_cast %mul3A_253 : i32 to index
      %get3A_263 = tpu.vector_load %arg16[%get3A_262] {strides = array<i32>} : memref<2048xf32, #tpu.memory_space<vmem>>, vector<16xf32>,
      %get3A_264 = arith.index_cast %add3A_257 : i32 to index
      %get3A_265 = tpu.vector_load %arg16[%get3A_264] {strides = array<i32>} : memref<2048xf32, #tpu.memory_space<vmem>>, vector<16xf32>,
      %add3A_266 = arith.addf %get3A_263, %get3A_265 : vector<16xf32>
      %max3A = arith.maximumf %add3A_266, %broadcast_in_dim3A_1 : vector<16xf32>
      %div3A = arith.divf %add3A_261, %max3A : vector<16xf32>
      %swap3A = arith.index_cast %mul3A_253 : i32 to index
      %swap3A_267 = tpu.vector_load %arg15[%swap3A] {strides = array<i32>} : memref<2048xf32, #tpu.memory_space<vmem>>, vector<16xf32>,
      tpu.vector_store %arg15[%swap3A], %div3A {strides = array<i32>} : memref<2048xf32, #tpu.memory_space<vmem>>, vector<16xf32>,
      %scan3A_268 = arith.constant 0 : i32
      scf.yield %scan3A_268 : i32
    }
    %scan3A_74 = arith.constant 56 : i32
    "tpu.region"() ({
      %run_scoped3A_250 = tpu.sem_alloc : memref<!tpu.dma_semaphore, #tpu.memory_space<semaphore_mem>>
      %dma_start3A_251 = arith.constant 0 : i32
      %dma_start3A_252 = tpu.memref_slice %arg15[%dma_start3A_251] : memref<2048xf32, #tpu.memory_space<vmem>> -> memref<896xf32, #tpu.memory_space<vmem>>
      %dma_start3A_253 = tpu.memref_slice %arg18[%add3A_63] : memref<100352xf32, #tpu.memory_space<vmem_shared>> -> memref<896xf32, #tpu.memory_space<vmem_shared>>
      %dma_start3A_254 = tpu.memref_slice %arg18[%add3A_63] : memref<100352xf32, #tpu.memory_space<vmem_shared>> -> memref<896xf32, #tpu.memory_space<vmem_shared>>
      %dma_start3A_255 = arith.constant 0 : i32
      %dma_start3A_256 = tpu.memref_slice %arg15[%dma_start3A_255] : memref<2048xf32, #tpu.memory_space<vmem>> -> memref<896xf32, #tpu.memory_space<vmem>>
      tpu.enqueue_dma source(%dma_start3A_256 : memref<896xf32, #tpu.memory_space<vmem>>) target(%dma_start3A_254 : memref<896xf32, #tpu.memory_space<vmem_shared>>) target_semaphore(%run_scoped3A_250 : memref<!tpu.dma_semaphore, #tpu.memory_space<semaphore_mem>>)
      %dma_wait3A_257 = arith.constant 0 : i32
      %dma_wait3A_258 = tpu.memref_slice %arg15[%dma_wait3A_257] : memref<2048xf32, #tpu.memory_space<vmem>> -> memref<896xf32, #tpu.memory_space<vmem>>
      %dma_wait3A_259 = tpu.memref_slice %arg18[%add3A_63] : memref<100352xf32, #tpu.memory_space<vmem_shared>> -> memref<896xf32, #tpu.memory_space<vmem_shared>>
      %dma_wait3A_260 = tpu.memref_slice %arg18[%add3A_63] : memref<100352xf32, #tpu.memory_space<vmem_shared>> -> memref<896xf32, #tpu.memory_space<vmem_shared>>
      %dma_wait3A_261 = arith.constant 0 : i32
      %dma_wait3A_262 = tpu.memref_slice %arg15[%dma_wait3A_261] : memref<2048xf32, #tpu.memory_space<vmem>> -> memref<896xf32, #tpu.memory_space<vmem>>
      tpu.wait_dma2 semaphore(%run_scoped3A_250 : memref<!tpu.dma_semaphore, #tpu.memory_space<semaphore_mem>>) src(%dma_wait3A_262 : memref<896xf32, #tpu.memory_space<vmem>>) dst(%dma_wait3A_260 : memref<896xf32, #tpu.memory_space<vmem_shared>>)
      tpu.yield
    }) : () -> ()
    %mul3A_75 = arith.constant 6272 : i32
    %mul3A_76 = arith.muli %arg1, %mul3A_75 : i32
    %add3A_77 = arith.constant 4480 : i32
    %add3A_78 = arith.addi %mul3A_76, %add3A_77 : i32
    %run_scoped3A_79 = arith.constant 0 : i32
    "tpu.region"() ({
      %run_scoped3A_250 = tpu.sem_alloc : memref<!tpu.dma_semaphore, #tpu.memory_space<semaphore_mem>>
      %dma_start3A_251 = arith.constant 0 : i32
      %dma_start3A_252 = tpu.memref_slice %arg15[%dma_start3A_251] : memref<2048xf32, #tpu.memory_space<vmem>> -> memref<896xf32, #tpu.memory_space<vmem>>
      %dma_start3A_253 = tpu.memref_slice %arg2[%run_scoped3A_79, %add3A_78] : memref<2x100352xf32, #tpu.memory_space<hbm>> -> memref<1x896xf32, #tpu.memory_space<hbm>>
      %dma_start3A_254 = tpu.memref_squeeze %dma_start3A_253 : memref<1x896xf32, #tpu.memory_space<hbm>> -> memref<896xf32, #tpu.memory_space<hbm>>
      %dma_start3A_255 = arith.constant 0 : i32
      %dma_start3A_256 = tpu.memref_slice %arg15[%dma_start3A_255] : memref<2048xf32, #tpu.memory_space<vmem>> -> memref<896xf32, #tpu.memory_space<vmem>>
      %dma_start3A_257 = tpu.memref_slice %arg2[%run_scoped3A_79, %add3A_78] : memref<2x100352xf32, #tpu.memory_space<hbm>> -> memref<1x896xf32, #tpu.memory_space<hbm>>
      %dma_start3A_258 = tpu.memref_squeeze %dma_start3A_257 : memref<1x896xf32, #tpu.memory_space<hbm>> -> memref<896xf32, #tpu.memory_space<hbm>>
      tpu.enqueue_dma source(%dma_start3A_258 : memref<896xf32, #tpu.memory_space<hbm>>) target(%dma_start3A_256 : memref<896xf32, #tpu.memory_space<vmem>>) target_semaphore(%run_scoped3A_250 : memref<!tpu.dma_semaphore, #tpu.memory_space<semaphore_mem>>)
      %dma_wait3A_259 = arith.constant 0 : i32
      %dma_wait3A_260 = tpu.memref_slice %arg15[%dma_wait3A_259] : memref<2048xf32, #tpu.memory_space<vmem>> -> memref<896xf32, #tpu.memory_space<vmem>>
      %dma_wait3A_261 = tpu.memref_slice %arg2[%run_scoped3A_79, %add3A_78] : memref<2x100352xf32, #tpu.memory_space<hbm>> -> memref<1x896xf32, #tpu.memory_space<hbm>>
      %dma_wait3A_262 = tpu.memref_squeeze %dma_wait3A_261 : memref<1x896xf32, #tpu.memory_space<hbm>> -> memref<896xf32, #tpu.memory_space<hbm>>
      %dma_wait3A_263 = arith.constant 0 : i32
      %dma_wait3A_264 = tpu.memref_slice %arg15[%dma_wait3A_263] : memref<2048xf32, #tpu.memory_space<vmem>> -> memref<896xf32, #tpu.memory_space<vmem>>
      %dma_wait3A_265 = tpu.memref_slice %arg2[%run_scoped3A_79, %add3A_78] : memref<2x100352xf32, #tpu.memory_space<hbm>> -> memref<1x896xf32, #tpu.memory_space<hbm>>
      %dma_wait3A_266 = tpu.memref_squeeze %dma_wait3A_265 : memref<1x896xf32, #tpu.memory_space<hbm>> -> memref<896xf32, #tpu.memory_space<hbm>>
      tpu.wait_dma2 semaphore(%run_scoped3A_250 : memref<!tpu.dma_semaphore, #tpu.memory_space<semaphore_mem>>) src(%dma_wait3A_266 : memref<896xf32, #tpu.memory_space<hbm>>) dst(%dma_wait3A_264 : memref<896xf32, #tpu.memory_space<vmem>>)
      tpu.yield
    }) : () -> ()
    %run_scoped3A_80 = arith.constant 1 : i32
    "tpu.region"() ({
      %run_scoped3A_250 = tpu.sem_alloc : memref<!tpu.dma_semaphore, #tpu.memory_space<semaphore_mem>>
      %dma_start3A_251 = arith.constant 896 : i32
      %dma_start3A_252 = tpu.memref_slice %arg15[%dma_start3A_251] : memref<2048xf32, #tpu.memory_space<vmem>> -> memref<896xf32, #tpu.memory_space<vmem>>
      %dma_start3A_253 = tpu.memref_slice %arg2[%run_scoped3A_80, %add3A_78] : memref<2x100352xf32, #tpu.memory_space<hbm>> -> memref<1x896xf32, #tpu.memory_space<hbm>>
      %dma_start3A_254 = tpu.memref_squeeze %dma_start3A_253 : memref<1x896xf32, #tpu.memory_space<hbm>> -> memref<896xf32, #tpu.memory_space<hbm>>
      %dma_start3A_255 = arith.constant 896 : i32
      %dma_start3A_256 = tpu.memref_slice %arg15[%dma_start3A_255] : memref<2048xf32, #tpu.memory_space<vmem>> -> memref<896xf32, #tpu.memory_space<vmem>>
      %dma_start3A_257 = tpu.memref_slice %arg2[%run_scoped3A_80, %add3A_78] : memref<2x100352xf32, #tpu.memory_space<hbm>> -> memref<1x896xf32, #tpu.memory_space<hbm>>
      %dma_start3A_258 = tpu.memref_squeeze %dma_start3A_257 : memref<1x896xf32, #tpu.memory_space<hbm>> -> memref<896xf32, #tpu.memory_space<hbm>>
      tpu.enqueue_dma source(%dma_start3A_258 : memref<896xf32, #tpu.memory_space<hbm>>) target(%dma_start3A_256 : memref<896xf32, #tpu.memory_space<vmem>>) target_semaphore(%run_scoped3A_250 : memref<!tpu.dma_semaphore, #tpu.memory_space<semaphore_mem>>)
      %dma_wait3A_259 = arith.constant 896 : i32
      %dma_wait3A_260 = tpu.memref_slice %arg15[%dma_wait3A_259] : memref<2048xf32, #tpu.memory_space<vmem>> -> memref<896xf32, #tpu.memory_space<vmem>>
      %dma_wait3A_261 = tpu.memref_slice %arg2[%run_scoped3A_80, %add3A_78] : memref<2x100352xf32, #tpu.memory_space<hbm>> -> memref<1x896xf32, #tpu.memory_space<hbm>>
      %dma_wait3A_262 = tpu.memref_squeeze %dma_wait3A_261 : memref<1x896xf32, #tpu.memory_space<hbm>> -> memref<896xf32, #tpu.memory_space<hbm>>
      %dma_wait3A_263 = arith.constant 896 : i32
      %dma_wait3A_264 = tpu.memref_slice %arg15[%dma_wait3A_263] : memref<2048xf32, #tpu.memory_space<vmem>> -> memref<896xf32, #tpu.memory_space<vmem>>
      %dma_wait3A_265 = tpu.memref_slice %arg2[%run_scoped3A_80, %add3A_78] : memref<2x100352xf32, #tpu.memory_space<hbm>> -> memref<1x896xf32, #tpu.memory_space<hbm>>
      %dma_wait3A_266 = tpu.memref_squeeze %dma_wait3A_265 : memref<1x896xf32, #tpu.memory_space<hbm>> -> memref<896xf32, #tpu.memory_space<hbm>>
      tpu.wait_dma2 semaphore(%run_scoped3A_250 : memref<!tpu.dma_semaphore, #tpu.memory_space<semaphore_mem>>) src(%dma_wait3A_266 : memref<896xf32, #tpu.memory_space<hbm>>) dst(%dma_wait3A_264 : memref<896xf32, #tpu.memory_space<vmem>>)
      tpu.yield
    }) : () -> ()
    %run_scoped3A_81 = arith.constant 0 : i32
    "tpu.region"() ({
      %run_scoped3A_250 = tpu.sem_alloc : memref<!tpu.dma_semaphore, #tpu.memory_space<semaphore_mem>>
      %dma_start3A_251 = arith.constant 0 : i32
      %dma_start3A_252 = tpu.memref_slice %arg16[%dma_start3A_251] : memref<2048xf32, #tpu.memory_space<vmem>> -> memref<896xf32, #tpu.memory_space<vmem>>
      %dma_start3A_253 = tpu.memref_slice %arg3[%run_scoped3A_81, %add3A_78] : memref<2x100352xf32, #tpu.memory_space<hbm>> -> memref<1x896xf32, #tpu.memory_space<hbm>>
      %dma_start3A_254 = tpu.memref_squeeze %dma_start3A_253 : memref<1x896xf32, #tpu.memory_space<hbm>> -> memref<896xf32, #tpu.memory_space<hbm>>
      %dma_start3A_255 = arith.constant 0 : i32
      %dma_start3A_256 = tpu.memref_slice %arg16[%dma_start3A_255] : memref<2048xf32, #tpu.memory_space<vmem>> -> memref<896xf32, #tpu.memory_space<vmem>>
      %dma_start3A_257 = tpu.memref_slice %arg3[%run_scoped3A_81, %add3A_78] : memref<2x100352xf32, #tpu.memory_space<hbm>> -> memref<1x896xf32, #tpu.memory_space<hbm>>
      %dma_start3A_258 = tpu.memref_squeeze %dma_start3A_257 : memref<1x896xf32, #tpu.memory_space<hbm>> -> memref<896xf32, #tpu.memory_space<hbm>>
      tpu.enqueue_dma source(%dma_start3A_258 : memref<896xf32, #tpu.memory_space<hbm>>) target(%dma_start3A_256 : memref<896xf32, #tpu.memory_space<vmem>>) target_semaphore(%run_scoped3A_250 : memref<!tpu.dma_semaphore, #tpu.memory_space<semaphore_mem>>)
      %dma_wait3A_259 = arith.constant 0 : i32
      %dma_wait3A_260 = tpu.memref_slice %arg16[%dma_wait3A_259] : memref<2048xf32, #tpu.memory_space<vmem>> -> memref<896xf32, #tpu.memory_space<vmem>>
      %dma_wait3A_261 = tpu.memref_slice %arg3[%run_scoped3A_81, %add3A_78] : memref<2x100352xf32, #tpu.memory_space<hbm>> -> memref<1x896xf32, #tpu.memory_space<hbm>>
      %dma_wait3A_262 = tpu.memref_squeeze %dma_wait3A_261 : memref<1x896xf32, #tpu.memory_space<hbm>> -> memref<896xf32, #tpu.memory_space<hbm>>
      %dma_wait3A_263 = arith.constant 0 : i32
      %dma_wait3A_264 = tpu.memref_slice %arg16[%dma_wait3A_263] : memref<2048xf32, #tpu.memory_space<vmem>> -> memref<896xf32, #tpu.memory_space<vmem>>
      %dma_wait3A_265 = tpu.memref_slice %arg3[%run_scoped3A_81, %add3A_78] : memref<2x100352xf32, #tpu.memory_space<hbm>> -> memref<1x896xf32, #tpu.memory_space<hbm>>
      %dma_wait3A_266 = tpu.memref_squeeze %dma_wait3A_265 : memref<1x896xf32, #tpu.memory_space<hbm>> -> memref<896xf32, #tpu.memory_space<hbm>>
      tpu.wait_dma2 semaphore(%run_scoped3A_250 : memref<!tpu.dma_semaphore, #tpu.memory_space<semaphore_mem>>) src(%dma_wait3A_266 : memref<896xf32, #tpu.memory_space<hbm>>) dst(%dma_wait3A_264 : memref<896xf32, #tpu.memory_space<vmem>>)
      tpu.yield
    }) : () -> ()
    %run_scoped3A_82 = arith.constant 1 : i32
    "tpu.region"() ({
      %run_scoped3A_250 = tpu.sem_alloc : memref<!tpu.dma_semaphore, #tpu.memory_space<semaphore_mem>>
      %dma_start3A_251 = arith.constant 896 : i32
      %dma_start3A_252 = tpu.memref_slice %arg16[%dma_start3A_251] : memref<2048xf32, #tpu.memory_space<vmem>> -> memref<896xf32, #tpu.memory_space<vmem>>
      %dma_start3A_253 = tpu.memref_slice %arg3[%run_scoped3A_82, %add3A_78] : memref<2x100352xf32, #tpu.memory_space<hbm>> -> memref<1x896xf32, #tpu.memory_space<hbm>>
      %dma_start3A_254 = tpu.memref_squeeze %dma_start3A_253 : memref<1x896xf32, #tpu.memory_space<hbm>> -> memref<896xf32, #tpu.memory_space<hbm>>
      %dma_start3A_255 = arith.constant 896 : i32
      %dma_start3A_256 = tpu.memref_slice %arg16[%dma_start3A_255] : memref<2048xf32, #tpu.memory_space<vmem>> -> memref<896xf32, #tpu.memory_space<vmem>>
      %dma_start3A_257 = tpu.memref_slice %arg3[%run_scoped3A_82, %add3A_78] : memref<2x100352xf32, #tpu.memory_space<hbm>> -> memref<1x896xf32, #tpu.memory_space<hbm>>
      %dma_start3A_258 = tpu.memref_squeeze %dma_start3A_257 : memref<1x896xf32, #tpu.memory_space<hbm>> -> memref<896xf32, #tpu.memory_space<hbm>>
      tpu.enqueue_dma source(%dma_start3A_258 : memref<896xf32, #tpu.memory_space<hbm>>) target(%dma_start3A_256 : memref<896xf32, #tpu.memory_space<vmem>>) target_semaphore(%run_scoped3A_250 : memref<!tpu.dma_semaphore, #tpu.memory_space<semaphore_mem>>)
      %dma_wait3A_259 = arith.constant 896 : i32
      %dma_wait3A_260 = tpu.memref_slice %arg16[%dma_wait3A_259] : memref<2048xf32, #tpu.memory_space<vmem>> -> memref<896xf32, #tpu.memory_space<vmem>>
      %dma_wait3A_261 = tpu.memref_slice %arg3[%run_scoped3A_82, %add3A_78] : memref<2x100352xf32, #tpu.memory_space<hbm>> -> memref<1x896xf32, #tpu.memory_space<hbm>>
      %dma_wait3A_262 = tpu.memref_squeeze %dma_wait3A_261 : memref<1x896xf32, #tpu.memory_space<hbm>> -> memref<896xf32, #tpu.memory_space<hbm>>
      %dma_wait3A_263 = arith.constant 896 : i32
      %dma_wait3A_264 = tpu.memref_slice %arg16[%dma_wait3A_263] : memref<2048xf32, #tpu.memory_space<vmem>> -> memref<896xf32, #tpu.memory_space<vmem>>
      %dma_wait3A_265 = tpu.memref_slice %arg3[%run_scoped3A_82, %add3A_78] : memref<2x100352xf32, #tpu.memory_space<hbm>> -> memref<1x896xf32, #tpu.memory_space<hbm>>
      %dma_wait3A_266 = tpu.memref_squeeze %dma_wait3A_265 : memref<1x896xf32, #tpu.memory_space<hbm>> -> memref<896xf32, #tpu.memory_space<hbm>>
      tpu.wait_dma2 semaphore(%run_scoped3A_250 : memref<!tpu.dma_semaphore, #tpu.memory_space<semaphore_mem>>) src(%dma_wait3A_266 : memref<896xf32, #tpu.memory_space<hbm>>) dst(%dma_wait3A_264 : memref<896xf32, #tpu.memory_space<vmem>>)
      tpu.yield
    }) : () -> ()
    %scan3A_83 = arith.constant 0 : i32
    %scan3A_84 = arith.constant 0 : i32
    %scan3A_85 = arith.constant 56 : i32
    %scan3A_86 = arith.addi %scan3A_84, %scan3A_85 : i32
    %scan3A_87 = arith.constant 1 : i32
    %scan3A_88 = scf.for %scan3A_250 = %scan3A_84 to %scan3A_86 step %scan3A_87 iter_args(%scan3A_251 = %scan3A_83) -> (i32)  : i32 {
      %mul3A_252 = arith.constant 16 : i32
      %mul3A_253 = arith.muli %scan3A_250, %mul3A_252 : i32
      %mul3A_254 = arith.constant 16 : i32
      %mul3A_255 = arith.muli %scan3A_250, %mul3A_254 : i32
      %add3A_256 = arith.constant 896 : i32
      %add3A_257 = arith.addi %add3A_256, %mul3A_255 : i32
      %get3A = arith.index_cast %mul3A_253 : i32 to index
      %get3A_258 = tpu.vector_load %arg15[%get3A] {strides = array<i32>} : memref<2048xf32, #tpu.memory_space<vmem>>, vector<16xf32>,
      %get3A_259 = arith.index_cast %add3A_257 : i32 to index
      %get3A_260 = tpu.vector_load %arg15[%get3A_259] {strides = array<i32>} : memref<2048xf32, #tpu.memory_space<vmem>>, vector<16xf32>,
      %add3A_261 = arith.addf %get3A_258, %get3A_260 : vector<16xf32>
      %get3A_262 = arith.index_cast %mul3A_253 : i32 to index
      %get3A_263 = tpu.vector_load %arg16[%get3A_262] {strides = array<i32>} : memref<2048xf32, #tpu.memory_space<vmem>>, vector<16xf32>,
      %get3A_264 = arith.index_cast %add3A_257 : i32 to index
      %get3A_265 = tpu.vector_load %arg16[%get3A_264] {strides = array<i32>} : memref<2048xf32, #tpu.memory_space<vmem>>, vector<16xf32>,
      %add3A_266 = arith.addf %get3A_263, %get3A_265 : vector<16xf32>
      %max3A = arith.maximumf %add3A_266, %broadcast_in_dim3A_1 : vector<16xf32>
      %div3A = arith.divf %add3A_261, %max3A : vector<16xf32>
      %swap3A = arith.index_cast %mul3A_253 : i32 to index
      %swap3A_267 = tpu.vector_load %arg15[%swap3A] {strides = array<i32>} : memref<2048xf32, #tpu.memory_space<vmem>>, vector<16xf32>,
      tpu.vector_store %arg15[%swap3A], %div3A {strides = array<i32>} : memref<2048xf32, #tpu.memory_space<vmem>>, vector<16xf32>,
      %scan3A_268 = arith.constant 0 : i32
      scf.yield %scan3A_268 : i32
    }
    %scan3A_89 = arith.constant 56 : i32
    "tpu.region"() ({
      %run_scoped3A_250 = tpu.sem_alloc : memref<!tpu.dma_semaphore, #tpu.memory_space<semaphore_mem>>
      %dma_start3A_251 = arith.constant 0 : i32
      %dma_start3A_252 = tpu.memref_slice %arg15[%dma_start3A_251] : memref<2048xf32, #tpu.memory_space<vmem>> -> memref<896xf32, #tpu.memory_space<vmem>>
      %dma_start3A_253 = tpu.memref_slice %arg18[%add3A_78] : memref<100352xf32, #tpu.memory_space<vmem_shared>> -> memref<896xf32, #tpu.memory_space<vmem_shared>>
      %dma_start3A_254 = tpu.memref_slice %arg18[%add3A_78] : memref<100352xf32, #tpu.memory_space<vmem_shared>> -> memref<896xf32, #tpu.memory_space<vmem_shared>>
      %dma_start3A_255 = arith.constant 0 : i32
      %dma_start3A_256 = tpu.memref_slice %arg15[%dma_start3A_255] : memref<2048xf32, #tpu.memory_space<vmem>> -> memref<896xf32, #tpu.memory_space<vmem>>
      tpu.enqueue_dma source(%dma_start3A_256 : memref<896xf32, #tpu.memory_space<vmem>>) target(%dma_start3A_254 : memref<896xf32, #tpu.memory_space<vmem_shared>>) target_semaphore(%run_scoped3A_250 : memref<!tpu.dma_semaphore, #tpu.memory_space<semaphore_mem>>)
      %dma_wait3A_257 = arith.constant 0 : i32
      %dma_wait3A_258 = tpu.memref_slice %arg15[%dma_wait3A_257] : memref<2048xf32, #tpu.memory_space<vmem>> -> memref<896xf32, #tpu.memory_space<vmem>>
      %dma_wait3A_259 = tpu.memref_slice %arg18[%add3A_78] : memref<100352xf32, #tpu.memory_space<vmem_shared>> -> memref<896xf32, #tpu.memory_space<vmem_shared>>
      %dma_wait3A_260 = tpu.memref_slice %arg18[%add3A_78] : memref<100352xf32, #tpu.memory_space<vmem_shared>> -> memref<896xf32, #tpu.memory_space<vmem_shared>>
      %dma_wait3A_261 = arith.constant 0 : i32
      %dma_wait3A_262 = tpu.memref_slice %arg15[%dma_wait3A_261] : memref<2048xf32, #tpu.memory_space<vmem>> -> memref<896xf32, #tpu.memory_space<vmem>>
      tpu.wait_dma2 semaphore(%run_scoped3A_250 : memref<!tpu.dma_semaphore, #tpu.memory_space<semaphore_mem>>) src(%dma_wait3A_262 : memref<896xf32, #tpu.memory_space<vmem>>) dst(%dma_wait3A_260 : memref<896xf32, #tpu.memory_space<vmem_shared>>)
      tpu.yield
    }) : () -> ()
    %mul3A_90 = arith.constant 6272 : i32
    %mul3A_91 = arith.muli %arg1, %mul3A_90 : i32
    %add3A_92 = arith.constant 5376 : i32
    %add3A_93 = arith.addi %mul3A_91, %add3A_92 : i32
    %run_scoped3A_94 = arith.constant 0 : i32
    "tpu.region"() ({
      %run_scoped3A_250 = tpu.sem_alloc : memref<!tpu.dma_semaphore, #tpu.memory_space<semaphore_mem>>
      %dma_start3A_251 = arith.constant 0 : i32
      %dma_start3A_252 = tpu.memref_slice %arg15[%dma_start3A_251] : memref<2048xf32, #tpu.memory_space<vmem>> -> memref<896xf32, #tpu.memory_space<vmem>>
      %dma_start3A_253 = tpu.memref_slice %arg2[%run_scoped3A_94, %add3A_93] : memref<2x100352xf32, #tpu.memory_space<hbm>> -> memref<1x896xf32, #tpu.memory_space<hbm>>
      %dma_start3A_254 = tpu.memref_squeeze %dma_start3A_253 : memref<1x896xf32, #tpu.memory_space<hbm>> -> memref<896xf32, #tpu.memory_space<hbm>>
      %dma_start3A_255 = arith.constant 0 : i32
      %dma_start3A_256 = tpu.memref_slice %arg15[%dma_start3A_255] : memref<2048xf32, #tpu.memory_space<vmem>> -> memref<896xf32, #tpu.memory_space<vmem>>
      %dma_start3A_257 = tpu.memref_slice %arg2[%run_scoped3A_94, %add3A_93] : memref<2x100352xf32, #tpu.memory_space<hbm>> -> memref<1x896xf32, #tpu.memory_space<hbm>>
      %dma_start3A_258 = tpu.memref_squeeze %dma_start3A_257 : memref<1x896xf32, #tpu.memory_space<hbm>> -> memref<896xf32, #tpu.memory_space<hbm>>
      tpu.enqueue_dma source(%dma_start3A_258 : memref<896xf32, #tpu.memory_space<hbm>>) target(%dma_start3A_256 : memref<896xf32, #tpu.memory_space<vmem>>) target_semaphore(%run_scoped3A_250 : memref<!tpu.dma_semaphore, #tpu.memory_space<semaphore_mem>>)
      %dma_wait3A_259 = arith.constant 0 : i32
      %dma_wait3A_260 = tpu.memref_slice %arg15[%dma_wait3A_259] : memref<2048xf32, #tpu.memory_space<vmem>> -> memref<896xf32, #tpu.memory_space<vmem>>
      %dma_wait3A_261 = tpu.memref_slice %arg2[%run_scoped3A_94, %add3A_93] : memref<2x100352xf32, #tpu.memory_space<hbm>> -> memref<1x896xf32, #tpu.memory_space<hbm>>
      %dma_wait3A_262 = tpu.memref_squeeze %dma_wait3A_261 : memref<1x896xf32, #tpu.memory_space<hbm>> -> memref<896xf32, #tpu.memory_space<hbm>>
      %dma_wait3A_263 = arith.constant 0 : i32
      %dma_wait3A_264 = tpu.memref_slice %arg15[%dma_wait3A_263] : memref<2048xf32, #tpu.memory_space<vmem>> -> memref<896xf32, #tpu.memory_space<vmem>>
      %dma_wait3A_265 = tpu.memref_slice %arg2[%run_scoped3A_94, %add3A_93] : memref<2x100352xf32, #tpu.memory_space<hbm>> -> memref<1x896xf32, #tpu.memory_space<hbm>>
      %dma_wait3A_266 = tpu.memref_squeeze %dma_wait3A_265 : memref<1x896xf32, #tpu.memory_space<hbm>> -> memref<896xf32, #tpu.memory_space<hbm>>
      tpu.wait_dma2 semaphore(%run_scoped3A_250 : memref<!tpu.dma_semaphore, #tpu.memory_space<semaphore_mem>>) src(%dma_wait3A_266 : memref<896xf32, #tpu.memory_space<hbm>>) dst(%dma_wait3A_264 : memref<896xf32, #tpu.memory_space<vmem>>)
      tpu.yield
    }) : () -> ()
    %run_scoped3A_95 = arith.constant 1 : i32
    "tpu.region"() ({
      %run_scoped3A_250 = tpu.sem_alloc : memref<!tpu.dma_semaphore, #tpu.memory_space<semaphore_mem>>
      %dma_start3A_251 = arith.constant 896 : i32
      %dma_start3A_252 = tpu.memref_slice %arg15[%dma_start3A_251] : memref<2048xf32, #tpu.memory_space<vmem>> -> memref<896xf32, #tpu.memory_space<vmem>>
      %dma_start3A_253 = tpu.memref_slice %arg2[%run_scoped3A_95, %add3A_93] : memref<2x100352xf32, #tpu.memory_space<hbm>> -> memref<1x896xf32, #tpu.memory_space<hbm>>
      %dma_start3A_254 = tpu.memref_squeeze %dma_start3A_253 : memref<1x896xf32, #tpu.memory_space<hbm>> -> memref<896xf32, #tpu.memory_space<hbm>>
      %dma_start3A_255 = arith.constant 896 : i32
      %dma_start3A_256 = tpu.memref_slice %arg15[%dma_start3A_255] : memref<2048xf32, #tpu.memory_space<vmem>> -> memref<896xf32, #tpu.memory_space<vmem>>
      %dma_start3A_257 = tpu.memref_slice %arg2[%run_scoped3A_95, %add3A_93] : memref<2x100352xf32, #tpu.memory_space<hbm>> -> memref<1x896xf32, #tpu.memory_space<hbm>>
      %dma_start3A_258 = tpu.memref_squeeze %dma_start3A_257 : memref<1x896xf32, #tpu.memory_space<hbm>> -> memref<896xf32, #tpu.memory_space<hbm>>
      tpu.enqueue_dma source(%dma_start3A_258 : memref<896xf32, #tpu.memory_space<hbm>>) target(%dma_start3A_256 : memref<896xf32, #tpu.memory_space<vmem>>) target_semaphore(%run_scoped3A_250 : memref<!tpu.dma_semaphore, #tpu.memory_space<semaphore_mem>>)
      %dma_wait3A_259 = arith.constant 896 : i32
      %dma_wait3A_260 = tpu.memref_slice %arg15[%dma_wait3A_259] : memref<2048xf32, #tpu.memory_space<vmem>> -> memref<896xf32, #tpu.memory_space<vmem>>
      %dma_wait3A_261 = tpu.memref_slice %arg2[%run_scoped3A_95, %add3A_93] : memref<2x100352xf32, #tpu.memory_space<hbm>> -> memref<1x896xf32, #tpu.memory_space<hbm>>
      %dma_wait3A_262 = tpu.memref_squeeze %dma_wait3A_261 : memref<1x896xf32, #tpu.memory_space<hbm>> -> memref<896xf32, #tpu.memory_space<hbm>>
      %dma_wait3A_263 = arith.constant 896 : i32
      %dma_wait3A_264 = tpu.memref_slice %arg15[%dma_wait3A_263] : memref<2048xf32, #tpu.memory_space<vmem>> -> memref<896xf32, #tpu.memory_space<vmem>>
      %dma_wait3A_265 = tpu.memref_slice %arg2[%run_scoped3A_95, %add3A_93] : memref<2x100352xf32, #tpu.memory_space<hbm>> -> memref<1x896xf32, #tpu.memory_space<hbm>>
      %dma_wait3A_266 = tpu.memref_squeeze %dma_wait3A_265 : memref<1x896xf32, #tpu.memory_space<hbm>> -> memref<896xf32, #tpu.memory_space<hbm>>
      tpu.wait_dma2 semaphore(%run_scoped3A_250 : memref<!tpu.dma_semaphore, #tpu.memory_space<semaphore_mem>>) src(%dma_wait3A_266 : memref<896xf32, #tpu.memory_space<hbm>>) dst(%dma_wait3A_264 : memref<896xf32, #tpu.memory_space<vmem>>)
      tpu.yield
    }) : () -> ()
    %run_scoped3A_96 = arith.constant 0 : i32
    "tpu.region"() ({
      %run_scoped3A_250 = tpu.sem_alloc : memref<!tpu.dma_semaphore, #tpu.memory_space<semaphore_mem>>
      %dma_start3A_251 = arith.constant 0 : i32
      %dma_start3A_252 = tpu.memref_slice %arg16[%dma_start3A_251] : memref<2048xf32, #tpu.memory_space<vmem>> -> memref<896xf32, #tpu.memory_space<vmem>>
      %dma_start3A_253 = tpu.memref_slice %arg3[%run_scoped3A_96, %add3A_93] : memref<2x100352xf32, #tpu.memory_space<hbm>> -> memref<1x896xf32, #tpu.memory_space<hbm>>
      %dma_start3A_254 = tpu.memref_squeeze %dma_start3A_253 : memref<1x896xf32, #tpu.memory_space<hbm>> -> memref<896xf32, #tpu.memory_space<hbm>>
      %dma_start3A_255 = arith.constant 0 : i32
      %dma_start3A_256 = tpu.memref_slice %arg16[%dma_start3A_255] : memref<2048xf32, #tpu.memory_space<vmem>> -> memref<896xf32, #tpu.memory_space<vmem>>
      %dma_start3A_257 = tpu.memref_slice %arg3[%run_scoped3A_96, %add3A_93] : memref<2x100352xf32, #tpu.memory_space<hbm>> -> memref<1x896xf32, #tpu.memory_space<hbm>>
      %dma_start3A_258 = tpu.memref_squeeze %dma_start3A_257 : memref<1x896xf32, #tpu.memory_space<hbm>> -> memref<896xf32, #tpu.memory_space<hbm>>
      tpu.enqueue_dma source(%dma_start3A_258 : memref<896xf32, #tpu.memory_space<hbm>>) target(%dma_start3A_256 : memref<896xf32, #tpu.memory_space<vmem>>) target_semaphore(%run_scoped3A_250 : memref<!tpu.dma_semaphore, #tpu.memory_space<semaphore_mem>>)
      %dma_wait3A_259 = arith.constant 0 : i32
      %dma_wait3A_260 = tpu.memref_slice %arg16[%dma_wait3A_259] : memref<2048xf32, #tpu.memory_space<vmem>> -> memref<896xf32, #tpu.memory_space<vmem>>
      %dma_wait3A_261 = tpu.memref_slice %arg3[%run_scoped3A_96, %add3A_93] : memref<2x100352xf32, #tpu.memory_space<hbm>> -> memref<1x896xf32, #tpu.memory_space<hbm>>
      %dma_wait3A_262 = tpu.memref_squeeze %dma_wait3A_261 : memref<1x896xf32, #tpu.memory_space<hbm>> -> memref<896xf32, #tpu.memory_space<hbm>>
      %dma_wait3A_263 = arith.constant 0 : i32
      %dma_wait3A_264 = tpu.memref_slice %arg16[%dma_wait3A_263] : memref<2048xf32, #tpu.memory_space<vmem>> -> memref<896xf32, #tpu.memory_space<vmem>>
      %dma_wait3A_265 = tpu.memref_slice %arg3[%run_scoped3A_96, %add3A_93] : memref<2x100352xf32, #tpu.memory_space<hbm>> -> memref<1x896xf32, #tpu.memory_space<hbm>>
      %dma_wait3A_266 = tpu.memref_squeeze %dma_wait3A_265 : memref<1x896xf32, #tpu.memory_space<hbm>> -> memref<896xf32, #tpu.memory_space<hbm>>
      tpu.wait_dma2 semaphore(%run_scoped3A_250 : memref<!tpu.dma_semaphore, #tpu.memory_space<semaphore_mem>>) src(%dma_wait3A_266 : memref<896xf32, #tpu.memory_space<hbm>>) dst(%dma_wait3A_264 : memref<896xf32, #tpu.memory_space<vmem>>)
      tpu.yield
    }) : () -> ()
    %run_scoped3A_97 = arith.constant 1 : i32
    "tpu.region"() ({
      %run_scoped3A_250 = tpu.sem_alloc : memref<!tpu.dma_semaphore, #tpu.memory_space<semaphore_mem>>
      %dma_start3A_251 = arith.constant 896 : i32
      %dma_start3A_252 = tpu.memref_slice %arg16[%dma_start3A_251] : memref<2048xf32, #tpu.memory_space<vmem>> -> memref<896xf32, #tpu.memory_space<vmem>>
      %dma_start3A_253 = tpu.memref_slice %arg3[%run_scoped3A_97, %add3A_93] : memref<2x100352xf32, #tpu.memory_space<hbm>> -> memref<1x896xf32, #tpu.memory_space<hbm>>
      %dma_start3A_254 = tpu.memref_squeeze %dma_start3A_253 : memref<1x896xf32, #tpu.memory_space<hbm>> -> memref<896xf32, #tpu.memory_space<hbm>>
      %dma_start3A_255 = arith.constant 896 : i32
      %dma_start3A_256 = tpu.memref_slice %arg16[%dma_start3A_255] : memref<2048xf32, #tpu.memory_space<vmem>> -> memref<896xf32, #tpu.memory_space<vmem>>
      %dma_start3A_257 = tpu.memref_slice %arg3[%run_scoped3A_97, %add3A_93] : memref<2x100352xf32, #tpu.memory_space<hbm>> -> memref<1x896xf32, #tpu.memory_space<hbm>>
      %dma_start3A_258 = tpu.memref_squeeze %dma_start3A_257 : memref<1x896xf32, #tpu.memory_space<hbm>> -> memref<896xf32, #tpu.memory_space<hbm>>
      tpu.enqueue_dma source(%dma_start3A_258 : memref<896xf32, #tpu.memory_space<hbm>>) target(%dma_start3A_256 : memref<896xf32, #tpu.memory_space<vmem>>) target_semaphore(%run_scoped3A_250 : memref<!tpu.dma_semaphore, #tpu.memory_space<semaphore_mem>>)
      %dma_wait3A_259 = arith.constant 896 : i32
      %dma_wait3A_260 = tpu.memref_slice %arg16[%dma_wait3A_259] : memref<2048xf32, #tpu.memory_space<vmem>> -> memref<896xf32, #tpu.memory_space<vmem>>
      %dma_wait3A_261 = tpu.memref_slice %arg3[%run_scoped3A_97, %add3A_93] : memref<2x100352xf32, #tpu.memory_space<hbm>> -> memref<1x896xf32, #tpu.memory_space<hbm>>
      %dma_wait3A_262 = tpu.memref_squeeze %dma_wait3A_261 : memref<1x896xf32, #tpu.memory_space<hbm>> -> memref<896xf32, #tpu.memory_space<hbm>>
      %dma_wait3A_263 = arith.constant 896 : i32
      %dma_wait3A_264 = tpu.memref_slice %arg16[%dma_wait3A_263] : memref<2048xf32, #tpu.memory_space<vmem>> -> memref<896xf32, #tpu.memory_space<vmem>>
      %dma_wait3A_265 = tpu.memref_slice %arg3[%run_scoped3A_97, %add3A_93] : memref<2x100352xf32, #tpu.memory_space<hbm>> -> memref<1x896xf32, #tpu.memory_space<hbm>>
      %dma_wait3A_266 = tpu.memref_squeeze %dma_wait3A_265 : memref<1x896xf32, #tpu.memory_space<hbm>> -> memref<896xf32, #tpu.memory_space<hbm>>
      tpu.wait_dma2 semaphore(%run_scoped3A_250 : memref<!tpu.dma_semaphore, #tpu.memory_space<semaphore_mem>>) src(%dma_wait3A_266 : memref<896xf32, #tpu.memory_space<hbm>>) dst(%dma_wait3A_264 : memref<896xf32, #tpu.memory_space<vmem>>)
      tpu.yield
    }) : () -> ()
    %scan3A_98 = arith.constant 0 : i32
    %scan3A_99 = arith.constant 0 : i32
    %scan3A_100 = arith.constant 56 : i32
    %scan3A_101 = arith.addi %scan3A_99, %scan3A_100 : i32
    %scan3A_102 = arith.constant 1 : i32
    %scan3A_103 = scf.for %scan3A_250 = %scan3A_99 to %scan3A_101 step %scan3A_102 iter_args(%scan3A_251 = %scan3A_98) -> (i32)  : i32 {
      %mul3A_252 = arith.constant 16 : i32
      %mul3A_253 = arith.muli %scan3A_250, %mul3A_252 : i32
      %mul3A_254 = arith.constant 16 : i32
      %mul3A_255 = arith.muli %scan3A_250, %mul3A_254 : i32
      %add3A_256 = arith.constant 896 : i32
      %add3A_257 = arith.addi %add3A_256, %mul3A_255 : i32
      %get3A = arith.index_cast %mul3A_253 : i32 to index
      %get3A_258 = tpu.vector_load %arg15[%get3A] {strides = array<i32>} : memref<2048xf32, #tpu.memory_space<vmem>>, vector<16xf32>,
      %get3A_259 = arith.index_cast %add3A_257 : i32 to index
      %get3A_260 = tpu.vector_load %arg15[%get3A_259] {strides = array<i32>} : memref<2048xf32, #tpu.memory_space<vmem>>, vector<16xf32>,
      %add3A_261 = arith.addf %get3A_258, %get3A_260 : vector<16xf32>
      %get3A_262 = arith.index_cast %mul3A_253 : i32 to index
      %get3A_263 = tpu.vector_load %arg16[%get3A_262] {strides = array<i32>} : memref<2048xf32, #tpu.memory_space<vmem>>, vector<16xf32>,
      %get3A_264 = arith.index_cast %add3A_257 : i32 to index
      %get3A_265 = tpu.vector_load %arg16[%get3A_264] {strides = array<i32>} : memref<2048xf32, #tpu.memory_space<vmem>>, vector<16xf32>,
      %add3A_266 = arith.addf %get3A_263, %get3A_265 : vector<16xf32>
      %max3A = arith.maximumf %add3A_266, %broadcast_in_dim3A_1 : vector<16xf32>
      %div3A = arith.divf %add3A_261, %max3A : vector<16xf32>
      %swap3A = arith.index_cast %mul3A_253 : i32 to index
      %swap3A_267 = tpu.vector_load %arg15[%swap3A] {strides = array<i32>} : memref<2048xf32, #tpu.memory_space<vmem>>, vector<16xf32>,
      tpu.vector_store %arg15[%swap3A], %div3A {strides = array<i32>} : memref<2048xf32, #tpu.memory_space<vmem>>, vector<16xf32>,
      %scan3A_268 = arith.constant 0 : i32
      scf.yield %scan3A_268 : i32
    }
    %scan3A_104 = arith.constant 56 : i32
    "tpu.region"() ({
      %run_scoped3A_250 = tpu.sem_alloc : memref<!tpu.dma_semaphore, #tpu.memory_space<semaphore_mem>>
      %dma_start3A_251 = arith.constant 0 : i32
      %dma_start3A_252 = tpu.memref_slice %arg15[%dma_start3A_251] : memref<2048xf32, #tpu.memory_space<vmem>> -> memref<896xf32, #tpu.memory_space<vmem>>
      %dma_start3A_253 = tpu.memref_slice %arg18[%add3A_93] : memref<100352xf32, #tpu.memory_space<vmem_shared>> -> memref<896xf32, #tpu.memory_space<vmem_shared>>
      %dma_start3A_254 = tpu.memref_slice %arg18[%add3A_93] : memref<100352xf32, #tpu.memory_space<vmem_shared>> -> memref<896xf32, #tpu.memory_space<vmem_shared>>
      %dma_start3A_255 = arith.constant 0 : i32
      %dma_start3A_256 = tpu.memref_slice %arg15[%dma_start3A_255] : memref<2048xf32, #tpu.memory_space<vmem>> -> memref<896xf32, #tpu.memory_space<vmem>>
      tpu.enqueue_dma source(%dma_start3A_256 : memref<896xf32, #tpu.memory_space<vmem>>) target(%dma_start3A_254 : memref<896xf32, #tpu.memory_space<vmem_shared>>) target_semaphore(%run_scoped3A_250 : memref<!tpu.dma_semaphore, #tpu.memory_space<semaphore_mem>>)
      %dma_wait3A_257 = arith.constant 0 : i32
      %dma_wait3A_258 = tpu.memref_slice %arg15[%dma_wait3A_257] : memref<2048xf32, #tpu.memory_space<vmem>> -> memref<896xf32, #tpu.memory_space<vmem>>
      %dma_wait3A_259 = tpu.memref_slice %arg18[%add3A_93] : memref<100352xf32, #tpu.memory_space<vmem_shared>> -> memref<896xf32, #tpu.memory_space<vmem_shared>>
      %dma_wait3A_260 = tpu.memref_slice %arg18[%add3A_93] : memref<100352xf32, #tpu.memory_space<vmem_shared>> -> memref<896xf32, #tpu.memory_space<vmem_shared>>
      %dma_wait3A_261 = arith.constant 0 : i32
      %dma_wait3A_262 = tpu.memref_slice %arg15[%dma_wait3A_261] : memref<2048xf32, #tpu.memory_space<vmem>> -> memref<896xf32, #tpu.memory_space<vmem>>
      tpu.wait_dma2 semaphore(%run_scoped3A_250 : memref<!tpu.dma_semaphore, #tpu.memory_space<semaphore_mem>>) src(%dma_wait3A_262 : memref<896xf32, #tpu.memory_space<vmem>>) dst(%dma_wait3A_260 : memref<896xf32, #tpu.memory_space<vmem_shared>>)
      tpu.yield
    }) : () -> ()
    %mul3A_105 = arith.constant 6272 : i32
    %mul3A_106 = arith.muli %arg1, %mul3A_105 : i32
    %eq3A = arith.constant 0 : i32
    %eq3A_107 = arith.cmpi eq, %arg0, %eq3A : i32
    %convert_element_type3A = arith.extui %eq3A_107 : i1 to i32
    %cond3A = arith.constant 0 : i32
    %cond3A_108 = arith.cmpi ne, %convert_element_type3A, %cond3A : i32
    scf.if %cond3A_108 {
      "tpu.region"() ({
        %run_scoped3A_250 = tpu.sem_alloc : memref<!tpu.dma_semaphore, #tpu.memory_space<semaphore_mem>>
        %dma_start3A_251 = tpu.memref_slice %arg6[%mul3A_106] : memref<100352xf32, #tpu.memory_space<hbm>> -> memref<6272xf32, #tpu.memory_space<hbm>>
        %dma_start3A_252 = tpu.memref_slice %arg18[%mul3A_106] : memref<100352xf32, #tpu.memory_space<vmem_shared>> -> memref<6272xf32, #tpu.memory_space<vmem_shared>>
        tpu.enqueue_dma source(%dma_start3A_252 : memref<6272xf32, #tpu.memory_space<vmem_shared>>) target(%dma_start3A_251 : memref<6272xf32, #tpu.memory_space<hbm>>) target_semaphore(%run_scoped3A_250 : memref<!tpu.dma_semaphore, #tpu.memory_space<semaphore_mem>>)
        %dma_wait3A_253 = tpu.memref_slice %arg6[%mul3A_106] : memref<100352xf32, #tpu.memory_space<hbm>> -> memref<6272xf32, #tpu.memory_space<hbm>>
        %dma_wait3A_254 = tpu.memref_slice %arg18[%mul3A_106] : memref<100352xf32, #tpu.memory_space<vmem_shared>> -> memref<6272xf32, #tpu.memory_space<vmem_shared>>
        tpu.wait_dma2 semaphore(%run_scoped3A_250 : memref<!tpu.dma_semaphore, #tpu.memory_space<semaphore_mem>>) src(%dma_wait3A_254 : memref<6272xf32, #tpu.memory_space<vmem_shared>>) dst(%dma_wait3A_253 : memref<6272xf32, #tpu.memory_space<hbm>>)
        tpu.yield
      }) : () -> ()
    } else {
    }
    %broadcast_in_dim3A_109 = arith.constant 0.000000e+00 : f32
    %broadcast_in_dim3A_110 = vector.broadcast %broadcast_in_dim3A_109 : f32 to vector<16xf32>
    %scan3A_111 = arith.constant 0 : i32
    %scan3A_112 = arith.constant 0 : i32
    %scan3A_113 = arith.constant 128 : i32
    %scan3A_114 = arith.addi %scan3A_112, %scan3A_113 : i32
    %scan3A_115 = arith.constant 1 : i32
    %scan3A_116 = scf.for %scan3A_250 = %scan3A_112 to %scan3A_114 step %scan3A_115 iter_args(%scan3A_251 = %scan3A_111) -> (i32)  : i32 {
      %mul3A_252 = arith.constant 16 : i32
      %mul3A_253 = arith.muli %scan3A_250, %mul3A_252 : i32
      %swap3A = arith.index_cast %mul3A_253 : i32 to index
      %swap3A_254 = tpu.vector_load %arg15[%swap3A] {strides = array<i32>} : memref<2048xf32, #tpu.memory_space<vmem>>, vector<16xf32>,
      tpu.vector_store %arg15[%swap3A], %broadcast_in_dim3A_110 {strides = array<i32>} : memref<2048xf32, #tpu.memory_space<vmem>>, vector<16xf32>,
      %scan3A_255 = arith.constant 0 : i32
      scf.yield %scan3A_255 : i32
    }
    %scan3A_117 = arith.constant 128 : i32
    %mul3A_118 = arith.constant 6272 : i32
    %mul3A_119 = arith.muli %arg1, %mul3A_118 : i32
    %add3A_120 = arith.constant 0 : i32
    %add3A_121 = arith.addi %mul3A_119, %add3A_120 : i32
    "tpu.region"() ({
      %run_scoped3A_250 = tpu.sem_alloc : memref<!tpu.dma_semaphore, #tpu.memory_space<semaphore_mem>>
      %dma_start3A_251 = arith.constant 0 : i32
      %dma_start3A_252 = tpu.memref_slice %arg15[%dma_start3A_251] : memref<2048xf32, #tpu.memory_space<vmem>> -> memref<1568xf32, #tpu.memory_space<vmem>>
      %dma_start3A_253 = tpu.memref_slice %arg17[%add3A_121] : memref<100352xf32, #tpu.memory_space<vmem_shared>> -> memref<1568xf32, #tpu.memory_space<vmem_shared>>
      %dma_start3A_254 = tpu.memref_slice %arg17[%add3A_121] : memref<100352xf32, #tpu.memory_space<vmem_shared>> -> memref<1568xf32, #tpu.memory_space<vmem_shared>>
      %dma_start3A_255 = arith.constant 0 : i32
      %dma_start3A_256 = tpu.memref_slice %arg15[%dma_start3A_255] : memref<2048xf32, #tpu.memory_space<vmem>> -> memref<1568xf32, #tpu.memory_space<vmem>>
      tpu.enqueue_dma source(%dma_start3A_256 : memref<1568xf32, #tpu.memory_space<vmem>>) target(%dma_start3A_254 : memref<1568xf32, #tpu.memory_space<vmem_shared>>) target_semaphore(%run_scoped3A_250 : memref<!tpu.dma_semaphore, #tpu.memory_space<semaphore_mem>>)
      %dma_wait3A_257 = arith.constant 0 : i32
      %dma_wait3A_258 = tpu.memref_slice %arg15[%dma_wait3A_257] : memref<2048xf32, #tpu.memory_space<vmem>> -> memref<1568xf32, #tpu.memory_space<vmem>>
      %dma_wait3A_259 = tpu.memref_slice %arg17[%add3A_121] : memref<100352xf32, #tpu.memory_space<vmem_shared>> -> memref<1568xf32, #tpu.memory_space<vmem_shared>>
      %dma_wait3A_260 = tpu.memref_slice %arg17[%add3A_121] : memref<100352xf32, #tpu.memory_space<vmem_shared>> -> memref<1568xf32, #tpu.memory_space<vmem_shared>>
      %dma_wait3A_261 = arith.constant 0 : i32
      %dma_wait3A_262 = tpu.memref_slice %arg15[%dma_wait3A_261] : memref<2048xf32, #tpu.memory_space<vmem>> -> memref<1568xf32, #tpu.memory_space<vmem>>
      tpu.wait_dma2 semaphore(%run_scoped3A_250 : memref<!tpu.dma_semaphore, #tpu.memory_space<semaphore_mem>>) src(%dma_wait3A_262 : memref<1568xf32, #tpu.memory_space<vmem>>) dst(%dma_wait3A_260 : memref<1568xf32, #tpu.memory_space<vmem_shared>>)
      tpu.yield
    }) : () -> ()
    %mul3A_122 = arith.constant 6272 : i32
    %mul3A_123 = arith.muli %arg1, %mul3A_122 : i32
    %add3A_124 = arith.constant 1568 : i32
    %add3A_125 = arith.addi %mul3A_123, %add3A_124 : i32
    "tpu.region"() ({
      %run_scoped3A_250 = tpu.sem_alloc : memref<!tpu.dma_semaphore, #tpu.memory_space<semaphore_mem>>
      %dma_start3A_251 = arith.constant 0 : i32
      %dma_start3A_252 = tpu.memref_slice %arg15[%dma_start3A_251] : memref<2048xf32, #tpu.memory_space<vmem>> -> memref<1568xf32, #tpu.memory_space<vmem>>
      %dma_start3A_253 = tpu.memref_slice %arg17[%add3A_125] : memref<100352xf32, #tpu.memory_space<vmem_shared>> -> memref<1568xf32, #tpu.memory_space<vmem_shared>>
      %dma_start3A_254 = tpu.memref_slice %arg17[%add3A_125] : memref<100352xf32, #tpu.memory_space<vmem_shared>> -> memref<1568xf32, #tpu.memory_space<vmem_shared>>
      %dma_start3A_255 = arith.constant 0 : i32
      %dma_start3A_256 = tpu.memref_slice %arg15[%dma_start3A_255] : memref<2048xf32, #tpu.memory_space<vmem>> -> memref<1568xf32, #tpu.memory_space<vmem>>
      tpu.enqueue_dma source(%dma_start3A_256 : memref<1568xf32, #tpu.memory_space<vmem>>) target(%dma_start3A_254 : memref<1568xf32, #tpu.memory_space<vmem_shared>>) target_semaphore(%run_scoped3A_250 : memref<!tpu.dma_semaphore, #tpu.memory_space<semaphore_mem>>)
      %dma_wait3A_257 = arith.constant 0 : i32
      %dma_wait3A_258 = tpu.memref_slice %arg15[%dma_wait3A_257] : memref<2048xf32, #tpu.memory_space<vmem>> -> memref<1568xf32, #tpu.memory_space<vmem>>
      %dma_wait3A_259 = tpu.memref_slice %arg17[%add3A_125] : memref<100352xf32, #tpu.memory_space<vmem_shared>> -> memref<1568xf32, #tpu.memory_space<vmem_shared>>
      %dma_wait3A_260 = tpu.memref_slice %arg17[%add3A_125] : memref<100352xf32, #tpu.memory_space<vmem_shared>> -> memref<1568xf32, #tpu.memory_space<vmem_shared>>
      %dma_wait3A_261 = arith.constant 0 : i32
      %dma_wait3A_262 = tpu.memref_slice %arg15[%dma_wait3A_261] : memref<2048xf32, #tpu.memory_space<vmem>> -> memref<1568xf32, #tpu.memory_space<vmem>>
      tpu.wait_dma2 semaphore(%run_scoped3A_250 : memref<!tpu.dma_semaphore, #tpu.memory_space<semaphore_mem>>) src(%dma_wait3A_262 : memref<1568xf32, #tpu.memory_space<vmem>>) dst(%dma_wait3A_260 : memref<1568xf32, #tpu.memory_space<vmem_shared>>)
      tpu.yield
    }) : () -> ()
    %mul3A_126 = arith.constant 6272 : i32
    %mul3A_127 = arith.muli %arg1, %mul3A_126 : i32
    %add3A_128 = arith.constant 3136 : i32
    %add3A_129 = arith.addi %mul3A_127, %add3A_128 : i32
    "tpu.region"() ({
      %run_scoped3A_250 = tpu.sem_alloc : memref<!tpu.dma_semaphore, #tpu.memory_space<semaphore_mem>>
      %dma_start3A_251 = arith.constant 0 : i32
      %dma_start3A_252 = tpu.memref_slice %arg15[%dma_start3A_251] : memref<2048xf32, #tpu.memory_space<vmem>> -> memref<1568xf32, #tpu.memory_space<vmem>>
      %dma_start3A_253 = tpu.memref_slice %arg17[%add3A_129] : memref<100352xf32, #tpu.memory_space<vmem_shared>> -> memref<1568xf32, #tpu.memory_space<vmem_shared>>
      %dma_start3A_254 = tpu.memref_slice %arg17[%add3A_129] : memref<100352xf32, #tpu.memory_space<vmem_shared>> -> memref<1568xf32, #tpu.memory_space<vmem_shared>>
      %dma_start3A_255 = arith.constant 0 : i32
      %dma_start3A_256 = tpu.memref_slice %arg15[%dma_start3A_255] : memref<2048xf32, #tpu.memory_space<vmem>> -> memref<1568xf32, #tpu.memory_space<vmem>>
      tpu.enqueue_dma source(%dma_start3A_256 : memref<1568xf32, #tpu.memory_space<vmem>>) target(%dma_start3A_254 : memref<1568xf32, #tpu.memory_space<vmem_shared>>) target_semaphore(%run_scoped3A_250 : memref<!tpu.dma_semaphore, #tpu.memory_space<semaphore_mem>>)
      %dma_wait3A_257 = arith.constant 0 : i32
      %dma_wait3A_258 = tpu.memref_slice %arg15[%dma_wait3A_257] : memref<2048xf32, #tpu.memory_space<vmem>> -> memref<1568xf32, #tpu.memory_space<vmem>>
      %dma_wait3A_259 = tpu.memref_slice %arg17[%add3A_129] : memref<100352xf32, #tpu.memory_space<vmem_shared>> -> memref<1568xf32, #tpu.memory_space<vmem_shared>>
      %dma_wait3A_260 = tpu.memref_slice %arg17[%add3A_129] : memref<100352xf32, #tpu.memory_space<vmem_shared>> -> memref<1568xf32, #tpu.memory_space<vmem_shared>>
      %dma_wait3A_261 = arith.constant 0 : i32
      %dma_wait3A_262 = tpu.memref_slice %arg15[%dma_wait3A_261] : memref<2048xf32, #tpu.memory_space<vmem>> -> memref<1568xf32, #tpu.memory_space<vmem>>
      tpu.wait_dma2 semaphore(%run_scoped3A_250 : memref<!tpu.dma_semaphore, #tpu.memory_space<semaphore_mem>>) src(%dma_wait3A_262 : memref<1568xf32, #tpu.memory_space<vmem>>) dst(%dma_wait3A_260 : memref<1568xf32, #tpu.memory_space<vmem_shared>>)
      tpu.yield
    }) : () -> ()
    %mul3A_130 = arith.constant 6272 : i32
    %mul3A_131 = arith.muli %arg1, %mul3A_130 : i32
    %add3A_132 = arith.constant 4704 : i32
    %add3A_133 = arith.addi %mul3A_131, %add3A_132 : i32
    "tpu.region"() ({
      %run_scoped3A_250 = tpu.sem_alloc : memref<!tpu.dma_semaphore, #tpu.memory_space<semaphore_mem>>
      %dma_start3A_251 = arith.constant 0 : i32
      %dma_start3A_252 = tpu.memref_slice %arg15[%dma_start3A_251] : memref<2048xf32, #tpu.memory_space<vmem>> -> memref<1568xf32, #tpu.memory_space<vmem>>
      %dma_start3A_253 = tpu.memref_slice %arg17[%add3A_133] : memref<100352xf32, #tpu.memory_space<vmem_shared>> -> memref<1568xf32, #tpu.memory_space<vmem_shared>>
      %dma_start3A_254 = tpu.memref_slice %arg17[%add3A_133] : memref<100352xf32, #tpu.memory_space<vmem_shared>> -> memref<1568xf32, #tpu.memory_space<vmem_shared>>
      %dma_start3A_255 = arith.constant 0 : i32
      %dma_start3A_256 = tpu.memref_slice %arg15[%dma_start3A_255] : memref<2048xf32, #tpu.memory_space<vmem>> -> memref<1568xf32, #tpu.memory_space<vmem>>
      tpu.enqueue_dma source(%dma_start3A_256 : memref<1568xf32, #tpu.memory_space<vmem>>) target(%dma_start3A_254 : memref<1568xf32, #tpu.memory_space<vmem_shared>>) target_semaphore(%run_scoped3A_250 : memref<!tpu.dma_semaphore, #tpu.memory_space<semaphore_mem>>)
      %dma_wait3A_257 = arith.constant 0 : i32
      %dma_wait3A_258 = tpu.memref_slice %arg15[%dma_wait3A_257] : memref<2048xf32, #tpu.memory_space<vmem>> -> memref<1568xf32, #tpu.memory_space<vmem>>
      %dma_wait3A_259 = tpu.memref_slice %arg17[%add3A_133] : memref<100352xf32, #tpu.memory_space<vmem_shared>> -> memref<1568xf32, #tpu.memory_space<vmem_shared>>
      %dma_wait3A_260 = tpu.memref_slice %arg17[%add3A_133] : memref<100352xf32, #tpu.memory_space<vmem_shared>> -> memref<1568xf32, #tpu.memory_space<vmem_shared>>
      %dma_wait3A_261 = arith.constant 0 : i32
      %dma_wait3A_262 = tpu.memref_slice %arg15[%dma_wait3A_261] : memref<2048xf32, #tpu.memory_space<vmem>> -> memref<1568xf32, #tpu.memory_space<vmem>>
      tpu.wait_dma2 semaphore(%run_scoped3A_250 : memref<!tpu.dma_semaphore, #tpu.memory_space<semaphore_mem>>) src(%dma_wait3A_262 : memref<1568xf32, #tpu.memory_space<vmem>>) dst(%dma_wait3A_260 : memref<1568xf32, #tpu.memory_space<vmem_shared>>)
      tpu.yield
    }) : () -> ()
    %barrier3A = arith.constant 0 : index
    tpu.barrier barrier_id(%barrier3A)
    "tpu.region"() ({
      %run_scoped3A_250 = tpu.sem_alloc : memref<!tpu.dma_semaphore, #tpu.memory_space<semaphore_mem>>
      %dma_start3A_251 = arith.constant 0 : i32
      %dma_start3A_252 = tpu.memref_slice %arg18[%dma_start3A_251] : memref<100352xf32, #tpu.memory_space<vmem_shared>> -> memref<100000xf32, #tpu.memory_space<vmem_shared>>
      %dma_start3A_253 = arith.constant 0 : i32
      %dma_start3A_254 = tpu.memref_slice %arg18[%dma_start3A_253] : memref<100352xf32, #tpu.memory_space<vmem_shared>> -> memref<100000xf32, #tpu.memory_space<vmem_shared>>
      tpu.enqueue_dma source(%dma_start3A_254 : memref<100000xf32, #tpu.memory_space<vmem_shared>>) target(%arg8 : memref<100000xf32, #tpu.memory_space<vmem>>) target_semaphore(%run_scoped3A_250 : memref<!tpu.dma_semaphore, #tpu.memory_space<semaphore_mem>>)
      %dma_wait3A_255 = arith.constant 0 : i32
      %dma_wait3A_256 = tpu.memref_slice %arg18[%dma_wait3A_255] : memref<100352xf32, #tpu.memory_space<vmem_shared>> -> memref<100000xf32, #tpu.memory_space<vmem_shared>>
      %dma_wait3A_257 = arith.constant 0 : i32
      %dma_wait3A_258 = tpu.memref_slice %arg18[%dma_wait3A_257] : memref<100352xf32, #tpu.memory_space<vmem_shared>> -> memref<100000xf32, #tpu.memory_space<vmem_shared>>
      tpu.wait_dma2 semaphore(%run_scoped3A_250 : memref<!tpu.dma_semaphore, #tpu.memory_space<semaphore_mem>>) src(%dma_wait3A_258 : memref<100000xf32, #tpu.memory_space<vmem_shared>>) dst(%arg8 : memref<100000xf32, #tpu.memory_space<vmem>>)
      tpu.yield
    }) : () -> ()
    %mul3A_134 = arith.constant 200704 : i32
    %mul3A_135 = arith.muli %add3A, %mul3A_134 : i32
    %min3A = arith.constant 0 : i32
    %min3A_136 = arith.constant 97 : i32
    %min3A_137 = arith.minsi %min3A, %min3A_136 : i32
    %mul3A_138 = arith.constant 2048 : i32
    %mul3A_139 = arith.muli %min3A_137, %mul3A_138 : i32
    %add3A_140 = arith.addi %mul3A_135, %mul3A_139 : i32
    %dma_start3A = tpu.memref_slice %arg4[%add3A_140] : memref<6422528xi32, #tpu.memory_space<hbm>> -> memref<2048xi32, #tpu.memory_space<hbm>>
    %dma_start3A_141 = tpu.memref_slice %arg4[%add3A_140] : memref<6422528xi32, #tpu.memory_space<hbm>> -> memref<2048xi32, #tpu.memory_space<hbm>>
    tpu.enqueue_dma source(%dma_start3A_141 : memref<2048xi32, #tpu.memory_space<hbm>>) target(%arg9 : memref<2048xi32, #tpu.memory_space<vmem>>) target_semaphore(%arg19 : memref<!tpu.dma_semaphore, #tpu.memory_space<semaphore_mem>>)
    %min3A_142 = arith.constant 0 : i32
    %min3A_143 = arith.constant 97 : i32
    %min3A_144 = arith.minsi %min3A_142, %min3A_143 : i32
    %mul3A_145 = arith.constant 2048 : i32
    %mul3A_146 = arith.muli %min3A_144, %mul3A_145 : i32
    %add3A_147 = arith.addi %mul3A_135, %mul3A_146 : i32
    %dma_start3A_148 = tpu.memref_slice %arg5[%add3A_147] : memref<6422528xi32, #tpu.memory_space<hbm>> -> memref<2048xi32, #tpu.memory_space<hbm>>
    %dma_start3A_149 = tpu.memref_slice %arg5[%add3A_147] : memref<6422528xi32, #tpu.memory_space<hbm>> -> memref<2048xi32, #tpu.memory_space<hbm>>
    tpu.enqueue_dma source(%dma_start3A_149 : memref<2048xi32, #tpu.memory_space<hbm>>) target(%arg11 : memref<2048xi32, #tpu.memory_space<vmem>>) target_semaphore(%arg21 : memref<!tpu.dma_semaphore, #tpu.memory_space<semaphore_mem>>)
    %min3A_150 = arith.constant 1 : i32
    %min3A_151 = arith.constant 97 : i32
    %min3A_152 = arith.minsi %min3A_150, %min3A_151 : i32
    %mul3A_153 = arith.constant 2048 : i32
    %mul3A_154 = arith.muli %min3A_152, %mul3A_153 : i32
    %add3A_155 = arith.addi %mul3A_135, %mul3A_154 : i32
    %dma_start3A_156 = tpu.memref_slice %arg4[%add3A_155] : memref<6422528xi32, #tpu.memory_space<hbm>> -> memref<2048xi32, #tpu.memory_space<hbm>>
    %dma_start3A_157 = tpu.memref_slice %arg4[%add3A_155] : memref<6422528xi32, #tpu.memory_space<hbm>> -> memref<2048xi32, #tpu.memory_space<hbm>>
    tpu.enqueue_dma source(%dma_start3A_157 : memref<2048xi32, #tpu.memory_space<hbm>>) target(%arg10 : memref<2048xi32, #tpu.memory_space<vmem>>) target_semaphore(%arg20 : memref<!tpu.dma_semaphore, #tpu.memory_space<semaphore_mem>>)
    %min3A_158 = arith.constant 1 : i32
    %min3A_159 = arith.constant 97 : i32
    %min3A_160 = arith.minsi %min3A_158, %min3A_159 : i32
    %mul3A_161 = arith.constant 2048 : i32
    %mul3A_162 = arith.muli %min3A_160, %mul3A_161 : i32
    %add3A_163 = arith.addi %mul3A_135, %mul3A_162 : i32
    %dma_start3A_164 = tpu.memref_slice %arg5[%add3A_163] : memref<6422528xi32, #tpu.memory_space<hbm>> -> memref<2048xi32, #tpu.memory_space<hbm>>
    %dma_start3A_165 = tpu.memref_slice %arg5[%add3A_163] : memref<6422528xi32, #tpu.memory_space<hbm>> -> memref<2048xi32, #tpu.memory_space<hbm>>
    tpu.enqueue_dma source(%dma_start3A_165 : memref<2048xi32, #tpu.memory_space<hbm>>) target(%arg12 : memref<2048xi32, #tpu.memory_space<vmem>>) target_semaphore(%arg22 : memref<!tpu.dma_semaphore, #tpu.memory_space<semaphore_mem>>)
    %dma_wait3A = arith.constant 0 : i32
    %dma_wait3A_166 = tpu.memref_slice %arg4[%dma_wait3A] : memref<6422528xi32, #tpu.memory_space<hbm>> -> memref<2048xi32, #tpu.memory_space<hbm>>
    %dma_wait3A_167 = arith.constant 0 : i32
    %dma_wait3A_168 = tpu.memref_slice %arg4[%dma_wait3A_167] : memref<6422528xi32, #tpu.memory_space<hbm>> -> memref<2048xi32, #tpu.memory_space<hbm>>
    tpu.wait_dma2 semaphore(%arg19 : memref<!tpu.dma_semaphore, #tpu.memory_space<semaphore_mem>>) src(%dma_wait3A_168 : memref<2048xi32, #tpu.memory_space<hbm>>) dst(%arg9 : memref<2048xi32, #tpu.memory_space<vmem>>)
    %dma_wait3A_169 = arith.constant 0 : i32
    %dma_wait3A_170 = tpu.memref_slice %arg5[%dma_wait3A_169] : memref<6422528xi32, #tpu.memory_space<hbm>> -> memref<2048xi32, #tpu.memory_space<hbm>>
    %dma_wait3A_171 = arith.constant 0 : i32
    %dma_wait3A_172 = tpu.memref_slice %arg5[%dma_wait3A_171] : memref<6422528xi32, #tpu.memory_space<hbm>> -> memref<2048xi32, #tpu.memory_space<hbm>>
    tpu.wait_dma2 semaphore(%arg21 : memref<!tpu.dma_semaphore, #tpu.memory_space<semaphore_mem>>) src(%dma_wait3A_172 : memref<2048xi32, #tpu.memory_space<hbm>>) dst(%arg11 : memref<2048xi32, #tpu.memory_space<vmem>>)
    %min3A_173 = arith.constant 2 : i32
    %min3A_174 = arith.constant 97 : i32
    %min3A_175 = arith.minsi %min3A_173, %min3A_174 : i32
    %mul3A_176 = arith.constant 2048 : i32
    %mul3A_177 = arith.muli %min3A_175, %mul3A_176 : i32
    %add3A_178 = arith.addi %mul3A_135, %mul3A_177 : i32
    %dma_start3A_179 = tpu.memref_slice %arg5[%add3A_178] : memref<6422528xi32, #tpu.memory_space<hbm>> -> memref<2048xi32, #tpu.memory_space<hbm>>
    %dma_start3A_180 = tpu.memref_slice %arg5[%add3A_178] : memref<6422528xi32, #tpu.memory_space<hbm>> -> memref<2048xi32, #tpu.memory_space<hbm>>
    tpu.enqueue_dma source(%dma_start3A_180 : memref<2048xi32, #tpu.memory_space<hbm>>) target(%arg13 : memref<2048xi32, #tpu.memory_space<vmem>>) target_semaphore(%arg23 : memref<!tpu.dma_semaphore, #tpu.memory_space<semaphore_mem>>)
    %parallel_loop3A = arith.constant 0 : i32
    %parallel_loop3A_181 = arith.constant 128 : i32
    %parallel_loop3A_182 = arith.constant 1 : i32
    scf.for %parallel_loop3A_250 = %parallel_loop3A to %parallel_loop3A_181 step %parallel_loop3A_182  : i32 {
      %parallel_loop3A_251 = arith.constant 16 : i32
      %parallel_loop3A_252 = arith.muli %parallel_loop3A_250, %parallel_loop3A_251 : i32
      %parallel_loop3A_253 = arith.index_cast %parallel_loop3A_252 : i32 to index
      %parallel_loop3A_254 = tpu.vector_load %arg9[%parallel_loop3A_253] {strides = array<i32>} : memref<2048xi32, #tpu.memory_space<vmem>>, vector<16xi32>,
      %parallel_loop3A_255 = tpu.vector_load_idx %arg8[%parallel_loop3A_254] : memref<100000xf32, #tpu.memory_space<vmem>>[vector<16xi32>], vector<16xf32>,
      %parallel_loop3A_256 = arith.constant 16 : i32
      %parallel_loop3A_257 = arith.muli %parallel_loop3A_250, %parallel_loop3A_256 : i32
      %parallel_loop3A_258 = arith.index_cast %parallel_loop3A_257 : i32 to index
      %parallel_loop3A_259 = tpu.vector_load %arg15[%parallel_loop3A_258] {strides = array<i32>} : memref<2048xf32, #tpu.memory_space<vmem>>, vector<16xf32>,
      tpu.vector_store %arg15[%parallel_loop3A_258], %parallel_loop3A_255 {strides = array<i32>} : memref<2048xf32, #tpu.memory_space<vmem>>, vector<16xf32>,
    } {sc.loop_unroll_factor = 8 : i64, sc.parallel_access}
    %min3A_183 = arith.constant 2 : i32
    %min3A_184 = arith.constant 97 : i32
    %min3A_185 = arith.minsi %min3A_183, %min3A_184 : i32
    %mul3A_186 = arith.constant 2048 : i32
    %mul3A_187 = arith.muli %min3A_185, %mul3A_186 : i32
    %add3A_188 = arith.addi %mul3A_135, %mul3A_187 : i32
    %dma_start3A_189 = tpu.memref_slice %arg4[%add3A_188] : memref<6422528xi32, #tpu.memory_space<hbm>> -> memref<2048xi32, #tpu.memory_space<hbm>>
    %dma_start3A_190 = tpu.memref_slice %arg4[%add3A_188] : memref<6422528xi32, #tpu.memory_space<hbm>> -> memref<2048xi32, #tpu.memory_space<hbm>>
    tpu.enqueue_dma source(%dma_start3A_190 : memref<2048xi32, #tpu.memory_space<hbm>>) target(%arg9 : memref<2048xi32, #tpu.memory_space<vmem>>) target_semaphore(%arg19 : memref<!tpu.dma_semaphore, #tpu.memory_space<semaphore_mem>>)
    %dma_start3A_191 = arith.constant 0 : i32
    %dma_start3A_192 = tpu.memref_slice %arg17[%dma_start3A_191] : memref<100352xf32, #tpu.memory_space<vmem_shared>> -> memref<100352xf32, #tpu.memory_space<vmem_shared>>
    tpu.enqueue_indirect_dma source(%arg15 : memref<2048xf32, #tpu.memory_space<vmem>>) target(%dma_start3A_192 : memref<100352xf32, #tpu.memory_space<vmem_shared>>) offsets(%arg11 : memref<2048xi32, #tpu.memory_space<vmem>>) semaphore(%arg25 : memref<!tpu.dma_semaphore, #tpu.memory_space<semaphore_mem>>) {add = true}
    %dma_wait3A_193 = arith.constant 0 : i32
    %dma_wait3A_194 = tpu.memref_slice %arg4[%dma_wait3A_193] : memref<6422528xi32, #tpu.memory_space<hbm>> -> memref<2048xi32, #tpu.memory_space<hbm>>
    %dma_wait3A_195 = arith.constant 0 : i32
    %dma_wait3A_196 = tpu.memref_slice %arg4[%dma_wait3A_195] : memref<6422528xi32, #tpu.memory_space<hbm>> -> memref<2048xi32, #tpu.memory_space<hbm>>
    tpu.wait_dma2 semaphore(%arg20 : memref<!tpu.dma_semaphore, #tpu.memory_space<semaphore_mem>>) src(%dma_wait3A_196 : memref<2048xi32, #tpu.memory_space<hbm>>) dst(%arg10 : memref<2048xi32, #tpu.memory_space<vmem>>)
    %dma_wait3A_197 = arith.constant 0 : i32
    %dma_wait3A_198 = tpu.memref_slice %arg5[%dma_wait3A_197] : memref<6422528xi32, #tpu.memory_space<hbm>> -> memref<2048xi32, #tpu.memory_space<hbm>>
    %dma_wait3A_199 = arith.constant 0 : i32
    %dma_wait3A_200 = tpu.memref_slice %arg5[%dma_wait3A_199] : memref<6422528xi32, #tpu.memory_space<hbm>> -> memref<2048xi32, #tpu.memory_space<hbm>>
    tpu.wait_dma2 semaphore(%arg22 : memref<!tpu.dma_semaphore, #tpu.memory_space<semaphore_mem>>) src(%dma_wait3A_200 : memref<2048xi32, #tpu.memory_space<hbm>>) dst(%arg12 : memref<2048xi32, #tpu.memory_space<vmem>>)
    %min3A_201 = arith.constant 3 : i32
    %min3A_202 = arith.constant 97 : i32
    %min3A_203 = arith.minsi %min3A_201, %min3A_202 : i32
    %mul3A_204 = arith.constant 2048 : i32
    %mul3A_205 = arith.muli %min3A_203, %mul3A_204 : i32
    %add3A_206 = arith.addi %mul3A_135, %mul3A_205 : i32
    %dma_start3A_207 = tpu.memref_slice %arg5[%add3A_206] : memref<6422528xi32, #tpu.memory_space<hbm>> -> memref<2048xi32, #tpu.memory_space<hbm>>
    %dma_start3A_208 = tpu.memref_slice %arg5[%add3A_206] : memref<6422528xi32, #tpu.memory_space<hbm>> -> memref<2048xi32, #tpu.memory_space<hbm>>
    tpu.enqueue_dma source(%dma_start3A_208 : memref<2048xi32, #tpu.memory_space<hbm>>) target(%arg14 : memref<2048xi32, #tpu.memory_space<vmem>>) target_semaphore(%arg24 : memref<!tpu.dma_semaphore, #tpu.memory_space<semaphore_mem>>)
    %parallel_loop3A_209 = arith.constant 0 : i32
    %parallel_loop3A_210 = arith.constant 128 : i32
    %parallel_loop3A_211 = arith.constant 1 : i32
    scf.for %parallel_loop3A_250 = %parallel_loop3A_209 to %parallel_loop3A_210 step %parallel_loop3A_211  : i32 {
      %parallel_loop3A_251 = arith.constant 16 : i32
      %parallel_loop3A_252 = arith.muli %parallel_loop3A_250, %parallel_loop3A_251 : i32
      %parallel_loop3A_253 = arith.index_cast %parallel_loop3A_252 : i32 to index
      %parallel_loop3A_254 = tpu.vector_load %arg10[%parallel_loop3A_253] {strides = array<i32>} : memref<2048xi32, #tpu.memory_space<vmem>>, vector<16xi32>,
      %parallel_loop3A_255 = tpu.vector_load_idx %arg8[%parallel_loop3A_254] : memref<100000xf32, #tpu.memory_space<vmem>>[vector<16xi32>], vector<16xf32>,
      %parallel_loop3A_256 = arith.constant 16 : i32
      %parallel_loop3A_257 = arith.muli %parallel_loop3A_250, %parallel_loop3A_256 : i32
      %parallel_loop3A_258 = arith.index_cast %parallel_loop3A_257 : i32 to index
      %parallel_loop3A_259 = tpu.vector_load %arg16[%parallel_loop3A_258] {strides = array<i32>} : memref<2048xf32, #tpu.memory_space<vmem>>, vector<16xf32>,
      tpu.vector_store %arg16[%parallel_loop3A_258], %parallel_loop3A_255 {strides = array<i32>} : memref<2048xf32, #tpu.memory_space<vmem>>, vector<16xf32>,
    } {sc.loop_unroll_factor = 8 : i64, sc.parallel_access}
    %min3A_212 = arith.constant 3 : i32
    %min3A_213 = arith.constant 97 : i32
    %min3A_214 = arith.minsi %min3A_212, %min3A_213 : i32
    %mul3A_215 = arith.constant 2048 : i32
    %mul3A_216 = arith.muli %min3A_214, %mul3A_215 : i32
    %add3A_217 = arith.addi %mul3A_135, %mul3A_216 : i32
    %dma_start3A_218 = tpu.memref_slice %arg4[%add3A_217] : memref<6422528xi32, #tpu.memory_space<hbm>> -> memref<2048xi32, #tpu.memory_space<hbm>>
    %dma_start3A_219 = tpu.memref_slice %arg4[%add3A_217] : memref<6422528xi32, #tpu.memory_space<hbm>> -> memref<2048xi32, #tpu.memory_space<hbm>>
    tpu.enqueue_dma source(%dma_start3A_219 : memref<2048xi32, #tpu.memory_space<hbm>>) target(%arg10 : memref<2048xi32, #tpu.memory_space<vmem>>) target_semaphore(%arg20 : memref<!tpu.dma_semaphore, #tpu.memory_space<semaphore_mem>>)
    %dma_start3A_220 = arith.constant 0 : i32
    %dma_start3A_221 = tpu.memref_slice %arg17[%dma_start3A_220] : memref<100352xf32, #tpu.memory_space<vmem_shared>> -> memref<100352xf32, #tpu.memory_space<vmem_shared>>
    tpu.enqueue_indirect_dma source(%arg16 : memref<2048xf32, #tpu.memory_space<vmem>>) target(%dma_start3A_221 : memref<100352xf32, #tpu.memory_space<vmem_shared>>) offsets(%arg12 : memref<2048xi32, #tpu.memory_space<vmem>>) semaphore(%arg26 : memref<!tpu.dma_semaphore, #tpu.memory_space<semaphore_mem>>) {add = true}
    %scan3A_222 = arith.constant 0 : i32
    %scan3A_223 = arith.constant 0 : i32
    %scan3A_224 = arith.constant 24 : i32
    %scan3A_225 = arith.addi %scan3A_223, %scan3A_224 : i32
    %scan3A_226 = arith.constant 1 : i32
    %scan3A_227 = scf.for %scan3A_250 = %scan3A_223 to %scan3A_225 step %scan3A_226 iter_args(%scan3A_251 = %scan3A_222) -> (i32)  : i32 {
      %mul3A_252 = arith.constant 4 : i32
      %mul3A_253 = arith.muli %scan3A_250, %mul3A_252 : i32
      %add3A_254 = arith.constant 2 : i32
      %add3A_255 = arith.addi %add3A_254, %mul3A_253 : i32
      %add3A_256 = arith.constant 0 : i32
      %add3A_257 = arith.addi %add3A_255, %add3A_256 : i32
      %dma_wait3A_258 = arith.constant 0 : i32
      %dma_wait3A_259 = tpu.memref_slice %arg4[%dma_wait3A_258] : memref<6422528xi32, #tpu.memory_space<hbm>> -> memref<2048xi32, #tpu.memory_space<hbm>>
      %dma_wait3A_260 = arith.constant 0 : i32
      %dma_wait3A_261 = tpu.memref_slice %arg4[%dma_wait3A_260] : memref<6422528xi32, #tpu.memory_space<hbm>> -> memref<2048xi32, #tpu.memory_space<hbm>>
      tpu.wait_dma2 semaphore(%arg19 : memref<!tpu.dma_semaphore, #tpu.memory_space<semaphore_mem>>) src(%dma_wait3A_261 : memref<2048xi32, #tpu.memory_space<hbm>>) dst(%arg9 : memref<2048xi32, #tpu.memory_space<vmem>>)
      %dma_wait3A_262 = arith.constant 0 : i32
      %dma_wait3A_263 = tpu.memref_slice %arg5[%dma_wait3A_262] : memref<6422528xi32, #tpu.memory_space<hbm>> -> memref<2048xi32, #tpu.memory_space<hbm>>
      %dma_wait3A_264 = arith.constant 0 : i32
      %dma_wait3A_265 = tpu.memref_slice %arg5[%dma_wait3A_264] : memref<6422528xi32, #tpu.memory_space<hbm>> -> memref<2048xi32, #tpu.memory_space<hbm>>
      tpu.wait_dma2 semaphore(%arg23 : memref<!tpu.dma_semaphore, #tpu.memory_space<semaphore_mem>>) src(%dma_wait3A_265 : memref<2048xi32, #tpu.memory_space<hbm>>) dst(%arg13 : memref<2048xi32, #tpu.memory_space<vmem>>)
      %dma_wait3A_266 = arith.constant 0 : i32
      %dma_wait3A_267 = tpu.memref_slice %arg17[%dma_wait3A_266] : memref<100352xf32, #tpu.memory_space<vmem_shared>> -> memref<100352xf32, #tpu.memory_space<vmem_shared>>
      tpu.wait_indirect_dma semaphore(%arg25 : memref<!tpu.dma_semaphore, #tpu.memory_space<semaphore_mem>>) src(%arg15 : memref<2048xf32, #tpu.memory_space<vmem>>) dst(%dma_wait3A_267 : memref<100352xf32, #tpu.memory_space<vmem_shared>>)
      %add3A_268 = arith.constant 2 : i32
      %add3A_269 = arith.addi %add3A_257, %add3A_268 : i32
      %min3A_270 = arith.constant 97 : i32
      %min3A_271 = arith.minsi %add3A_269, %min3A_270 : i32
      %mul3A_272 = arith.constant 2048 : i32
      %mul3A_273 = arith.muli %min3A_271, %mul3A_272 : i32
      %add3A_274 = arith.addi %mul3A_135, %mul3A_273 : i32
      %dma_start3A_275 = tpu.memref_slice %arg5[%add3A_274] : memref<6422528xi32, #tpu.memory_space<hbm>> -> memref<2048xi32, #tpu.memory_space<hbm>>
      %dma_start3A_276 = tpu.memref_slice %arg5[%add3A_274] : memref<6422528xi32, #tpu.memory_space<hbm>> -> memref<2048xi32, #tpu.memory_space<hbm>>
      tpu.enqueue_dma source(%dma_start3A_276 : memref<2048xi32, #tpu.memory_space<hbm>>) target(%arg11 : memref<2048xi32, #tpu.memory_space<vmem>>) target_semaphore(%arg21 : memref<!tpu.dma_semaphore, #tpu.memory_space<semaphore_mem>>)
      %parallel_loop3A_277 = arith.constant 0 : i32
      %parallel_loop3A_278 = arith.constant 128 : i32
      %parallel_loop3A_279 = arith.constant 1 : i32
      scf.for %parallel_loop3A_397 = %parallel_loop3A_277 to %parallel_loop3A_278 step %parallel_loop3A_279  : i32 {
        %parallel_loop3A_398 = arith.constant 16 : i32
        %parallel_loop3A_399 = arith.muli %parallel_loop3A_397, %parallel_loop3A_398 : i32
        %parallel_loop3A_400 = arith.index_cast %parallel_loop3A_399 : i32 to index
        %parallel_loop3A_401 = tpu.vector_load %arg9[%parallel_loop3A_400] {strides = array<i32>} : memref<2048xi32, #tpu.memory_space<vmem>>, vector<16xi32>,
        %parallel_loop3A_402 = tpu.vector_load_idx %arg8[%parallel_loop3A_401] : memref<100000xf32, #tpu.memory_space<vmem>>[vector<16xi32>], vector<16xf32>,
        %parallel_loop3A_403 = arith.constant 16 : i32
        %parallel_loop3A_404 = arith.muli %parallel_loop3A_397, %parallel_loop3A_403 : i32
        %parallel_loop3A_405 = arith.index_cast %parallel_loop3A_404 : i32 to index
        %parallel_loop3A_406 = tpu.vector_load %arg15[%parallel_loop3A_405] {strides = array<i32>} : memref<2048xf32, #tpu.memory_space<vmem>>, vector<16xf32>,
        tpu.vector_store %arg15[%parallel_loop3A_405], %parallel_loop3A_402 {strides = array<i32>} : memref<2048xf32, #tpu.memory_space<vmem>>, vector<16xf32>,
      } {sc.loop_unroll_factor = 8 : i64, sc.parallel_access}
      %add3A_280 = arith.constant 2 : i32
      %add3A_281 = arith.addi %add3A_257, %add3A_280 : i32
      %min3A_282 = arith.constant 97 : i32
      %min3A_283 = arith.minsi %add3A_281, %min3A_282 : i32
      %mul3A_284 = arith.constant 2048 : i32
      %mul3A_285 = arith.muli %min3A_283, %mul3A_284 : i32
      %add3A_286 = arith.addi %mul3A_135, %mul3A_285 : i32
      %dma_start3A_287 = tpu.memref_slice %arg4[%add3A_286] : memref<6422528xi32, #tpu.memory_space<hbm>> -> memref<2048xi32, #tpu.memory_space<hbm>>
      %dma_start3A_288 = tpu.memref_slice %arg4[%add3A_286] : memref<6422528xi32, #tpu.memory_space<hbm>> -> memref<2048xi32, #tpu.memory_space<hbm>>
      tpu.enqueue_dma source(%dma_start3A_288 : memref<2048xi32, #tpu.memory_space<hbm>>) target(%arg9 : memref<2048xi32, #tpu.memory_space<vmem>>) target_semaphore(%arg19 : memref<!tpu.dma_semaphore, #tpu.memory_space<semaphore_mem>>)
      %dma_start3A_289 = arith.constant 0 : i32
      %dma_start3A_290 = tpu.memref_slice %arg17[%dma_start3A_289] : memref<100352xf32, #tpu.memory_space<vmem_shared>> -> memref<100352xf32, #tpu.memory_space<vmem_shared>>
      tpu.enqueue_indirect_dma source(%arg15 : memref<2048xf32, #tpu.memory_space<vmem>>) target(%dma_start3A_290 : memref<100352xf32, #tpu.memory_space<vmem_shared>>) offsets(%arg13 : memref<2048xi32, #tpu.memory_space<vmem>>) semaphore(%arg25 : memref<!tpu.dma_semaphore, #tpu.memory_space<semaphore_mem>>) {add = true}
      %add3A_291 = arith.constant 1 : i32
      %add3A_292 = arith.addi %add3A_255, %add3A_291 : i32
      %dma_wait3A_293 = arith.constant 0 : i32
      %dma_wait3A_294 = tpu.memref_slice %arg4[%dma_wait3A_293] : memref<6422528xi32, #tpu.memory_space<hbm>> -> memref<2048xi32, #tpu.memory_space<hbm>>
      %dma_wait3A_295 = arith.constant 0 : i32
      %dma_wait3A_296 = tpu.memref_slice %arg4[%dma_wait3A_295] : memref<6422528xi32, #tpu.memory_space<hbm>> -> memref<2048xi32, #tpu.memory_space<hbm>>
      tpu.wait_dma2 semaphore(%arg20 : memref<!tpu.dma_semaphore, #tpu.memory_space<semaphore_mem>>) src(%dma_wait3A_296 : memref<2048xi32, #tpu.memory_space<hbm>>) dst(%arg10 : memref<2048xi32, #tpu.memory_space<vmem>>)
      %dma_wait3A_297 = arith.constant 0 : i32
      %dma_wait3A_298 = tpu.memref_slice %arg5[%dma_wait3A_297] : memref<6422528xi32, #tpu.memory_space<hbm>> -> memref<2048xi32, #tpu.memory_space<hbm>>
      %dma_wait3A_299 = arith.constant 0 : i32
      %dma_wait3A_300 = tpu.memref_slice %arg5[%dma_wait3A_299] : memref<6422528xi32, #tpu.memory_space<hbm>> -> memref<2048xi32, #tpu.memory_space<hbm>>
      tpu.wait_dma2 semaphore(%arg24 : memref<!tpu.dma_semaphore, #tpu.memory_space<semaphore_mem>>) src(%dma_wait3A_300 : memref<2048xi32, #tpu.memory_space<hbm>>) dst(%arg14 : memref<2048xi32, #tpu.memory_space<vmem>>)
      %dma_wait3A_301 = arith.constant 0 : i32
      %dma_wait3A_302 = tpu.memref_slice %arg17[%dma_wait3A_301] : memref<100352xf32, #tpu.memory_space<vmem_shared>> -> memref<100352xf32, #tpu.memory_space<vmem_shared>>
      tpu.wait_indirect_dma semaphore(%arg26 : memref<!tpu.dma_semaphore, #tpu.memory_space<semaphore_mem>>) src(%arg16 : memref<2048xf32, #tpu.memory_space<vmem>>) dst(%dma_wait3A_302 : memref<100352xf32, #tpu.memory_space<vmem_shared>>)
      %add3A_303 = arith.constant 2 : i32
      %add3A_304 = arith.addi %add3A_292, %add3A_303 : i32
      %min3A_305 = arith.constant 97 : i32
      %min3A_306 = arith.minsi %add3A_304, %min3A_305 : i32
      %mul3A_307 = arith.constant 2048 : i32
      %mul3A_308 = arith.muli %min3A_306, %mul3A_307 : i32
      %add3A_309 = arith.addi %mul3A_135, %mul3A_308 : i32
      %dma_start3A_310 = tpu.memref_slice %arg5[%add3A_309] : memref<6422528xi32, #tpu.memory_space<hbm>> -> memref<2048xi32, #tpu.memory_space<hbm>>
      %dma_start3A_311 = tpu.memref_slice %arg5[%add3A_309] : memref<6422528xi32, #tpu.memory_space<hbm>> -> memref<2048xi32, #tpu.memory_space<hbm>>
      tpu.enqueue_dma source(%dma_start3A_311 : memref<2048xi32, #tpu.memory_space<hbm>>) target(%arg12 : memref<2048xi32, #tpu.memory_space<vmem>>) target_semaphore(%arg22 : memref<!tpu.dma_semaphore, #tpu.memory_space<semaphore_mem>>)
      %parallel_loop3A_312 = arith.constant 0 : i32
      %parallel_loop3A_313 = arith.constant 128 : i32
      %parallel_loop3A_314 = arith.constant 1 : i32
      scf.for %parallel_loop3A_397 = %parallel_loop3A_312 to %parallel_loop3A_313 step %parallel_loop3A_314  : i32 {
        %parallel_loop3A_398 = arith.constant 16 : i32
        %parallel_loop3A_399 = arith.muli %parallel_loop3A_397, %parallel_loop3A_398 : i32
        %parallel_loop3A_400 = arith.index_cast %parallel_loop3A_399 : i32 to index
        %parallel_loop3A_401 = tpu.vector_load %arg10[%parallel_loop3A_400] {strides = array<i32>} : memref<2048xi32, #tpu.memory_space<vmem>>, vector<16xi32>,
        %parallel_loop3A_402 = tpu.vector_load_idx %arg8[%parallel_loop3A_401] : memref<100000xf32, #tpu.memory_space<vmem>>[vector<16xi32>], vector<16xf32>,
        %parallel_loop3A_403 = arith.constant 16 : i32
        %parallel_loop3A_404 = arith.muli %parallel_loop3A_397, %parallel_loop3A_403 : i32
        %parallel_loop3A_405 = arith.index_cast %parallel_loop3A_404 : i32 to index
        %parallel_loop3A_406 = tpu.vector_load %arg16[%parallel_loop3A_405] {strides = array<i32>} : memref<2048xf32, #tpu.memory_space<vmem>>, vector<16xf32>,
        tpu.vector_store %arg16[%parallel_loop3A_405], %parallel_loop3A_402 {strides = array<i32>} : memref<2048xf32, #tpu.memory_space<vmem>>, vector<16xf32>,
      } {sc.loop_unroll_factor = 8 : i64, sc.parallel_access}
      %add3A_315 = arith.constant 2 : i32
      %add3A_316 = arith.addi %add3A_292, %add3A_315 : i32
      %min3A_317 = arith.constant 97 : i32
      %min3A_318 = arith.minsi %add3A_316, %min3A_317 : i32
      %mul3A_319 = arith.constant 2048 : i32
      %mul3A_320 = arith.muli %min3A_318, %mul3A_319 : i32
      %add3A_321 = arith.addi %mul3A_135, %mul3A_320 : i32
      %dma_start3A_322 = tpu.memref_slice %arg4[%add3A_321] : memref<6422528xi32, #tpu.memory_space<hbm>> -> memref<2048xi32, #tpu.memory_space<hbm>>
      %dma_start3A_323 = tpu.memref_slice %arg4[%add3A_321] : memref<6422528xi32, #tpu.memory_space<hbm>> -> memref<2048xi32, #tpu.memory_space<hbm>>
      tpu.enqueue_dma source(%dma_start3A_323 : memref<2048xi32, #tpu.memory_space<hbm>>) target(%arg10 : memref<2048xi32, #tpu.memory_space<vmem>>) target_semaphore(%arg20 : memref<!tpu.dma_semaphore, #tpu.memory_space<semaphore_mem>>)
      %dma_start3A_324 = arith.constant 0 : i32
      %dma_start3A_325 = tpu.memref_slice %arg17[%dma_start3A_324] : memref<100352xf32, #tpu.memory_space<vmem_shared>> -> memref<100352xf32, #tpu.memory_space<vmem_shared>>
      tpu.enqueue_indirect_dma source(%arg16 : memref<2048xf32, #tpu.memory_space<vmem>>) target(%dma_start3A_325 : memref<100352xf32, #tpu.memory_space<vmem_shared>>) offsets(%arg14 : memref<2048xi32, #tpu.memory_space<vmem>>) semaphore(%arg26 : memref<!tpu.dma_semaphore, #tpu.memory_space<semaphore_mem>>) {add = true}
      %add3A_326 = arith.constant 2 : i32
      %add3A_327 = arith.addi %add3A_255, %add3A_326 : i32
      %dma_wait3A_328 = arith.constant 0 : i32
      %dma_wait3A_329 = tpu.memref_slice %arg4[%dma_wait3A_328] : memref<6422528xi32, #tpu.memory_space<hbm>> -> memref<2048xi32, #tpu.memory_space<hbm>>
      %dma_wait3A_330 = arith.constant 0 : i32
      %dma_wait3A_331 = tpu.memref_slice %arg4[%dma_wait3A_330] : memref<6422528xi32, #tpu.memory_space<hbm>> -> memref<2048xi32, #tpu.memory_space<hbm>>
      tpu.wait_dma2 semaphore(%arg19 : memref<!tpu.dma_semaphore, #tpu.memory_space<semaphore_mem>>) src(%dma_wait3A_331 : memref<2048xi32, #tpu.memory_space<hbm>>) dst(%arg9 : memref<2048xi32, #tpu.memory_space<vmem>>)
      %dma_wait3A_332 = arith.constant 0 : i32
      %dma_wait3A_333 = tpu.memref_slice %arg5[%dma_wait3A_332] : memref<6422528xi32, #tpu.memory_space<hbm>> -> memref<2048xi32, #tpu.memory_space<hbm>>
      %dma_wait3A_334 = arith.constant 0 : i32
      %dma_wait3A_335 = tpu.memref_slice %arg5[%dma_wait3A_334] : memref<6422528xi32, #tpu.memory_space<hbm>> -> memref<2048xi32, #tpu.memory_space<hbm>>
      tpu.wait_dma2 semaphore(%arg21 : memref<!tpu.dma_semaphore, #tpu.memory_space<semaphore_mem>>) src(%dma_wait3A_335 : memref<2048xi32, #tpu.memory_space<hbm>>) dst(%arg11 : memref<2048xi32, #tpu.memory_space<vmem>>)
      %dma_wait3A_336 = arith.constant 0 : i32
      %dma_wait3A_337 = tpu.memref_slice %arg17[%dma_wait3A_336] : memref<100352xf32, #tpu.memory_space<vmem_shared>> -> memref<100352xf32, #tpu.memory_space<vmem_shared>>
      tpu.wait_indirect_dma semaphore(%arg25 : memref<!tpu.dma_semaphore, #tpu.memory_space<semaphore_mem>>) src(%arg15 : memref<2048xf32, #tpu.memory_space<vmem>>) dst(%dma_wait3A_337 : memref<100352xf32, #tpu.memory_space<vmem_shared>>)
      %add3A_338 = arith.constant 2 : i32
      %add3A_339 = arith.addi %add3A_327, %add3A_338 : i32
      %min3A_340 = arith.constant 97 : i32
      %min3A_341 = arith.minsi %add3A_339, %min3A_340 : i32
      %mul3A_342 = arith.constant 2048 : i32
      %mul3A_343 = arith.muli %min3A_341, %mul3A_342 : i32
      %add3A_344 = arith.addi %mul3A_135, %mul3A_343 : i32
      %dma_start3A_345 = tpu.memref_slice %arg5[%add3A_344] : memref<6422528xi32, #tpu.memory_space<hbm>> -> memref<2048xi32, #tpu.memory_space<hbm>>
      %dma_start3A_346 = tpu.memref_slice %arg5[%add3A_344] : memref<6422528xi32, #tpu.memory_space<hbm>> -> memref<2048xi32, #tpu.memory_space<hbm>>
      tpu.enqueue_dma source(%dma_start3A_346 : memref<2048xi32, #tpu.memory_space<hbm>>) target(%arg13 : memref<2048xi32, #tpu.memory_space<vmem>>) target_semaphore(%arg23 : memref<!tpu.dma_semaphore, #tpu.memory_space<semaphore_mem>>)
      %parallel_loop3A_347 = arith.constant 0 : i32
      %parallel_loop3A_348 = arith.constant 128 : i32
      %parallel_loop3A_349 = arith.constant 1 : i32
      scf.for %parallel_loop3A_397 = %parallel_loop3A_347 to %parallel_loop3A_348 step %parallel_loop3A_349  : i32 {
        %parallel_loop3A_398 = arith.constant 16 : i32
        %parallel_loop3A_399 = arith.muli %parallel_loop3A_397, %parallel_loop3A_398 : i32
        %parallel_loop3A_400 = arith.index_cast %parallel_loop3A_399 : i32 to index
        %parallel_loop3A_401 = tpu.vector_load %arg9[%parallel_loop3A_400] {strides = array<i32>} : memref<2048xi32, #tpu.memory_space<vmem>>, vector<16xi32>,
        %parallel_loop3A_402 = tpu.vector_load_idx %arg8[%parallel_loop3A_401] : memref<100000xf32, #tpu.memory_space<vmem>>[vector<16xi32>], vector<16xf32>,
        %parallel_loop3A_403 = arith.constant 16 : i32
        %parallel_loop3A_404 = arith.muli %parallel_loop3A_397, %parallel_loop3A_403 : i32
        %parallel_loop3A_405 = arith.index_cast %parallel_loop3A_404 : i32 to index
        %parallel_loop3A_406 = tpu.vector_load %arg15[%parallel_loop3A_405] {strides = array<i32>} : memref<2048xf32, #tpu.memory_space<vmem>>, vector<16xf32>,
        tpu.vector_store %arg15[%parallel_loop3A_405], %parallel_loop3A_402 {strides = array<i32>} : memref<2048xf32, #tpu.memory_space<vmem>>, vector<16xf32>,
      } {sc.loop_unroll_factor = 8 : i64, sc.parallel_access}
      %add3A_350 = arith.constant 2 : i32
      %add3A_351 = arith.addi %add3A_327, %add3A_350 : i32
      %min3A_352 = arith.constant 97 : i32
      %min3A_353 = arith.minsi %add3A_351, %min3A_352 : i32
      %mul3A_354 = arith.constant 2048 : i32
      %mul3A_355 = arith.muli %min3A_353, %mul3A_354 : i32
      %add3A_356 = arith.addi %mul3A_135, %mul3A_355 : i32
      %dma_start3A_357 = tpu.memref_slice %arg4[%add3A_356] : memref<6422528xi32, #tpu.memory_space<hbm>> -> memref<2048xi32, #tpu.memory_space<hbm>>
      %dma_start3A_358 = tpu.memref_slice %arg4[%add3A_356] : memref<6422528xi32, #tpu.memory_space<hbm>> -> memref<2048xi32, #tpu.memory_space<hbm>>
      tpu.enqueue_dma source(%dma_start3A_358 : memref<2048xi32, #tpu.memory_space<hbm>>) target(%arg9 : memref<2048xi32, #tpu.memory_space<vmem>>) target_semaphore(%arg19 : memref<!tpu.dma_semaphore, #tpu.memory_space<semaphore_mem>>)
      %dma_start3A_359 = arith.constant 0 : i32
      %dma_start3A_360 = tpu.memref_slice %arg17[%dma_start3A_359] : memref<100352xf32, #tpu.memory_space<vmem_shared>> -> memref<100352xf32, #tpu.memory_space<vmem_shared>>
      tpu.enqueue_indirect_dma source(%arg15 : memref<2048xf32, #tpu.memory_space<vmem>>) target(%dma_start3A_360 : memref<100352xf32, #tpu.memory_space<vmem_shared>>) offsets(%arg11 : memref<2048xi32, #tpu.memory_space<vmem>>) semaphore(%arg25 : memref<!tpu.dma_semaphore, #tpu.memory_space<semaphore_mem>>) {add = true}
      %add3A_361 = arith.constant 3 : i32
      %add3A_362 = arith.addi %add3A_255, %add3A_361 : i32
      %dma_wait3A_363 = arith.constant 0 : i32
      %dma_wait3A_364 = tpu.memref_slice %arg4[%dma_wait3A_363] : memref<6422528xi32, #tpu.memory_space<hbm>> -> memref<2048xi32, #tpu.memory_space<hbm>>
      %dma_wait3A_365 = arith.constant 0 : i32
      %dma_wait3A_366 = tpu.memref_slice %arg4[%dma_wait3A_365] : memref<6422528xi32, #tpu.memory_space<hbm>> -> memref<2048xi32, #tpu.memory_space<hbm>>
      tpu.wait_dma2 semaphore(%arg20 : memref<!tpu.dma_semaphore, #tpu.memory_space<semaphore_mem>>) src(%dma_wait3A_366 : memref<2048xi32, #tpu.memory_space<hbm>>) dst(%arg10 : memref<2048xi32, #tpu.memory_space<vmem>>)
      %dma_wait3A_367 = arith.constant 0 : i32
      %dma_wait3A_368 = tpu.memref_slice %arg5[%dma_wait3A_367] : memref<6422528xi32, #tpu.memory_space<hbm>> -> memref<2048xi32, #tpu.memory_space<hbm>>
      %dma_wait3A_369 = arith.constant 0 : i32
      %dma_wait3A_370 = tpu.memref_slice %arg5[%dma_wait3A_369] : memref<6422528xi32, #tpu.memory_space<hbm>> -> memref<2048xi32, #tpu.memory_space<hbm>>
      tpu.wait_dma2 semaphore(%arg22 : memref<!tpu.dma_semaphore, #tpu.memory_space<semaphore_mem>>) src(%dma_wait3A_370 : memref<2048xi32, #tpu.memory_space<hbm>>) dst(%arg12 : memref<2048xi32, #tpu.memory_space<vmem>>)
      %dma_wait3A_371 = arith.constant 0 : i32
      %dma_wait3A_372 = tpu.memref_slice %arg17[%dma_wait3A_371] : memref<100352xf32, #tpu.memory_space<vmem_shared>> -> memref<100352xf32, #tpu.memory_space<vmem_shared>>
      tpu.wait_indirect_dma semaphore(%arg26 : memref<!tpu.dma_semaphore, #tpu.memory_space<semaphore_mem>>) src(%arg16 : memref<2048xf32, #tpu.memory_space<vmem>>) dst(%dma_wait3A_372 : memref<100352xf32, #tpu.memory_space<vmem_shared>>)
      %add3A_373 = arith.constant 2 : i32
      %add3A_374 = arith.addi %add3A_362, %add3A_373 : i32
      %min3A_375 = arith.constant 97 : i32
      %min3A_376 = arith.minsi %add3A_374, %min3A_375 : i32
      %mul3A_377 = arith.constant 2048 : i32
      %mul3A_378 = arith.muli %min3A_376, %mul3A_377 : i32
      %add3A_379 = arith.addi %mul3A_135, %mul3A_378 : i32
      %dma_start3A_380 = tpu.memref_slice %arg5[%add3A_379] : memref<6422528xi32, #tpu.memory_space<hbm>> -> memref<2048xi32, #tpu.memory_space<hbm>>
      %dma_start3A_381 = tpu.memref_slice %arg5[%add3A_379] : memref<6422528xi32, #tpu.memory_space<hbm>> -> memref<2048xi32, #tpu.memory_space<hbm>>
      tpu.enqueue_dma source(%dma_start3A_381 : memref<2048xi32, #tpu.memory_space<hbm>>) target(%arg14 : memref<2048xi32, #tpu.memory_space<vmem>>) target_semaphore(%arg24 : memref<!tpu.dma_semaphore, #tpu.memory_space<semaphore_mem>>)
      %parallel_loop3A_382 = arith.constant 0 : i32
      %parallel_loop3A_383 = arith.constant 128 : i32
      %parallel_loop3A_384 = arith.constant 1 : i32
      scf.for %parallel_loop3A_397 = %parallel_loop3A_382 to %parallel_loop3A_383 step %parallel_loop3A_384  : i32 {
        %parallel_loop3A_398 = arith.constant 16 : i32
        %parallel_loop3A_399 = arith.muli %parallel_loop3A_397, %parallel_loop3A_398 : i32
        %parallel_loop3A_400 = arith.index_cast %parallel_loop3A_399 : i32 to index
        %parallel_loop3A_401 = tpu.vector_load %arg10[%parallel_loop3A_400] {strides = array<i32>} : memref<2048xi32, #tpu.memory_space<vmem>>, vector<16xi32>,
        %parallel_loop3A_402 = tpu.vector_load_idx %arg8[%parallel_loop3A_401] : memref<100000xf32, #tpu.memory_space<vmem>>[vector<16xi32>], vector<16xf32>,
        %parallel_loop3A_403 = arith.constant 16 : i32
        %parallel_loop3A_404 = arith.muli %parallel_loop3A_397, %parallel_loop3A_403 : i32
        %parallel_loop3A_405 = arith.index_cast %parallel_loop3A_404 : i32 to index
        %parallel_loop3A_406 = tpu.vector_load %arg16[%parallel_loop3A_405] {strides = array<i32>} : memref<2048xf32, #tpu.memory_space<vmem>>, vector<16xf32>,
        tpu.vector_store %arg16[%parallel_loop3A_405], %parallel_loop3A_402 {strides = array<i32>} : memref<2048xf32, #tpu.memory_space<vmem>>, vector<16xf32>,
      } {sc.loop_unroll_factor = 8 : i64, sc.parallel_access}
      %add3A_385 = arith.constant 2 : i32
      %add3A_386 = arith.addi %add3A_362, %add3A_385 : i32
      %min3A_387 = arith.constant 97 : i32
      %min3A_388 = arith.minsi %add3A_386, %min3A_387 : i32
      %mul3A_389 = arith.constant 2048 : i32
      %mul3A_390 = arith.muli %min3A_388, %mul3A_389 : i32
      %add3A_391 = arith.addi %mul3A_135, %mul3A_390 : i32
      %dma_start3A_392 = tpu.memref_slice %arg4[%add3A_391] : memref<6422528xi32, #tpu.memory_space<hbm>> -> memref<2048xi32, #tpu.memory_space<hbm>>
      %dma_start3A_393 = tpu.memref_slice %arg4[%add3A_391] : memref<6422528xi32, #tpu.memory_space<hbm>> -> memref<2048xi32, #tpu.memory_space<hbm>>
      tpu.enqueue_dma source(%dma_start3A_393 : memref<2048xi32, #tpu.memory_space<hbm>>) target(%arg10 : memref<2048xi32, #tpu.memory_space<vmem>>) target_semaphore(%arg20 : memref<!tpu.dma_semaphore, #tpu.memory_space<semaphore_mem>>)
      %dma_start3A_394 = arith.constant 0 : i32
      %dma_start3A_395 = tpu.memref_slice %arg17[%dma_start3A_394] : memref<100352xf32, #tpu.memory_space<vmem_shared>> -> memref<100352xf32, #tpu.memory_space<vmem_shared>>
      tpu.enqueue_indirect_dma source(%arg16 : memref<2048xf32, #tpu.memory_space<vmem>>) target(%dma_start3A_395 : memref<100352xf32, #tpu.memory_space<vmem_shared>>) offsets(%arg12 : memref<2048xi32, #tpu.memory_space<vmem>>) semaphore(%arg26 : memref<!tpu.dma_semaphore, #tpu.memory_space<semaphore_mem>>) {add = true}
      %scan3A_396 = arith.constant 0 : i32
      scf.yield %scan3A_396 : i32
    }
    %scan3A_228 = arith.constant 24 : i32
    %dma_wait3A_229 = arith.constant 0 : i32
    %dma_wait3A_230 = tpu.memref_slice %arg17[%dma_wait3A_229] : memref<100352xf32, #tpu.memory_space<vmem_shared>> -> memref<100352xf32, #tpu.memory_space<vmem_shared>>
    tpu.wait_indirect_dma semaphore(%arg25 : memref<!tpu.dma_semaphore, #tpu.memory_space<semaphore_mem>>) src(%arg15 : memref<2048xf32, #tpu.memory_space<vmem>>) dst(%dma_wait3A_230 : memref<100352xf32, #tpu.memory_space<vmem_shared>>)
    %dma_wait3A_231 = arith.constant 0 : i32
    %dma_wait3A_232 = tpu.memref_slice %arg17[%dma_wait3A_231] : memref<100352xf32, #tpu.memory_space<vmem_shared>> -> memref<100352xf32, #tpu.memory_space<vmem_shared>>
    tpu.wait_indirect_dma semaphore(%arg26 : memref<!tpu.dma_semaphore, #tpu.memory_space<semaphore_mem>>) src(%arg16 : memref<2048xf32, #tpu.memory_space<vmem>>) dst(%dma_wait3A_232 : memref<100352xf32, #tpu.memory_space<vmem_shared>>)
    %dma_wait3A_233 = arith.constant 0 : i32
    %dma_wait3A_234 = tpu.memref_slice %arg4[%dma_wait3A_233] : memref<6422528xi32, #tpu.memory_space<hbm>> -> memref<2048xi32, #tpu.memory_space<hbm>>
    %dma_wait3A_235 = arith.constant 0 : i32
    %dma_wait3A_236 = tpu.memref_slice %arg4[%dma_wait3A_235] : memref<6422528xi32, #tpu.memory_space<hbm>> -> memref<2048xi32, #tpu.memory_space<hbm>>
    tpu.wait_dma2 semaphore(%arg19 : memref<!tpu.dma_semaphore, #tpu.memory_space<semaphore_mem>>) src(%dma_wait3A_236 : memref<2048xi32, #tpu.memory_space<hbm>>) dst(%arg9 : memref<2048xi32, #tpu.memory_space<vmem>>)
    %dma_wait3A_237 = arith.constant 0 : i32
    %dma_wait3A_238 = tpu.memref_slice %arg4[%dma_wait3A_237] : memref<6422528xi32, #tpu.memory_space<hbm>> -> memref<2048xi32, #tpu.memory_space<hbm>>
    %dma_wait3A_239 = arith.constant 0 : i32
    %dma_wait3A_240 = tpu.memref_slice %arg4[%dma_wait3A_239] : memref<6422528xi32, #tpu.memory_space<hbm>> -> memref<2048xi32, #tpu.memory_space<hbm>>
    tpu.wait_dma2 semaphore(%arg20 : memref<!tpu.dma_semaphore, #tpu.memory_space<semaphore_mem>>) src(%dma_wait3A_240 : memref<2048xi32, #tpu.memory_space<hbm>>) dst(%arg10 : memref<2048xi32, #tpu.memory_space<vmem>>)
    %dma_wait3A_241 = arith.constant 0 : i32
    %dma_wait3A_242 = tpu.memref_slice %arg5[%dma_wait3A_241] : memref<6422528xi32, #tpu.memory_space<hbm>> -> memref<2048xi32, #tpu.memory_space<hbm>>
    %dma_wait3A_243 = arith.constant 0 : i32
    %dma_wait3A_244 = tpu.memref_slice %arg5[%dma_wait3A_243] : memref<6422528xi32, #tpu.memory_space<hbm>> -> memref<2048xi32, #tpu.memory_space<hbm>>
    tpu.wait_dma2 semaphore(%arg23 : memref<!tpu.dma_semaphore, #tpu.memory_space<semaphore_mem>>) src(%dma_wait3A_244 : memref<2048xi32, #tpu.memory_space<hbm>>) dst(%arg13 : memref<2048xi32, #tpu.memory_space<vmem>>)
    %dma_wait3A_245 = arith.constant 0 : i32
    %dma_wait3A_246 = tpu.memref_slice %arg5[%dma_wait3A_245] : memref<6422528xi32, #tpu.memory_space<hbm>> -> memref<2048xi32, #tpu.memory_space<hbm>>
    %dma_wait3A_247 = arith.constant 0 : i32
    %dma_wait3A_248 = tpu.memref_slice %arg5[%dma_wait3A_247] : memref<6422528xi32, #tpu.memory_space<hbm>> -> memref<2048xi32, #tpu.memory_space<hbm>>
    tpu.wait_dma2 semaphore(%arg24 : memref<!tpu.dma_semaphore, #tpu.memory_space<semaphore_mem>>) src(%dma_wait3A_248 : memref<2048xi32, #tpu.memory_space<hbm>>) dst(%arg14 : memref<2048xi32, #tpu.memory_space<vmem>>)
    %barrier3A_249 = arith.constant 0 : index
    tpu.barrier barrier_id(%barrier3A_249)
    "tpu.region"() ({
      %run_scoped3A_250 = tpu.sem_alloc : memref<!tpu.dma_semaphore, #tpu.memory_space<semaphore_mem>>
      %dma_start3A_251 = tpu.memref_slice %arg7[%arg0, %mul3A_106] : memref<2x100352xf32, #tpu.memory_space<hbm>> -> memref<1x6272xf32, #tpu.memory_space<hbm>>
      %dma_start3A_252 = tpu.memref_squeeze %dma_start3A_251 : memref<1x6272xf32, #tpu.memory_space<hbm>> -> memref<6272xf32, #tpu.memory_space<hbm>>
      %dma_start3A_253 = tpu.memref_slice %arg17[%mul3A_106] : memref<100352xf32, #tpu.memory_space<vmem_shared>> -> memref<6272xf32, #tpu.memory_space<vmem_shared>>
      tpu.enqueue_dma source(%dma_start3A_253 : memref<6272xf32, #tpu.memory_space<vmem_shared>>) target(%dma_start3A_252 : memref<6272xf32, #tpu.memory_space<hbm>>) target_semaphore(%run_scoped3A_250 : memref<!tpu.dma_semaphore, #tpu.memory_space<semaphore_mem>>)
      %dma_wait3A_254 = tpu.memref_slice %arg7[%arg0, %mul3A_106] : memref<2x100352xf32, #tpu.memory_space<hbm>> -> memref<1x6272xf32, #tpu.memory_space<hbm>>
      %dma_wait3A_255 = tpu.memref_squeeze %dma_wait3A_254 : memref<1x6272xf32, #tpu.memory_space<hbm>> -> memref<6272xf32, #tpu.memory_space<hbm>>
      %dma_wait3A_256 = tpu.memref_slice %arg17[%mul3A_106] : memref<100352xf32, #tpu.memory_space<vmem_shared>> -> memref<6272xf32, #tpu.memory_space<vmem_shared>>
      tpu.wait_dma2 semaphore(%run_scoped3A_250 : memref<!tpu.dma_semaphore, #tpu.memory_space<semaphore_mem>>) src(%dma_wait3A_256 : memref<6272xf32, #tpu.memory_space<vmem_shared>>) dst(%dma_wait3A_255 : memref<6272xf32, #tpu.memory_space<hbm>>)
      tpu.yield
    }) : () -> ()
    return
  }
}

</mosaic_0001>

<sc_bundles>
// kernel: kernel.11.cloned.1.call-start
scs
__scs_entry_jumppad:
0x0: {  	(pc) =	sbr.rel $0x88, $3  }
0x1: {  	(tag) =	ssettag $0x0;
	lr =	simm.s32 $0x1  }
0x2: {  	[smem:$0x3F99] =	sst lr;
	_ =	strace $0xD0000000  }
0x3: {  	_ = 	snop  }
0x4: {  	_ = 	snop  }
0x5: {  	_ = 	snop  }
0x6: {  	_ = 	snop  }
0x7: {  	_ = 	snop  }
__scs_overlays_trampoline_lowered:
0x8: {  	[smem:$0x3FA8] =	sst s0  }
0x9: {  	[smem:$0x3FA9] =	sst s1  }
0xa: {  	[smem:$0x3FAA] =	sst s2  }
0xb: {  	[smem:$0x3FAB] =	sst s3  }
0xc: {  	[smem:$0x3FAC] =	sst s4  }
0xd: {  	[smem:$0x3FAD] =	sst s5  }
0xe: {  	[smem:$0x3FAE] =	sst s6  }
0xf: {  	[smem:$0x3FAF] =	sst s7  }
0x10: {  	[smem:$0x3FB0] =	sst s8  }
0x11: {  	[smem:$0x3FB1] =	sst s9;
	s0 =	simm.s32 @!p0 $0x0  }
0x12: {  	s1 =	sld [smem:$0x3F97];
	s0 =	simm.s32 @p0 $0x1  }
0x13: {  	[smem:$0x3FB2] =	sst s0;
	s0 =	simm.s32 @!p1 $0x0  }
0x14: {  	s2 =	sld [smem:$0x3F96];
	s0 =	simm.s32 @p1 $0x1  }
0x15: {  	[smem:$0x3FB3] =	sst s0;
	s0 =	simm.s32 @!p2 $0x0  }
0x16: {  	s3 =	sld [smem:$0x3FDB];
	s0 =	simm.s32 @p2 $0x1  }
0x17: {  	s4 =	simm.s32 $0x1BF5;
	[smem:$0x3FB5] =	sst s0  }
0x18: {  	s0 =	sld [smem:$0x3F98];
	_ =	swait.ge [sflag:s4], $0x0  }
0x19: {  	s7 =	sld [smem:$0x3F99]  }
0x1a: {  	s8 =	sadd.s32 $0xFFFFE003, lr  }
0x1b: {  	s9 =	sadd.s32 $0xFFFFFEF7, lr;
	s5 =	simm.s32 $0xFFFFFFFF;
	p2 =	slt.u32 s8, $0xFFFFF086  }
0x1c: {  	p1 =	slt.u32 s9, $0xF7A;
	s5 =	simm.s32 @!p2 $0x0  }
0x1d: {  	s5 =	simm.s32 @p1 $0x1;
	p0 =	seq.s32 s7, s2  }
0x1e: {  	s7 =	smul.u32 @!p0 $0xF7A, s2;
	p2 =	seq.s32 @!p0 s5, $0x0  }
0x1f: {  	s9 =	smul.u32 $0xF7A, s1;
	s8 =	simm.s32 @!p0 $0x1BF5;
	p2 =	por !p2, p0  }
0x20: {  	[sflag:s8] =	ssyncset.s32 @!p0 $0xFFFFF086;
	s6 =	sadd.s32 @!p0 s3, s7;
	s7 =	simm.s32 @!p0 $0x108  }
0x21: {  	s3 =	sadd.s32 s3, s9;
	s6 =	sadd.s32 @!p0 $0x88, s6;
	s7 =	simm.s32 @p2 $0x1082  }
0x22: {  	[simem:s7], [sflag:s8] =	dma.local @!p0 [hbm:s6], $0xF7A  }
0x23: {  	s9 =	sor.u32 $0xD0000000, s2;
	s6 =	simm.s32 $0x108;
	_ =	swait.ge @!p0 [sflag:s8], $0x0  }
0x24: {  	s3 =	sadd.s32 $0x88, s3;
	s6 =	simm.s32 @!p1 $0x1082;
	[sflag:s4] =	ssyncset.s32 $0xFFFFF086  }
0x25: {  	[simem:s6], [sflag:s4] =	dma.local [hbm:s3], $0xF7A  }
0x26: {  	[smem:$0x3F99] =	sst s1;
	(tag) =	ssettag s2;
	_ =	strace s9  }
0x27: {  	s1 =	sld [smem:$0x3FA9]  }
0x28: {  	s2 =	sld [smem:$0x3FAA]  }
0x29: {  	s4 =	sld [smem:$0x3FAC]  }
0x2a: {  	p0 =	seq.s32 s5, $0x0;
	s5 =	sld [smem:$0x3FAD]  }
0x2b: {  	s6 =	sld [smem:$0x3FAE]  }
0x2c: {  	s7 =	sld [smem:$0x3FAF]  }
0x2d: {  	s3 =	simm.s32 $0x108;
	s8 =	sld [smem:$0x3FB0]  }
0x2e: {  	s3 =	simm.s32 @!p0 $0x1082;
	s9 =	sld [smem:$0x3FB1]  }
0x2f: {  	lr =	sadd.s32 s0, s3;
	s0 =	sld [smem:$0x3FA8]  }
0x30: {  	s3 =	sld [smem:$0x3FAB]  }
0x31: {  	[smem:$0x3FB4] =	sst s10  }
0x32: {  	s10 =	sld [smem:$0x3FB2];
	_ =	sdelay $0x3  }
0x33: {  	p0 =	seq.s32 s10, $0x1;
	s10 =	sld [smem:$0x3FB4];
	_ =	sdelay $0x3  }
0x34: {  	[smem:$0x3FB4] =	sst s10  }
0x35: {  	s10 =	sld [smem:$0x3FB3];
	_ =	sdelay $0x3  }
0x36: {  	p1 =	seq.s32 s10, $0x1;
	s10 =	sld [smem:$0x3FB4];
	_ =	sdelay $0x3  }
0x37: {  	[smem:$0x3FB4] =	sst s10  }
0x38: {  	s10 =	sld [smem:$0x3FB5]  }
0x39: {  	_ = 	snop;
	(pc) =	sbr.ind lr, $3  }
0x3a: {  	_ = 	snop  }
0x3b: {  	_ = 	snop  }
0x3c: {  	p2 =	seq.s32 s10, $0x1;
	s10 =	sld [smem:$0x3FB4]  }
0x3d: {  	_ =	shalt  }
0x3e: {  	_ =	shalt  }
0x3f: {  	_ =	shalt  }
0x40: {  	_ =	shalt  }
0x41: {  	_ =	shalt  }
0x42: {  	_ =	shalt  }
0x43: {  	_ =	shalt  }
0x44: {  	_ =	shalt  }
0x45: {  	_ =	shalt  }
0x46: {  	_ =	shalt  }
0x47: {  	_ =	shalt  }
0x48: {  	_ =	shalt  }
0x49: {  	_ =	shalt  }
0x4a: {  	_ =	shalt  }
0x4b: {  	_ =	shalt  }
0x4c: {  	_ =	shalt  }
0x4d: {  	_ =	shalt  }
0x4e: {  	_ =	shalt  }
0x4f: {  	_ =	shalt  }
0x50: {  	_ =	shalt  }
0x51: {  	_ =	shalt  }
0x52: {  	_ =	shalt  }
0x53: {  	_ =	shalt  }
0x54: {  	_ =	shalt  }
0x55: {  	_ =	shalt  }
0x56: {  	_ =	shalt  }
0x57: {  	_ =	shalt  }
0x58: {  	_ =	shalt  }
0x59: {  	_ =	shalt  }
0x5a: {  	_ =	shalt  }
0x5b: {  	_ =	shalt  }
0x5c: {  	_ =	shalt  }
0x5d: {  	_ =	shalt  }
0x5e: {  	_ =	shalt  }
0x5f: {  	_ =	shalt  }
0x60: {  	_ =	shalt  }
0x61: {  	_ =	shalt  }
0x62: {  	_ =	shalt  }
0x63: {  	_ =	shalt  }
0x64: {  	_ =	shalt  }
0x65: {  	_ =	shalt  }
0x66: {  	_ =	shalt  }
0x67: {  	_ =	shalt  }
0x68: {  	_ =	shalt  }
0x69: {  	_ =	shalt  }
0x6a: {  	_ =	shalt  }
0x6b: {  	_ =	shalt  }
0x6c: {  	_ =	shalt  }
0x6d: {  	_ =	shalt  }
0x6e: {  	_ =	shalt  }
0x6f: {  	_ =	shalt  }
0x70: {  	_ =	shalt  }
0x71: {  	_ =	shalt  }
0x72: {  	_ =	shalt  }
0x73: {  	_ =	shalt  }
0x74: {  	_ =	shalt  }
0x75: {  	_ =	shalt  }
0x76: {  	_ =	shalt  }
0x77: {  	_ =	shalt  }
0x78: {  	_ =	shalt  }
0x79: {  	_ =	shalt  }
0x7a: {  	_ =	shalt  }
0x7b: {  	_ =	shalt  }
0x7c: {  	_ =	shalt  }
0x7d: {  	_ =	shalt  }
0x7e: {  	_ =	shalt  }
0x7f: {  	_ =	shalt  }
0x80: {  	_ =	shalt  }
0x81: {  	_ =	shalt  }
0x82: {  	_ =	shalt  }
0x83: {  	_ =	shalt  }
0x84: {  	_ =	shalt  }
0x85: {  	_ =	shalt  }
0x86: {  	_ =	shalt  }
0x87: {  	_ =	shalt  }
.Lfunc_end0:
.L_simem_size_0:
called_computation.2_lowered:
.L_overlay_start_0:
0x88: {  	s2 =	sld [smem:$0x3FD9]  }
0x89: {  	s3 =	sld [smem:$0x3FFE];
	_ =	sdelay $0x1  }
0x8a: {  	s1 =	srdreg.scid  }
0x8b: {  	s0 =	sand.u32 $0x1, s1  }
0x8c: {  	s17 =	sshll.u32 s0, $0xA;
	s2 =	sadd.s32 s3, s2  }
0x8d: {  	s2 =	sadd.s32 s2, s17  }
0x8e: {  	[smem:$0x3FC0] =	sst s2  }
0x8f: {  	_ = 	snop  }
0x90: {  	s2 =	sld [smem:$0x3FD0];
	(tm) =	ssettm $0x1  }
0x91: {  	s18 =	sld [smem:$0x3FFB];
	_ =	sdelay $0x3  }
0x92: {  	_ =	strace s18  }
0x93: {  	s3 =	sld [smem:$0x3FFC];
	_ =	sdelay $0x3  }
0x94: {  	_ =	strace s3  }
0x95: {  	s3 =	sld [smem:$0x3FFD];
	_ =	sdelay $0x3  }
0x96: {  	_ =	strace s3  }
0x97: {  	_ =	strace $0x8FFFFFFF  }
0x98: {  	s19 =	sld [smem:$0x3FDB];
	_ =	sdelay $0x1  }
0x99: {  	s4 =	simm.s32 $_scs_section_size  }
0x9a: {  	s5 =	simm.s32 $_size__tile_overlayer_lowered;
	s6 =	simm.s32 $_tile_overlayer_lowered  }
0x9b: {  	s22 =	simm.s32 $0x1BFF;
	s21 =	sshll.u32 s6, $0x1;
	s3 =	sadd.s32 s4, s19  }
0x9c: {  	s7 =	simm.s32 $0x0;
	s20 =	sshll.u32 s5, $0x1;
	s5 =	sadd.s32 s21, s3  }
0x9d: {  	[timem:s7], [sflag:s22] =	dma.local [hbm:s5], s20  }
0x9e: {  	_ =	swait.ge [sflag:s22], s20  }
0x9f: {  	s4 =	ssub.s32 $0x0, s20;
	[sflag:s22] =	ssyncset.done $0x0  }
0xa0: {  	[sflag:s22] =	ssyncadd.s32 s4;
	_ =	sdelay $0x1  }
0xa1: {  	s23 =	simm.s32 $0x1B8B  }
0xa2: {  	_ =	swait.ge [sflag:s23], $0x1  }
0xa3: {  	[sflag:s23] =	ssyncset.done $0x0  }
0xa4: {  	s25 =	simm.s32 $0x1B8E;
	s24 =	sld [smem:$0x3FFE];
	[sflag:s23] =	ssyncadd.s32 $0xFFFFFFFF  }
0xa5: {  	s26 =	simm.s32 $execute0_lowered;
	[smem:$0x3FD2] =	sst s25  }
0xa6: {  	s5 =	sshll.u32 s26, $0x1;
	_ =	strace $0x8000004C;
	[dreg:$0x1] =	wrdreg $0xFFFFFFFF  }
0xa7: {  	s28 =	simm.s32 $_size_execute0_lowered;
	s3 =	sadd.s32 s3, s5;
	[dreg:$0x0] =	wrdreg $0x0  }
0xa8: {  	s5 =	sshll.u32 s28, $0x1;
	[dreg:$0x2] =	wrdreg s3  }
0xa9: {  	[dreg:$0x3] =	wrdreg s5  }
0xaa: {  	[dreg:$0x4] =	wrdreg $0xC0  }
0xab: {  	_ =	task [dreg:s7], $0x5FFFF  }
0xac: {  	[dreg:$0x1] =	wrdreg $0xFFFFFFFF  }
0xad: {  	[dreg:$0x0] =	wrdreg $0x60  }
0xae: {  	[dreg:$0x2] =	wrdreg s24  }
0xaf: {  	[dreg:$0x3] =	wrdreg s2  }
0xb0: {  	[dreg:$0x4] =	wrdreg $0x9  }
0xb1: {  	_ =	task.clear_ibuf [dreg:s7], $0x5FFFF;
	_ =	strace $0x9000004C  }
0xb2: {  	s29 =	simm.s32 $0x9;
	_ =	strace $0x8000004E  }
0xb3: {  	_ =	swait.ge [sflag:s29], $0x1  }
0xb4: {  	[sflag:s29] =	ssyncadd.s32 $0xFFFFFFFF  }
0xb5: {  	_ =	strace $0x9000004E  }
0xb6: {  	_ =	sfence  }
0xb7: {  	s30 =	sld [smem:$0x0];
	_ =	sdelay $0x2  }
0xb8: {  	s31 =	sshll.u32 s1, $0xD;
	s1 =	sshrl.u32 s1, $0x2  }
0xb9: {  	s3 =	sand.u32 $0x4000, s31;
	s1 =	sadd.s32 s1, s30  }
0xba: {  	s0 =	sor.u32 s3, s0;
	s1 =	sshll.u32 s1, $0x11  }
0xbb: {  	s0 =	sor.u32 s1, s0  }
0xbc: {  	s0 =	sadd.s32 $0x8F2B, s0  }
0xbd: {  	[sflag:s0] =	ssyncadd.remote.s32 $0x1  }
0xbe: {  	_ =	sfence.sel $0xFFFF  }
0xbf: {  	[dreg:$0x0] =	wrdreg $0xFFFFFFFF;
	(pc) =	sbr.abs _section_cstart, $3  }
0xc0: {  	[dreg:$0x1] =	wrdreg $0xFFFFFFFF  }
0xc1: {  	_ =	task.clear_ibuf [dreg:s7], $0x2FFFF;
	_ =	strace $0x9FFFFFFF  }
0xc2: {  	(tm) =	ssettm $0x7FFFFFFF  }
0xc3: {  	_ =	shalt  }
tec
execute0_lowered:
.L_overlay_start_1:
0x0: {  	(tag) =	ssettag $0x1  }
0x1: {  	s0 =	srdreg.scid;
	s4 =	rddreg [dreg:$0x0]  }
0x2: {  	s2 =	rddreg [dreg:$0x1];
	s1 =	stileid.u32  }
0x3: {  	s3 =	simm.s32 $0x0;
	s13 =	simm.s32 $0x1;
	s14 =	simm.s32 $0xC40  }
0x4: {  	s15 =	simm.s32 $0x1880;
	s16 =	simm.s32 $0x24C0;
	s5 =	sand.u32 $0x1, s0  }
0x5: {  	s17 =	simm.s32 $0x3100;
	s18 =	simm.s32 $0x3D40;
	s6 =	sshll.u32 s5, $0x4  }
0x6: {  	s19 =	simm.s32 $0x4980;
	s20 =	simm.s32 $0x0;
	s6 =	sor.u32 s1, s6  }
0x7: {  	s0 =	rddreg [dreg:$0x2];
	s5 =	ssub.s32 $0x2, s5;
	s6 =	smul.u32 $0xC40, s6  }
0x8: {  	[smem:$0x7FF] =	sst s3;
	s7 =	sadd.s32 $0x12A00, s4;
	s31 =	sshrl.u32 s5, $0x1  }
0x9: {  	s9 =	sadd.s32 $0x9600, s4;
	s11 =	ssub.s32 s5, s31;
	s8 =	sshrl.u32 s6, $0x3  }
0xa: {  	_ =	strace $0x8000004D;
	s11 =	smax.u32 s11, $0x1;
	s10 =	sadd.s32 s8, s4  }
0xb: {  	s12 =	sadd.s32 $0x3100, s8;
	s6 =	sadd.s32 s7, s8;
	s8 =	sadd.s32 s9, s8  }
0xc: {  	s4 =	sadd.s32 $0x200, s10;
	s5 =	sadd.s32 $0xF800, s10;
	s7 =	sadd.s32 s7, s12  }
0xd: {  	s9 =	sadd.s32 s9, s12;
	s10 =	sadd.s32 $0x3400, s10;
	s12 =	simm.s32 $0x55C0  }
.LBB2_1:
0xe: {  	[tilespmem:s12], [sflag:$0x1] =	stream.linear.gather [hbm4b:s2+s3], $0x40, $0x38;
	[tilespmem:$0x5600] =	vst v63  }
0xf: {  	_ =	swait.ge [sflag:s13], $0x40  }
0x10: {  	[sflag:s13] =	ssyncset.done $0x0  }
0x11: {  	[sflag:s13] =	ssyncadd.s32 $0xFFFFFFC0  }
0x12: {  	[tilespmem:s3], [sflag:$0x1] =	stream.linear.gather [hbm4b:s4+s3], $0xC40, $0x38;
	[tilespmem:$0x5600] =	vst v63  }
0x13: {  	_ =	swait.ge [sflag:s13], $0xC40  }
0x14: {  	[sflag:s13] =	ssyncset.done $0x0  }
0x15: {  	[sflag:s13] =	ssyncadd.s32 $0xFFFFF3C0  }
0x16: {  	[tilespmem:s14], [sflag:$0x1] =	stream.linear.gather [hbm4b:s5+s3], $0xC40, $0x38;
	[tilespmem:$0x5600] =	vst v63  }
0x17: {  	_ =	swait.ge [sflag:s13], $0xC40  }
0x18: {  	[sflag:s13] =	ssyncset.done $0x0  }
0x19: {  	[sflag:s13] =	ssyncadd.s32 $0xFFFFF3C0  }
0x1a: {  	[tilespmem:s15], [sflag:$0x1] =	stream.linear.gather [hbm4b:s6+s3], $0xC40, $0x38;
	[tilespmem:$0x5600] =	vst v63  }
0x1b: {  	_ =	swait.ge [sflag:s13], $0xC40  }
0x1c: {  	[sflag:s13] =	ssyncset.done $0x0  }
0x1d: {  	[sflag:s13] =	ssyncadd.s32 $0xFFFFF3C0  }
0x1e: {  	[tilespmem:s16], [sflag:$0x1] =	stream.linear.gather [hbm4b:s7+s3], $0xC40, $0x38;
	[tilespmem:$0x5600] =	vst v63  }
0x1f: {  	_ =	swait.ge [sflag:s13], $0xC40  }
0x20: {  	[sflag:s13] =	ssyncset.done $0x0  }
0x21: {  	[sflag:s13] =	ssyncadd.s32 $0xFFFFF3C0  }
0x22: {  	[tilespmem:s17], [sflag:$0x1] =	stream.linear.gather [hbm4b:s8+s3], $0xC40, $0x38;
	[tilespmem:$0x5600] =	vst v63  }
0x23: {  	_ =	swait.ge [sflag:s13], $0xC40  }
0x24: {  	[sflag:s13] =	ssyncset.done $0x0  }
0x25: {  	[sflag:s13] =	ssyncadd.s32 $0xFFFFF3C0  }
0x26: {  	[tilespmem:s18], [sflag:$0x1] =	stream.linear.gather [hbm4b:s9+s3], $0xC40, $0x38;
	[tilespmem:$0x5600] =	vst v63  }
0x27: {  	_ =	swait.ge [sflag:s13], $0xC40  }
0x28: {  	[sflag:s13] =	ssyncset.done $0x0  }
0x29: {  	s25 =	simm.s32 $0x0;
	[sflag:s13] =	ssyncadd.s32 $0xFFFFF3C0  }
0x2a: {  	v0 =	vld [tilespmem:s25+$0x3100]  }
0x2b: {  	v4 =	vld [tilespmem:s25+$0x3D40];
	_ =	sdelay $0x1  }
0x2c: {  	v2 =	vld [tilespmem:$0x55C0]  }
0x2d: {  	v3 =	vld [tilespmem:$0x55D0]  }
0x2e: {  	s23 =	simm.s32 $0x10;
	v1 =	vld [tilespmem:$0x55E0]  }
0x2f: {  	v5 =	vld [tilespmem:s23+$0x3100];
	v4 =	vadd.f32 v4, v0  }
0x30: {  	v6 =	vld [tilespmem:s23+$0x3D40]  }
0x31: {  	s22 =	simm.s32 $0x20;
	v7 =	vld [tilespmem:s25+$0x24C0];
	v4 =	vmax.f32 v4, $1.000000000e+00  }
0x32: {  	v8 =	vld [tilespmem:s22+$0x3100];
	(erf) = vrcp.f32 v4  }
0x33: {  	v9 =	vld [tilespmem:s25+$0x0]  }
0x34: {  	v10 =	vld [tilespmem:s25+$0xC40]  }
0x35: {  	v5 =	vadd.f32 v6, v5;
	v4 =	vld [tilespmem:s25+$0x1880]  }
0x36: {  	v6 =	vld [tilespmem:s22+$0x3D40]  }
0x37: {  	s21 =	simm.s32 $0x30;
	v12 =	vld [tilespmem:s23+$0x24C0];
	v5 =	vmax.f32 v5, $1.000000000e+00  }
0x38: {  	v13 =	vld [tilespmem:s21+$0x3100];
	(erf) = vrcp.f32 v5  }
0x39: {  	v14 =	vld [tilespmem:s21+$0x3D40]  }
0x3a: {  	v15 =	vld [tilespmem:s23+$0xC40];
	v4 =	vadd.f32 v7, v4  }
0x3b: {  	v5 =	vld [tilespmem:s23+$0x1880];
	v6 =	vadd.f32 v6, v8;
	v7 =	vpop (erf)  }
0x3c: {  	v11 =	vld [tilespmem:s22+$0x1880];
	v4 =	vmul.f32 v7, v4  }
0x3d: {  	s24 =	simm.s32 $0x40;
	v0 =	vld [tilespmem:$0x55F0];
	v10 =	vmul.f32 v10, v3;
	v6 =	vmax.f32 v6, $1.000000000e+00  }
0x3e: {  	v8 =	vld [tilespmem:s24+$0x3100];
	(erf) = vrcp.f32 v6;
	v16 =	vmul.f32 v4, v2  }
0x3f: {  	v13 =	vadd.f32 v14, v13;
	v6 =	vld [tilespmem:s22+$0xC40]  }
0x40: {  	v9 =	vmul.f32 v9, v1;
	v5 =	vadd.f32 v12, v5;
	v7 =	vld [tilespmem:s23+$0x0];
	v12 =	vadd.f32 v16, v10  }
0x41: {  	v13 =	vmax.f32 v13, $1.000000000e+00;
	v14 =	vpop (erf);
	v4 =	vld [tilespmem:s22+$0x24C0]  }
0x42: {  	(erf) = vrcp.f32 v13;
	v14 =	vmul.f32 v14, v5;
	v10 =	vld [tilespmem:s24+$0x3D40];
	v9 =	vadd.f32 v12, v9  }
0x43: {  	v5 =	vld [tilespmem:s22+$0x0]  }
0x44: {  	s26 =	simm.s32 $0x140;
	v14 =	vmul.f32 v14, v2;
	v12 =	vmul.f32 v15, v3;
	v13 =	vadd.f32 v9, v0;
	v9 =	vld [tilespmem:s21+$0x1880]  }
.LBB2_2:
0x45: {  	s28 =	sshra.s32 s26, $0x2  }
0x46: {  	v11 =	vadd.f32 v4, v11;
	v4 =	vld [tilespmem:s21+$0x24C0];
	v12 =	vadd.f32 v14, v12;
	v16 =	vmul.f32 v7, v1;
	[tilespmem:s25+$0x4980] =	vst v13;
	s25 =	smov.u32 s23;
	s23 =	smov.u32 s22;
	p0 =	sne.s32 s26, $0x30C0  }
.Ltmp0:
0x47: {  	s26 =	sadd.s32 $0x40, s26;
	v13 =	vadd.f32 v10, v8;
	v8 =	vld [tilespmem:s28+$0x3100];
	v14 =	vpop (erf);
	(pc) =	sbr.rel @p0 .LBB2_2-.Ltmp0, $4  }
0x48: {  	s22 =	smov.u32 s21;
	s21 =	smov.u32 s24;
	s24 =	smov.u32 s28;
	v10 =	vld [tilespmem:s28+$0x3D40];
	v17 =	vmul.f32 v14, v11;
	v15 =	vadd.f32 v12, v16;
	v7 =	vmov v5  }
0x49: {  	v13 =	vmax.f32 v13, $1.000000000e+00;
	v5 =	vld [tilespmem:s22+$0x0];
	v12 =	vmul.f32 v6, v3  }
0x4a: {  	(erf) = vrcp.f32 v13;
	v6 =	vld [tilespmem:s22+$0xC40];
	v14 =	vmul.f32 v17, v2;
	v13 =	vadd.f32 v15, v0;
	v11 =	vmovc v9  }
0x4b: {  	v9 =	vld [tilespmem:s21+$0x1880]  }
0x4c: {  	_ = 	snop  }
0x4d: {  	v8 =	vadd.f32 v10, v8;
	_ =	sdelay $0x1  }
0x4e: {  	v8 =	vmax.f32 v8, $1.000000000e+00  }
0x4f: {  	v12 =	vadd.f32 v14, v12;
	v7 =	vmul.f32 v7, v1;
	(erf) = vrcp.f32 v8  }
0x50: {  	v46 =	vld [tilespmem:s21+$0x24C0];
	[tilespmem:s25+$0x4980] =	vst v13  }
0x51: {  	v47 =	vld [tilespmem:s24+$0x1880];
	v7 =	vadd.f32 v12, v7  }
0x52: {  	v48 =	vld [tilespmem:s24+$0x24C0]  }
0x53: {  	v7 =	vadd.f32 v7, v0  }
0x54: {  	v13 =	vld [tilespmem:s21+$0x0]  }
0x55: {  	v4 =	vadd.f32 v4, v11;
	v49 =	vld [tilespmem:s21+$0xC40];
	[tilespmem:s23+$0x4980] =	vst v7  }
0x56: {  	v50 =	vpop (erf);
	v51 =	vadd.f32 v46, v9;
	v52 =	vld [tilespmem:s24+$0xC40]  }
0x57: {  	v4 =	vmul.f32 v50, v4;
	v5 =	vmul.f32 v5, v1;
	v8 =	vadd.f32 v48, v47;
	v53 =	vpop (erf)  }
0x58: {  	v6 =	vmul.f32 v6, v3;
	v54 =	vld [tilespmem:s24+$0x0];
	v7 =	vmul.f32 v53, v51;
	v55 =	vpop (erf)  }
0x59: {  	v4 =	vmul.f32 v4, v2;
	v8 =	vmul.f32 v55, v8  }
0x5a: {  	v11 =	vmul.f32 v49, v3;
	v7 =	vmul.f32 v7, v2  }
0x5b: {  	v4 =	vadd.f32 v4, v6;
	v56 =	vmul.f32 v52, v3;
	v57 =	vmul.f32 v8, v2  }
0x5c: {  	v59 =	vmul.f32 v13, v1;
	v58 =	vadd.f32 v7, v11  }
0x5d: {  	v4 =	vadd.f32 v4, v5;
	v60 =	vmul.f32 v54, v1;
	v2 =	vadd.f32 v57, v56  }
0x5e: {  	v61 =	vadd.f32 v58, v59  }
0x5f: {  	v4 =	vadd.f32 v4, v0;
	v1 =	vadd.f32 v2, v60  }
0x60: {  	v62 =	vadd.f32 v61, v0  }
0x61: {  	s20 =	sadd.s32 $0x1, s20;
	[tilespmem:s22+$0x4980] =	vst v4;
	v63 =	vadd.f32 v1, v0  }
0x62: {  	p0 =	sne.s32 s20, s11;
	[tilespmem:s21+$0x4980] =	vst v62  }
.Ltmp1:
0x63: {  	[tilespmem:s24+$0x4980] =	vst v63;
	(pc) =	sbr.rel @p0 .LBB2_1-.Ltmp1, $4  }
0x64: {  	[hbm4b:s10+s3] =	stream.linear.scatter [tilespmem:s19], [sflag:$0x1], $0xC40, $0x38;
	[tilespmem:$0x5600] =	vst v63  }
0x65: {  	_ =	swait.ge [sflag:s13], $0xC40  }
0x66: {  	[sflag:s13] =	ssyncset.done $0x0  }
0x67: {  	[sflag:s13] =	ssyncadd.s32 $0xFFFFF3C0  }
0x68: {  	_ =	sfence.sel $0x180000  }
0x69: {  	[bflag:$0x0] =	sbarrier.arrive $0xFFFF  }
0x6a: {  	p0 =	sne.s32 s1, $0x0;
	_ =	strace $0x9000004D  }
0x6b: {  	s0 =	sadd.s32 @!p0 $0x100000, s0;
	[bflag:$0x2] =	sbarrier.arrive $0xFFFF  }
0x6c: {  	[sflag:s0] =	ssyncadd.tile.s32 @!p0 $0x1;
	_ =	shalt  }
.Lfunc_end2:
_tile_overlayer_lowered:
.L_overlay_start_2:
0x6d: {  	(tag) =	ssettag $0x2  }
0x6e: {  	s0 =	rddreg [dreg:$0x0];
	s2 =	stileid.u32  }
0x6f: {  	s1 =	rddreg [dreg:$0x1];
	p0 =	sne.s32 s2, $0x0  }
0x70: {  	s3 =	rddreg [dreg:$0x2];
	[bflag:$0x3] =	sbarrier.arrive $0xFFFF;
	s2 =	simm.s32 @!p0 $0x1C01  }
0x71: {  	[timem:s3], [sflag:s2] =	dma.local @!p0 [hbm:s0], s1  }
0x72: {  	s0 =	simm.s32 @!p0 $0x1  }
0x73: {  	_ =	swait.ge @!p0 [sflag:s0], s1  }
0x74: {  	s1 =	ssub.s32 @!p0 $0x0, s1;
	[sflag:s0] =	ssyncset.done @!p0 $0x0  }
0x75: {  	[sflag:s0] =	ssyncadd.s32 @!p0 s1  }
0x76: {  	[bflag:$0x3] =	sbarrier.arrive $0xFFFF  }
0x77: {  	_ =	shalt  }

// kernel: kernel.5.cloned.1.call-start
scs
__scs_entry_jumppad:
0x0: {  	(pc) =	sbr.rel $0x88, $3  }
0x1: {  	(tag) =	ssettag $0x0;
	lr =	simm.s32 $0x1  }
0x2: {  	[smem:$0x3F99] =	sst lr;
	_ =	strace $0xD0000000  }
0x3: {  	_ = 	snop  }
0x4: {  	_ = 	snop  }
0x5: {  	_ = 	snop  }
0x6: {  	_ = 	snop  }
0x7: {  	_ = 	snop  }
__scs_overlays_trampoline_lowered:
0x8: {  	[smem:$0x3FA8] =	sst s0  }
0x9: {  	[smem:$0x3FA9] =	sst s1  }
0xa: {  	[smem:$0x3FAA] =	sst s2  }
0xb: {  	[smem:$0x3FAB] =	sst s3  }
0xc: {  	[smem:$0x3FAC] =	sst s4  }
0xd: {  	[smem:$0x3FAD] =	sst s5  }
0xe: {  	[smem:$0x3FAE] =	sst s6  }
0xf: {  	[smem:$0x3FAF] =	sst s7  }
0x10: {  	[smem:$0x3FB0] =	sst s8  }
0x11: {  	[smem:$0x3FB1] =	sst s9;
	s0 =	simm.s32 @!p0 $0x0  }
0x12: {  	s1 =	sld [smem:$0x3F97];
	s0 =	simm.s32 @p0 $0x1  }
0x13: {  	[smem:$0x3FB2] =	sst s0;
	s0 =	simm.s32 @!p1 $0x0  }
0x14: {  	s2 =	sld [smem:$0x3F96];
	s0 =	simm.s32 @p1 $0x1  }
0x15: {  	[smem:$0x3FB3] =	sst s0;
	s0 =	simm.s32 @!p2 $0x0  }
0x16: {  	s3 =	sld [smem:$0x3FDB];
	s0 =	simm.s32 @p2 $0x1  }
0x17: {  	s4 =	simm.s32 $0x1BF5;
	[smem:$0x3FB5] =	sst s0  }
0x18: {  	s0 =	sld [smem:$0x3F98];
	_ =	swait.ge [sflag:s4], $0x0  }
0x19: {  	s7 =	sld [smem:$0x3F99]  }
0x1a: {  	s8 =	sadd.s32 $0xFFFFE003, lr  }
0x1b: {  	s9 =	sadd.s32 $0xFFFFFEF7, lr;
	s5 =	simm.s32 $0xFFFFFFFF;
	p2 =	slt.u32 s8, $0xFFFFF086  }
0x1c: {  	p1 =	slt.u32 s9, $0xF7A;
	s5 =	simm.s32 @!p2 $0x0  }
0x1d: {  	s5 =	simm.s32 @p1 $0x1;
	p0 =	seq.s32 s7, s2  }
0x1e: {  	s7 =	smul.u32 @!p0 $0xF7A, s2;
	p2 =	seq.s32 @!p0 s5, $0x0  }
0x1f: {  	s9 =	smul.u32 $0xF7A, s1;
	s8 =	simm.s32 @!p0 $0x1BF5;
	p2 =	por !p2, p0  }
0x20: {  	[sflag:s8] =	ssyncset.s32 @!p0 $0xFFFFF086;
	s6 =	sadd.s32 @!p0 s3, s7;
	s7 =	simm.s32 @!p0 $0x108  }
0x21: {  	s3 =	sadd.s32 s3, s9;
	s6 =	sadd.s32 @!p0 $0x88, s6;
	s7 =	simm.s32 @p2 $0x1082  }
0x22: {  	[simem:s7], [sflag:s8] =	dma.local @!p0 [hbm:s6], $0xF7A  }
0x23: {  	s9 =	sor.u32 $0xD0000000, s2;
	s6 =	simm.s32 $0x108;
	_ =	swait.ge @!p0 [sflag:s8], $0x0  }
0x24: {  	s3 =	sadd.s32 $0x88, s3;
	s6 =	simm.s32 @!p1 $0x1082;
	[sflag:s4] =	ssyncset.s32 $0xFFFFF086  }
0x25: {  	[simem:s6], [sflag:s4] =	dma.local [hbm:s3], $0xF7A  }
0x26: {  	[smem:$0x3F99] =	sst s1;
	(tag) =	ssettag s2;
	_ =	strace s9  }
0x27: {  	s1 =	sld [smem:$0x3FA9]  }
0x28: {  	s2 =	sld [smem:$0x3FAA]  }
0x29: {  	s4 =	sld [smem:$0x3FAC]  }
0x2a: {  	p0 =	seq.s32 s5, $0x0;
	s5 =	sld [smem:$0x3FAD]  }
0x2b: {  	s6 =	sld [smem:$0x3FAE]  }
0x2c: {  	s7 =	sld [smem:$0x3FAF]  }
0x2d: {  	s3 =	simm.s32 $0x108;
	s8 =	sld [smem:$0x3FB0]  }
0x2e: {  	s3 =	simm.s32 @!p0 $0x1082;
	s9 =	sld [smem:$0x3FB1]  }
0x2f: {  	lr =	sadd.s32 s0, s3;
	s0 =	sld [smem:$0x3FA8]  }
0x30: {  	s3 =	sld [smem:$0x3FAB]  }
0x31: {  	[smem:$0x3FB4] =	sst s10  }
0x32: {  	s10 =	sld [smem:$0x3FB2];
	_ =	sdelay $0x3  }
0x33: {  	p0 =	seq.s32 s10, $0x1;
	s10 =	sld [smem:$0x3FB4];
	_ =	sdelay $0x3  }
0x34: {  	[smem:$0x3FB4] =	sst s10  }
0x35: {  	s10 =	sld [smem:$0x3FB3];
	_ =	sdelay $0x3  }
0x36: {  	p1 =	seq.s32 s10, $0x1;
	s10 =	sld [smem:$0x3FB4];
	_ =	sdelay $0x3  }
0x37: {  	[smem:$0x3FB4] =	sst s10  }
0x38: {  	s10 =	sld [smem:$0x3FB5]  }
0x39: {  	_ = 	snop;
	(pc) =	sbr.ind lr, $3  }
0x3a: {  	_ = 	snop  }
0x3b: {  	_ = 	snop  }
0x3c: {  	p2 =	seq.s32 s10, $0x1;
	s10 =	sld [smem:$0x3FB4]  }
0x3d: {  	_ =	shalt  }
0x3e: {  	_ =	shalt  }
0x3f: {  	_ =	shalt  }
0x40: {  	_ =	shalt  }
0x41: {  	_ =	shalt  }
0x42: {  	_ =	shalt  }
0x43: {  	_ =	shalt  }
0x44: {  	_ =	shalt  }
0x45: {  	_ =	shalt  }
0x46: {  	_ =	shalt  }
0x47: {  	_ =	shalt  }
0x48: {  	_ =	shalt  }
0x49: {  	_ =	shalt  }
0x4a: {  	_ =	shalt  }
0x4b: {  	_ =	shalt  }
0x4c: {  	_ =	shalt  }
0x4d: {  	_ =	shalt  }
0x4e: {  	_ =	shalt  }
0x4f: {  	_ =	shalt  }
0x50: {  	_ =	shalt  }
0x51: {  	_ =	shalt  }
0x52: {  	_ =	shalt  }
0x53: {  	_ =	shalt  }
0x54: {  	_ =	shalt  }
0x55: {  	_ =	shalt  }
0x56: {  	_ =	shalt  }
0x57: {  	_ =	shalt  }
0x58: {  	_ =	shalt  }
0x59: {  	_ =	shalt  }
0x5a: {  	_ =	shalt  }
0x5b: {  	_ =	shalt  }
0x5c: {  	_ =	shalt  }
0x5d: {  	_ =	shalt  }
0x5e: {  	_ =	shalt  }
0x5f: {  	_ =	shalt  }
0x60: {  	_ =	shalt  }
0x61: {  	_ =	shalt  }
0x62: {  	_ =	shalt  }
0x63: {  	_ =	shalt  }
0x64: {  	_ =	shalt  }
0x65: {  	_ =	shalt  }
0x66: {  	_ =	shalt  }
0x67: {  	_ =	shalt  }
0x68: {  	_ =	shalt  }
0x69: {  	_ =	shalt  }
0x6a: {  	_ =	shalt  }
0x6b: {  	_ =	shalt  }
0x6c: {  	_ =	shalt  }
0x6d: {  	_ =	shalt  }
0x6e: {  	_ =	shalt  }
0x6f: {  	_ =	shalt  }
0x70: {  	_ =	shalt  }
0x71: {  	_ =	shalt  }
0x72: {  	_ =	shalt  }
0x73: {  	_ =	shalt  }
0x74: {  	_ =	shalt  }
0x75: {  	_ =	shalt  }
0x76: {  	_ =	shalt  }
0x77: {  	_ =	shalt  }
0x78: {  	_ =	shalt  }
0x79: {  	_ =	shalt  }
0x7a: {  	_ =	shalt  }
0x7b: {  	_ =	shalt  }
0x7c: {  	_ =	shalt  }
0x7d: {  	_ =	shalt  }
0x7e: {  	_ =	shalt  }
0x7f: {  	_ =	shalt  }
0x80: {  	_ =	shalt  }
0x81: {  	_ =	shalt  }
0x82: {  	_ =	shalt  }
0x83: {  	_ =	shalt  }
0x84: {  	_ =	shalt  }
0x85: {  	_ =	shalt  }
0x86: {  	_ =	shalt  }
0x87: {  	_ =	shalt  }
.Lfunc_end0:
.L_simem_size_0:
called_computation_lowered:
.L_overlay_start_0:
0x88: {  	s2 =	sld [smem:$0x3FD9]  }
0x89: {  	s3 =	sld [smem:$0x3FFE];
	_ =	sdelay $0x1  }
0x8a: {  	s1 =	srdreg.scid  }
0x8b: {  	s0 =	sand.u32 $0x1, s1  }
0x8c: {  	s16 =	sshll.u32 s0, $0xA;
	s2 =	sadd.s32 s3, s2  }
0x8d: {  	s2 =	sadd.s32 s2, s16  }
0x8e: {  	[smem:$0x3FC0] =	sst s2  }
0x8f: {  	_ = 	snop  }
0x90: {  	(tm) =	ssettm $0x1  }
0x91: {  	s17 =	sld [smem:$0x3FFB];
	_ =	sdelay $0x3  }
0x92: {  	_ =	strace s17  }
0x93: {  	s2 =	sld [smem:$0x3FFC];
	_ =	sdelay $0x3  }
0x94: {  	_ =	strace s2  }
0x95: {  	s2 =	sld [smem:$0x3FFD];
	_ =	sdelay $0x3  }
0x96: {  	_ =	strace s2  }
0x97: {  	_ =	strace $0x8FFFFFFF  }
0x98: {  	s18 =	sld [smem:$0x3FDB];
	_ =	sdelay $0x1  }
0x99: {  	s19 =	simm.s32 $_scs_section_size  }
0x9a: {  	s4 =	simm.s32 $_size__tile_overlayer_lowered;
	s5 =	simm.s32 $_tile_overlayer_lowered  }
0x9b: {  	s22 =	simm.s32 $0x1BFF;
	s21 =	sshll.u32 s5, $0x1;
	s2 =	sadd.s32 s19, s18  }
0x9c: {  	s6 =	simm.s32 $0x0;
	s20 =	sshll.u32 s4, $0x1;
	s4 =	sadd.s32 s21, s2  }
0x9d: {  	[timem:s6], [sflag:s22] =	dma.local [hbm:s4], s20  }
0x9e: {  	_ =	swait.ge [sflag:s22], s20  }
0x9f: {  	s3 =	ssub.s32 $0x0, s20;
	[sflag:s22] =	ssyncset.done $0x0  }
0xa0: {  	[sflag:s22] =	ssyncadd.s32 s3;
	_ =	sdelay $0x1  }
0xa1: {  	s23 =	simm.s32 $0x1B8B  }
0xa2: {  	_ =	swait.ge [sflag:s23], $0x1  }
0xa3: {  	[sflag:s23] =	ssyncset.done $0x0  }
0xa4: {  	s25 =	simm.s32 $0x1B8E;
	s24 =	sld [smem:$0x3FFE];
	[sflag:s23] =	ssyncadd.s32 $0xFFFFFFFF  }
0xa5: {  	s26 =	simm.s32 $execute0_lowered;
	[smem:$0x3FD2] =	sst s25  }
0xa6: {  	s4 =	sshll.u32 s26, $0x1;
	_ =	strace $0x80000046;
	[dreg:$0x1] =	wrdreg $0xFFFFFFFF  }
0xa7: {  	s28 =	simm.s32 $_size_execute0_lowered;
	s2 =	sadd.s32 s2, s4;
	[dreg:$0x0] =	wrdreg $0x0  }
0xa8: {  	s4 =	sshll.u32 s28, $0x1;
	[dreg:$0x2] =	wrdreg s2  }
0xa9: {  	[dreg:$0x3] =	wrdreg s4  }
0xaa: {  	[dreg:$0x4] =	wrdreg $0xC0  }
0xab: {  	_ =	task [dreg:s6], $0x5FFFF  }
0xac: {  	[dreg:$0x1] =	wrdreg $0xFFFFFFFF  }
0xad: {  	[dreg:$0x0] =	wrdreg $0x60  }
0xae: {  	[dreg:$0x2] =	wrdreg s24  }
0xaf: {  	[dreg:$0x3] =	wrdreg $0x1CEA00  }
0xb0: {  	[dreg:$0x4] =	wrdreg $0x1E7200  }
0xb1: {  	[dreg:$0x5] =	wrdreg $0x9  }
0xb2: {  	_ =	task.clear_ibuf [dreg:s6], $0x6FFFF;
	_ =	strace $0x90000046  }
0xb3: {  	s29 =	simm.s32 $0x9;
	_ =	strace $0x80000048  }
0xb4: {  	_ =	swait.ge [sflag:s29], $0x1  }
0xb5: {  	[sflag:s29] =	ssyncadd.s32 $0xFFFFFFFF  }
0xb6: {  	_ =	strace $0x90000048  }
0xb7: {  	_ =	sfence  }
0xb8: {  	s30 =	sld [smem:$0x0];
	_ =	sdelay $0x2  }
0xb9: {  	s31 =	sshll.u32 s1, $0xD;
	s1 =	sshrl.u32 s1, $0x2  }
0xba: {  	s3 =	sand.u32 $0x4000, s31;
	s1 =	sadd.s32 s1, s30  }
0xbb: {  	s0 =	sor.u32 s3, s0;
	s1 =	sshll.u32 s1, $0x11  }
0xbc: {  	s0 =	sor.u32 s1, s0  }
0xbd: {  	s0 =	sadd.s32 $0x8F2B, s0  }
0xbe: {  	[sflag:s0] =	ssyncadd.remote.s32 $0x1  }
0xbf: {  	_ =	sfence.sel $0xFFFF  }
0xc0: {  	[dreg:$0x0] =	wrdreg $0xFFFFFFFF;
	(pc) =	sbr.abs _section_cstart, $3  }
0xc1: {  	[dreg:$0x1] =	wrdreg $0xFFFFFFFF  }
0xc2: {  	_ =	task.clear_ibuf [dreg:s6], $0x2FFFF;
	_ =	strace $0x9FFFFFFF  }
0xc3: {  	(tm) =	ssettm $0x7FFFFFFF  }
tec
execute0_lowered:
.L_overlay_start_1:
0x0: {  	(tag) =	ssettag $0x1  }
0x1: {  	s0 =	rddreg [dreg:$0x0]  }
0x2: {  	s2 =	rddreg [dreg:$0x1]  }
0x3: {  	s3 =	rddreg [dreg:$0x2]  }
0x4: {  	s1 =	srdreg.scid;
	s11 =	stileid.u32;
	s4 =	simm.s32 $0x0  }
0x5: {  	s28 =	simm.s32 $0xB;
	s29 =	simm.s32 $0x9;
	s30 =	simm.s32 $0x6  }
0x6: {  	s31 =	simm.s32 $0x8;
	s1 =	sand.u32 $0x1, s1;
	s5 =	smul.u32 $0x1880, s11  }
0x7: {  	[smem:$0x7FF] =	sst s4;
	s6 =	sadd.s32 $0x200, s0;
	s7 =	smul.u32 $0x18800, s1  }
0x8: {  	_ =	strace $0x80000047;
	[dreg:$0x4] =	wrdreg s6;
	s9 =	ssub.s32 $0x2, s1  }
0x9: {  	s6 =	sadd.s32 $0x187800, s0;
	s1 =	sshll.u32 s1, $0x4;
	s10 =	sshrl.u32 s9, $0x1  }
0xa: {  	s1 =	sor.u32 s11, s1;
	s24 =	sadd.s32 s5, s2;
	s25 =	sadd.s32 s5, s3  }
0xb: {  	s19 =	sadd.s32 $0x620, s5;
	s20 =	sadd.s32 $0xC40, s5;
	[dreg:$0x5] =	wrdreg s24  }
0xc: {  	s8 =	sadd.s32 s5, s7;
	s21 =	sadd.s32 s19, s2;
	[dreg:$0x6] =	wrdreg s25  }
0xd: {  	s7 =	sadd.s32 $0xC3800, s0;
	s22 =	sadd.s32 s20, s2;
	[dreg:$0x7] =	wrdreg s21  }
0xe: {  	s1 =	smul.u32 $0x31000, s1;
	s23 =	sadd.s32 s20, s3;
	[dreg:$0x9] =	wrdreg s22  }
0xf: {  	s5 =	sadd.s32 $0x1260, s5;
	s8 =	sshrl.u32 s8, $0x3;
	[dreg:$0xa] =	wrdreg s23  }
0x10: {  	s11 =	sadd.s32 s5, s2;
	s5 =	sadd.s32 s5, s3;
	s0 =	sadd.s32 s8, s0  }
0x11: {  	s8 =	ssub.s32 s9, s10;
	s9 =	sadd.s32 s19, s3;
	[dreg:$0xb] =	wrdreg s11  }
0x12: {  	s26 =	sshrl.u32 s1, $0x3;
	[dreg:$0xc] =	wrdreg s5;
	s20 =	sadd.s32 $0x2000, s1  }
0x13: {  	s21 =	sadd.s32 $0x2800, s1;
	s22 =	sadd.s32 $0x3000, s1;
	[dreg:$0x8] =	wrdreg s9  }
0x14: {  	s1 =	sadd.s32 $0x3800, s1;
	s10 =	simm.s32 $0x196A0;
	[dreg:$0x15] =	wrdreg s20  }
0x15: {  	s11 =	simm.s32 $0x18EA0;
	s12 =	sor.u32 $0x100, s26;
	[dreg:$0x16] =	wrdreg s21  }
0x16: {  	s13 =	sadd.s32 s6, s26;
	s14 =	sadd.s32 s7, s26;
	[dreg:$0x17] =	wrdreg s22  }
0x17: {  	s16 =	sadd.s32 $0x200, s26;
	s9 =	sadd.s32 $0x300, s26;
	[dreg:$0x18] =	wrdreg s1  }
0x18: {  	s23 =	sadd.s32 $0x3400, s0;
	s0 =	sadd.s32 $0x9600, s0;
	[dreg:$0xd] =	wrdreg s13  }
0x19: {  	s26 =	smax.u32 s8, $0x1;
	s20 =	simm.s32 $0x1AEA0;
	[dreg:$0xe] =	wrdreg s14  }
0x1a: {  	s21 =	simm.s32 $0x1BEA0;
	s22 =	simm.s32 $0x5;
	[dreg:$0x19] =	wrdreg s23  }
0x1b: {  	s8 =	simm.s32 $0xA;
	s15 =	sadd.s32 s6, s12;
	[dreg:$0x1a] =	wrdreg s0  }
0x1c: {  	s5 =	sadd.s32 s7, s12;
	s17 =	sadd.s32 s7, s16;
	[dreg:$0x1b] =	wrdreg s26  }
0x1d: {  	s18 =	sadd.s32 s7, s9;
	s19 =	sadd.s32 s6, s9;
	[dreg:$0xf] =	wrdreg s15  }
0x1e: {  	s0 =	simm.s32 $0x1B6A0;
	s12 =	simm.s32 $0x19EA0;
	[dreg:$0x10] =	wrdreg s5  }
0x1f: {  	s13 =	simm.s32 $0x1;
	s14 =	simm.s32 $0x3;
	[dreg:$0x11] =	wrdreg s17  }
0x20: {  	s23 =	simm.s32 $0x7;
	s9 =	simm.s32 $0x0;
	[dreg:$0x13] =	wrdreg s18  }
0x21: {  	s5 =	sadd.s32 s6, s16;
	[dreg:$0x14] =	wrdreg s19;
	s15 =	simm.s32 $0x1A6A0  }
0x22: {  	s16 =	simm.s32 $0x800;
	s17 =	simm.s32 $0x1C6A0;
	s18 =	simm.s32 $0x2  }
0x23: {  	v0 =	vimm.f32 $0.0e+00;
	v1 =	vimm.f32 $1.000000000e+00;
	s19 =	simm.s32 $0x4;
	[dreg:$0x12] =	wrdreg s5;
	s5 =	simm.s32 $0x186A0  }
.LBB2_1:
0x24: {  	[dreg:$0x1c] =	wrdreg s9;
	s1 =	simm.s32 $0x0  }
.LBB2_2:
0x25: {  	p0 =	sne.s32 s1, $0x1FC0  }
.Ltmp0:
0x26: {  	_ = 	snop;
	(pc) =	sbr.rel @p0 .LBB2_2-.Ltmp0, $3  }
0x27: {  	_ =	sdelay $0x1  }
0x28: {  	s9 =	sshra.s32 s1, $0x2  }
0x29: {  	s1 =	sadd.s32 $0x40, s1;
	[tilespmem:s9+$0x1B6A0] =	vst v0  }
0x2a: {  	s1 =	simm.s32 $0x40;
	s9 =	simm.s32 $0x0  }
.LBB2_4:
0x2b: {  	p0 =	sne.s32 s1, $0x1FC0;
	[tilespmem:s9+$0x1C6A0] =	vst v1;
	s9 =	smov.u32 s1;
	s1 =	sadd.s32 $0x40, s1  }
.Ltmp1:
0x2c: {  	(pc) =	sbr.rel @p0 .LBB2_4-.Ltmp1, $2  }
0x2d: {  	_ =	sdelay $0x2  }
0x2e: {  	s9 =	sshra.s32 s9, $0x2  }
0x2f: {  	[tilespmem:s9+$0x1C6A0] =	vst v1  }
0x30: {  	[spmem:s24] =	stream.linear.scatter [tilespmem:s0], [sflag:$0xB], $0x620, $0x38;
	[tilespmem:$0x1FFA0] =	vst v63  }
0x31: {  	_ =	swait.ge [sflag:s28], $0x620  }
0x32: {  	[sflag:s28] =	ssyncset.done $0x0  }
0x33: {  	[sflag:s28] =	ssyncadd.s32 $0xFFFFF9E0  }
0x34: {  	[spmem:s25] =	stream.linear.scatter [tilespmem:s0], [sflag:$0xB], $0x620, $0x38;
	[tilespmem:$0x1FFA0] =	vst v63  }
0x35: {  	_ =	swait.ge [sflag:s28], $0x620  }
0x36: {  	[sflag:s28] =	ssyncset.done $0x0  }
0x37: {  	s1 =	rddreg [dreg:$0x7];
	[sflag:s28] =	ssyncadd.s32 $0xFFFFF9E0  }
0x38: {  	[spmem:s1] =	stream.linear.scatter [tilespmem:s0], [sflag:$0xB], $0x620, $0x38;
	[tilespmem:$0x1FFA0] =	vst v63  }
0x39: {  	_ =	swait.ge [sflag:s28], $0x620  }
0x3a: {  	[sflag:s28] =	ssyncset.done $0x0  }
0x3b: {  	s25 =	rddreg [dreg:$0x8];
	[sflag:s28] =	ssyncadd.s32 $0xFFFFF9E0  }
0x3c: {  	[spmem:s25] =	stream.linear.scatter [tilespmem:s0], [sflag:$0xB], $0x620, $0x38;
	[tilespmem:$0x1FFA0] =	vst v63  }
0x3d: {  	_ =	swait.ge [sflag:s28], $0x620  }
0x3e: {  	[sflag:s28] =	ssyncset.done $0x0  }
0x3f: {  	s26 =	rddreg [dreg:$0x9];
	[sflag:s28] =	ssyncadd.s32 $0xFFFFF9E0  }
0x40: {  	[spmem:s26] =	stream.linear.scatter [tilespmem:s0], [sflag:$0xB], $0x620, $0x38;
	[tilespmem:$0x1FFA0] =	vst v63  }
0x41: {  	_ =	swait.ge [sflag:s28], $0x620  }
0x42: {  	[sflag:s28] =	ssyncset.done $0x0  }
0x43: {  	s9 =	rddreg [dreg:$0xa];
	[sflag:s28] =	ssyncadd.s32 $0xFFFFF9E0  }
0x44: {  	[spmem:s9] =	stream.linear.scatter [tilespmem:s0], [sflag:$0xB], $0x620, $0x38;
	[tilespmem:$0x1FFA0] =	vst v63  }
0x45: {  	_ =	swait.ge [sflag:s28], $0x620  }
0x46: {  	[sflag:s28] =	ssyncset.done $0x0  }
0x47: {  	s24 =	rddreg [dreg:$0xb];
	[sflag:s28] =	ssyncadd.s32 $0xFFFFF9E0  }
0x48: {  	[spmem:s24] =	stream.linear.scatter [tilespmem:s0], [sflag:$0xB], $0x620, $0x38;
	[tilespmem:$0x1FFA0] =	vst v63  }
0x49: {  	_ =	swait.ge [sflag:s28], $0x620  }
0x4a: {  	[sflag:s28] =	ssyncset.done $0x0  }
0x4b: {  	s25 =	rddreg [dreg:$0xc];
	[sflag:s28] =	ssyncadd.s32 $0xFFFFF9E0  }
0x4c: {  	[spmem:s25] =	stream.linear.scatter [tilespmem:s0], [sflag:$0xB], $0x620, $0x38;
	[tilespmem:$0x1FFA0] =	vst v63  }
0x4d: {  	_ =	swait.ge [sflag:s28], $0x620  }
0x4e: {  	[sflag:s28] =	ssyncset.done $0x0  }
0x4f: {  	s26 =	rddreg [dreg:$0x4];
	[sflag:s28] =	ssyncadd.s32 $0xFFFFF9E0  }
0x50: {  	[tilespmem:s4], [sflag:$0xB] =	stream.linear.gather [hbm4b:s26+s4], $0x186A0, $0x38;
	[tilespmem:$0x1FFA0] =	vst v63  }
0x51: {  	_ =	swait.ge [sflag:s28], $0x186A0  }
0x52: {  	[sflag:s28] =	ssyncset.done $0x0  }
0x53: {  	[sflag:s28] =	ssyncadd.s32 $0xFFFE7960  }
0x54: {  	[bflag:$0x0] =	sbarrier.arrive $0xFFFF  }
0x55: {  	s28 =	rddreg [dreg:$0xd]  }
0x56: {  	[tilespmem:s5], [sflag:$0x1] =	stream.linear.gather [hbm4b:s28+s4], $0x800, $0x38;
	[tilespmem:$0x1FFA0] =	vst v63  }
0x57: {  	s9 =	rddreg [dreg:$0xe]  }
0x58: {  	[tilespmem:s10], [sflag:$0x3] =	stream.linear.gather [hbm4b:s9+s4], $0x800, $0x38;
	[tilespmem:$0x1FFA0] =	vst v63  }
0x59: {  	s24 =	rddreg [dreg:$0xf]  }
0x5a: {  	[tilespmem:s11], [sflag:$0x2] =	stream.linear.gather [hbm4b:s24+s4], $0x800, $0x38;
	[tilespmem:$0x1FFA0] =	vst v63  }
0x5b: {  	s25 =	rddreg [dreg:$0x10]  }
0x5c: {  	[tilespmem:s12], [sflag:$0x4] =	stream.linear.gather [hbm4b:s25+s4], $0x800, $0x38;
	[tilespmem:$0x1FFA0] =	vst v63  }
0x5d: {  	_ =	swait.ge [sflag:s13], $0x800  }
0x5e: {  	[sflag:s13] =	ssyncset.done $0x0  }
0x5f: {  	[sflag:s13] =	ssyncadd.s32 $0xFFFFF800  }
0x60: {  	_ =	swait.ge [sflag:s14], $0x800  }
0x61: {  	[sflag:s14] =	ssyncset.done $0x0  }
0x62: {  	s28 =	simm.s32 $0x186E0;
	s26 =	rddreg [dreg:$0x11];
	[sflag:s14] =	ssyncadd.s32 $0xFFFFF800  }
0x63: {  	[tilespmem:s15], [sflag:$0x5] =	stream.linear.gather [hbm4b:s26+s4], $0x800, $0x38;
	[tilespmem:$0x1FFA0] =	vst v63  }
0x64: {  	v2 =	vld [tilespmem:s28+$0x30]  }
0x65: {  	v3 =	vld [tilespmem:s28+$0xFFFFFFD0]  }
0x66: {  	v4 =	vld [tilespmem:s28+$0xFFFFFFE0]  }
0x67: {  	v5 =	vld [tilespmem:s28+$0xFFFFFFF0]  }
0x68: {  	v6 =	vld [tilespmem:s28+$0x0]  }
0x69: {  	v8 =	vld [tilespmem:s28+$0x10]  }
0x6a: {  	v9 =	vld [tilespmem:s28+$0x20]  }
0x6b: {  	v10 =	vld [tilespmem:s28+$0xFFFFFFC0]  }
0x6c: {  	v11 =	vld.idx.msk [tilespmem:v2+s4+$0x0], $0xffff  }
0x6d: {  	v12 =	vld.idx.msk [tilespmem:v3+s4+$0x0], $0xffff  }
0x6e: {  	v7 =	vld.idx.msk [tilespmem:v4+s4+$0x0], $0xffff  }
0x6f: {  	v5 =	vld.idx.msk [tilespmem:v5+s4+$0x0], $0xffff  }
0x70: {  	v2 =	vld.idx.msk [tilespmem:v6+s4+$0x0], $0xffff  }
0x71: {  	s1 =	simm.s32 $0x1B6E0;
	v3 =	vld.idx.msk [tilespmem:v8+s4+$0x0], $0xffff  }
0x72: {  	v4 =	vld.idx.msk [tilespmem:v9+s4+$0x0], $0xffff;
	[tilespmem:s1+$0x30] =	vst v11  }
0x73: {  	s9 =	simm.s32 $0x0;
	s24 =	simm.s32 $0x18760;
	v6 =	vld.idx.msk [tilespmem:v10+s4+$0x0], $0xffff;
	[tilespmem:s1+$0xFFFFFFD0] =	vst v12  }
.LBB2_6:
0x74: {  	v8 =	vld [tilespmem:s24+$0x30];
	s9 =	sadd.s32 $0x8, s9;
	[tilespmem:s1+$0xFFFFFFE0] =	vst v7  }
0x75: {  	v7 =	vld [tilespmem:s24+$0xFFFFFFD0];
	p0 =	slt.u32 s9, $0x78;
	[tilespmem:s1+$0xFFFFFFF0] =	vst v5  }
0x76: {  	v5 =	vld [tilespmem:s24+$0xFFFFFFE0];
	[tilespmem:s1+$0x0] =	vst v2  }
0x77: {  	v2 =	vld [tilespmem:s24+$0xFFFFFFF0];
	[tilespmem:s1+$0x10] =	vst v3  }
0x78: {  	v3 =	vld [tilespmem:s24+$0x0];
	[tilespmem:s1+$0x20] =	vst v4  }
0x79: {  	v4 =	vld [tilespmem:s24+$0x10];
	[tilespmem:s1+$0xFFFFFFC0] =	vst v6  }
0x7a: {  	v6 =	vld [tilespmem:s24+$0x20]  }
0x7b: {  	v9 =	vld [tilespmem:s24+$0xFFFFFFC0]  }
0x7c: {  	v8 =	vld.idx.msk [tilespmem:v8+s4+$0x0], $0xffff  }
0x7d: {  	v10 =	vld.idx.msk [tilespmem:v7+s4+$0x0], $0xffff  }
0x7e: {  	v7 =	vld.idx.msk [tilespmem:v5+s4+$0x0], $0xffff  }
.Ltmp2:
0x7f: {  	v5 =	vld.idx.msk [tilespmem:v2+s4+$0x0], $0xffff;
	(pc) =	sbr.rel @p0 .LBB2_6-.Ltmp2, $4  }
0x80: {  	v2 =	vld.idx.msk [tilespmem:v3+s4+$0x0], $0xffff  }
0x81: {  	s1 =	sadd.s32 $0x80, s1;
	v3 =	vld.idx.msk [tilespmem:v4+s4+$0x0], $0xffff  }
0x82: {  	v4 =	vld.idx.msk [tilespmem:v6+s4+$0x0], $0xffff;
	[tilespmem:s1+$0x30] =	vst v8  }
0x83: {  	s24 =	sadd.s32 $0x80, s24;
	v6 =	vld.idx.msk [tilespmem:v9+s4+$0x0], $0xffff;
	[tilespmem:s1+$0xFFFFFFD0] =	vst v10  }
0x84: {  	[tilespmem:s1+$0xFFFFFFE0] =	vst v7  }
0x85: {  	[tilespmem:s1+$0xFFFFFFF0] =	vst v5  }
0x86: {  	[tilespmem:s1+$0x0] =	vst v2  }
0x87: {  	[tilespmem:s1+$0x10] =	vst v3  }
0x88: {  	[tilespmem:s1+$0x20] =	vst v4  }
0x89: {  	[tilespmem:s1+$0xFFFFFFC0] =	vst v6  }
0x8a: {  	s1 =	rddreg [dreg:$0x12]  }
0x8b: {  	[tilespmem:s5], [sflag:$0x1] =	stream.linear.gather [hbm4b:s1+s4], $0x800, $0x38;
	[tilespmem:$0x1FFA0] =	vst v63  }
0x8c: {  	_ = 	snop  }
0x8d: {  	[spmem:s2] =	stream.indirect.scatter.add.f32 [tilespmem:s0], [sflag:$0x7], $0x1, s10, s16, $0xb8;
	[tilespmem:$0x1FFA0] =	vst v63  }
0x8e: {  	_ = 	snop  }
0x8f: {  	[spmem:s3] =	stream.indirect.scatter.add.f32 [tilespmem:s17], [sflag:$0x9], $0x1, s10, s16, $0xb8;
	[tilespmem:$0x1FFA0] =	vst v63  }
0x90: {  	_ =	swait.ge [sflag:s18], $0x800  }
0x91: {  	[sflag:s18] =	ssyncset.done $0x0  }
0x92: {  	[sflag:s18] =	ssyncadd.s32 $0xFFFFF800  }
0x93: {  	_ =	swait.ge [sflag:s19], $0x800  }
0x94: {  	[sflag:s19] =	ssyncset.done $0x0  }
0x95: {  	s28 =	simm.s32 $0x18EE0;
	s26 =	rddreg [dreg:$0x13];
	[sflag:s19] =	ssyncadd.s32 $0xFFFFF800  }
0x96: {  	[tilespmem:s20], [sflag:$0x6] =	stream.linear.gather [hbm4b:s26+s4], $0x800, $0x38;
	[tilespmem:$0x1FFA0] =	vst v63  }
0x97: {  	v2 =	vld [tilespmem:s28+$0x30]  }
0x98: {  	v3 =	vld [tilespmem:s28+$0xFFFFFFD0]  }
0x99: {  	v4 =	vld [tilespmem:s28+$0xFFFFFFE0]  }
0x9a: {  	v5 =	vld [tilespmem:s28+$0xFFFFFFF0]  }
0x9b: {  	v6 =	vld [tilespmem:s28+$0x0]  }
0x9c: {  	v8 =	vld [tilespmem:s28+$0x10]  }
0x9d: {  	v9 =	vld [tilespmem:s28+$0x20]  }
0x9e: {  	v10 =	vld [tilespmem:s28+$0xFFFFFFC0]  }
0x9f: {  	v11 =	vld.idx.msk [tilespmem:v2+s4+$0x0], $0xffff  }
0xa0: {  	v12 =	vld.idx.msk [tilespmem:v3+s4+$0x0], $0xffff  }
0xa1: {  	v7 =	vld.idx.msk [tilespmem:v4+s4+$0x0], $0xffff  }
0xa2: {  	v5 =	vld.idx.msk [tilespmem:v5+s4+$0x0], $0xffff  }
0xa3: {  	v2 =	vld.idx.msk [tilespmem:v6+s4+$0x0], $0xffff  }
0xa4: {  	s1 =	simm.s32 $0x1BEE0;
	v3 =	vld.idx.msk [tilespmem:v8+s4+$0x0], $0xffff  }
0xa5: {  	v4 =	vld.idx.msk [tilespmem:v9+s4+$0x0], $0xffff;
	[tilespmem:s1+$0x30] =	vst v11  }
0xa6: {  	s9 =	simm.s32 $0x0;
	s24 =	simm.s32 $0x18F60;
	v6 =	vld.idx.msk [tilespmem:v10+s4+$0x0], $0xffff;
	[tilespmem:s1+$0xFFFFFFD0] =	vst v12  }
.LBB2_8:
0xa7: {  	v8 =	vld [tilespmem:s24+$0x30];
	s9 =	sadd.s32 $0x8, s9;
	[tilespmem:s1+$0xFFFFFFE0] =	vst v7  }
0xa8: {  	v7 =	vld [tilespmem:s24+$0xFFFFFFD0];
	p0 =	slt.u32 s9, $0x78;
	[tilespmem:s1+$0xFFFFFFF0] =	vst v5  }
0xa9: {  	v5 =	vld [tilespmem:s24+$0xFFFFFFE0];
	[tilespmem:s1+$0x0] =	vst v2  }
0xaa: {  	v2 =	vld [tilespmem:s24+$0xFFFFFFF0];
	[tilespmem:s1+$0x10] =	vst v3  }
0xab: {  	v3 =	vld [tilespmem:s24+$0x0];
	[tilespmem:s1+$0x20] =	vst v4  }
0xac: {  	v4 =	vld [tilespmem:s24+$0x10];
	[tilespmem:s1+$0xFFFFFFC0] =	vst v6  }
0xad: {  	v6 =	vld [tilespmem:s24+$0x20]  }
0xae: {  	v9 =	vld [tilespmem:s24+$0xFFFFFFC0]  }
0xaf: {  	v8 =	vld.idx.msk [tilespmem:v8+s4+$0x0], $0xffff  }
0xb0: {  	v10 =	vld.idx.msk [tilespmem:v7+s4+$0x0], $0xffff  }
0xb1: {  	v7 =	vld.idx.msk [tilespmem:v5+s4+$0x0], $0xffff  }
.Ltmp3:
0xb2: {  	v5 =	vld.idx.msk [tilespmem:v2+s4+$0x0], $0xffff;
	(pc) =	sbr.rel @p0 .LBB2_8-.Ltmp3, $4  }
0xb3: {  	v2 =	vld.idx.msk [tilespmem:v3+s4+$0x0], $0xffff  }
0xb4: {  	s1 =	sadd.s32 $0x80, s1;
	v3 =	vld.idx.msk [tilespmem:v4+s4+$0x0], $0xffff  }
0xb5: {  	v4 =	vld.idx.msk [tilespmem:v6+s4+$0x0], $0xffff;
	[tilespmem:s1+$0x30] =	vst v8  }
0xb6: {  	s24 =	sadd.s32 $0x80, s24;
	v6 =	vld.idx.msk [tilespmem:v9+s4+$0x0], $0xffff;
	[tilespmem:s1+$0xFFFFFFD0] =	vst v10  }
0xb7: {  	[tilespmem:s1+$0xFFFFFFE0] =	vst v7  }
0xb8: {  	[tilespmem:s1+$0xFFFFFFF0] =	vst v5  }
0xb9: {  	[tilespmem:s1+$0x0] =	vst v2  }
0xba: {  	[tilespmem:s1+$0x10] =	vst v3  }
0xbb: {  	[tilespmem:s1+$0x20] =	vst v4  }
0xbc: {  	[tilespmem:s1+$0xFFFFFFC0] =	vst v6  }
0xbd: {  	s9 =	simm.s32 $0x0;
	s1 =	rddreg [dreg:$0x14]  }
0xbe: {  	[tilespmem:s11], [sflag:$0x2] =	stream.linear.gather [hbm4b:s1+s9], $0x800, $0x38;
	[tilespmem:$0x1FFA0] =	vst v63  }
0xbf: {  	_ = 	snop  }
0xc0: {  	[spmem:s2] =	stream.indirect.scatter.add.f32 [tilespmem:s21], [sflag:$0x8], $0x1, s12, s16, $0xb8;
	[tilespmem:$0x1FFA0] =	vst v63  }
0xc1: {  	_ = 	snop  }
0xc2: {  	[spmem:s3] =	stream.indirect.scatter.add.f32 [tilespmem:s17], [sflag:$0xA], $0x1, s12, s16, $0xb8;
	[tilespmem:$0x1FFA0] =	vst v63  }
.LBB2_10:
0xc3: {  	_ =	swait.ge [sflag:s13], $0x800  }
0xc4: {  	[sflag:s13] =	ssyncset.done $0x0  }
0xc5: {  	[sflag:s13] =	ssyncadd.s32 $0xFFFFF800  }
0xc6: {  	_ =	swait.ge [sflag:s22], $0x800  }
0xc7: {  	[sflag:s22] =	ssyncset.done $0x0  }
0xc8: {  	[sflag:s22] =	ssyncadd.s32 $0xFFFFF800  }
0xc9: {  	_ =	swait.ge [sflag:s23], $0x800  }
0xca: {  	[sflag:s23] =	ssyncset.done $0x0  }
0xcb: {  	[sflag:s23] =	ssyncadd.s32 $0xFFFFF800  }
0xcc: {  	_ =	swait.ge [sflag:s29], $0x800  }
0xcd: {  	s1 =	sshll.u32 s9, $0xD;
	s24 =	rddreg [dreg:$0x15]  }
0xce: {  	s24 =	sadd.s32 s1, s24  }
0xcf: {  	[sflag:s29] =	ssyncset.done $0x0;
	s24 =	sshrl.u32 s24, $0x3  }
0xd0: {  	s26 =	simm.s32 $0x186E0;
	[sflag:s29] =	ssyncadd.s32 $0xFFFFF800;
	s25 =	sadd.s32 s7, s24  }
0xd1: {  	[tilespmem:s10], [sflag:$0x3] =	stream.linear.gather [hbm4b:s25+s4], $0x800, $0x38;
	[tilespmem:$0x1FFA0] =	vst v63  }
0xd2: {  	v2 =	vld [tilespmem:s26+$0x30]  }
0xd3: {  	v3 =	vld [tilespmem:s26+$0xFFFFFFD0]  }
0xd4: {  	v4 =	vld [tilespmem:s26+$0xFFFFFFE0]  }
0xd5: {  	v5 =	vld [tilespmem:s26+$0xFFFFFFF0]  }
0xd6: {  	v6 =	vld [tilespmem:s26+$0x0]  }
0xd7: {  	v8 =	vld [tilespmem:s26+$0x10]  }
0xd8: {  	v9 =	vld [tilespmem:s26+$0x20]  }
0xd9: {  	v10 =	vld [tilespmem:s26+$0xFFFFFFC0]  }
0xda: {  	v11 =	vld.idx.msk [tilespmem:v2+s4+$0x0], $0xffff  }
0xdb: {  	v12 =	vld.idx.msk [tilespmem:v3+s4+$0x0], $0xffff  }
0xdc: {  	v7 =	vld.idx.msk [tilespmem:v4+s4+$0x0], $0xffff  }
0xdd: {  	v5 =	vld.idx.msk [tilespmem:v5+s4+$0x0], $0xffff  }
0xde: {  	v2 =	vld.idx.msk [tilespmem:v6+s4+$0x0], $0xffff  }
0xdf: {  	s25 =	simm.s32 $0x1B6E0;
	v3 =	vld.idx.msk [tilespmem:v8+s4+$0x0], $0xffff  }
0xe0: {  	v4 =	vld.idx.msk [tilespmem:v9+s4+$0x0], $0xffff;
	[tilespmem:s25+$0x30] =	vst v11  }
0xe1: {  	s28 =	simm.s32 $0x18760;
	s26 =	simm.s32 $0x0;
	v6 =	vld.idx.msk [tilespmem:v10+s4+$0x0], $0xffff;
	[tilespmem:s25+$0xFFFFFFD0] =	vst v12  }
.LBB2_11:
0xe2: {  	v8 =	vld [tilespmem:s28+$0x30];
	s26 =	sadd.s32 $0x8, s26;
	[tilespmem:s25+$0xFFFFFFE0] =	vst v7  }
0xe3: {  	v7 =	vld [tilespmem:s28+$0xFFFFFFD0];
	p0 =	slt.u32 s26, $0x78;
	[tilespmem:s25+$0xFFFFFFF0] =	vst v5  }
0xe4: {  	v5 =	vld [tilespmem:s28+$0xFFFFFFE0];
	[tilespmem:s25+$0x0] =	vst v2  }
0xe5: {  	v2 =	vld [tilespmem:s28+$0xFFFFFFF0];
	[tilespmem:s25+$0x10] =	vst v3  }
0xe6: {  	v3 =	vld [tilespmem:s28+$0x0];
	[tilespmem:s25+$0x20] =	vst v4  }
0xe7: {  	v4 =	vld [tilespmem:s28+$0x10];
	[tilespmem:s25+$0xFFFFFFC0] =	vst v6  }
0xe8: {  	v6 =	vld [tilespmem:s28+$0x20]  }
0xe9: {  	v9 =	vld [tilespmem:s28+$0xFFFFFFC0]  }
0xea: {  	v8 =	vld.idx.msk [tilespmem:v8+s4+$0x0], $0xffff  }
0xeb: {  	v10 =	vld.idx.msk [tilespmem:v7+s4+$0x0], $0xffff  }
0xec: {  	v7 =	vld.idx.msk [tilespmem:v5+s4+$0x0], $0xffff  }
.Ltmp4:
0xed: {  	v5 =	vld.idx.msk [tilespmem:v2+s4+$0x0], $0xffff;
	(pc) =	sbr.rel @p0 .LBB2_11-.Ltmp4, $4  }
0xee: {  	v2 =	vld.idx.msk [tilespmem:v3+s4+$0x0], $0xffff  }
0xef: {  	s25 =	sadd.s32 $0x80, s25;
	v3 =	vld.idx.msk [tilespmem:v4+s4+$0x0], $0xffff  }
0xf0: {  	v4 =	vld.idx.msk [tilespmem:v6+s4+$0x0], $0xffff;
	[tilespmem:s25+$0x30] =	vst v8  }
0xf1: {  	s28 =	sadd.s32 $0x80, s28;
	v6 =	vld.idx.msk [tilespmem:v9+s4+$0x0], $0xffff;
	[tilespmem:s25+$0xFFFFFFD0] =	vst v10  }
0xf2: {  	[tilespmem:s25+$0xFFFFFFE0] =	vst v7  }
0xf3: {  	[tilespmem:s25+$0xFFFFFFF0] =	vst v5  }
0xf4: {  	[tilespmem:s25+$0x0] =	vst v2  }
0xf5: {  	[tilespmem:s25+$0x10] =	vst v3  }
0xf6: {  	[tilespmem:s25+$0x20] =	vst v4  }
0xf7: {  	s24 =	sadd.s32 s6, s24;
	[tilespmem:s25+$0xFFFFFFC0] =	vst v6  }
0xf8: {  	[tilespmem:s5], [sflag:$0x1] =	stream.linear.gather [hbm4b:s24+s4], $0x800, $0x38;
	[tilespmem:$0x1FFA0] =	vst v63  }
0xf9: {  	_ = 	snop  }
0xfa: {  	[spmem:s2] =	stream.indirect.scatter.add.f32 [tilespmem:s0], [sflag:$0x7], $0x1, s15, s16, $0xb8;
	[tilespmem:$0x1FFA0] =	vst v63  }
0xfb: {  	_ = 	snop  }
0xfc: {  	[spmem:s3] =	stream.indirect.scatter.add.f32 [tilespmem:s17], [sflag:$0x9], $0x1, s15, s16, $0xb8;
	[tilespmem:$0x1FFA0] =	vst v63  }
0xfd: {  	_ =	swait.ge [sflag:s18], $0x800  }
0xfe: {  	[sflag:s18] =	ssyncset.done $0x0  }
0xff: {  	[sflag:s18] =	ssyncadd.s32 $0xFFFFF800  }
0x100: {  	_ =	swait.ge [sflag:s30], $0x800  }
0x101: {  	[sflag:s30] =	ssyncset.done $0x0  }
0x102: {  	[sflag:s30] =	ssyncadd.s32 $0xFFFFF800  }
0x103: {  	_ =	swait.ge [sflag:s31], $0x800  }
0x104: {  	[sflag:s31] =	ssyncset.done $0x0  }
0x105: {  	[sflag:s31] =	ssyncadd.s32 $0xFFFFF800  }
0x106: {  	_ =	swait.ge [sflag:s8], $0x800  }
0x107: {  	s25 =	rddreg [dreg:$0x16]  }
0x108: {  	s1 =	sadd.s32 s1, s25  }
0x109: {  	[sflag:s8] =	ssyncset.done $0x0;
	s1 =	sshrl.u32 s1, $0x3  }
0x10a: {  	s28 =	simm.s32 $0x18EE0;
	[sflag:s8] =	ssyncadd.s32 $0xFFFFF800;
	s26 =	sadd.s32 s7, s1  }
0x10b: {  	[tilespmem:s12], [sflag:$0x4] =	stream.linear.gather [hbm4b:s26+s4], $0x800, $0x38;
	[tilespmem:$0x1FFA0] =	vst v63  }
0x10c: {  	v2 =	vld [tilespmem:s28+$0x30]  }
0x10d: {  	v3 =	vld [tilespmem:s28+$0xFFFFFFD0]  }
0x10e: {  	v4 =	vld [tilespmem:s28+$0xFFFFFFE0]  }
0x10f: {  	v5 =	vld [tilespmem:s28+$0xFFFFFFF0]  }
0x110: {  	v6 =	vld [tilespmem:s28+$0x0]  }
0x111: {  	v8 =	vld [tilespmem:s28+$0x10]  }
0x112: {  	v9 =	vld [tilespmem:s28+$0x20]  }
0x113: {  	v10 =	vld [tilespmem:s28+$0xFFFFFFC0]  }
0x114: {  	v11 =	vld.idx.msk [tilespmem:v2+s4+$0x0], $0xffff  }
0x115: {  	v12 =	vld.idx.msk [tilespmem:v3+s4+$0x0], $0xffff  }
0x116: {  	v7 =	vld.idx.msk [tilespmem:v4+s4+$0x0], $0xffff  }
0x117: {  	v5 =	vld.idx.msk [tilespmem:v5+s4+$0x0], $0xffff  }
0x118: {  	v2 =	vld.idx.msk [tilespmem:v6+s4+$0x0], $0xffff  }
0x119: {  	s24 =	simm.s32 $0x1BEE0;
	v3 =	vld.idx.msk [tilespmem:v8+s4+$0x0], $0xffff  }
0x11a: {  	v4 =	vld.idx.msk [tilespmem:v9+s4+$0x0], $0xffff;
	[tilespmem:s24+$0x30] =	vst v11  }
0x11b: {  	s25 =	simm.s32 $0x0;
	s26 =	simm.s32 $0x18F60;
	v6 =	vld.idx.msk [tilespmem:v10+s4+$0x0], $0xffff;
	[tilespmem:s24+$0xFFFFFFD0] =	vst v12  }
.LBB2_13:
0x11c: {  	v8 =	vld [tilespmem:s26+$0x30];
	s25 =	sadd.s32 $0x8, s25;
	[tilespmem:s24+$0xFFFFFFE0] =	vst v7  }
0x11d: {  	v7 =	vld [tilespmem:s26+$0xFFFFFFD0];
	p0 =	slt.u32 s25, $0x78;
	[tilespmem:s24+$0xFFFFFFF0] =	vst v5  }
0x11e: {  	v5 =	vld [tilespmem:s26+$0xFFFFFFE0];
	[tilespmem:s24+$0x0] =	vst v2  }
0x11f: {  	v2 =	vld [tilespmem:s26+$0xFFFFFFF0];
	[tilespmem:s24+$0x10] =	vst v3  }
0x120: {  	v3 =	vld [tilespmem:s26+$0x0];
	[tilespmem:s24+$0x20] =	vst v4  }
0x121: {  	v4 =	vld [tilespmem:s26+$0x10];
	[tilespmem:s24+$0xFFFFFFC0] =	vst v6  }
0x122: {  	v6 =	vld [tilespmem:s26+$0x20]  }
0x123: {  	v9 =	vld [tilespmem:s26+$0xFFFFFFC0]  }
0x124: {  	v8 =	vld.idx.msk [tilespmem:v8+s4+$0x0], $0xffff  }
0x125: {  	v10 =	vld.idx.msk [tilespmem:v7+s4+$0x0], $0xffff  }
0x126: {  	v7 =	vld.idx.msk [tilespmem:v5+s4+$0x0], $0xffff  }
.Ltmp5:
0x127: {  	v5 =	vld.idx.msk [tilespmem:v2+s4+$0x0], $0xffff;
	(pc) =	sbr.rel @p0 .LBB2_13-.Ltmp5, $4  }
0x128: {  	v2 =	vld.idx.msk [tilespmem:v3+s4+$0x0], $0xffff  }
0x129: {  	s24 =	sadd.s32 $0x80, s24;
	v3 =	vld.idx.msk [tilespmem:v4+s4+$0x0], $0xffff  }
0x12a: {  	v4 =	vld.idx.msk [tilespmem:v6+s4+$0x0], $0xffff;
	[tilespmem:s24+$0x30] =	vst v8  }
0x12b: {  	s26 =	sadd.s32 $0x80, s26;
	v6 =	vld.idx.msk [tilespmem:v9+s4+$0x0], $0xffff;
	[tilespmem:s24+$0xFFFFFFD0] =	vst v10  }
0x12c: {  	[tilespmem:s24+$0xFFFFFFE0] =	vst v7  }
0x12d: {  	[tilespmem:s24+$0xFFFFFFF0] =	vst v5  }
0x12e: {  	[tilespmem:s24+$0x0] =	vst v2  }
0x12f: {  	[tilespmem:s24+$0x10] =	vst v3  }
0x130: {  	[tilespmem:s24+$0x20] =	vst v4  }
0x131: {  	s1 =	sadd.s32 s6, s1;
	[tilespmem:s24+$0xFFFFFFC0] =	vst v6  }
0x132: {  	[tilespmem:s11], [sflag:$0x2] =	stream.linear.gather [hbm4b:s1+s4], $0x800, $0x38;
	[tilespmem:$0x1FFA0] =	vst v63  }
0x133: {  	_ = 	snop  }
0x134: {  	[spmem:s2] =	stream.indirect.scatter.add.f32 [tilespmem:s21], [sflag:$0x8], $0x1, s20, s16, $0xb8;
	[tilespmem:$0x1FFA0] =	vst v63  }
0x135: {  	_ = 	snop  }
0x136: {  	[spmem:s3] =	stream.indirect.scatter.add.f32 [tilespmem:s17], [sflag:$0xA], $0x1, s20, s16, $0xb8;
	[tilespmem:$0x1FFA0] =	vst v63  }
0x137: {  	_ =	swait.ge [sflag:s13], $0x800  }
0x138: {  	[sflag:s13] =	ssyncset.done $0x0  }
0x139: {  	[sflag:s13] =	ssyncadd.s32 $0xFFFFF800  }
0x13a: {  	_ =	swait.ge [sflag:s14], $0x800  }
0x13b: {  	[sflag:s14] =	ssyncset.done $0x0  }
0x13c: {  	[sflag:s14] =	ssyncadd.s32 $0xFFFFF800  }
0x13d: {  	_ =	swait.ge [sflag:s23], $0x800  }
0x13e: {  	[sflag:s23] =	ssyncset.done $0x0  }
0x13f: {  	s1 =	sshll.u32 s9, $0x2;
	[sflag:s23] =	ssyncadd.s32 $0xFFFFF800  }
0x140: {  	s25 =	smin.u32 s1, $0x5B;
	_ =	swait.ge [sflag:s29], $0x800  }
0x141: {  	s24 =	sshll.u32 s25, $0xB;
	s25 =	rddreg [dreg:$0x17]  }
0x142: {  	s24 =	sadd.s32 s24, s25  }
0x143: {  	[sflag:s29] =	ssyncset.done $0x0;
	s24 =	sshrl.u32 s24, $0x3  }
0x144: {  	[sflag:s29] =	ssyncadd.s32 $0xFFFFF800;
	s26 =	sadd.s32 s7, s24  }
0x145: {  	[tilespmem:s15], [sflag:$0x5] =	stream.linear.gather [hbm4b:s26+s4], $0x800, $0x38;
	[tilespmem:$0x1FFA0] =	vst v63  }
0x146: {  	s26 =	simm.s32 $0x186E0  }
0x147: {  	v2 =	vld [tilespmem:s26+$0x30]  }
0x148: {  	v3 =	vld [tilespmem:s26+$0xFFFFFFD0]  }
0x149: {  	v4 =	vld [tilespmem:s26+$0xFFFFFFE0]  }
0x14a: {  	v5 =	vld [tilespmem:s26+$0xFFFFFFF0]  }
0x14b: {  	v6 =	vld [tilespmem:s26+$0x0]  }
0x14c: {  	v8 =	vld [tilespmem:s26+$0x10]  }
0x14d: {  	v9 =	vld [tilespmem:s26+$0x20]  }
0x14e: {  	v10 =	vld [tilespmem:s26+$0xFFFFFFC0]  }
0x14f: {  	v11 =	vld.idx.msk [tilespmem:v2+s4+$0x0], $0xffff  }
0x150: {  	v12 =	vld.idx.msk [tilespmem:v3+s4+$0x0], $0xffff  }
0x151: {  	v7 =	vld.idx.msk [tilespmem:v4+s4+$0x0], $0xffff  }
0x152: {  	v5 =	vld.idx.msk [tilespmem:v5+s4+$0x0], $0xffff  }
0x153: {  	v2 =	vld.idx.msk [tilespmem:v6+s4+$0x0], $0xffff  }
0x154: {  	s25 =	simm.s32 $0x1B6E0;
	v3 =	vld.idx.msk [tilespmem:v8+s4+$0x0], $0xffff  }
0x155: {  	v4 =	vld.idx.msk [tilespmem:v9+s4+$0x0], $0xffff;
	[tilespmem:s25+$0x30] =	vst v11  }
0x156: {  	s28 =	simm.s32 $0x18760;
	s26 =	simm.s32 $0x0;
	v6 =	vld.idx.msk [tilespmem:v10+s4+$0x0], $0xffff;
	[tilespmem:s25+$0xFFFFFFD0] =	vst v12  }
.LBB2_15:
0x157: {  	v8 =	vld [tilespmem:s28+$0x30];
	s26 =	sadd.s32 $0x8, s26;
	[tilespmem:s25+$0xFFFFFFE0] =	vst v7  }
0x158: {  	v7 =	vld [tilespmem:s28+$0xFFFFFFD0];
	p0 =	slt.u32 s26, $0x78;
	[tilespmem:s25+$0xFFFFFFF0] =	vst v5  }
0x159: {  	v5 =	vld [tilespmem:s28+$0xFFFFFFE0];
	[tilespmem:s25+$0x0] =	vst v2  }
0x15a: {  	v2 =	vld [tilespmem:s28+$0xFFFFFFF0];
	[tilespmem:s25+$0x10] =	vst v3  }
0x15b: {  	v3 =	vld [tilespmem:s28+$0x0];
	[tilespmem:s25+$0x20] =	vst v4  }
0x15c: {  	v4 =	vld [tilespmem:s28+$0x10];
	[tilespmem:s25+$0xFFFFFFC0] =	vst v6  }
0x15d: {  	v6 =	vld [tilespmem:s28+$0x20]  }
0x15e: {  	v9 =	vld [tilespmem:s28+$0xFFFFFFC0]  }
0x15f: {  	v8 =	vld.idx.msk [tilespmem:v8+s4+$0x0], $0xffff  }
0x160: {  	v10 =	vld.idx.msk [tilespmem:v7+s4+$0x0], $0xffff  }
0x161: {  	v7 =	vld.idx.msk [tilespmem:v5+s4+$0x0], $0xffff  }
.Ltmp6:
0x162: {  	v5 =	vld.idx.msk [tilespmem:v2+s4+$0x0], $0xffff;
	(pc) =	sbr.rel @p0 .LBB2_15-.Ltmp6, $4  }
0x163: {  	v2 =	vld.idx.msk [tilespmem:v3+s4+$0x0], $0xffff  }
0x164: {  	s25 =	sadd.s32 $0x80, s25;
	v3 =	vld.idx.msk [tilespmem:v4+s4+$0x0], $0xffff  }
0x165: {  	v4 =	vld.idx.msk [tilespmem:v6+s4+$0x0], $0xffff;
	[tilespmem:s25+$0x30] =	vst v8  }
0x166: {  	s28 =	sadd.s32 $0x80, s28;
	v6 =	vld.idx.msk [tilespmem:v9+s4+$0x0], $0xffff;
	[tilespmem:s25+$0xFFFFFFD0] =	vst v10  }
0x167: {  	[tilespmem:s25+$0xFFFFFFE0] =	vst v7  }
0x168: {  	[tilespmem:s25+$0xFFFFFFF0] =	vst v5  }
0x169: {  	[tilespmem:s25+$0x0] =	vst v2  }
0x16a: {  	[tilespmem:s25+$0x10] =	vst v3  }
0x16b: {  	[tilespmem:s25+$0x20] =	vst v4  }
0x16c: {  	s24 =	sadd.s32 s6, s24;
	[tilespmem:s25+$0xFFFFFFC0] =	vst v6  }
0x16d: {  	[tilespmem:s5], [sflag:$0x1] =	stream.linear.gather [hbm4b:s24+s4], $0x800, $0x38;
	[tilespmem:$0x1FFA0] =	vst v63  }
0x16e: {  	_ = 	snop  }
0x16f: {  	[spmem:s2] =	stream.indirect.scatter.add.f32 [tilespmem:s0], [sflag:$0x7], $0x1, s10, s16, $0xb8;
	[tilespmem:$0x1FFA0] =	vst v63  }
0x170: {  	_ = 	snop  }
0x171: {  	[spmem:s3] =	stream.indirect.scatter.add.f32 [tilespmem:s17], [sflag:$0x9], $0x1, s10, s16, $0xb8;
	[tilespmem:$0x1FFA0] =	vst v63  }
0x172: {  	_ =	swait.ge [sflag:s18], $0x800  }
0x173: {  	[sflag:s18] =	ssyncset.done $0x0  }
0x174: {  	[sflag:s18] =	ssyncadd.s32 $0xFFFFF800  }
0x175: {  	_ =	swait.ge [sflag:s19], $0x800  }
0x176: {  	[sflag:s19] =	ssyncset.done $0x0  }
0x177: {  	[sflag:s19] =	ssyncadd.s32 $0xFFFFF800  }
0x178: {  	_ =	swait.ge [sflag:s31], $0x800  }
0x179: {  	[sflag:s31] =	ssyncset.done $0x0  }
0x17a: {  	[sflag:s31] =	ssyncadd.s32 $0xFFFFF800  }
0x17b: {  	s1 =	smin.u32 s1, $0x5A;
	_ =	swait.ge [sflag:s8], $0x800  }
0x17c: {  	s1 =	sshll.u32 s1, $0xB;
	s25 =	rddreg [dreg:$0x18]  }
0x17d: {  	s1 =	sadd.s32 s1, s25  }
0x17e: {  	[sflag:s8] =	ssyncset.done $0x0;
	s1 =	sshrl.u32 s1, $0x3  }
0x17f: {  	s28 =	simm.s32 $0x18EE0;
	[sflag:s8] =	ssyncadd.s32 $0xFFFFF800;
	s26 =	sadd.s32 s7, s1  }
0x180: {  	[tilespmem:s20], [sflag:$0x6] =	stream.linear.gather [hbm4b:s26+s4], $0x800, $0x38;
	[tilespmem:$0x1FFA0] =	vst v63  }
0x181: {  	v2 =	vld [tilespmem:s28+$0x30]  }
0x182: {  	v3 =	vld [tilespmem:s28+$0xFFFFFFD0]  }
0x183: {  	v4 =	vld [tilespmem:s28+$0xFFFFFFE0]  }
0x184: {  	v5 =	vld [tilespmem:s28+$0xFFFFFFF0]  }
0x185: {  	v6 =	vld [tilespmem:s28+$0x0]  }
0x186: {  	v8 =	vld [tilespmem:s28+$0x10]  }
0x187: {  	v9 =	vld [tilespmem:s28+$0x20]  }
0x188: {  	v10 =	vld [tilespmem:s28+$0xFFFFFFC0]  }
0x189: {  	v11 =	vld.idx.msk [tilespmem:v2+s4+$0x0], $0xffff  }
0x18a: {  	v12 =	vld.idx.msk [tilespmem:v3+s4+$0x0], $0xffff  }
0x18b: {  	v7 =	vld.idx.msk [tilespmem:v4+s4+$0x0], $0xffff  }
0x18c: {  	v5 =	vld.idx.msk [tilespmem:v5+s4+$0x0], $0xffff  }
0x18d: {  	v2 =	vld.idx.msk [tilespmem:v6+s4+$0x0], $0xffff  }
0x18e: {  	s24 =	simm.s32 $0x1BEE0;
	v3 =	vld.idx.msk [tilespmem:v8+s4+$0x0], $0xffff  }
0x18f: {  	v4 =	vld.idx.msk [tilespmem:v9+s4+$0x0], $0xffff;
	[tilespmem:s24+$0x30] =	vst v11  }
0x190: {  	s25 =	simm.s32 $0x0;
	s26 =	simm.s32 $0x18F60;
	v6 =	vld.idx.msk [tilespmem:v10+s4+$0x0], $0xffff;
	[tilespmem:s24+$0xFFFFFFD0] =	vst v12  }
.LBB2_17:
0x191: {  	v8 =	vld [tilespmem:s26+$0x30];
	s25 =	sadd.s32 $0x8, s25;
	[tilespmem:s24+$0xFFFFFFE0] =	vst v7  }
0x192: {  	v7 =	vld [tilespmem:s26+$0xFFFFFFD0];
	p0 =	slt.u32 s25, $0x78;
	[tilespmem:s24+$0xFFFFFFF0] =	vst v5  }
0x193: {  	v5 =	vld [tilespmem:s26+$0xFFFFFFE0];
	[tilespmem:s24+$0x0] =	vst v2  }
0x194: {  	v2 =	vld [tilespmem:s26+$0xFFFFFFF0];
	[tilespmem:s24+$0x10] =	vst v3  }
0x195: {  	v3 =	vld [tilespmem:s26+$0x0];
	[tilespmem:s24+$0x20] =	vst v4  }
0x196: {  	v4 =	vld [tilespmem:s26+$0x10];
	[tilespmem:s24+$0xFFFFFFC0] =	vst v6  }
0x197: {  	v6 =	vld [tilespmem:s26+$0x20]  }
0x198: {  	v9 =	vld [tilespmem:s26+$0xFFFFFFC0]  }
0x199: {  	v8 =	vld.idx.msk [tilespmem:v8+s4+$0x0], $0xffff  }
0x19a: {  	v10 =	vld.idx.msk [tilespmem:v7+s4+$0x0], $0xffff  }
0x19b: {  	v7 =	vld.idx.msk [tilespmem:v5+s4+$0x0], $0xffff  }
.Ltmp7:
0x19c: {  	v5 =	vld.idx.msk [tilespmem:v2+s4+$0x0], $0xffff;
	(pc) =	sbr.rel @p0 .LBB2_17-.Ltmp7, $4  }
0x19d: {  	v2 =	vld.idx.msk [tilespmem:v3+s4+$0x0], $0xffff  }
0x19e: {  	s24 =	sadd.s32 $0x80, s24;
	v3 =	vld.idx.msk [tilespmem:v4+s4+$0x0], $0xffff  }
0x19f: {  	v4 =	vld.idx.msk [tilespmem:v6+s4+$0x0], $0xffff;
	[tilespmem:s24+$0x30] =	vst v8  }
0x1a0: {  	s26 =	sadd.s32 $0x80, s26;
	v6 =	vld.idx.msk [tilespmem:v9+s4+$0x0], $0xffff;
	[tilespmem:s24+$0xFFFFFFD0] =	vst v10  }
0x1a1: {  	[tilespmem:s24+$0xFFFFFFE0] =	vst v7  }
0x1a2: {  	[tilespmem:s24+$0xFFFFFFF0] =	vst v5  }
0x1a3: {  	[tilespmem:s24+$0x0] =	vst v2  }
0x1a4: {  	[tilespmem:s24+$0x10] =	vst v3  }
0x1a5: {  	s9 =	sadd.s32 $0x1, s9;
	[tilespmem:s24+$0x20] =	vst v4  }
0x1a6: {  	s1 =	sadd.s32 s6, s1;
	p0 =	sne.s32 s9, $0x18;
	[tilespmem:s24+$0xFFFFFFC0] =	vst v6  }
0x1a7: {  	[tilespmem:s11], [sflag:$0x2] =	stream.linear.gather [hbm4b:s1+s4], $0x800, $0x38;
	[tilespmem:$0x1FFA0] =	vst v63  }
.Ltmp8:
0x1a8: {  	_ = 	snop;
	(pc) =	sbr.rel @p0 .LBB2_10-.Ltmp8, $4  }
0x1a9: {  	_ = 	snop  }
0x1aa: {  	[spmem:s2] =	stream.indirect.scatter.add.f32 [tilespmem:s21], [sflag:$0x8], $0x1, s12, s16, $0xb8;
	[tilespmem:$0x1FFA0] =	vst v63  }
0x1ab: {  	_ = 	snop  }
0x1ac: {  	[spmem:s3] =	stream.indirect.scatter.add.f32 [tilespmem:s17], [sflag:$0xA], $0x1, s12, s16, $0xb8;
	[tilespmem:$0x1FFA0] =	vst v63  }
0x1ad: {  	_ =	swait.ge [sflag:s23], $0x800  }
0x1ae: {  	[sflag:s23] =	ssyncset.done $0x0  }
0x1af: {  	[sflag:s23] =	ssyncadd.s32 $0xFFFFF800  }
0x1b0: {  	_ =	swait.ge [sflag:s29], $0x800  }
0x1b1: {  	[sflag:s29] =	ssyncset.done $0x0  }
0x1b2: {  	[sflag:s29] =	ssyncadd.s32 $0xFFFFF800  }
0x1b3: {  	_ =	swait.ge [sflag:s31], $0x800  }
0x1b4: {  	[sflag:s31] =	ssyncset.done $0x0  }
0x1b5: {  	[sflag:s31] =	ssyncadd.s32 $0xFFFFF800  }
0x1b6: {  	_ =	swait.ge [sflag:s8], $0x800  }
0x1b7: {  	[sflag:s8] =	ssyncset.done $0x0  }
0x1b8: {  	[sflag:s8] =	ssyncadd.s32 $0xFFFFF800  }
0x1b9: {  	_ =	swait.ge [sflag:s13], $0x800  }
0x1ba: {  	[sflag:s13] =	ssyncset.done $0x0  }
0x1bb: {  	[sflag:s13] =	ssyncadd.s32 $0xFFFFF800  }
0x1bc: {  	_ =	swait.ge [sflag:s18], $0x800  }
0x1bd: {  	[sflag:s18] =	ssyncset.done $0x0  }
0x1be: {  	[sflag:s18] =	ssyncadd.s32 $0xFFFFF800  }
0x1bf: {  	_ =	swait.ge [sflag:s22], $0x800  }
0x1c0: {  	[sflag:s22] =	ssyncset.done $0x0  }
0x1c1: {  	[sflag:s22] =	ssyncadd.s32 $0xFFFFF800  }
0x1c2: {  	_ =	swait.ge [sflag:s30], $0x800  }
0x1c3: {  	[sflag:s30] =	ssyncset.done $0x0  }
0x1c4: {  	[sflag:s30] =	ssyncadd.s32 $0xFFFFF800  }
0x1c5: {  	s1 =	stileid.u32;
	[bflag:$0x0] =	sbarrier.arrive $0xFFFF  }
0x1c6: {  	s28 =	simm.s32 $0xB;
	s1 =	sshll.u32 s1, $0x6;
	s24 =	rddreg [dreg:$0x5]  }
0x1c7: {  	s1 =	sor.u32 $0x1C0B, s1;
	s25 =	rddreg [dreg:$0x19];
	s9 =	sshrl.u32 s24, $0x3  }
0x1c8: {  	[hbm:s25], [sflag:s1] =	dma.local [spmem:s9], $0x310  }
0x1c9: {  	_ =	swait.ge [sflag:s28], $0x310  }
0x1ca: {  	[sflag:s28] =	ssyncset.done $0x0;
	s25 =	rddreg [dreg:$0x6]  }
0x1cb: {  	s26 =	rddreg [dreg:$0x1a];
	[sflag:s28] =	ssyncadd.s32 $0xFFFFFCF0;
	s9 =	sshrl.u32 s25, $0x3  }
0x1cc: {  	[hbm:s26], [sflag:s1] =	dma.local [spmem:s9], $0x310  }
0x1cd: {  	_ =	swait.ge [sflag:s28], $0x310  }
0x1ce: {  	s1 =	rddreg [dreg:$0x1c]  }
0x1cf: {  	s26 =	rddreg [dreg:$0x1b];
	s9 =	sadd.s32 $0x1, s1  }
0x1d0: {  	p0 =	sne.s32 s9, s26  }
.Ltmp9:
0x1d1: {  	_ = 	snop;
	(pc) =	sbr.rel @p0 .LBB2_1-.Ltmp9, $3  }
0x1d2: {  	_ =	sdelay $0x1  }
0x1d3: {  	[sflag:s28] =	ssyncset.done $0x0  }
0x1d4: {  	[sflag:s28] =	ssyncadd.s32 $0xFFFFFCF0  }
0x1d5: {  	_ =	sfence.sel $0x180000  }
0x1d6: {  	[bflag:$0x0] =	sbarrier.arrive $0xFFFF  }
0x1d7: {  	_ =	strace $0x90000047  }
0x1d8: {  	s0 =	stileid.u32;
	[bflag:$0x2] =	sbarrier.arrive $0xFFFF  }
0x1d9: {  	p0 =	sne.s32 s0, $0x0;
	s0 =	rddreg [dreg:$0x3]  }
0x1da: {  	s0 =	sadd.s32 @!p0 $0x100000, s0  }
0x1db: {  	[sflag:s0] =	ssyncadd.tile.s32 @!p0 $0x1;
	_ =	shalt  }
.Lfunc_end2:
_tile_overlayer_lowered:
.L_overlay_start_2:
0x1dc: {  	(tag) =	ssettag $0x2  }
0x1dd: {  	s0 =	rddreg [dreg:$0x0];
	s2 =	stileid.u32  }
0x1de: {  	s1 =	rddreg [dreg:$0x1];
	p0 =	sne.s32 s2, $0x0  }
0x1df: {  	s3 =	rddreg [dreg:$0x2];
	[bflag:$0x3] =	sbarrier.arrive $0xFFFF;
	s2 =	simm.s32 @!p0 $0x1C0B  }
0x1e0: {  	[timem:s3], [sflag:s2] =	dma.local @!p0 [hbm:s0], s1  }
0x1e1: {  	s0 =	simm.s32 @!p0 $0xB  }
0x1e2: {  	_ =	swait.ge @!p0 [sflag:s0], s1  }
0x1e3: {  	s1 =	ssub.s32 @!p0 $0x0, s1;
	[sflag:s0] =	ssyncset.done @!p0 $0x0  }
0x1e4: {  	[sflag:s0] =	ssyncadd.s32 @!p0 s1  }
0x1e5: {  	[bflag:$0x3] =	sbarrier.arrive $0xFFFF  }
0x1e6: {  	_ =	shalt  }

// kernel: kernel.8.cloned.1.call-start
scs
__scs_entry_jumppad:
0x0: {  	(pc) =	sbr.rel $0x88, $3  }
0x1: {  	(tag) =	ssettag $0x0;
	lr =	simm.s32 $0x1  }
0x2: {  	[smem:$0x3F99] =	sst lr;
	_ =	strace $0xD0000000  }
0x3: {  	_ = 	snop  }
0x4: {  	_ = 	snop  }
0x5: {  	_ = 	snop  }
0x6: {  	_ = 	snop  }
0x7: {  	_ = 	snop  }
__scs_overlays_trampoline_lowered:
0x8: {  	[smem:$0x3FA8] =	sst s0  }
0x9: {  	[smem:$0x3FA9] =	sst s1  }
0xa: {  	[smem:$0x3FAA] =	sst s2  }
0xb: {  	[smem:$0x3FAB] =	sst s3  }
0xc: {  	[smem:$0x3FAC] =	sst s4  }
0xd: {  	[smem:$0x3FAD] =	sst s5  }
0xe: {  	[smem:$0x3FAE] =	sst s6  }
0xf: {  	[smem:$0x3FAF] =	sst s7  }
0x10: {  	[smem:$0x3FB0] =	sst s8  }
0x11: {  	[smem:$0x3FB1] =	sst s9;
	s0 =	simm.s32 @!p0 $0x0  }
0x12: {  	s1 =	sld [smem:$0x3F97];
	s0 =	simm.s32 @p0 $0x1  }
0x13: {  	[smem:$0x3FB2] =	sst s0;
	s0 =	simm.s32 @!p1 $0x0  }
0x14: {  	s2 =	sld [smem:$0x3F96];
	s0 =	simm.s32 @p1 $0x1  }
0x15: {  	[smem:$0x3FB3] =	sst s0;
	s0 =	simm.s32 @!p2 $0x0  }
0x16: {  	s3 =	sld [smem:$0x3FDB];
	s0 =	simm.s32 @p2 $0x1  }
0x17: {  	s4 =	simm.s32 $0x1BF5;
	[smem:$0x3FB5] =	sst s0  }
0x18: {  	s0 =	sld [smem:$0x3F98];
	_ =	swait.ge [sflag:s4], $0x0  }
0x19: {  	s7 =	sld [smem:$0x3F99]  }
0x1a: {  	s8 =	sadd.s32 $0xFFFFE003, lr  }
0x1b: {  	s9 =	sadd.s32 $0xFFFFFEF7, lr;
	s5 =	simm.s32 $0xFFFFFFFF;
	p2 =	slt.u32 s8, $0xFFFFF086  }
0x1c: {  	p1 =	slt.u32 s9, $0xF7A;
	s5 =	simm.s32 @!p2 $0x0  }
0x1d: {  	s5 =	simm.s32 @p1 $0x1;
	p0 =	seq.s32 s7, s2  }
0x1e: {  	s7 =	smul.u32 @!p0 $0xF7A, s2;
	p2 =	seq.s32 @!p0 s5, $0x0  }
0x1f: {  	s9 =	smul.u32 $0xF7A, s1;
	s8 =	simm.s32 @!p0 $0x1BF5;
	p2 =	por !p2, p0  }
0x20: {  	[sflag:s8] =	ssyncset.s32 @!p0 $0xFFFFF086;
	s6 =	sadd.s32 @!p0 s3, s7;
	s7 =	simm.s32 @!p0 $0x108  }
0x21: {  	s3 =	sadd.s32 s3, s9;
	s6 =	sadd.s32 @!p0 $0x88, s6;
	s7 =	simm.s32 @p2 $0x1082  }
0x22: {  	[simem:s7], [sflag:s8] =	dma.local @!p0 [hbm:s6], $0xF7A  }
0x23: {  	s9 =	sor.u32 $0xD0000000, s2;
	s6 =	simm.s32 $0x108;
	_ =	swait.ge @!p0 [sflag:s8], $0x0  }
0x24: {  	s3 =	sadd.s32 $0x88, s3;
	s6 =	simm.s32 @!p1 $0x1082;
	[sflag:s4] =	ssyncset.s32 $0xFFFFF086  }
0x25: {  	[simem:s6], [sflag:s4] =	dma.local [hbm:s3], $0xF7A  }
0x26: {  	[smem:$0x3F99] =	sst s1;
	(tag) =	ssettag s2;
	_ =	strace s9  }
0x27: {  	s1 =	sld [smem:$0x3FA9]  }
0x28: {  	s2 =	sld [smem:$0x3FAA]  }
0x29: {  	s4 =	sld [smem:$0x3FAC]  }
0x2a: {  	p0 =	seq.s32 s5, $0x0;
	s5 =	sld [smem:$0x3FAD]  }
0x2b: {  	s6 =	sld [smem:$0x3FAE]  }
0x2c: {  	s7 =	sld [smem:$0x3FAF]  }
0x2d: {  	s3 =	simm.s32 $0x108;
	s8 =	sld [smem:$0x3FB0]  }
0x2e: {  	s3 =	simm.s32 @!p0 $0x1082;
	s9 =	sld [smem:$0x3FB1]  }
0x2f: {  	lr =	sadd.s32 s0, s3;
	s0 =	sld [smem:$0x3FA8]  }
0x30: {  	s3 =	sld [smem:$0x3FAB]  }
0x31: {  	[smem:$0x3FB4] =	sst s10  }
0x32: {  	s10 =	sld [smem:$0x3FB2];
	_ =	sdelay $0x3  }
0x33: {  	p0 =	seq.s32 s10, $0x1;
	s10 =	sld [smem:$0x3FB4];
	_ =	sdelay $0x3  }
0x34: {  	[smem:$0x3FB4] =	sst s10  }
0x35: {  	s10 =	sld [smem:$0x3FB3];
	_ =	sdelay $0x3  }
0x36: {  	p1 =	seq.s32 s10, $0x1;
	s10 =	sld [smem:$0x3FB4];
	_ =	sdelay $0x3  }
0x37: {  	[smem:$0x3FB4] =	sst s10  }
0x38: {  	s10 =	sld [smem:$0x3FB5]  }
0x39: {  	_ = 	snop;
	(pc) =	sbr.ind lr, $3  }
0x3a: {  	_ = 	snop  }
0x3b: {  	_ = 	snop  }
0x3c: {  	p2 =	seq.s32 s10, $0x1;
	s10 =	sld [smem:$0x3FB4]  }
0x3d: {  	_ =	shalt  }
0x3e: {  	_ =	shalt  }
0x3f: {  	_ =	shalt  }
0x40: {  	_ =	shalt  }
0x41: {  	_ =	shalt  }
0x42: {  	_ =	shalt  }
0x43: {  	_ =	shalt  }
0x44: {  	_ =	shalt  }
0x45: {  	_ =	shalt  }
0x46: {  	_ =	shalt  }
0x47: {  	_ =	shalt  }
0x48: {  	_ =	shalt  }
0x49: {  	_ =	shalt  }
0x4a: {  	_ =	shalt  }
0x4b: {  	_ =	shalt  }
0x4c: {  	_ =	shalt  }
0x4d: {  	_ =	shalt  }
0x4e: {  	_ =	shalt  }
0x4f: {  	_ =	shalt  }
0x50: {  	_ =	shalt  }
0x51: {  	_ =	shalt  }
0x52: {  	_ =	shalt  }
0x53: {  	_ =	shalt  }
0x54: {  	_ =	shalt  }
0x55: {  	_ =	shalt  }
0x56: {  	_ =	shalt  }
0x57: {  	_ =	shalt  }
0x58: {  	_ =	shalt  }
0x59: {  	_ =	shalt  }
0x5a: {  	_ =	shalt  }
0x5b: {  	_ =	shalt  }
0x5c: {  	_ =	shalt  }
0x5d: {  	_ =	shalt  }
0x5e: {  	_ =	shalt  }
0x5f: {  	_ =	shalt  }
0x60: {  	_ =	shalt  }
0x61: {  	_ =	shalt  }
0x62: {  	_ =	shalt  }
0x63: {  	_ =	shalt  }
0x64: {  	_ =	shalt  }
0x65: {  	_ =	shalt  }
0x66: {  	_ =	shalt  }
0x67: {  	_ =	shalt  }
0x68: {  	_ =	shalt  }
0x69: {  	_ =	shalt  }
0x6a: {  	_ =	shalt  }
0x6b: {  	_ =	shalt  }
0x6c: {  	_ =	shalt  }
0x6d: {  	_ =	shalt  }
0x6e: {  	_ =	shalt  }
0x6f: {  	_ =	shalt  }
0x70: {  	_ =	shalt  }
0x71: {  	_ =	shalt  }
0x72: {  	_ =	shalt  }
0x73: {  	_ =	shalt  }
0x74: {  	_ =	shalt  }
0x75: {  	_ =	shalt  }
0x76: {  	_ =	shalt  }
0x77: {  	_ =	shalt  }
0x78: {  	_ =	shalt  }
0x79: {  	_ =	shalt  }
0x7a: {  	_ =	shalt  }
0x7b: {  	_ =	shalt  }
0x7c: {  	_ =	shalt  }
0x7d: {  	_ =	shalt  }
0x7e: {  	_ =	shalt  }
0x7f: {  	_ =	shalt  }
0x80: {  	_ =	shalt  }
0x81: {  	_ =	shalt  }
0x82: {  	_ =	shalt  }
0x83: {  	_ =	shalt  }
0x84: {  	_ =	shalt  }
0x85: {  	_ =	shalt  }
0x86: {  	_ =	shalt  }
0x87: {  	_ =	shalt  }
.Lfunc_end0:
.L_simem_size_0:
called_computation.1_lowered:
.L_overlay_start_0:
0x88: {  	s2 =	sld [smem:$0x3FD9]  }
0x89: {  	s3 =	sld [smem:$0x3FFE];
	_ =	sdelay $0x1  }
0x8a: {  	s1 =	srdreg.scid  }
0x8b: {  	s0 =	sand.u32 $0x1, s1  }
0x8c: {  	s16 =	sshll.u32 s0, $0xA;
	s2 =	sadd.s32 s3, s2  }
0x8d: {  	s2 =	sadd.s32 s2, s16  }
0x8e: {  	[smem:$0x3FC0] =	sst s2  }
0x8f: {  	_ = 	snop  }
0x90: {  	(tm) =	ssettm $0x1  }
0x91: {  	s17 =	sld [smem:$0x3FFB];
	_ =	sdelay $0x3  }
0x92: {  	_ =	strace s17  }
0x93: {  	s2 =	sld [smem:$0x3FFC];
	_ =	sdelay $0x3  }
0x94: {  	_ =	strace s2  }
0x95: {  	s2 =	sld [smem:$0x3FFD];
	_ =	sdelay $0x3  }
0x96: {  	_ =	strace s2  }
0x97: {  	_ =	strace $0x8FFFFFFF  }
0x98: {  	s18 =	sld [smem:$0x3FDB];
	_ =	sdelay $0x1  }
0x99: {  	s19 =	simm.s32 $_scs_section_size  }
0x9a: {  	s4 =	simm.s32 $_size__tile_overlayer_lowered;
	s5 =	simm.s32 $_tile_overlayer_lowered  }
0x9b: {  	s22 =	simm.s32 $0x1BFF;
	s21 =	sshll.u32 s5, $0x1;
	s2 =	sadd.s32 s19, s18  }
0x9c: {  	s6 =	simm.s32 $0x0;
	s20 =	sshll.u32 s4, $0x1;
	s4 =	sadd.s32 s21, s2  }
0x9d: {  	[timem:s6], [sflag:s22] =	dma.local [hbm:s4], s20  }
0x9e: {  	_ =	swait.ge [sflag:s22], s20  }
0x9f: {  	s3 =	ssub.s32 $0x0, s20;
	[sflag:s22] =	ssyncset.done $0x0  }
0xa0: {  	[sflag:s22] =	ssyncadd.s32 s3;
	_ =	sdelay $0x1  }
0xa1: {  	s23 =	simm.s32 $0x1B8B  }
0xa2: {  	_ =	swait.ge [sflag:s23], $0x1  }
0xa3: {  	[sflag:s23] =	ssyncset.done $0x0  }
0xa4: {  	s25 =	simm.s32 $0x1B8E;
	s24 =	sld [smem:$0x3FFE];
	[sflag:s23] =	ssyncadd.s32 $0xFFFFFFFF  }
0xa5: {  	s26 =	simm.s32 $execute0_lowered;
	[smem:$0x3FD2] =	sst s25  }
0xa6: {  	s4 =	sshll.u32 s26, $0x1;
	_ =	strace $0x80000049;
	[dreg:$0x1] =	wrdreg $0xFFFFFFFF  }
0xa7: {  	s28 =	simm.s32 $_size_execute0_lowered;
	s2 =	sadd.s32 s2, s4;
	[dreg:$0x0] =	wrdreg $0x0  }
0xa8: {  	s4 =	sshll.u32 s28, $0x1;
	[dreg:$0x2] =	wrdreg s2  }
0xa9: {  	[dreg:$0x3] =	wrdreg s4  }
0xaa: {  	[dreg:$0x4] =	wrdreg $0xC0  }
0xab: {  	_ =	task [dreg:s6], $0x5FFFF  }
0xac: {  	[dreg:$0x1] =	wrdreg $0xFFFFFFFF  }
0xad: {  	[dreg:$0x0] =	wrdreg $0x60  }
0xae: {  	[dreg:$0x2] =	wrdreg s24  }
0xaf: {  	[dreg:$0x3] =	wrdreg $0x1DF200  }
0xb0: {  	[dreg:$0x4] =	wrdreg $0x1C6A00  }
0xb1: {  	[dreg:$0x5] =	wrdreg $0x9  }
0xb2: {  	_ =	task.clear_ibuf [dreg:s6], $0x6FFFF;
	_ =	strace $0x90000049  }
0xb3: {  	s29 =	simm.s32 $0x9;
	_ =	strace $0x8000004B  }
0xb4: {  	_ =	swait.ge [sflag:s29], $0x1  }
0xb5: {  	[sflag:s29] =	ssyncadd.s32 $0xFFFFFFFF  }
0xb6: {  	_ =	strace $0x9000004B  }
0xb7: {  	_ =	sfence  }
0xb8: {  	s30 =	sld [smem:$0x0];
	_ =	sdelay $0x2  }
0xb9: {  	s31 =	sshll.u32 s1, $0xD;
	s1 =	sshrl.u32 s1, $0x2  }
0xba: {  	s3 =	sand.u32 $0x4000, s31;
	s1 =	sadd.s32 s1, s30  }
0xbb: {  	s0 =	sor.u32 s3, s0;
	s1 =	sshll.u32 s1, $0x11  }
0xbc: {  	s0 =	sor.u32 s1, s0  }
0xbd: {  	s0 =	sadd.s32 $0x8F2B, s0  }
0xbe: {  	[sflag:s0] =	ssyncadd.remote.s32 $0x1  }
0xbf: {  	_ =	sfence.sel $0xFFFF  }
0xc0: {  	[dreg:$0x0] =	wrdreg $0xFFFFFFFF;
	(pc) =	sbr.abs _section_cstart, $3  }
0xc1: {  	[dreg:$0x1] =	wrdreg $0xFFFFFFFF  }
0xc2: {  	_ =	task.clear_ibuf [dreg:s6], $0x2FFFF;
	_ =	strace $0x9FFFFFFF  }
0xc3: {  	(tm) =	ssettm $0x7FFFFFFF  }
tec
execute0_lowered:
.L_overlay_start_1:
0x0: {  	(tag) =	ssettag $0x1  }
0x1: {  	s2 =	rddreg [dreg:$0x0]  }
0x2: {  	s18 =	rddreg [dreg:$0x1]  }
0x3: {  	s3 =	rddreg [dreg:$0x2]  }
0x4: {  	s4 =	simm.s32 $0x0;
	s23 =	stileid.u32;
	s0 =	srdreg.scid  }
0x5: {  	[smem:$0x7FF] =	sst s4;
	s1 =	smul.u32 $0x1880, s23;
	s5 =	sand.u32 $0x1, s0  }
0x6: {  	s6 =	sadd.s32 $0x3400, s2;
	s7 =	sadd.s32 $0x9600, s2;
	s0 =	smul.u32 $0x18800, s5  }
0x7: {  	_ =	strace $0x8000004A;
	s8 =	ssub.s32 $0x2, s5;
	s9 =	sshrl.u32 s1, $0x3  }
0x8: {  	s10 =	sshrl.u32 s8, $0x1;
	s0 =	sadd.s32 s1, s0;
	s15 =	sadd.s32 $0x3100, s9  }
0x9: {  	s13 =	sadd.s32 $0x3170, s9;
	s11 =	sshrl.u32 s0, $0x3;
	s12 =	sadd.s32 s6, s15  }
0xa: {  	s0 =	ssub.s32 s8, s10;
	s8 =	sadd.s32 s7, s15;
	[dreg:$0x4] =	wrdreg s12  }
0xb: {  	s17 =	sadd.s32 s6, s13;
	[dreg:$0x5] =	wrdreg s8  }
0xc: {  	s22 =	sadd.s32 $0x31E0, s9;
	s19 =	sadd.s32 s7, s13;
	[dreg:$0x7] =	wrdreg s17  }
0xd: {  	s25 =	sadd.s32 s6, s22;
	[dreg:$0x9] =	wrdreg s19  }
0xe: {  	s15 =	sadd.s32 $0xA80, s1;
	s26 =	sadd.s32 s7, s22;
	[dreg:$0xc] =	wrdreg s25  }
0xf: {  	s24 =	sshrl.u32 s15, $0x3;
	[dreg:$0xd] =	wrdreg s26;
	s15 =	sadd.s32 s15, s18  }
0x10: {  	p0 =	sne.s32 s5, $0x0;
	s0 =	smax.u32 s0, $0x1;
	[smem:$0x7E9] =	sst s15  }
0x11: {  	s10 =	sshll.u32 s5, $0x4;
	s13 =	sadd.s32 s6, s24;
	[smem:$0x7F8] =	sst s0  }
0x12: {  	s12 =	sadd.s32 $0x380, s1;
	s5 =	sadd.s32 s7, s24;
	[dreg:$0xe] =	wrdreg s13  }
0x13: {  	s16 =	sshrl.u32 s12, $0x3;
	s15 =	sadd.s32 s1, s18;
	[dreg:$0xf] =	wrdreg s5  }
0x14: {  	s14 =	sadd.s32 s6, s16;
	[smem:$0x7FD] =	sst s15  }
0x15: {  	s8 =	sadd.s32 s7, s16;
	s16 =	sadd.s32 $0x3250, s9;
	[dreg:$0x6] =	wrdreg s14  }
0x16: {  	s26 =	sadd.s32 $0x3330, s9;
	[dreg:$0x8] =	wrdreg s8;
	s17 =	sadd.s32 s6, s16  }
0x17: {  	s14 =	sadd.s32 $0x700, s1;
	s5 =	sadd.s32 s7, s16;
	[dreg:$0x10] =	wrdreg s17  }
0x18: {  	s16 =	sadd.s32 $0x1180, s1;
	[dreg:$0x11] =	wrdreg s5;
	s17 =	sadd.s32 s6, s26  }
0x19: {  	s20 =	sshrl.u32 s14, $0x3;
	s14 =	sadd.s32 s14, s18;
	[dreg:$0x18] =	wrdreg s17  }
0x1a: {  	s24 =	sshrl.u32 s16, $0x3;
	s16 =	sadd.s32 s16, s18;
	[smem:$0x7E8] =	sst s14  }
0x1b: {  	s21 =	sadd.s32 s6, s20;
	[smem:$0x7EB] =	sst s16  }
0x1c: {  	s8 =	sadd.s32 s7, s20;
	[dreg:$0xa] =	wrdreg s21  }
0x1d: {  	s25 =	sadd.s32 s6, s24;
	[dreg:$0xb] =	wrdreg s8  }
0x1e: {  	s21 =	sadd.s32 $0x32C0, s9;
	[dreg:$0x16] =	wrdreg s25;
	s25 =	sadd.s32 s7, s9  }
0x1f: {  	s28 =	simm.s32 $0x5;
	s22 =	sadd.s32 s6, s21;
	[dreg:$0x1f] =	wrdreg s25  }
0x20: {  	s8 =	sadd.s32 $0xE00, s1;
	s13 =	sadd.s32 s7, s21;
	[dreg:$0x14] =	wrdreg s22  }
0x21: {  	s19 =	sshrl.u32 s8, $0x3;
	s8 =	sadd.s32 s8, s18;
	[dreg:$0x15] =	wrdreg s13  }
0x22: {  	s29 =	simm.s32 $0x7;
	s20 =	sadd.s32 s6, s19;
	[smem:$0x7EA] =	sst s8  }
0x23: {  	s30 =	simm.s32 $0x6;
	s5 =	sadd.s32 s7, s19;
	[dreg:$0x12] =	wrdreg s20  }
0x24: {  	s31 =	simm.s32 $0x8;
	s19 =	sadd.s32 s7, s26;
	[dreg:$0x13] =	wrdreg s5  }
0x25: {  	s10 =	sor.u32 s23, s10;
	s13 =	sadd.s32 s12, s18;
	[dreg:$0x19] =	wrdreg s19  }
0x26: {  	s17 =	sadd.s32 $0x1500, s1;
	s5 =	sadd.s32 s7, s24;
	[smem:$0x7E7] =	sst s13  }
0x27: {  	s21 =	sadd.s32 $0x33A0, s9;
	s19 =	sadd.s32 s6, s9;
	[dreg:$0x17] =	wrdreg s5  }
0x28: {  	s20 =	sshrl.u32 s17, $0x3;
	s24 =	sadd.s32 s7, s21;
	[dreg:$0x1a] =	wrdreg s19  }
0x29: {  	s26 =	sadd.s32 s9, s2;
	s22 =	sadd.s32 s6, s20;
	[dreg:$0x1e] =	wrdreg s24  }
0x2a: {  	s9 =	sadd.s32 s11, s2;
	s6 =	sadd.s32 s6, s21;
	[dreg:$0x1b] =	wrdreg s22  }
0x2b: {  	s5 =	sadd.s32 s7, s20;
	s20 =	sadd.s32 s17, s18;
	[dreg:$0x1c] =	wrdreg s6  }
0x2c: {  	s7 =	sadd.s32 $0xF800, s26;
	[dreg:$0x1d] =	wrdreg s5;
	s5 =	sadd.s32 $0x187800, s2  }
0x2d: {  	s6 =	sadd.s32 $0xC3800, s2;
	s2 =	smul.u32 $0x31000, s10;
	[smem:$0x7EC] =	sst s20  }
0x2e: {  	s8 =	simm.s32 $0x0;
	[smem:$0x7ED] =	sst s7;
	s22 =	sadd.s32 s1, s3  }
0x2f: {  	s20 =	sadd.s32 $0x620, s22;
	[smem:$0x7FB] =	sst s22;
	s19 =	sshrl.u32 s2, $0x3  }
0x30: {  	s18 =	sadd.s32 $0x2000, s2;
	s24 =	sadd.s32 $0x2800, s2;
	[smem:$0x7F9] =	sst s20  }
0x31: {  	s21 =	sor.u32 $0x100, s19;
	s7 =	sadd.s32 s5, s19;
	[smem:$0x7F6] =	sst s18  }
0x32: {  	s11 =	sadd.s32 $0x200, s19;
	s12 =	sadd.s32 s6, s19;
	[smem:$0x7F0] =	sst s7  }
0x33: {  	s13 =	sadd.s32 $0x300, s19;
	s19 =	sadd.s32 $0x12A00, s9;
	[smem:$0x7F1] =	sst s12  }
0x34: {  	s20 =	simm.s32 $0x2;
	s25 =	sadd.s32 s5, s21;
	[smem:$0x7F7] =	sst s19  }
0x35: {  	s9 =	simm.s32 $0x1BEA0;
	s26 =	sadd.s32 s6, s21;
	[smem:$0x7EE] =	sst s25  }
0x36: {  	s18 =	simm.s32 $0x1A6A0;
	s14 =	sadd.s32 s6, s11;
	[smem:$0x7EF] =	sst s26  }
0x37: {  	s1 =	sadd.s32 s5, s11;
	s16 =	sadd.s32 s6, s13;
	[smem:$0x7F2] =	sst s14  }
0x38: {  	s17 =	sadd.s32 s5, s13;
	s21 =	sadd.s32 $0xC40, s22;
	[smem:$0x7F3] =	sst s1  }
0x39: {  	s22 =	sadd.s32 $0x1260, s22;
	s7 =	simm.s32 $0x9;
	[smem:$0x7F4] =	sst s16  }
0x3a: {  	s11 =	simm.s32 $0x186A0;
	s12 =	simm.s32 $0x196A0;
	[smem:$0x7F5] =	sst s17  }
0x3b: {  	s13 =	simm.s32 $0x18EA0;
	s19 =	simm.s32 $0x800;
	[smem:$0x7FA] =	sst s21  }
0x3c: {  	s25 =	sadd.s32 $0x3000, s2;
	s26 =	sadd.s32 $0x3800, s2;
	[smem:$0x7FC] =	sst s22  }
0x3d: {  	s2 =	simm.s32 $0x1B6A0;
	s16 =	simm.s32 $0x19EA0;
	s1 =	simm.s32 $0x1  }
0x3e: {  	v0 =	vimm.f32 $0.0e+00;
	s17 =	simm.s32 $0x3;
	s21 =	simm.s32 $0x4;
	s22 =	simm.s32 $0x1AEA0  }
.LBB2_1:
0x3f: {  	[smem:$0x7E6] =	sst s8  }
0x40: {  	s0 =	rddreg [dreg:$0x1a]  }
0x41: {  	[tilespmem:s2], [sflag:$0x9] =	stream.linear.gather [hbm4b:s0+s4], $0x380, $0x38;
	[tilespmem:$0x1F7A0] =	vst v63  }
0x42: {  	_ =	swait.ge [sflag:s7], $0x380  }
0x43: {  	[sflag:s7] =	ssyncset.done $0x0  }
0x44: {  	s14 =	simm.s32 $0x1BA20;
	s10 =	rddreg [dreg:$0x4];
	[sflag:s7] =	ssyncadd.s32 $0xFFFFFC80  }
0x45: {  	[tilespmem:s14], [sflag:$0x9] =	stream.linear.gather [hbm4b:s10+s4], $0x380, $0x38;
	[tilespmem:$0x1F7A0] =	vst v63  }
0x46: {  	_ =	swait.ge [sflag:s7], $0x380  }
0x47: {  	[sflag:s7] =	ssyncset.done $0x0  }
0x48: {  	s8 =	rddreg [dreg:$0x1f];
	[sflag:s7] =	ssyncadd.s32 $0xFFFFFC80  }
0x49: {  	[tilespmem:s9], [sflag:$0x9] =	stream.linear.gather [hbm4b:s8+s4], $0x380, $0x38;
	[tilespmem:$0x1F7A0] =	vst v63  }
0x4a: {  	_ =	swait.ge [sflag:s7], $0x380  }
0x4b: {  	[sflag:s7] =	ssyncset.done $0x0  }
0x4c: {  	s14 =	simm.s32 $0x1C220;
	s10 =	rddreg [dreg:$0x5];
	[sflag:s7] =	ssyncadd.s32 $0xFFFFFC80  }
0x4d: {  	[tilespmem:s14], [sflag:$0x9] =	stream.linear.gather [hbm4b:s10+s4], $0x380, $0x38;
	[tilespmem:$0x1F7A0] =	vst v63  }
0x4e: {  	_ =	swait.ge [sflag:s7], $0x380  }
0x4f: {  	[sflag:s7] =	ssyncset.done $0x0  }
0x50: {  	s10 =	simm.s32 $0x0;
	[sflag:s7] =	ssyncadd.s32 $0xFFFFFC80  }
0x51: {  	v1 =	vld [tilespmem:s10+$0x1BEA0]  }
0x52: {  	v2 =	vld [tilespmem:s10+$0x1C220];
	_ =	sdelay $0x4  }
0x53: {  	v1 =	vadd.f32 v2, v1;
	_ =	sdelay $0x1  }
0x54: {  	s8 =	simm.s32 $0x10;
	v1 =	vmax.f32 v1, $1.000000000e+00  }
0x55: {  	v3 =	vld [tilespmem:s8+$0x1C220];
	(erf) = vrcp.f32 v1  }
0x56: {  	v4 =	vld [tilespmem:s10+$0x1B6A0]  }
0x57: {  	v1 =	vld [tilespmem:s8+$0x1BEA0]  }
0x58: {  	v2 =	vld [tilespmem:s10+$0x1BA20];
	_ =	sdelay $0x3  }
0x59: {  	v1 =	vadd.f32 v3, v1  }
0x5a: {  	v2 =	vadd.f32 v2, v4  }
0x5b: {  	v3 =	vmax.f32 v1, $1.000000000e+00;
	v4 =	vpop (erf)  }
0x5c: {  	s0 =	simm.s32 $0x20;
	v1 =	vld [tilespmem:s8+$0x1BA20];
	(erf) = vrcp.f32 v3;
	v3 =	vmul.f32 v4, v2  }
0x5d: {  	s14 =	simm.s32 $0xC0;
	v2 =	vld [tilespmem:s0+$0x1BEA0]  }
.LBB2_2:
0x5e: {  	p1 =	sne.s32 s14, $0xDC0;
	v4 =	vld [tilespmem:s0+$0x1C220];
	[tilespmem:s10+$0x1B6A0] =	vst v3;
	s10 =	smov.u32 s8;
	s8 =	smov.u32 s0  }
0x5f: {  	v3 =	vld [tilespmem:s10+$0x1B6A0];
	_ =	sdelay $0x3  }
.Ltmp0:
0x60: {  	v2 =	vadd.f32 v4, v2;
	(pc) =	sbr.rel @p1 .LBB2_2-.Ltmp0, $4  }
0x61: {  	v3 =	vadd.f32 v1, v3  }
0x62: {  	v2 =	vmax.f32 v2, $1.000000000e+00;
	v4 =	vpop (erf)  }
0x63: {  	s0 =	sshra.s32 s14, $0x2;
	v1 =	vld [tilespmem:s8+$0x1BA20];
	(erf) = vrcp.f32 v2;
	v3 =	vmul.f32 v4, v3  }
0x64: {  	s14 =	sadd.s32 $0x40, s14;
	v2 =	vld [tilespmem:s0+$0x1BEA0]  }
0x65: {  	v4 =	vld [tilespmem:s0+$0x1C220];
	[tilespmem:s10+$0x1B6A0] =	vst v3  }
0x66: {  	v3 =	vld [tilespmem:s8+$0x1B6A0];
	_ =	sdelay $0x3  }
0x67: {  	v2 =	vadd.f32 v4, v2  }
0x68: {  	v1 =	vadd.f32 v1, v3  }
0x69: {  	v2 =	vmax.f32 v2, $1.000000000e+00;
	v3 =	vpop (erf)  }
0x6a: {  	(erf) = vrcp.f32 v2;
	v1 =	vmul.f32 v3, v1;
	_ =	sdelay $0x1  }
0x6b: {  	v2 =	vld [tilespmem:s0+$0x1BA20];
	[tilespmem:s8+$0x1B6A0] =	vst v1  }
0x6c: {  	v1 =	vld [tilespmem:s0+$0x1B6A0];
	_ =	sdelay $0x4  }
0x6d: {  	v1 =	vadd.f32 v2, v1  }
0x6e: {  	v2 =	vpop (erf)  }
0x6f: {  	v1 =	vmul.f32 v2, v1;
	_ =	sdelay $0x1  }
0x70: {  	[tilespmem:s0+$0x1B6A0] =	vst v1  }
0x71: {  	[spmem:s15] =	stream.linear.scatter [tilespmem:s2], [sflag:$0x9], $0x380, $0x38;
	[tilespmem:$0x1F7A0] =	vst v63  }
0x72: {  	_ =	swait.ge [sflag:s7], $0x380  }
0x73: {  	[sflag:s7] =	ssyncset.done $0x0  }
0x74: {  	s0 =	simm.s32 $0x0;
	s14 =	rddreg [dreg:$0x6];
	[sflag:s7] =	ssyncadd.s32 $0xFFFFFC80  }
0x75: {  	[tilespmem:s2], [sflag:$0x9] =	stream.linear.gather [hbm4b:s14+s0], $0x380, $0x38;
	[tilespmem:$0x1F7A0] =	vst v63  }
0x76: {  	_ =	swait.ge [sflag:s7], $0x380  }
0x77: {  	[sflag:s7] =	ssyncset.done $0x0  }
0x78: {  	s14 =	simm.s32 $0x1BA20;
	s10 =	rddreg [dreg:$0x7];
	[sflag:s7] =	ssyncadd.s32 $0xFFFFFC80  }
0x79: {  	[tilespmem:s14], [sflag:$0x9] =	stream.linear.gather [hbm4b:s10+s0], $0x380, $0x38;
	[tilespmem:$0x1F7A0] =	vst v63  }
0x7a: {  	_ =	swait.ge [sflag:s7], $0x380  }
0x7b: {  	[sflag:s7] =	ssyncset.done $0x0  }
0x7c: {  	s14 =	rddreg [dreg:$0x8];
	[sflag:s7] =	ssyncadd.s32 $0xFFFFFC80  }
0x7d: {  	[tilespmem:s9], [sflag:$0x9] =	stream.linear.gather [hbm4b:s14+s0], $0x380, $0x38;
	[tilespmem:$0x1F7A0] =	vst v63  }
0x7e: {  	_ =	swait.ge [sflag:s7], $0x380  }
0x7f: {  	[sflag:s7] =	ssyncset.done $0x0  }
0x80: {  	s14 =	simm.s32 $0x1C220;
	s10 =	rddreg [dreg:$0x9];
	[sflag:s7] =	ssyncadd.s32 $0xFFFFFC80  }
0x81: {  	[tilespmem:s14], [sflag:$0x9] =	stream.linear.gather [hbm4b:s10+s0], $0x380, $0x38;
	[tilespmem:$0x1F7A0] =	vst v63  }
0x82: {  	_ =	swait.ge [sflag:s7], $0x380  }
0x83: {  	[sflag:s7] =	ssyncset.done $0x0  }
0x84: {  	s10 =	simm.s32 $0x0;
	[sflag:s7] =	ssyncadd.s32 $0xFFFFFC80  }
0x85: {  	v1 =	vld [tilespmem:s10+$0x1BEA0]  }
0x86: {  	v2 =	vld [tilespmem:s10+$0x1C220];
	_ =	sdelay $0x4  }
0x87: {  	v1 =	vadd.f32 v2, v1;
	_ =	sdelay $0x1  }
0x88: {  	s8 =	simm.s32 $0x10;
	v1 =	vmax.f32 v1, $1.000000000e+00  }
0x89: {  	v3 =	vld [tilespmem:s8+$0x1C220];
	(erf) = vrcp.f32 v1  }
0x8a: {  	v4 =	vld [tilespmem:s10+$0x1B6A0]  }
0x8b: {  	v1 =	vld [tilespmem:s8+$0x1BEA0]  }
0x8c: {  	v2 =	vld [tilespmem:s10+$0x1BA20];
	_ =	sdelay $0x3  }
0x8d: {  	v1 =	vadd.f32 v3, v1  }
0x8e: {  	v2 =	vadd.f32 v2, v4  }
0x8f: {  	v3 =	vmax.f32 v1, $1.000000000e+00;
	v4 =	vpop (erf)  }
0x90: {  	s0 =	simm.s32 $0x20;
	v1 =	vld [tilespmem:s8+$0x1BA20];
	(erf) = vrcp.f32 v3;
	v3 =	vmul.f32 v4, v2  }
0x91: {  	s14 =	simm.s32 $0xC0;
	v2 =	vld [tilespmem:s0+$0x1BEA0]  }
.LBB2_4:
0x92: {  	p1 =	sne.s32 s14, $0xDC0;
	v4 =	vld [tilespmem:s0+$0x1C220];
	[tilespmem:s10+$0x1B6A0] =	vst v3;
	s10 =	smov.u32 s8;
	s8 =	smov.u32 s0  }
0x93: {  	v3 =	vld [tilespmem:s10+$0x1B6A0];
	_ =	sdelay $0x3  }
.Ltmp1:
0x94: {  	v2 =	vadd.f32 v4, v2;
	(pc) =	sbr.rel @p1 .LBB2_4-.Ltmp1, $4  }
0x95: {  	v3 =	vadd.f32 v1, v3  }
0x96: {  	v2 =	vmax.f32 v2, $1.000000000e+00;
	v4 =	vpop (erf)  }
0x97: {  	s0 =	sshra.s32 s14, $0x2;
	v1 =	vld [tilespmem:s8+$0x1BA20];
	(erf) = vrcp.f32 v2;
	v3 =	vmul.f32 v4, v3  }
0x98: {  	s14 =	sadd.s32 $0x40, s14;
	v2 =	vld [tilespmem:s0+$0x1BEA0]  }
0x99: {  	v4 =	vld [tilespmem:s0+$0x1C220];
	[tilespmem:s10+$0x1B6A0] =	vst v3  }
0x9a: {  	v3 =	vld [tilespmem:s8+$0x1B6A0];
	_ =	sdelay $0x3  }
0x9b: {  	v2 =	vadd.f32 v4, v2  }
0x9c: {  	v1 =	vadd.f32 v1, v3  }
0x9d: {  	v2 =	vmax.f32 v2, $1.000000000e+00;
	v3 =	vpop (erf)  }
0x9e: {  	(erf) = vrcp.f32 v2;
	v1 =	vmul.f32 v3, v1;
	_ =	sdelay $0x1  }
0x9f: {  	v2 =	vld [tilespmem:s0+$0x1BA20];
	[tilespmem:s8+$0x1B6A0] =	vst v1  }
0xa0: {  	v1 =	vld [tilespmem:s0+$0x1B6A0];
	_ =	sdelay $0x4  }
0xa1: {  	v1 =	vadd.f32 v2, v1  }
0xa2: {  	v2 =	vpop (erf)  }
0xa3: {  	s10 =	sld [smem:$0x7E7];
	v1 =	vmul.f32 v2, v1;
	_ =	sdelay $0x1  }
0xa4: {  	[tilespmem:s0+$0x1B6A0] =	vst v1  }
0xa5: {  	[spmem:s10] =	stream.linear.scatter [tilespmem:s2], [sflag:$0x9], $0x380, $0x38;
	[tilespmem:$0x1F7A0] =	vst v63  }
0xa6: {  	_ =	swait.ge [sflag:s7], $0x380  }
0xa7: {  	[sflag:s7] =	ssyncset.done $0x0  }
0xa8: {  	s0 =	simm.s32 $0x0;
	s14 =	rddreg [dreg:$0xa];
	[sflag:s7] =	ssyncadd.s32 $0xFFFFFC80  }
0xa9: {  	[tilespmem:s2], [sflag:$0x9] =	stream.linear.gather [hbm4b:s14+s0], $0x380, $0x38;
	[tilespmem:$0x1F7A0] =	vst v63  }
0xaa: {  	_ =	swait.ge [sflag:s7], $0x380  }
0xab: {  	[sflag:s7] =	ssyncset.done $0x0  }
0xac: {  	s14 =	simm.s32 $0x1BA20;
	s10 =	rddreg [dreg:$0xc];
	[sflag:s7] =	ssyncadd.s32 $0xFFFFFC80  }
0xad: {  	[tilespmem:s14], [sflag:$0x9] =	stream.linear.gather [hbm4b:s10+s0], $0x380, $0x38;
	[tilespmem:$0x1F7A0] =	vst v63  }
0xae: {  	_ =	swait.ge [sflag:s7], $0x380  }
0xaf: {  	[sflag:s7] =	ssyncset.done $0x0  }
0xb0: {  	s14 =	rddreg [dreg:$0xb];
	[sflag:s7] =	ssyncadd.s32 $0xFFFFFC80  }
0xb1: {  	[tilespmem:s9], [sflag:$0x9] =	stream.linear.gather [hbm4b:s14+s0], $0x380, $0x38;
	[tilespmem:$0x1F7A0] =	vst v63  }
0xb2: {  	_ =	swait.ge [sflag:s7], $0x380  }
0xb3: {  	[sflag:s7] =	ssyncset.done $0x0  }
0xb4: {  	s14 =	simm.s32 $0x1C220;
	s10 =	rddreg [dreg:$0xd];
	[sflag:s7] =	ssyncadd.s32 $0xFFFFFC80  }
0xb5: {  	[tilespmem:s14], [sflag:$0x9] =	stream.linear.gather [hbm4b:s10+s0], $0x380, $0x38;
	[tilespmem:$0x1F7A0] =	vst v63  }
0xb6: {  	_ =	swait.ge [sflag:s7], $0x380  }
0xb7: {  	[sflag:s7] =	ssyncset.done $0x0  }
0xb8: {  	s10 =	simm.s32 $0x0;
	[sflag:s7] =	ssyncadd.s32 $0xFFFFFC80  }
0xb9: {  	v1 =	vld [tilespmem:s10+$0x1BEA0]  }
0xba: {  	v2 =	vld [tilespmem:s10+$0x1C220];
	_ =	sdelay $0x4  }
0xbb: {  	v1 =	vadd.f32 v2, v1;
	_ =	sdelay $0x1  }
0xbc: {  	s8 =	simm.s32 $0x10;
	v1 =	vmax.f32 v1, $1.000000000e+00  }
0xbd: {  	v3 =	vld [tilespmem:s8+$0x1C220];
	(erf) = vrcp.f32 v1  }
0xbe: {  	v4 =	vld [tilespmem:s10+$0x1B6A0]  }
0xbf: {  	v1 =	vld [tilespmem:s8+$0x1BEA0]  }
0xc0: {  	v2 =	vld [tilespmem:s10+$0x1BA20];
	_ =	sdelay $0x3  }
0xc1: {  	v1 =	vadd.f32 v3, v1  }
0xc2: {  	v2 =	vadd.f32 v2, v4  }
0xc3: {  	v3 =	vmax.f32 v1, $1.000000000e+00;
	v4 =	vpop (erf)  }
0xc4: {  	s0 =	simm.s32 $0x20;
	v1 =	vld [tilespmem:s8+$0x1BA20];
	(erf) = vrcp.f32 v3;
	v3 =	vmul.f32 v4, v2  }
0xc5: {  	s14 =	simm.s32 $0xC0;
	v2 =	vld [tilespmem:s0+$0x1BEA0]  }
.LBB2_6:
0xc6: {  	p1 =	sne.s32 s14, $0xDC0;
	v4 =	vld [tilespmem:s0+$0x1C220];
	[tilespmem:s10+$0x1B6A0] =	vst v3;
	s10 =	smov.u32 s8;
	s8 =	smov.u32 s0  }
0xc7: {  	v3 =	vld [tilespmem:s10+$0x1B6A0];
	_ =	sdelay $0x3  }
.Ltmp2:
0xc8: {  	v2 =	vadd.f32 v4, v2;
	(pc) =	sbr.rel @p1 .LBB2_6-.Ltmp2, $4  }
0xc9: {  	v3 =	vadd.f32 v1, v3  }
0xca: {  	v2 =	vmax.f32 v2, $1.000000000e+00;
	v4 =	vpop (erf)  }
0xcb: {  	s0 =	sshra.s32 s14, $0x2;
	v1 =	vld [tilespmem:s8+$0x1BA20];
	(erf) = vrcp.f32 v2;
	v3 =	vmul.f32 v4, v3  }
0xcc: {  	s14 =	sadd.s32 $0x40, s14;
	v2 =	vld [tilespmem:s0+$0x1BEA0]  }
0xcd: {  	v4 =	vld [tilespmem:s0+$0x1C220];
	[tilespmem:s10+$0x1B6A0] =	vst v3  }
0xce: {  	v3 =	vld [tilespmem:s8+$0x1B6A0];
	_ =	sdelay $0x3  }
0xcf: {  	v2 =	vadd.f32 v4, v2  }
0xd0: {  	v1 =	vadd.f32 v1, v3  }
0xd1: {  	v2 =	vmax.f32 v2, $1.000000000e+00;
	v3 =	vpop (erf)  }
0xd2: {  	(erf) = vrcp.f32 v2;
	v1 =	vmul.f32 v3, v1;
	_ =	sdelay $0x1  }
0xd3: {  	v2 =	vld [tilespmem:s0+$0x1BA20];
	[tilespmem:s8+$0x1B6A0] =	vst v1  }
0xd4: {  	v1 =	vld [tilespmem:s0+$0x1B6A0];
	_ =	sdelay $0x4  }
0xd5: {  	v1 =	vadd.f32 v2, v1  }
0xd6: {  	v2 =	vpop (erf)  }
0xd7: {  	s10 =	sld [smem:$0x7E8];
	v1 =	vmul.f32 v2, v1;
	_ =	sdelay $0x1  }
0xd8: {  	[tilespmem:s0+$0x1B6A0] =	vst v1  }
0xd9: {  	[spmem:s10] =	stream.linear.scatter [tilespmem:s2], [sflag:$0x9], $0x380, $0x38;
	[tilespmem:$0x1F7A0] =	vst v63  }
0xda: {  	_ =	swait.ge [sflag:s7], $0x380  }
0xdb: {  	[sflag:s7] =	ssyncset.done $0x0  }
0xdc: {  	s0 =	simm.s32 $0x0;
	s14 =	rddreg [dreg:$0xe];
	[sflag:s7] =	ssyncadd.s32 $0xFFFFFC80  }
0xdd: {  	[tilespmem:s2], [sflag:$0x9] =	stream.linear.gather [hbm4b:s14+s0], $0x380, $0x38;
	[tilespmem:$0x1F7A0] =	vst v63  }
0xde: {  	_ =	swait.ge [sflag:s7], $0x380  }
0xdf: {  	[sflag:s7] =	ssyncset.done $0x0  }
0xe0: {  	s14 =	simm.s32 $0x1BA20;
	s10 =	rddreg [dreg:$0x10];
	[sflag:s7] =	ssyncadd.s32 $0xFFFFFC80  }
0xe1: {  	[tilespmem:s14], [sflag:$0x9] =	stream.linear.gather [hbm4b:s10+s0], $0x380, $0x38;
	[tilespmem:$0x1F7A0] =	vst v63  }
0xe2: {  	_ =	swait.ge [sflag:s7], $0x380  }
0xe3: {  	[sflag:s7] =	ssyncset.done $0x0  }
0xe4: {  	s14 =	rddreg [dreg:$0xf];
	[sflag:s7] =	ssyncadd.s32 $0xFFFFFC80  }
0xe5: {  	[tilespmem:s9], [sflag:$0x9] =	stream.linear.gather [hbm4b:s14+s0], $0x380, $0x38;
	[tilespmem:$0x1F7A0] =	vst v63  }
0xe6: {  	_ =	swait.ge [sflag:s7], $0x380  }
0xe7: {  	[sflag:s7] =	ssyncset.done $0x0  }
0xe8: {  	s14 =	simm.s32 $0x1C220;
	s10 =	rddreg [dreg:$0x11];
	[sflag:s7] =	ssyncadd.s32 $0xFFFFFC80  }
0xe9: {  	[tilespmem:s14], [sflag:$0x9] =	stream.linear.gather [hbm4b:s10+s0], $0x380, $0x38;
	[tilespmem:$0x1F7A0] =	vst v63  }
0xea: {  	_ =	swait.ge [sflag:s7], $0x380  }
0xeb: {  	[sflag:s7] =	ssyncset.done $0x0  }
0xec: {  	s10 =	simm.s32 $0x0;
	[sflag:s7] =	ssyncadd.s32 $0xFFFFFC80  }
0xed: {  	v1 =	vld [tilespmem:s10+$0x1BEA0]  }
0xee: {  	v2 =	vld [tilespmem:s10+$0x1C220];
	_ =	sdelay $0x4  }
0xef: {  	v1 =	vadd.f32 v2, v1;
	_ =	sdelay $0x1  }
0xf0: {  	s8 =	simm.s32 $0x10;
	v1 =	vmax.f32 v1, $1.000000000e+00  }
0xf1: {  	v3 =	vld [tilespmem:s8+$0x1C220];
	(erf) = vrcp.f32 v1  }
0xf2: {  	v4 =	vld [tilespmem:s10+$0x1B6A0]  }
0xf3: {  	v1 =	vld [tilespmem:s8+$0x1BEA0]  }
0xf4: {  	v2 =	vld [tilespmem:s10+$0x1BA20];
	_ =	sdelay $0x3  }
0xf5: {  	v1 =	vadd.f32 v3, v1  }
0xf6: {  	v2 =	vadd.f32 v2, v4  }
0xf7: {  	v3 =	vmax.f32 v1, $1.000000000e+00;
	v4 =	vpop (erf)  }
0xf8: {  	s0 =	simm.s32 $0x20;
	v1 =	vld [tilespmem:s8+$0x1BA20];
	(erf) = vrcp.f32 v3;
	v3 =	vmul.f32 v4, v2  }
0xf9: {  	s14 =	simm.s32 $0xC0;
	v2 =	vld [tilespmem:s0+$0x1BEA0]  }
.LBB2_8:
0xfa: {  	p1 =	sne.s32 s14, $0xDC0;
	v4 =	vld [tilespmem:s0+$0x1C220];
	[tilespmem:s10+$0x1B6A0] =	vst v3;
	s10 =	smov.u32 s8;
	s8 =	smov.u32 s0  }
0xfb: {  	v3 =	vld [tilespmem:s10+$0x1B6A0];
	_ =	sdelay $0x3  }
.Ltmp3:
0xfc: {  	v2 =	vadd.f32 v4, v2;
	(pc) =	sbr.rel @p1 .LBB2_8-.Ltmp3, $4  }
0xfd: {  	v3 =	vadd.f32 v1, v3  }
0xfe: {  	v2 =	vmax.f32 v2, $1.000000000e+00;
	v4 =	vpop (erf)  }
0xff: {  	s0 =	sshra.s32 s14, $0x2;
	v1 =	vld [tilespmem:s8+$0x1BA20];
	(erf) = vrcp.f32 v2;
	v3 =	vmul.f32 v4, v3  }
0x100: {  	s14 =	sadd.s32 $0x40, s14;
	v2 =	vld [tilespmem:s0+$0x1BEA0]  }
0x101: {  	v4 =	vld [tilespmem:s0+$0x1C220];
	[tilespmem:s10+$0x1B6A0] =	vst v3  }
0x102: {  	v3 =	vld [tilespmem:s8+$0x1B6A0];
	_ =	sdelay $0x3  }
0x103: {  	v2 =	vadd.f32 v4, v2  }
0x104: {  	v1 =	vadd.f32 v1, v3  }
0x105: {  	v2 =	vmax.f32 v2, $1.000000000e+00;
	v3 =	vpop (erf)  }
0x106: {  	(erf) = vrcp.f32 v2;
	v1 =	vmul.f32 v3, v1;
	_ =	sdelay $0x1  }
0x107: {  	v2 =	vld [tilespmem:s0+$0x1BA20];
	[tilespmem:s8+$0x1B6A0] =	vst v1  }
0x108: {  	v1 =	vld [tilespmem:s0+$0x1B6A0];
	_ =	sdelay $0x4  }
0x109: {  	v1 =	vadd.f32 v2, v1  }
0x10a: {  	v2 =	vpop (erf)  }
0x10b: {  	s10 =	sld [smem:$0x7E9];
	v1 =	vmul.f32 v2, v1;
	_ =	sdelay $0x1  }
0x10c: {  	[tilespmem:s0+$0x1B6A0] =	vst v1  }
0x10d: {  	[spmem:s10] =	stream.linear.scatter [tilespmem:s2], [sflag:$0x9], $0x380, $0x38;
	[tilespmem:$0x1F7A0] =	vst v63  }
0x10e: {  	_ =	swait.ge [sflag:s7], $0x380  }
0x10f: {  	[sflag:s7] =	ssyncset.done $0x0  }
0x110: {  	s0 =	simm.s32 $0x0;
	s14 =	rddreg [dreg:$0x12];
	[sflag:s7] =	ssyncadd.s32 $0xFFFFFC80  }
0x111: {  	[tilespmem:s2], [sflag:$0x9] =	stream.linear.gather [hbm4b:s14+s0], $0x380, $0x38;
	[tilespmem:$0x1F7A0] =	vst v63  }
0x112: {  	_ =	swait.ge [sflag:s7], $0x380  }
0x113: {  	[sflag:s7] =	ssyncset.done $0x0  }
0x114: {  	s14 =	simm.s32 $0x1BA20;
	s10 =	rddreg [dreg:$0x14];
	[sflag:s7] =	ssyncadd.s32 $0xFFFFFC80  }
0x115: {  	[tilespmem:s14], [sflag:$0x9] =	stream.linear.gather [hbm4b:s10+s0], $0x380, $0x38;
	[tilespmem:$0x1F7A0] =	vst v63  }
0x116: {  	_ =	swait.ge [sflag:s7], $0x380  }
0x117: {  	[sflag:s7] =	ssyncset.done $0x0  }
0x118: {  	s14 =	rddreg [dreg:$0x13];
	[sflag:s7] =	ssyncadd.s32 $0xFFFFFC80  }
0x119: {  	[tilespmem:s9], [sflag:$0x9] =	stream.linear.gather [hbm4b:s14+s0], $0x380, $0x38;
	[tilespmem:$0x1F7A0] =	vst v63  }
0x11a: {  	_ =	swait.ge [sflag:s7], $0x380  }
0x11b: {  	[sflag:s7] =	ssyncset.done $0x0  }
0x11c: {  	s14 =	simm.s32 $0x1C220;
	s10 =	rddreg [dreg:$0x15];
	[sflag:s7] =	ssyncadd.s32 $0xFFFFFC80  }
0x11d: {  	[tilespmem:s14], [sflag:$0x9] =	stream.linear.gather [hbm4b:s10+s0], $0x380, $0x38;
	[tilespmem:$0x1F7A0] =	vst v63  }
0x11e: {  	_ =	swait.ge [sflag:s7], $0x380  }
0x11f: {  	[sflag:s7] =	ssyncset.done $0x0  }
0x120: {  	s10 =	simm.s32 $0x0;
	[sflag:s7] =	ssyncadd.s32 $0xFFFFFC80  }
0x121: {  	v1 =	vld [tilespmem:s10+$0x1BEA0]  }
0x122: {  	v2 =	vld [tilespmem:s10+$0x1C220];
	_ =	sdelay $0x4  }
0x123: {  	v1 =	vadd.f32 v2, v1;
	_ =	sdelay $0x1  }
0x124: {  	s8 =	simm.s32 $0x10;
	v1 =	vmax.f32 v1, $1.000000000e+00  }
0x125: {  	v3 =	vld [tilespmem:s8+$0x1C220];
	(erf) = vrcp.f32 v1  }
0x126: {  	v4 =	vld [tilespmem:s10+$0x1B6A0]  }
0x127: {  	v1 =	vld [tilespmem:s8+$0x1BEA0]  }
0x128: {  	v2 =	vld [tilespmem:s10+$0x1BA20];
	_ =	sdelay $0x3  }
0x129: {  	v1 =	vadd.f32 v3, v1  }
0x12a: {  	v2 =	vadd.f32 v2, v4  }
0x12b: {  	v3 =	vmax.f32 v1, $1.000000000e+00;
	v4 =	vpop (erf)  }
0x12c: {  	s0 =	simm.s32 $0x20;
	v1 =	vld [tilespmem:s8+$0x1BA20];
	(erf) = vrcp.f32 v3;
	v3 =	vmul.f32 v4, v2  }
0x12d: {  	s14 =	simm.s32 $0xC0;
	v2 =	vld [tilespmem:s0+$0x1BEA0]  }
.LBB2_10:
0x12e: {  	p1 =	sne.s32 s14, $0xDC0;
	v4 =	vld [tilespmem:s0+$0x1C220];
	[tilespmem:s10+$0x1B6A0] =	vst v3;
	s10 =	smov.u32 s8;
	s8 =	smov.u32 s0  }
0x12f: {  	v3 =	vld [tilespmem:s10+$0x1B6A0];
	_ =	sdelay $0x3  }
.Ltmp4:
0x130: {  	v2 =	vadd.f32 v4, v2;
	(pc) =	sbr.rel @p1 .LBB2_10-.Ltmp4, $4  }
0x131: {  	v3 =	vadd.f32 v1, v3  }
0x132: {  	v2 =	vmax.f32 v2, $1.000000000e+00;
	v4 =	vpop (erf)  }
0x133: {  	s0 =	sshra.s32 s14, $0x2;
	v1 =	vld [tilespmem:s8+$0x1BA20];
	(erf) = vrcp.f32 v2;
	v3 =	vmul.f32 v4, v3  }
0x134: {  	s14 =	sadd.s32 $0x40, s14;
	v2 =	vld [tilespmem:s0+$0x1BEA0]  }
0x135: {  	v4 =	vld [tilespmem:s0+$0x1C220];
	[tilespmem:s10+$0x1B6A0] =	vst v3  }
0x136: {  	v3 =	vld [tilespmem:s8+$0x1B6A0];
	_ =	sdelay $0x3  }
0x137: {  	v2 =	vadd.f32 v4, v2  }
0x138: {  	v1 =	vadd.f32 v1, v3  }
0x139: {  	v2 =	vmax.f32 v2, $1.000000000e+00;
	v3 =	vpop (erf)  }
0x13a: {  	(erf) = vrcp.f32 v2;
	v1 =	vmul.f32 v3, v1;
	_ =	sdelay $0x1  }
0x13b: {  	v2 =	vld [tilespmem:s0+$0x1BA20];
	[tilespmem:s8+$0x1B6A0] =	vst v1  }
0x13c: {  	v1 =	vld [tilespmem:s0+$0x1B6A0];
	_ =	sdelay $0x4  }
0x13d: {  	v1 =	vadd.f32 v2, v1  }
0x13e: {  	v2 =	vpop (erf)  }
0x13f: {  	s10 =	sld [smem:$0x7EA];
	v1 =	vmul.f32 v2, v1;
	_ =	sdelay $0x1  }
0x140: {  	[tilespmem:s0+$0x1B6A0] =	vst v1  }
0x141: {  	[spmem:s10] =	stream.linear.scatter [tilespmem:s2], [sflag:$0x9], $0x380, $0x38;
	[tilespmem:$0x1F7A0] =	vst v63  }
0x142: {  	_ =	swait.ge [sflag:s7], $0x380  }
0x143: {  	[sflag:s7] =	ssyncset.done $0x0  }
0x144: {  	s0 =	simm.s32 $0x0;
	s14 =	rddreg [dreg:$0x16];
	[sflag:s7] =	ssyncadd.s32 $0xFFFFFC80  }
0x145: {  	[tilespmem:s2], [sflag:$0x9] =	stream.linear.gather [hbm4b:s14+s0], $0x380, $0x38;
	[tilespmem:$0x1F7A0] =	vst v63  }
0x146: {  	_ =	swait.ge [sflag:s7], $0x380  }
0x147: {  	[sflag:s7] =	ssyncset.done $0x0  }
0x148: {  	s14 =	simm.s32 $0x1BA20;
	s10 =	rddreg [dreg:$0x18];
	[sflag:s7] =	ssyncadd.s32 $0xFFFFFC80  }
0x149: {  	[tilespmem:s14], [sflag:$0x9] =	stream.linear.gather [hbm4b:s10+s0], $0x380, $0x38;
	[tilespmem:$0x1F7A0] =	vst v63  }
0x14a: {  	_ =	swait.ge [sflag:s7], $0x380  }
0x14b: {  	[sflag:s7] =	ssyncset.done $0x0  }
0x14c: {  	s14 =	rddreg [dreg:$0x17];
	[sflag:s7] =	ssyncadd.s32 $0xFFFFFC80  }
0x14d: {  	[tilespmem:s9], [sflag:$0x9] =	stream.linear.gather [hbm4b:s14+s0], $0x380, $0x38;
	[tilespmem:$0x1F7A0] =	vst v63  }
0x14e: {  	_ =	swait.ge [sflag:s7], $0x380  }
0x14f: {  	[sflag:s7] =	ssyncset.done $0x0  }
0x150: {  	s14 =	simm.s32 $0x1C220;
	s10 =	rddreg [dreg:$0x19];
	[sflag:s7] =	ssyncadd.s32 $0xFFFFFC80  }
0x151: {  	[tilespmem:s14], [sflag:$0x9] =	stream.linear.gather [hbm4b:s10+s0], $0x380, $0x38;
	[tilespmem:$0x1F7A0] =	vst v63  }
0x152: {  	_ =	swait.ge [sflag:s7], $0x380  }
0x153: {  	[sflag:s7] =	ssyncset.done $0x0  }
0x154: {  	s10 =	simm.s32 $0x0;
	[sflag:s7] =	ssyncadd.s32 $0xFFFFFC80  }
0x155: {  	v1 =	vld [tilespmem:s10+$0x1BEA0]  }
0x156: {  	v2 =	vld [tilespmem:s10+$0x1C220];
	_ =	sdelay $0x4  }
0x157: {  	v1 =	vadd.f32 v2, v1;
	_ =	sdelay $0x1  }
0x158: {  	s8 =	simm.s32 $0x10;
	v1 =	vmax.f32 v1, $1.000000000e+00  }
0x159: {  	v3 =	vld [tilespmem:s8+$0x1C220];
	(erf) = vrcp.f32 v1  }
0x15a: {  	v4 =	vld [tilespmem:s10+$0x1B6A0]  }
0x15b: {  	v1 =	vld [tilespmem:s8+$0x1BEA0]  }
0x15c: {  	v2 =	vld [tilespmem:s10+$0x1BA20];
	_ =	sdelay $0x3  }
0x15d: {  	v1 =	vadd.f32 v3, v1  }
0x15e: {  	v2 =	vadd.f32 v2, v4  }
0x15f: {  	v3 =	vmax.f32 v1, $1.000000000e+00;
	v4 =	vpop (erf)  }
0x160: {  	s0 =	simm.s32 $0x20;
	v1 =	vld [tilespmem:s8+$0x1BA20];
	(erf) = vrcp.f32 v3;
	v3 =	vmul.f32 v4, v2  }
0x161: {  	s14 =	simm.s32 $0xC0;
	v2 =	vld [tilespmem:s0+$0x1BEA0]  }
.LBB2_12:
0x162: {  	p1 =	sne.s32 s14, $0xDC0;
	v4 =	vld [tilespmem:s0+$0x1C220];
	[tilespmem:s10+$0x1B6A0] =	vst v3;
	s10 =	smov.u32 s8;
	s8 =	smov.u32 s0  }
0x163: {  	v3 =	vld [tilespmem:s10+$0x1B6A0];
	_ =	sdelay $0x3  }
.Ltmp5:
0x164: {  	v2 =	vadd.f32 v4, v2;
	(pc) =	sbr.rel @p1 .LBB2_12-.Ltmp5, $4  }
0x165: {  	v3 =	vadd.f32 v1, v3  }
0x166: {  	v2 =	vmax.f32 v2, $1.000000000e+00;
	v4 =	vpop (erf)  }
0x167: {  	s0 =	sshra.s32 s14, $0x2;
	v1 =	vld [tilespmem:s8+$0x1BA20];
	(erf) = vrcp.f32 v2;
	v3 =	vmul.f32 v4, v3  }
0x168: {  	s14 =	sadd.s32 $0x40, s14;
	v2 =	vld [tilespmem:s0+$0x1BEA0]  }
0x169: {  	v4 =	vld [tilespmem:s0+$0x1C220];
	[tilespmem:s10+$0x1B6A0] =	vst v3  }
0x16a: {  	v3 =	vld [tilespmem:s8+$0x1B6A0];
	_ =	sdelay $0x3  }
0x16b: {  	v2 =	vadd.f32 v4, v2  }
0x16c: {  	v1 =	vadd.f32 v1, v3  }
0x16d: {  	v2 =	vmax.f32 v2, $1.000000000e+00;
	v3 =	vpop (erf)  }
0x16e: {  	(erf) = vrcp.f32 v2;
	v1 =	vmul.f32 v3, v1;
	_ =	sdelay $0x1  }
0x16f: {  	v2 =	vld [tilespmem:s0+$0x1BA20];
	[tilespmem:s8+$0x1B6A0] =	vst v1  }
0x170: {  	v1 =	vld [tilespmem:s0+$0x1B6A0];
	_ =	sdelay $0x4  }
0x171: {  	v1 =	vadd.f32 v2, v1  }
0x172: {  	v2 =	vpop (erf)  }
0x173: {  	s10 =	sld [smem:$0x7EB];
	v1 =	vmul.f32 v2, v1;
	_ =	sdelay $0x1  }
0x174: {  	[tilespmem:s0+$0x1B6A0] =	vst v1  }
0x175: {  	[spmem:s10] =	stream.linear.scatter [tilespmem:s2], [sflag:$0x9], $0x380, $0x38;
	[tilespmem:$0x1F7A0] =	vst v63  }
0x176: {  	_ =	swait.ge [sflag:s7], $0x380  }
0x177: {  	[sflag:s7] =	ssyncset.done $0x0  }
0x178: {  	s0 =	simm.s32 $0x0;
	s14 =	rddreg [dreg:$0x1b];
	[sflag:s7] =	ssyncadd.s32 $0xFFFFFC80  }
0x179: {  	[tilespmem:s2], [sflag:$0x9] =	stream.linear.gather [hbm4b:s14+s0], $0x380, $0x38;
	[tilespmem:$0x1F7A0] =	vst v63  }
0x17a: {  	_ =	swait.ge [sflag:s7], $0x380  }
0x17b: {  	[sflag:s7] =	ssyncset.done $0x0  }
0x17c: {  	s14 =	simm.s32 $0x1BA20;
	s10 =	rddreg [dreg:$0x1c];
	[sflag:s7] =	ssyncadd.s32 $0xFFFFFC80  }
0x17d: {  	[tilespmem:s14], [sflag:$0x9] =	stream.linear.gather [hbm4b:s10+s0], $0x380, $0x38;
	[tilespmem:$0x1F7A0] =	vst v63  }
0x17e: {  	_ =	swait.ge [sflag:s7], $0x380  }
0x17f: {  	[sflag:s7] =	ssyncset.done $0x0  }
0x180: {  	s14 =	rddreg [dreg:$0x1d];
	[sflag:s7] =	ssyncadd.s32 $0xFFFFFC80  }
0x181: {  	[tilespmem:s9], [sflag:$0x9] =	stream.linear.gather [hbm4b:s14+s0], $0x380, $0x38;
	[tilespmem:$0x1F7A0] =	vst v63  }
0x182: {  	_ =	swait.ge [sflag:s7], $0x380  }
0x183: {  	[sflag:s7] =	ssyncset.done $0x0  }
0x184: {  	s14 =	simm.s32 $0x1C220;
	s10 =	rddreg [dreg:$0x1e];
	[sflag:s7] =	ssyncadd.s32 $0xFFFFFC80  }
0x185: {  	[tilespmem:s14], [sflag:$0x9] =	stream.linear.gather [hbm4b:s10+s0], $0x380, $0x38;
	[tilespmem:$0x1F7A0] =	vst v63  }
0x186: {  	_ =	swait.ge [sflag:s7], $0x380  }
0x187: {  	[sflag:s7] =	ssyncset.done $0x0  }
0x188: {  	s10 =	simm.s32 $0x0;
	[sflag:s7] =	ssyncadd.s32 $0xFFFFFC80  }
0x189: {  	v1 =	vld [tilespmem:s10+$0x1BEA0]  }
0x18a: {  	v2 =	vld [tilespmem:s10+$0x1C220];
	_ =	sdelay $0x4  }
0x18b: {  	v1 =	vadd.f32 v2, v1;
	_ =	sdelay $0x1  }
0x18c: {  	s8 =	simm.s32 $0x10;
	v1 =	vmax.f32 v1, $1.000000000e+00  }
0x18d: {  	v3 =	vld [tilespmem:s8+$0x1C220];
	(erf) = vrcp.f32 v1  }
0x18e: {  	v4 =	vld [tilespmem:s10+$0x1B6A0]  }
0x18f: {  	v1 =	vld [tilespmem:s8+$0x1BEA0]  }
0x190: {  	v2 =	vld [tilespmem:s10+$0x1BA20];
	_ =	sdelay $0x3  }
0x191: {  	v1 =	vadd.f32 v3, v1  }
0x192: {  	v2 =	vadd.f32 v2, v4  }
0x193: {  	v3 =	vmax.f32 v1, $1.000000000e+00;
	v4 =	vpop (erf)  }
0x194: {  	s0 =	simm.s32 $0x20;
	v1 =	vld [tilespmem:s8+$0x1BA20];
	(erf) = vrcp.f32 v3;
	v3 =	vmul.f32 v4, v2  }
0x195: {  	s14 =	simm.s32 $0xC0;
	v2 =	vld [tilespmem:s0+$0x1BEA0]  }
.LBB2_14:
0x196: {  	p1 =	sne.s32 s14, $0xDC0;
	v4 =	vld [tilespmem:s0+$0x1C220];
	[tilespmem:s10+$0x1B6A0] =	vst v3;
	s10 =	smov.u32 s8;
	s8 =	smov.u32 s0  }
0x197: {  	v3 =	vld [tilespmem:s10+$0x1B6A0];
	_ =	sdelay $0x3  }
.Ltmp6:
0x198: {  	v2 =	vadd.f32 v4, v2;
	(pc) =	sbr.rel @p1 .LBB2_14-.Ltmp6, $4  }
0x199: {  	v3 =	vadd.f32 v1, v3  }
0x19a: {  	v2 =	vmax.f32 v2, $1.000000000e+00;
	v4 =	vpop (erf)  }
0x19b: {  	s0 =	sshra.s32 s14, $0x2;
	v1 =	vld [tilespmem:s8+$0x1BA20];
	(erf) = vrcp.f32 v2;
	v3 =	vmul.f32 v4, v3  }
0x19c: {  	s14 =	sadd.s32 $0x40, s14;
	v2 =	vld [tilespmem:s0+$0x1BEA0]  }
0x19d: {  	v4 =	vld [tilespmem:s0+$0x1C220];
	[tilespmem:s10+$0x1B6A0] =	vst v3  }
0x19e: {  	v3 =	vld [tilespmem:s8+$0x1B6A0];
	_ =	sdelay $0x3  }
0x19f: {  	v2 =	vadd.f32 v4, v2  }
0x1a0: {  	v1 =	vadd.f32 v1, v3  }
0x1a1: {  	v2 =	vmax.f32 v2, $1.000000000e+00;
	v3 =	vpop (erf)  }
0x1a2: {  	(erf) = vrcp.f32 v2;
	v1 =	vmul.f32 v3, v1;
	_ =	sdelay $0x1  }
0x1a3: {  	v2 =	vld [tilespmem:s0+$0x1BA20];
	[tilespmem:s8+$0x1B6A0] =	vst v1  }
0x1a4: {  	v1 =	vld [tilespmem:s0+$0x1B6A0];
	_ =	sdelay $0x4  }
0x1a5: {  	v1 =	vadd.f32 v2, v1  }
0x1a6: {  	v2 =	vpop (erf)  }
0x1a7: {  	s14 =	sld [smem:$0x7EC];
	v1 =	vmul.f32 v2, v1;
	_ =	sdelay $0x1  }
0x1a8: {  	[tilespmem:s0+$0x1B6A0] =	vst v1  }
0x1a9: {  	[spmem:s14] =	stream.linear.scatter [tilespmem:s2], [sflag:$0x9], $0x380, $0x38;
	[tilespmem:$0x1F7A0] =	vst v63  }
0x1aa: {  	_ =	swait.ge [sflag:s7], $0x380  }
0x1ab: {  	s10 =	sld [smem:$0x7ED]  }
0x1ac: {  	s0 =	sshll.u32 @!p0 s23, $0x6;
	[sflag:s7] =	ssyncset.done $0x0  }
0x1ad: {  	s8 =	sshrl.u32 @!p0 s15, $0x3;
	s0 =	sor.u32 @!p0 $0x1C09, s0;
	[sflag:s7] =	ssyncadd.s32 $0xFFFFFC80  }
0x1ae: {  	[hbm:s10], [sflag:s0] =	dma.local @!p0 [spmem:s8], $0x310  }
0x1af: {  	s0 =	simm.s32 @!p0 $0x9  }
0x1b0: {  	_ =	swait.ge @!p0 [sflag:s0], $0x310  }
0x1b1: {  	[sflag:s0] =	ssyncset.done @!p0 $0x0  }
0x1b2: {  	s8 =	simm.s32 $0x0;
	[sflag:s0] =	ssyncadd.s32 @!p0 $0xFFFFFCF0;
	s0 =	simm.s32 $0x40  }
.LBB2_16:
0x1b3: {  	p1 =	sne.s32 s0, $0x1FC0;
	[tilespmem:s8+$0x1B6A0] =	vst v0;
	s8 =	smov.u32 s0;
	s0 =	sadd.s32 $0x40, s0  }
.Ltmp7:
0x1b4: {  	(pc) =	sbr.rel @p1 .LBB2_16-.Ltmp7, $2  }
0x1b5: {  	_ =	sdelay $0x2  }
0x1b6: {  	s8 =	sshra.s32 s8, $0x2  }
0x1b7: {  	s0 =	sld [smem:$0x7FB];
	_ =	sdelay $0x1  }
0x1b8: {  	[tilespmem:s8+$0x1B6A0] =	vst v0  }
0x1b9: {  	[spmem:s0] =	stream.linear.scatter [tilespmem:s2], [sflag:$0x9], $0x620, $0x38;
	[tilespmem:$0x1F7A0] =	vst v63  }
0x1ba: {  	_ =	swait.ge [sflag:s7], $0x620  }
0x1bb: {  	s8 =	sld [smem:$0x7F9]  }
0x1bc: {  	[sflag:s7] =	ssyncset.done $0x0  }
0x1bd: {  	[sflag:s7] =	ssyncadd.s32 $0xFFFFF9E0  }
0x1be: {  	[spmem:s8] =	stream.linear.scatter [tilespmem:s2], [sflag:$0x9], $0x620, $0x38;
	[tilespmem:$0x1F7A0] =	vst v63  }
0x1bf: {  	_ =	swait.ge [sflag:s7], $0x620  }
0x1c0: {  	s10 =	sld [smem:$0x7FA]  }
0x1c1: {  	[sflag:s7] =	ssyncset.done $0x0  }
0x1c2: {  	[sflag:s7] =	ssyncadd.s32 $0xFFFFF9E0  }
0x1c3: {  	[spmem:s10] =	stream.linear.scatter [tilespmem:s2], [sflag:$0x9], $0x620, $0x38;
	[tilespmem:$0x1F7A0] =	vst v63  }
0x1c4: {  	_ =	swait.ge [sflag:s7], $0x620  }
0x1c5: {  	s14 =	sld [smem:$0x7FC]  }
0x1c6: {  	[sflag:s7] =	ssyncset.done $0x0  }
0x1c7: {  	[sflag:s7] =	ssyncadd.s32 $0xFFFFF9E0  }
0x1c8: {  	[spmem:s14] =	stream.linear.scatter [tilespmem:s2], [sflag:$0x9], $0x620, $0x38;
	[tilespmem:$0x1F7A0] =	vst v63  }
0x1c9: {  	_ =	swait.ge [sflag:s7], $0x620  }
0x1ca: {  	[sflag:s7] =	ssyncset.done $0x0  }
0x1cb: {  	[sflag:s7] =	ssyncadd.s32 $0xFFFFF9E0  }
0x1cc: {  	[bflag:$0x0] =	sbarrier.arrive $0xFFFF  }
0x1cd: {  	s15 =	rddreg [dreg:$0x1]  }
0x1ce: {  	[tilespmem:s4], [sflag:$0x9] =	stream.linear.gather [spmem:s15], $0x186A0, $0x38;
	[tilespmem:$0x1F7A0] =	vst v63  }
0x1cf: {  	_ =	swait.ge [sflag:s7], $0x186A0  }
0x1d0: {  	s23 =	sld [smem:$0x7F0]  }
0x1d1: {  	[sflag:s7] =	ssyncset.done $0x0  }
0x1d2: {  	s8 =	sld [smem:$0x7F1];
	[sflag:s7] =	ssyncadd.s32 $0xFFFE7960  }
0x1d3: {  	[tilespmem:s11], [sflag:$0x1] =	stream.linear.gather [hbm4b:s23+s4], $0x800, $0x38;
	[tilespmem:$0x1F7A0] =	vst v63  }
0x1d4: {  	s10 =	sld [smem:$0x7EE]  }
0x1d5: {  	[tilespmem:s12], [sflag:$0x3] =	stream.linear.gather [hbm4b:s8+s4], $0x800, $0x38;
	[tilespmem:$0x1F7A0] =	vst v63  }
0x1d6: {  	s14 =	sld [smem:$0x7EF]  }
0x1d7: {  	[tilespmem:s13], [sflag:$0x2] =	stream.linear.gather [hbm4b:s10+s4], $0x800, $0x38;
	[tilespmem:$0x1F7A0] =	vst v63  }
0x1d8: {  	_ = 	snop  }
0x1d9: {  	[tilespmem:s16], [sflag:$0x4] =	stream.linear.gather [hbm4b:s14+s4], $0x800, $0x38;
	[tilespmem:$0x1F7A0] =	vst v63  }
0x1da: {  	_ =	swait.ge [sflag:s1], $0x800  }
0x1db: {  	[sflag:s1] =	ssyncset.done $0x0  }
0x1dc: {  	[sflag:s1] =	ssyncadd.s32 $0xFFFFF800  }
0x1dd: {  	_ =	swait.ge [sflag:s17], $0x800  }
0x1de: {  	s15 =	sld [smem:$0x7F2]  }
0x1df: {  	[sflag:s17] =	ssyncset.done $0x0  }
0x1e0: {  	s23 =	simm.s32 $0x186E0;
	[sflag:s17] =	ssyncadd.s32 $0xFFFFF800  }
0x1e1: {  	[tilespmem:s18], [sflag:$0x5] =	stream.linear.gather [hbm4b:s15+s4], $0x800, $0x38;
	[tilespmem:$0x1F7A0] =	vst v63  }
0x1e2: {  	v1 =	vld [tilespmem:s23+$0x30]  }
0x1e3: {  	v2 =	vld [tilespmem:s23+$0xFFFFFFD0]  }
0x1e4: {  	v3 =	vld [tilespmem:s23+$0xFFFFFFE0]  }
0x1e5: {  	v4 =	vld [tilespmem:s23+$0xFFFFFFF0]  }
0x1e6: {  	v5 =	vld [tilespmem:s23+$0x0]  }
0x1e7: {  	v7 =	vld [tilespmem:s23+$0x10]  }
0x1e8: {  	v8 =	vld [tilespmem:s23+$0x20]  }
0x1e9: {  	v9 =	vld [tilespmem:s23+$0xFFFFFFC0]  }
0x1ea: {  	v10 =	vld.idx.msk [tilespmem:v1+s4+$0x0], $0xffff  }
0x1eb: {  	v11 =	vld.idx.msk [tilespmem:v2+s4+$0x0], $0xffff  }
0x1ec: {  	v6 =	vld.idx.msk [tilespmem:v3+s4+$0x0], $0xffff  }
0x1ed: {  	v4 =	vld.idx.msk [tilespmem:v4+s4+$0x0], $0xffff  }
0x1ee: {  	v1 =	vld.idx.msk [tilespmem:v5+s4+$0x0], $0xffff  }
0x1ef: {  	s8 =	simm.s32 $0x1B6E0;
	v2 =	vld.idx.msk [tilespmem:v7+s4+$0x0], $0xffff  }
0x1f0: {  	v3 =	vld.idx.msk [tilespmem:v8+s4+$0x0], $0xffff;
	[tilespmem:s8+$0x30] =	vst v10  }
0x1f1: {  	s0 =	simm.s32 $0x18760;
	s10 =	simm.s32 $0x0;
	v5 =	vld.idx.msk [tilespmem:v9+s4+$0x0], $0xffff;
	[tilespmem:s8+$0xFFFFFFD0] =	vst v11  }
.LBB2_18:
0x1f2: {  	v7 =	vld [tilespmem:s0+$0x30];
	s10 =	sadd.s32 $0x8, s10;
	[tilespmem:s8+$0xFFFFFFE0] =	vst v6  }
0x1f3: {  	v6 =	vld [tilespmem:s0+$0xFFFFFFD0];
	p1 =	slt.u32 s10, $0x78;
	[tilespmem:s8+$0xFFFFFFF0] =	vst v4  }
0x1f4: {  	v4 =	vld [tilespmem:s0+$0xFFFFFFE0];
	[tilespmem:s8+$0x0] =	vst v1  }
0x1f5: {  	v1 =	vld [tilespmem:s0+$0xFFFFFFF0];
	[tilespmem:s8+$0x10] =	vst v2  }
0x1f6: {  	v2 =	vld [tilespmem:s0+$0x0];
	[tilespmem:s8+$0x20] =	vst v3  }
0x1f7: {  	v3 =	vld [tilespmem:s0+$0x10];
	[tilespmem:s8+$0xFFFFFFC0] =	vst v5  }
0x1f8: {  	v5 =	vld [tilespmem:s0+$0x20]  }
0x1f9: {  	v8 =	vld [tilespmem:s0+$0xFFFFFFC0]  }
0x1fa: {  	v7 =	vld.idx.msk [tilespmem:v7+s4+$0x0], $0xffff  }
0x1fb: {  	v9 =	vld.idx.msk [tilespmem:v6+s4+$0x0], $0xffff  }
0x1fc: {  	v6 =	vld.idx.msk [tilespmem:v4+s4+$0x0], $0xffff  }
.Ltmp8:
0x1fd: {  	v4 =	vld.idx.msk [tilespmem:v1+s4+$0x0], $0xffff;
	(pc) =	sbr.rel @p1 .LBB2_18-.Ltmp8, $4  }
0x1fe: {  	v1 =	vld.idx.msk [tilespmem:v2+s4+$0x0], $0xffff  }
0x1ff: {  	s8 =	sadd.s32 $0x80, s8;
	v2 =	vld.idx.msk [tilespmem:v3+s4+$0x0], $0xffff  }
0x200: {  	v3 =	vld.idx.msk [tilespmem:v5+s4+$0x0], $0xffff;
	[tilespmem:s8+$0x30] =	vst v7  }
0x201: {  	s0 =	sadd.s32 $0x80, s0;
	v5 =	vld.idx.msk [tilespmem:v8+s4+$0x0], $0xffff;
	[tilespmem:s8+$0xFFFFFFD0] =	vst v9  }
0x202: {  	[tilespmem:s8+$0xFFFFFFE0] =	vst v6  }
0x203: {  	[tilespmem:s8+$0xFFFFFFF0] =	vst v4  }
0x204: {  	[tilespmem:s8+$0x0] =	vst v1  }
0x205: {  	[tilespmem:s8+$0x10] =	vst v2  }
0x206: {  	[tilespmem:s8+$0x20] =	vst v3  }
0x207: {  	[tilespmem:s8+$0xFFFFFFC0] =	vst v5  }
0x208: {  	s0 =	sld [smem:$0x7F3];
	_ =	sdelay $0x2  }
0x209: {  	[tilespmem:s11], [sflag:$0x1] =	stream.linear.gather [hbm4b:s0+s4], $0x800, $0x38;
	[tilespmem:$0x1F7A0] =	vst v63  }
0x20a: {  	_ = 	snop  }
0x20b: {  	[spmem:s3] =	stream.indirect.scatter.add.f32 [tilespmem:s2], [sflag:$0x7], $0x1, s12, s19, $0xb8;
	[tilespmem:$0x1F7A0] =	vst v63  }
0x20c: {  	_ =	swait.ge [sflag:s20], $0x800  }
0x20d: {  	[sflag:s20] =	ssyncset.done $0x0  }
0x20e: {  	[sflag:s20] =	ssyncadd.s32 $0xFFFFF800  }
0x20f: {  	_ =	swait.ge [sflag:s21], $0x800  }
0x210: {  	s15 =	sld [smem:$0x7F4]  }
0x211: {  	[sflag:s21] =	ssyncset.done $0x0  }
0x212: {  	s23 =	simm.s32 $0x18EE0;
	[sflag:s21] =	ssyncadd.s32 $0xFFFFF800  }
0x213: {  	[tilespmem:s22], [sflag:$0x6] =	stream.linear.gather [hbm4b:s15+s4], $0x800, $0x38;
	[tilespmem:$0x1F7A0] =	vst v63  }
0x214: {  	v1 =	vld [tilespmem:s23+$0x30]  }
0x215: {  	v2 =	vld [tilespmem:s23+$0xFFFFFFD0]  }
0x216: {  	v3 =	vld [tilespmem:s23+$0xFFFFFFE0]  }
0x217: {  	v4 =	vld [tilespmem:s23+$0xFFFFFFF0]  }
0x218: {  	v5 =	vld [tilespmem:s23+$0x0]  }
0x219: {  	v7 =	vld [tilespmem:s23+$0x10]  }
0x21a: {  	v8 =	vld [tilespmem:s23+$0x20]  }
0x21b: {  	v9 =	vld [tilespmem:s23+$0xFFFFFFC0]  }
0x21c: {  	v10 =	vld.idx.msk [tilespmem:v1+s4+$0x0], $0xffff  }
0x21d: {  	v11 =	vld.idx.msk [tilespmem:v2+s4+$0x0], $0xffff  }
0x21e: {  	v6 =	vld.idx.msk [tilespmem:v3+s4+$0x0], $0xffff  }
0x21f: {  	v4 =	vld.idx.msk [tilespmem:v4+s4+$0x0], $0xffff  }
0x220: {  	v1 =	vld.idx.msk [tilespmem:v5+s4+$0x0], $0xffff  }
0x221: {  	s8 =	simm.s32 $0x1BEE0;
	v2 =	vld.idx.msk [tilespmem:v7+s4+$0x0], $0xffff  }
0x222: {  	v3 =	vld.idx.msk [tilespmem:v8+s4+$0x0], $0xffff;
	[tilespmem:s8+$0x30] =	vst v10  }
0x223: {  	s10 =	simm.s32 $0x0;
	s0 =	simm.s32 $0x18F60;
	v5 =	vld.idx.msk [tilespmem:v9+s4+$0x0], $0xffff;
	[tilespmem:s8+$0xFFFFFFD0] =	vst v11  }
.LBB2_20:
0x224: {  	v7 =	vld [tilespmem:s0+$0x30];
	s10 =	sadd.s32 $0x8, s10;
	[tilespmem:s8+$0xFFFFFFE0] =	vst v6  }
0x225: {  	v6 =	vld [tilespmem:s0+$0xFFFFFFD0];
	p1 =	slt.u32 s10, $0x78;
	[tilespmem:s8+$0xFFFFFFF0] =	vst v4  }
0x226: {  	v4 =	vld [tilespmem:s0+$0xFFFFFFE0];
	[tilespmem:s8+$0x0] =	vst v1  }
0x227: {  	v1 =	vld [tilespmem:s0+$0xFFFFFFF0];
	[tilespmem:s8+$0x10] =	vst v2  }
0x228: {  	v2 =	vld [tilespmem:s0+$0x0];
	[tilespmem:s8+$0x20] =	vst v3  }
0x229: {  	v3 =	vld [tilespmem:s0+$0x10];
	[tilespmem:s8+$0xFFFFFFC0] =	vst v5  }
0x22a: {  	v5 =	vld [tilespmem:s0+$0x20]  }
0x22b: {  	v8 =	vld [tilespmem:s0+$0xFFFFFFC0]  }
0x22c: {  	v7 =	vld.idx.msk [tilespmem:v7+s4+$0x0], $0xffff  }
0x22d: {  	v9 =	vld.idx.msk [tilespmem:v6+s4+$0x0], $0xffff  }
0x22e: {  	v6 =	vld.idx.msk [tilespmem:v4+s4+$0x0], $0xffff  }
.Ltmp9:
0x22f: {  	v4 =	vld.idx.msk [tilespmem:v1+s4+$0x0], $0xffff;
	(pc) =	sbr.rel @p1 .LBB2_20-.Ltmp9, $4  }
0x230: {  	v1 =	vld.idx.msk [tilespmem:v2+s4+$0x0], $0xffff  }
0x231: {  	s8 =	sadd.s32 $0x80, s8;
	v2 =	vld.idx.msk [tilespmem:v3+s4+$0x0], $0xffff  }
0x232: {  	v3 =	vld.idx.msk [tilespmem:v5+s4+$0x0], $0xffff;
	[tilespmem:s8+$0x30] =	vst v7  }
0x233: {  	s0 =	sadd.s32 $0x80, s0;
	v5 =	vld.idx.msk [tilespmem:v8+s4+$0x0], $0xffff;
	[tilespmem:s8+$0xFFFFFFD0] =	vst v9  }
0x234: {  	[tilespmem:s8+$0xFFFFFFE0] =	vst v6  }
0x235: {  	[tilespmem:s8+$0xFFFFFFF0] =	vst v4  }
0x236: {  	[tilespmem:s8+$0x0] =	vst v1  }
0x237: {  	[tilespmem:s8+$0x10] =	vst v2  }
0x238: {  	[tilespmem:s8+$0x20] =	vst v3  }
0x239: {  	[tilespmem:s8+$0xFFFFFFC0] =	vst v5  }
0x23a: {  	s0 =	sld [smem:$0x7F5];
	_ =	sdelay $0x1  }
0x23b: {  	s14 =	simm.s32 $0x0  }
0x23c: {  	[tilespmem:s13], [sflag:$0x2] =	stream.linear.gather [hbm4b:s0+s14], $0x800, $0x38;
	[tilespmem:$0x1F7A0] =	vst v63  }
0x23d: {  	_ = 	snop  }
0x23e: {  	[spmem:s3] =	stream.indirect.scatter.add.f32 [tilespmem:s9], [sflag:$0x8], $0x1, s16, s19, $0xb8;
	[tilespmem:$0x1F7A0] =	vst v63  }
.LBB2_22:
0x23f: {  	_ =	swait.ge [sflag:s1], $0x800  }
0x240: {  	[sflag:s1] =	ssyncset.done $0x0  }
0x241: {  	[sflag:s1] =	ssyncadd.s32 $0xFFFFF800  }
0x242: {  	_ =	swait.ge [sflag:s28], $0x800  }
0x243: {  	[sflag:s28] =	ssyncset.done $0x0  }
0x244: {  	[sflag:s28] =	ssyncadd.s32 $0xFFFFF800  }
0x245: {  	_ =	swait.ge [sflag:s29], $0x800  }
0x246: {  	s0 =	sld [smem:$0x7F6];
	_ =	sdelay $0x1  }
0x247: {  	s15 =	sshll.u32 s14, $0xD  }
0x248: {  	s0 =	sadd.s32 s15, s0  }
0x249: {  	[sflag:s29] =	ssyncset.done $0x0;
	s8 =	sshrl.u32 s0, $0x3  }
0x24a: {  	s23 =	simm.s32 $0x186E0;
	[sflag:s29] =	ssyncadd.s32 $0xFFFFF800;
	s0 =	sadd.s32 s6, s8  }
0x24b: {  	[tilespmem:s12], [sflag:$0x3] =	stream.linear.gather [hbm4b:s0+s4], $0x800, $0x38;
	[tilespmem:$0x1F7A0] =	vst v63  }
0x24c: {  	v1 =	vld [tilespmem:s23+$0x30]  }
0x24d: {  	v2 =	vld [tilespmem:s23+$0xFFFFFFD0]  }
0x24e: {  	v3 =	vld [tilespmem:s23+$0xFFFFFFE0]  }
0x24f: {  	v4 =	vld [tilespmem:s23+$0xFFFFFFF0]  }
0x250: {  	v5 =	vld [tilespmem:s23+$0x0]  }
0x251: {  	v7 =	vld [tilespmem:s23+$0x10]  }
0x252: {  	v8 =	vld [tilespmem:s23+$0x20]  }
0x253: {  	v9 =	vld [tilespmem:s23+$0xFFFFFFC0]  }
0x254: {  	v10 =	vld.idx.msk [tilespmem:v1+s4+$0x0], $0xffff  }
0x255: {  	v11 =	vld.idx.msk [tilespmem:v2+s4+$0x0], $0xffff  }
0x256: {  	v6 =	vld.idx.msk [tilespmem:v3+s4+$0x0], $0xffff  }
0x257: {  	v4 =	vld.idx.msk [tilespmem:v4+s4+$0x0], $0xffff  }
0x258: {  	v1 =	vld.idx.msk [tilespmem:v5+s4+$0x0], $0xffff  }
0x259: {  	s10 =	simm.s32 $0x1B6E0;
	v2 =	vld.idx.msk [tilespmem:v7+s4+$0x0], $0xffff  }
0x25a: {  	v3 =	vld.idx.msk [tilespmem:v8+s4+$0x0], $0xffff;
	[tilespmem:s10+$0x30] =	vst v10  }
0x25b: {  	s0 =	simm.s32 $0x0;
	s23 =	simm.s32 $0x18760;
	v5 =	vld.idx.msk [tilespmem:v9+s4+$0x0], $0xffff;
	[tilespmem:s10+$0xFFFFFFD0] =	vst v11  }
.LBB2_23:
0x25c: {  	v7 =	vld [tilespmem:s23+$0x30];
	s0 =	sadd.s32 $0x8, s0;
	[tilespmem:s10+$0xFFFFFFE0] =	vst v6  }
0x25d: {  	v6 =	vld [tilespmem:s23+$0xFFFFFFD0];
	p1 =	slt.u32 s0, $0x78;
	[tilespmem:s10+$0xFFFFFFF0] =	vst v4  }
0x25e: {  	v4 =	vld [tilespmem:s23+$0xFFFFFFE0];
	[tilespmem:s10+$0x0] =	vst v1  }
0x25f: {  	v1 =	vld [tilespmem:s23+$0xFFFFFFF0];
	[tilespmem:s10+$0x10] =	vst v2  }
0x260: {  	v2 =	vld [tilespmem:s23+$0x0];
	[tilespmem:s10+$0x20] =	vst v3  }
0x261: {  	v3 =	vld [tilespmem:s23+$0x10];
	[tilespmem:s10+$0xFFFFFFC0] =	vst v5  }
0x262: {  	v5 =	vld [tilespmem:s23+$0x20]  }
0x263: {  	v8 =	vld [tilespmem:s23+$0xFFFFFFC0]  }
0x264: {  	v7 =	vld.idx.msk [tilespmem:v7+s4+$0x0], $0xffff  }
0x265: {  	v9 =	vld.idx.msk [tilespmem:v6+s4+$0x0], $0xffff  }
0x266: {  	v6 =	vld.idx.msk [tilespmem:v4+s4+$0x0], $0xffff  }
.Ltmp10:
0x267: {  	v4 =	vld.idx.msk [tilespmem:v1+s4+$0x0], $0xffff;
	(pc) =	sbr.rel @p1 .LBB2_23-.Ltmp10, $4  }
0x268: {  	v1 =	vld.idx.msk [tilespmem:v2+s4+$0x0], $0xffff  }
0x269: {  	s10 =	sadd.s32 $0x80, s10;
	v2 =	vld.idx.msk [tilespmem:v3+s4+$0x0], $0xffff  }
0x26a: {  	v3 =	vld.idx.msk [tilespmem:v5+s4+$0x0], $0xffff;
	[tilespmem:s10+$0x30] =	vst v7  }
0x26b: {  	s23 =	sadd.s32 $0x80, s23;
	v5 =	vld.idx.msk [tilespmem:v8+s4+$0x0], $0xffff;
	[tilespmem:s10+$0xFFFFFFD0] =	vst v9  }
0x26c: {  	[tilespmem:s10+$0xFFFFFFE0] =	vst v6  }
0x26d: {  	[tilespmem:s10+$0xFFFFFFF0] =	vst v4  }
0x26e: {  	[tilespmem:s10+$0x0] =	vst v1  }
0x26f: {  	[tilespmem:s10+$0x10] =	vst v2  }
0x270: {  	[tilespmem:s10+$0x20] =	vst v3  }
0x271: {  	s0 =	sadd.s32 s5, s8;
	[tilespmem:s10+$0xFFFFFFC0] =	vst v5  }
0x272: {  	[tilespmem:s11], [sflag:$0x1] =	stream.linear.gather [hbm4b:s0+s4], $0x800, $0x38;
	[tilespmem:$0x1F7A0] =	vst v63  }
0x273: {  	_ = 	snop  }
0x274: {  	[spmem:s3] =	stream.indirect.scatter.add.f32 [tilespmem:s2], [sflag:$0x7], $0x1, s18, s19, $0xb8;
	[tilespmem:$0x1F7A0] =	vst v63  }
0x275: {  	_ =	swait.ge [sflag:s20], $0x800  }
0x276: {  	[sflag:s20] =	ssyncset.done $0x0  }
0x277: {  	[sflag:s20] =	ssyncadd.s32 $0xFFFFF800  }
0x278: {  	_ =	swait.ge [sflag:s30], $0x800  }
0x279: {  	[sflag:s30] =	ssyncset.done $0x0  }
0x27a: {  	[sflag:s30] =	ssyncadd.s32 $0xFFFFF800  }
0x27b: {  	s15 =	sadd.s32 s15, s24;
	_ =	swait.ge [sflag:s31], $0x800  }
0x27c: {  	s8 =	sshrl.u32 s15, $0x3;
	[sflag:s31] =	ssyncset.done $0x0  }
0x27d: {  	s23 =	simm.s32 $0x18EE0;
	s0 =	sadd.s32 s6, s8;
	[sflag:s31] =	ssyncadd.s32 $0xFFFFF800  }
0x27e: {  	[tilespmem:s16], [sflag:$0x4] =	stream.linear.gather [hbm4b:s0+s4], $0x800, $0x38;
	[tilespmem:$0x1F7A0] =	vst v63  }
0x27f: {  	v1 =	vld [tilespmem:s23+$0x30]  }
0x280: {  	v2 =	vld [tilespmem:s23+$0xFFFFFFD0]  }
0x281: {  	v3 =	vld [tilespmem:s23+$0xFFFFFFE0]  }
0x282: {  	v4 =	vld [tilespmem:s23+$0xFFFFFFF0]  }
0x283: {  	v5 =	vld [tilespmem:s23+$0x0]  }
0x284: {  	v7 =	vld [tilespmem:s23+$0x10]  }
0x285: {  	v8 =	vld [tilespmem:s23+$0x20]  }
0x286: {  	v9 =	vld [tilespmem:s23+$0xFFFFFFC0]  }
0x287: {  	v10 =	vld.idx.msk [tilespmem:v1+s4+$0x0], $0xffff  }
0x288: {  	v11 =	vld.idx.msk [tilespmem:v2+s4+$0x0], $0xffff  }
0x289: {  	v6 =	vld.idx.msk [tilespmem:v3+s4+$0x0], $0xffff  }
0x28a: {  	v4 =	vld.idx.msk [tilespmem:v4+s4+$0x0], $0xffff  }
0x28b: {  	v1 =	vld.idx.msk [tilespmem:v5+s4+$0x0], $0xffff  }
0x28c: {  	s10 =	simm.s32 $0x1BEE0;
	v2 =	vld.idx.msk [tilespmem:v7+s4+$0x0], $0xffff  }
0x28d: {  	v3 =	vld.idx.msk [tilespmem:v8+s4+$0x0], $0xffff;
	[tilespmem:s10+$0x30] =	vst v10  }
0x28e: {  	s15 =	simm.s32 $0x18F60;
	s0 =	simm.s32 $0x0;
	v5 =	vld.idx.msk [tilespmem:v9+s4+$0x0], $0xffff;
	[tilespmem:s10+$0xFFFFFFD0] =	vst v11  }
.LBB2_25:
0x28f: {  	v7 =	vld [tilespmem:s15+$0x30];
	s0 =	sadd.s32 $0x8, s0;
	[tilespmem:s10+$0xFFFFFFE0] =	vst v6  }
0x290: {  	v6 =	vld [tilespmem:s15+$0xFFFFFFD0];
	p1 =	slt.u32 s0, $0x78;
	[tilespmem:s10+$0xFFFFFFF0] =	vst v4  }
0x291: {  	v4 =	vld [tilespmem:s15+$0xFFFFFFE0];
	[tilespmem:s10+$0x0] =	vst v1  }
0x292: {  	v1 =	vld [tilespmem:s15+$0xFFFFFFF0];
	[tilespmem:s10+$0x10] =	vst v2  }
0x293: {  	v2 =	vld [tilespmem:s15+$0x0];
	[tilespmem:s10+$0x20] =	vst v3  }
0x294: {  	v3 =	vld [tilespmem:s15+$0x10];
	[tilespmem:s10+$0xFFFFFFC0] =	vst v5  }
0x295: {  	v5 =	vld [tilespmem:s15+$0x20]  }
0x296: {  	v8 =	vld [tilespmem:s15+$0xFFFFFFC0]  }
0x297: {  	v7 =	vld.idx.msk [tilespmem:v7+s4+$0x0], $0xffff  }
0x298: {  	v9 =	vld.idx.msk [tilespmem:v6+s4+$0x0], $0xffff  }
0x299: {  	v6 =	vld.idx.msk [tilespmem:v4+s4+$0x0], $0xffff  }
.Ltmp11:
0x29a: {  	v4 =	vld.idx.msk [tilespmem:v1+s4+$0x0], $0xffff;
	(pc) =	sbr.rel @p1 .LBB2_25-.Ltmp11, $4  }
0x29b: {  	v1 =	vld.idx.msk [tilespmem:v2+s4+$0x0], $0xffff  }
0x29c: {  	s10 =	sadd.s32 $0x80, s10;
	v2 =	vld.idx.msk [tilespmem:v3+s4+$0x0], $0xffff  }
0x29d: {  	v3 =	vld.idx.msk [tilespmem:v5+s4+$0x0], $0xffff;
	[tilespmem:s10+$0x30] =	vst v7  }
0x29e: {  	s15 =	sadd.s32 $0x80, s15;
	v5 =	vld.idx.msk [tilespmem:v8+s4+$0x0], $0xffff;
	[tilespmem:s10+$0xFFFFFFD0] =	vst v9  }
0x29f: {  	[tilespmem:s10+$0xFFFFFFE0] =	vst v6  }
0x2a0: {  	[tilespmem:s10+$0xFFFFFFF0] =	vst v4  }
0x2a1: {  	[tilespmem:s10+$0x0] =	vst v1  }
0x2a2: {  	[tilespmem:s10+$0x10] =	vst v2  }
0x2a3: {  	[tilespmem:s10+$0x20] =	vst v3  }
0x2a4: {  	s0 =	sadd.s32 s5, s8;
	[tilespmem:s10+$0xFFFFFFC0] =	vst v5  }
0x2a5: {  	[tilespmem:s13], [sflag:$0x2] =	stream.linear.gather [hbm4b:s0+s4], $0x800, $0x38;
	[tilespmem:$0x1F7A0] =	vst v63  }
0x2a6: {  	_ = 	snop  }
0x2a7: {  	[spmem:s3] =	stream.indirect.scatter.add.f32 [tilespmem:s9], [sflag:$0x8], $0x1, s22, s19, $0xb8;
	[tilespmem:$0x1F7A0] =	vst v63  }
0x2a8: {  	_ =	swait.ge [sflag:s1], $0x800  }
0x2a9: {  	[sflag:s1] =	ssyncset.done $0x0  }
0x2aa: {  	[sflag:s1] =	ssyncadd.s32 $0xFFFFF800  }
0x2ab: {  	s15 =	sshll.u32 s14, $0x2;
	_ =	swait.ge [sflag:s17], $0x800  }
0x2ac: {  	s10 =	smin.u32 s15, $0x5B;
	[sflag:s17] =	ssyncset.done $0x0  }
0x2ad: {  	s0 =	sshll.u32 s10, $0xB;
	[sflag:s17] =	ssyncadd.s32 $0xFFFFF800  }
0x2ae: {  	s0 =	sadd.s32 s0, s25;
	_ =	swait.ge [sflag:s29], $0x800  }
0x2af: {  	s8 =	sshrl.u32 s0, $0x3;
	[sflag:s29] =	ssyncset.done $0x0  }
0x2b0: {  	s23 =	simm.s32 $0x186E0;
	s0 =	sadd.s32 s6, s8;
	[sflag:s29] =	ssyncadd.s32 $0xFFFFF800  }
0x2b1: {  	[tilespmem:s18], [sflag:$0x5] =	stream.linear.gather [hbm4b:s0+s4], $0x800, $0x38;
	[tilespmem:$0x1F7A0] =	vst v63  }
0x2b2: {  	v1 =	vld [tilespmem:s23+$0x30]  }
0x2b3: {  	v2 =	vld [tilespmem:s23+$0xFFFFFFD0]  }
0x2b4: {  	v3 =	vld [tilespmem:s23+$0xFFFFFFE0]  }
0x2b5: {  	v4 =	vld [tilespmem:s23+$0xFFFFFFF0]  }
0x2b6: {  	v5 =	vld [tilespmem:s23+$0x0]  }
0x2b7: {  	v7 =	vld [tilespmem:s23+$0x10]  }
0x2b8: {  	v8 =	vld [tilespmem:s23+$0x20]  }
0x2b9: {  	v9 =	vld [tilespmem:s23+$0xFFFFFFC0]  }
0x2ba: {  	v10 =	vld.idx.msk [tilespmem:v1+s4+$0x0], $0xffff  }
0x2bb: {  	v11 =	vld.idx.msk [tilespmem:v2+s4+$0x0], $0xffff  }
0x2bc: {  	v6 =	vld.idx.msk [tilespmem:v3+s4+$0x0], $0xffff  }
0x2bd: {  	v4 =	vld.idx.msk [tilespmem:v4+s4+$0x0], $0xffff  }
0x2be: {  	v1 =	vld.idx.msk [tilespmem:v5+s4+$0x0], $0xffff  }
0x2bf: {  	s10 =	simm.s32 $0x1B6E0;
	v2 =	vld.idx.msk [tilespmem:v7+s4+$0x0], $0xffff  }
0x2c0: {  	v3 =	vld.idx.msk [tilespmem:v8+s4+$0x0], $0xffff;
	[tilespmem:s10+$0x30] =	vst v10  }
0x2c1: {  	s0 =	simm.s32 $0x0;
	s23 =	simm.s32 $0x18760;
	v5 =	vld.idx.msk [tilespmem:v9+s4+$0x0], $0xffff;
	[tilespmem:s10+$0xFFFFFFD0] =	vst v11  }
.LBB2_27:
0x2c2: {  	v7 =	vld [tilespmem:s23+$0x30];
	s0 =	sadd.s32 $0x8, s0;
	[tilespmem:s10+$0xFFFFFFE0] =	vst v6  }
0x2c3: {  	v6 =	vld [tilespmem:s23+$0xFFFFFFD0];
	p1 =	slt.u32 s0, $0x78;
	[tilespmem:s10+$0xFFFFFFF0] =	vst v4  }
0x2c4: {  	v4 =	vld [tilespmem:s23+$0xFFFFFFE0];
	[tilespmem:s10+$0x0] =	vst v1  }
0x2c5: {  	v1 =	vld [tilespmem:s23+$0xFFFFFFF0];
	[tilespmem:s10+$0x10] =	vst v2  }
0x2c6: {  	v2 =	vld [tilespmem:s23+$0x0];
	[tilespmem:s10+$0x20] =	vst v3  }
0x2c7: {  	v3 =	vld [tilespmem:s23+$0x10];
	[tilespmem:s10+$0xFFFFFFC0] =	vst v5  }
0x2c8: {  	v5 =	vld [tilespmem:s23+$0x20]  }
0x2c9: {  	v8 =	vld [tilespmem:s23+$0xFFFFFFC0]  }
0x2ca: {  	v7 =	vld.idx.msk [tilespmem:v7+s4+$0x0], $0xffff  }
0x2cb: {  	v9 =	vld.idx.msk [tilespmem:v6+s4+$0x0], $0xffff  }
0x2cc: {  	v6 =	vld.idx.msk [tilespmem:v4+s4+$0x0], $0xffff  }
.Ltmp12:
0x2cd: {  	v4 =	vld.idx.msk [tilespmem:v1+s4+$0x0], $0xffff;
	(pc) =	sbr.rel @p1 .LBB2_27-.Ltmp12, $4  }
0x2ce: {  	v1 =	vld.idx.msk [tilespmem:v2+s4+$0x0], $0xffff  }
0x2cf: {  	s10 =	sadd.s32 $0x80, s10;
	v2 =	vld.idx.msk [tilespmem:v3+s4+$0x0], $0xffff  }
0x2d0: {  	v3 =	vld.idx.msk [tilespmem:v5+s4+$0x0], $0xffff;
	[tilespmem:s10+$0x30] =	vst v7  }
0x2d1: {  	s23 =	sadd.s32 $0x80, s23;
	v5 =	vld.idx.msk [tilespmem:v8+s4+$0x0], $0xffff;
	[tilespmem:s10+$0xFFFFFFD0] =	vst v9  }
0x2d2: {  	[tilespmem:s10+$0xFFFFFFE0] =	vst v6  }
0x2d3: {  	[tilespmem:s10+$0xFFFFFFF0] =	vst v4  }
0x2d4: {  	[tilespmem:s10+$0x0] =	vst v1  }
0x2d5: {  	[tilespmem:s10+$0x10] =	vst v2  }
0x2d6: {  	[tilespmem:s10+$0x20] =	vst v3  }
0x2d7: {  	s0 =	sadd.s32 s5, s8;
	[tilespmem:s10+$0xFFFFFFC0] =	vst v5  }
0x2d8: {  	[tilespmem:s11], [sflag:$0x1] =	stream.linear.gather [hbm4b:s0+s4], $0x800, $0x38;
	[tilespmem:$0x1F7A0] =	vst v63  }
0x2d9: {  	_ = 	snop  }
0x2da: {  	[spmem:s3] =	stream.indirect.scatter.add.f32 [tilespmem:s2], [sflag:$0x7], $0x1, s12, s19, $0xb8;
	[tilespmem:$0x1F7A0] =	vst v63  }
0x2db: {  	_ =	swait.ge [sflag:s20], $0x800  }
0x2dc: {  	[sflag:s20] =	ssyncset.done $0x0  }
0x2dd: {  	[sflag:s20] =	ssyncadd.s32 $0xFFFFF800  }
0x2de: {  	_ =	swait.ge [sflag:s21], $0x800  }
0x2df: {  	s15 =	smin.u32 s15, $0x5A;
	[sflag:s21] =	ssyncset.done $0x0  }
0x2e0: {  	s0 =	sshll.u32 s15, $0xB;
	[sflag:s21] =	ssyncadd.s32 $0xFFFFF800  }
0x2e1: {  	s0 =	sadd.s32 s0, s26;
	_ =	swait.ge [sflag:s31], $0x800  }
0x2e2: {  	s8 =	sshrl.u32 s0, $0x3;
	[sflag:s31] =	ssyncset.done $0x0  }
0x2e3: {  	s23 =	simm.s32 $0x18EE0;
	s0 =	sadd.s32 s6, s8;
	[sflag:s31] =	ssyncadd.s32 $0xFFFFF800  }
0x2e4: {  	[tilespmem:s22], [sflag:$0x6] =	stream.linear.gather [hbm4b:s0+s4], $0x800, $0x38;
	[tilespmem:$0x1F7A0] =	vst v63  }
0x2e5: {  	v1 =	vld [tilespmem:s23+$0x30]  }
0x2e6: {  	v2 =	vld [tilespmem:s23+$0xFFFFFFD0]  }
0x2e7: {  	v3 =	vld [tilespmem:s23+$0xFFFFFFE0]  }
0x2e8: {  	v4 =	vld [tilespmem:s23+$0xFFFFFFF0]  }
0x2e9: {  	v5 =	vld [tilespmem:s23+$0x0]  }
0x2ea: {  	v7 =	vld [tilespmem:s23+$0x10]  }
0x2eb: {  	v8 =	vld [tilespmem:s23+$0x20]  }
0x2ec: {  	v9 =	vld [tilespmem:s23+$0xFFFFFFC0]  }
0x2ed: {  	v10 =	vld.idx.msk [tilespmem:v1+s4+$0x0], $0xffff  }
0x2ee: {  	v11 =	vld.idx.msk [tilespmem:v2+s4+$0x0], $0xffff  }
0x2ef: {  	v6 =	vld.idx.msk [tilespmem:v3+s4+$0x0], $0xffff  }
0x2f0: {  	v4 =	vld.idx.msk [tilespmem:v4+s4+$0x0], $0xffff  }
0x2f1: {  	v1 =	vld.idx.msk [tilespmem:v5+s4+$0x0], $0xffff  }
0x2f2: {  	s10 =	simm.s32 $0x1BEE0;
	v2 =	vld.idx.msk [tilespmem:v7+s4+$0x0], $0xffff  }
0x2f3: {  	v3 =	vld.idx.msk [tilespmem:v8+s4+$0x0], $0xffff;
	[tilespmem:s10+$0x30] =	vst v10  }
0x2f4: {  	s15 =	simm.s32 $0x18F60;
	s0 =	simm.s32 $0x0;
	v5 =	vld.idx.msk [tilespmem:v9+s4+$0x0], $0xffff;
	[tilespmem:s10+$0xFFFFFFD0] =	vst v11  }
.LBB2_29:
0x2f5: {  	v7 =	vld [tilespmem:s15+$0x30];
	s0 =	sadd.s32 $0x8, s0;
	[tilespmem:s10+$0xFFFFFFE0] =	vst v6  }
0x2f6: {  	v6 =	vld [tilespmem:s15+$0xFFFFFFD0];
	p1 =	slt.u32 s0, $0x78;
	[tilespmem:s10+$0xFFFFFFF0] =	vst v4  }
0x2f7: {  	v4 =	vld [tilespmem:s15+$0xFFFFFFE0];
	[tilespmem:s10+$0x0] =	vst v1  }
0x2f8: {  	v1 =	vld [tilespmem:s15+$0xFFFFFFF0];
	[tilespmem:s10+$0x10] =	vst v2  }
0x2f9: {  	v2 =	vld [tilespmem:s15+$0x0];
	[tilespmem:s10+$0x20] =	vst v3  }
0x2fa: {  	v3 =	vld [tilespmem:s15+$0x10];
	[tilespmem:s10+$0xFFFFFFC0] =	vst v5  }
0x2fb: {  	v5 =	vld [tilespmem:s15+$0x20]  }
0x2fc: {  	v8 =	vld [tilespmem:s15+$0xFFFFFFC0]  }
0x2fd: {  	v7 =	vld.idx.msk [tilespmem:v7+s4+$0x0], $0xffff  }
0x2fe: {  	v9 =	vld.idx.msk [tilespmem:v6+s4+$0x0], $0xffff  }
0x2ff: {  	v6 =	vld.idx.msk [tilespmem:v4+s4+$0x0], $0xffff  }
.Ltmp13:
0x300: {  	v4 =	vld.idx.msk [tilespmem:v1+s4+$0x0], $0xffff;
	(pc) =	sbr.rel @p1 .LBB2_29-.Ltmp13, $4  }
0x301: {  	v1 =	vld.idx.msk [tilespmem:v2+s4+$0x0], $0xffff  }
0x302: {  	s10 =	sadd.s32 $0x80, s10;
	v2 =	vld.idx.msk [tilespmem:v3+s4+$0x0], $0xffff  }
0x303: {  	v3 =	vld.idx.msk [tilespmem:v5+s4+$0x0], $0xffff;
	[tilespmem:s10+$0x30] =	vst v7  }
0x304: {  	s15 =	sadd.s32 $0x80, s15;
	v5 =	vld.idx.msk [tilespmem:v8+s4+$0x0], $0xffff;
	[tilespmem:s10+$0xFFFFFFD0] =	vst v9  }
0x305: {  	[tilespmem:s10+$0xFFFFFFE0] =	vst v6  }
0x306: {  	[tilespmem:s10+$0xFFFFFFF0] =	vst v4  }
0x307: {  	s14 =	sadd.s32 $0x1, s14;
	[tilespmem:s10+$0x0] =	vst v1  }
0x308: {  	p1 =	sne.s32 s14, $0x18;
	[tilespmem:s10+$0x10] =	vst v2  }
.Ltmp14:
0x309: {  	[tilespmem:s10+$0x20] =	vst v3;
	(pc) =	sbr.rel @p1 .LBB2_22-.Ltmp14, $4  }
0x30a: {  	s0 =	sadd.s32 s5, s8;
	[tilespmem:s10+$0xFFFFFFC0] =	vst v5  }
0x30b: {  	[tilespmem:s13], [sflag:$0x2] =	stream.linear.gather [hbm4b:s0+s4], $0x800, $0x38;
	[tilespmem:$0x1F7A0] =	vst v63  }
0x30c: {  	_ = 	snop  }
0x30d: {  	[spmem:s3] =	stream.indirect.scatter.add.f32 [tilespmem:s9], [sflag:$0x8], $0x1, s16, s19, $0xb8;
	[tilespmem:$0x1F7A0] =	vst v63  }
0x30e: {  	_ =	swait.ge [sflag:s29], $0x800  }
0x30f: {  	[sflag:s29] =	ssyncset.done $0x0  }
0x310: {  	[sflag:s29] =	ssyncadd.s32 $0xFFFFF800  }
0x311: {  	_ =	swait.ge [sflag:s31], $0x800  }
0x312: {  	[sflag:s31] =	ssyncset.done $0x0  }
0x313: {  	[sflag:s31] =	ssyncadd.s32 $0xFFFFF800  }
0x314: {  	_ =	swait.ge [sflag:s1], $0x800  }
0x315: {  	[sflag:s1] =	ssyncset.done $0x0  }
0x316: {  	[sflag:s1] =	ssyncadd.s32 $0xFFFFF800  }
0x317: {  	_ =	swait.ge [sflag:s20], $0x800  }
0x318: {  	[sflag:s20] =	ssyncset.done $0x0  }
0x319: {  	[sflag:s20] =	ssyncadd.s32 $0xFFFFF800  }
0x31a: {  	_ =	swait.ge [sflag:s28], $0x800  }
0x31b: {  	[sflag:s28] =	ssyncset.done $0x0  }
0x31c: {  	[sflag:s28] =	ssyncadd.s32 $0xFFFFF800  }
0x31d: {  	_ =	swait.ge [sflag:s30], $0x800  }
0x31e: {  	[sflag:s30] =	ssyncset.done $0x0  }
0x31f: {  	[sflag:s30] =	ssyncadd.s32 $0xFFFFF800  }
0x320: {  	[bflag:$0x0] =	sbarrier.arrive $0xFFFF  }
0x321: {  	s8 =	sld [smem:$0x7FB]  }
0x322: {  	s23 =	stileid.u32;
	s10 =	sld [smem:$0x7F7]  }
0x323: {  	s0 =	sshll.u32 s23, $0x6  }
0x324: {  	s0 =	sor.u32 $0x1C09, s0;
	s8 =	sshrl.u32 s8, $0x3  }
0x325: {  	[hbm:s10], [sflag:s0] =	dma.local [spmem:s8], $0x310  }
0x326: {  	_ =	swait.ge [sflag:s7], $0x310  }
0x327: {  	s14 =	sld [smem:$0x7E6]  }
0x328: {  	s15 =	sld [smem:$0x7F8];
	_ =	sdelay $0x1  }
0x329: {  	s8 =	sadd.s32 $0x1, s14  }
0x32a: {  	p1 =	sne.s32 s8, s15  }
.Ltmp15:
0x32b: {  	_ = 	snop;
	(pc) =	sbr.rel @p1 .LBB2_1-.Ltmp15, $3  }
0x32c: {  	_ =	sdelay $0x1  }
0x32d: {  	[sflag:s7] =	ssyncset.done $0x0  }
0x32e: {  	[sflag:s7] =	ssyncadd.s32 $0xFFFFFCF0;
	s15 =	sld [smem:$0x7FD]  }
0x32f: {  	_ =	sfence.sel $0x180000  }
0x330: {  	[bflag:$0x0] =	sbarrier.arrive $0xFFFF  }
0x331: {  	_ =	strace $0x9000004A  }
0x332: {  	[bflag:$0x2] =	sbarrier.arrive $0xFFFF  }
0x333: {  	p0 =	sne.s32 s23, $0x0;
	s0 =	rddreg [dreg:$0x3]  }
0x334: {  	s0 =	sadd.s32 @!p0 $0x100000, s0  }
0x335: {  	[sflag:s0] =	ssyncadd.tile.s32 @!p0 $0x1;
	_ =	shalt  }
.Lfunc_end2:
_tile_overlayer_lowered:
.L_overlay_start_2:
0x336: {  	(tag) =	ssettag $0x2  }
0x337: {  	s0 =	rddreg [dreg:$0x0];
	s2 =	stileid.u32  }
0x338: {  	s1 =	rddreg [dreg:$0x1];
	p0 =	sne.s32 s2, $0x0  }
0x339: {  	s3 =	rddreg [dreg:$0x2];
	[bflag:$0x3] =	sbarrier.arrive $0xFFFF;
	s2 =	simm.s32 @!p0 $0x1C09  }
0x33a: {  	[timem:s3], [sflag:s2] =	dma.local @!p0 [hbm:s0], s1  }
0x33b: {  	s0 =	simm.s32 @!p0 $0x9  }
0x33c: {  	_ =	swait.ge @!p0 [sflag:s0], s1  }
0x33d: {  	s1 =	ssub.s32 @!p0 $0x0, s1;
	[sflag:s0] =	ssyncset.done @!p0 $0x0  }
0x33e: {  	[sflag:s0] =	ssyncadd.s32 @!p0 s1  }
0x33f: {  	[bflag:$0x3] =	sbarrier.arrive $0xFFFF  }
0x340: {  	_ =	shalt  }

</sc_bundles>
